<compile_context>
chip_gen: v7x
topology: tpu7x:2x2x1
jax: 0.10.2.dev20260603
libtpu: 0.0.44.dev20260713+nightly
codegen_flags: <defaults>
</compile_context>

<pallas_src>
import functools

import jax
import jax.numpy as jnp
from jax import lax
from jax.experimental import pallas as pl
from jax.experimental.pallas import tpu as pltpu
from jax.experimental.pallas import tpu_sc as plsc

N = 2048
FS = 16
S = 8
W = (N - FS) // S + 1
K = FS * FS - FS
D = 8
NSUB = 16
LANES = 16
IDX_CHUNK = 128
ZROWS_PER_TILE = 3968
HALF = NSUB * ZROWS_PER_TILE
DUMMY = HALF


def _body(b_h, r_h, c_h, vals_h, zeros_h, out_h,
          b_v, r_v, c_v, vals_v, idx0, idx1, idx2, acc, sem, *, chunk):
    core = lax.axis_index("c")
    sub = lax.axis_index("s")

    pltpu.sync_copy(zeros_h, acc.at[pl.ds(sub * ZROWS_PER_TILE, ZROWS_PER_TILE)])

    base = sub * chunk
    pltpu.sync_copy(b_h.at[pl.ds(base, chunk)], b_v)
    pltpu.sync_copy(r_h.at[pl.ds(base, chunk)], r_v)
    pltpu.sync_copy(c_h.at[pl.ds(base, chunk)], c_v)
    pltpu.sync_copy(vals_h.at[pl.ds(base, chunk)], vals_v)

    idx_refs = (idx0, idx1, idx2)

    def step(p, carry):
        sl = pl.ds(p * LANES, LANES)
        rv = r_v[sl]
        cv = c_v[sl]
        bv = b_v[sl]
        mx = jnp.maximum(rv, cv)
        mn = jnp.minimum(rv, cv)
        wmin = jnp.maximum((mx - (FS - S)) >> 3, 0)
        wmax = jnp.minimum(mn >> 3, W - 1)
        ok0 = (rv != cv) & (bv == core)
        ci = p >> 3
        lane = (p & 7) * LANES
        for j in range(3):
            w = wmin + j
            valid = ok0 & (w <= wmax)
            o = w << 3
            lr = rv - o
            lc = cv - o
            slot = (FS - 1) * lr + lc - 1 + jnp.where(lc < lr, 1, 0)
            t = jnp.where(valid, w * K + slot, DUMMY)
            idx_refs[j][ci, pl.ds(lane, LANES)] = t
        return carry

    lax.fori_loop(0, chunk // LANES, step, 0)

    plsc.subcore_barrier()

    nchunks = chunk // IDX_CHUNK
    wave = 7
    for w0 in range(0, nchunks, wave):
        handles = []
        for ci in range(w0, min(w0 + wave, nchunks)):
            src = vals_v.at[pl.ds(ci * IDX_CHUNK, IDX_CHUNK)]
            for jref in idx_refs:
                handles.append(pltpu.async_copy(src, acc.at[jref.at[ci]], sem))
        for h in handles:
            h.wait()

    plsc.subcore_barrier()
    pltpu.sync_copy(acc.at[pl.ds(sub * ZROWS_PER_TILE, ZROWS_PER_TILE)],
                    out_h.at[pl.ds(core * HALF + sub * ZROWS_PER_TILE,
                                   ZROWS_PER_TILE)])


@functools.cache
def _build(nnz):
    chunk = -(-nnz // (NSUB * IDX_CHUNK)) * IDX_CHUNK
    nnz_pad = chunk * NSUB
    nck = chunk // IDX_CHUNK
    mesh = plsc.VectorSubcoreMesh(core_axis_name="c", subcore_axis_name="s")
    kern = pl.kernel(
        functools.partial(_body, chunk=chunk),
        out_type=jax.ShapeDtypeStruct((2 * HALF, D), jnp.float32),
        mesh=mesh,
        compiler_params=pltpu.CompilerParams(use_tc_tiling_on_sc=False),
        scratch_types=[
            pltpu.VMEM((chunk,), jnp.int32),
            pltpu.VMEM((chunk,), jnp.int32),
            pltpu.VMEM((chunk,), jnp.int32),
            pltpu.VMEM((chunk, D), jnp.float32),
            pltpu.VMEM((nck, IDX_CHUNK), jnp.int32),
            pltpu.VMEM((nck, IDX_CHUNK), jnp.int32),
            pltpu.VMEM((nck, IDX_CHUNK), jnp.int32),
            pltpu.MemorySpace.VMEM_SHARED((HALF + 8, D), jnp.float32),
            pltpu.SemaphoreType.DMA,
        ],
    )
    return kern, nnz_pad


def kernel(adj_indices, adj_values, filter_size, stride):
    nnz = adj_indices.shape[1]
    kern, nnz_pad = _build(nnz)
    pad = nnz_pad - nnz
    ipad = jnp.zeros((pad,), jnp.int32)
    b_h = jnp.concatenate([adj_indices[0], ipad])
    r_h = jnp.concatenate([adj_indices[1], ipad])
    c_h = jnp.concatenate([adj_indices[2], ipad])
    vals_h = jnp.concatenate([adj_values, jnp.zeros((pad, D), adj_values.dtype)])
    zeros_h = jnp.zeros((ZROWS_PER_TILE, D), jnp.float32)
    out = kern(b_h, r_h, c_h, vals_h, zeros_h)
    return out.reshape(2, HALF, D)[:, :W * K].reshape(2, W, K * D)

# --- scband reference (transcript-rebuilt; emitter-appended) ---
"""Pipeline reference for scband-sparse-bias-diag-unfolder-76459007803909 (READ-ONLY COPY).

The authoritative reference and input builder live on the scoring server;
editing this copy changes nothing except your own understanding.
"""

import jax, jax.numpy as jnp
import numpy as np

B = 2
N = 2048
D = 8
FS = 16
STRIDE = 8
NNZ = 84000


def setup_inputs():
    rng = np.random.default_rng(0)
    total = B * N * N
    lin = np.unique(rng.integers(0, total, size=int(NNZ * 1.3)))
    lin = lin[:NNZ]
    b = (lin // (N * N)).astype(np.int32)
    rc = lin % (N * N)
    r = (rc // N).astype(np.int32)
    c = (rc % N).astype(np.int32)
    adj_indices = jnp.asarray(np.stack([b, r, c], axis=0))
    adj_values = jnp.asarray(rng.standard_normal((lin.shape[0], D)).astype(np.float32))
    return {"adj_indices": adj_indices, "adj_values": adj_values, "filter_size": FS, "stride": STRIDE}


def reference(adj_indices, adj_values, filter_size, stride):
    # Faithful translation of SparseBiasDiagUnfolder.forward with bias=None.
    # adj is a coalesced sparse COO tensor of shape (B, N, N) with dense dim D,
    # represented here as (adj_indices[3, nnz] int32, adj_values[nnz, D] float32).
    # For each sliding window offset o = w*stride (w in [0, W)), every off-diagonal
    # nnz (b, r, c) with o <= r < o+fs and o <= c < o+fs contributes its value at
    # flattened off-diagonal slot e = (lr*fs + lc) - 1 - (lr*fs + lc)//(fs+1),
    # where lr = r - o, lc = c - o. Output densified to (B, W, (fs^2 - fs) * D).
    fs = filter_size
    s = stride
    n = N
    W = (n - FS) // STRIDE + 1
    K = FS * FS - FS
    b = adj_indices[0]
    r = adj_indices[1]
    c = adj_indices[2]
    mx = jnp.maximum(r, c)
    mn = jnp.minimum(r, c)
    a = mx - fs + 1
    w_min = jnp.maximum(-((-a) // s), 0)
    w_max = jnp.minimum(mn // s, W - 1)
    offdiag = r != c
    out = jnp.zeros((B, W, K, D), dtype=adj_values.dtype)
    max_cand = FS // STRIDE + 1  # max number of windows covering one entry
    for j in range(max_cand):
        w = w_min + j
        valid = offdiag & (w <= w_max) & (w < W)
        o = w * s
        lr = r - o
        lc = c - o
        e = lr * fs + lc
        e = e - 1 - e // (fs + 1)
        w_s = jnp.where(valid, w, 0)
        e_s = jnp.where(valid, e, 0)
        vals = jnp.where(valid[:, None], adj_values, 0.0)
        out = out.at[b, w_s, e_s].add(vals)
    return out.reshape(B, W, K * D)

if __name__ == "__main__":
    import jax
    _d = setup_inputs()
    print(jax.jit(kernel)(*tuple(_d.values())))

</pallas_src>

<mosaic_0001>
#map = affine_map<(d0, d1) -> (0)>
#map1 = affine_map<(d0, d1) -> (0, 0)>
module attributes {stable_mosaic.version = 14 : i64} {
  func.func @_body(%arg0: i32, %arg1: i32, %arg2: memref<86016xi32, #tpu.memory_space<hbm>>, %arg3: memref<86016xi32, #tpu.memory_space<hbm>>, %arg4: memref<86016xi32, #tpu.memory_space<hbm>>, %arg5: memref<86016x8xf32, #tpu.memory_space<hbm>>, %arg6: memref<3968x8xf32, #tpu.memory_space<hbm>>, %arg7: memref<126976x8xf32, #tpu.memory_space<hbm>>, %arg8: memref<5376xi32, #tpu.memory_space<vmem>>, %arg9: memref<5376xi32, #tpu.memory_space<vmem>>, %arg10: memref<5376xi32, #tpu.memory_space<vmem>>, %arg11: memref<5376x8xf32, #tpu.memory_space<vmem>>, %arg12: memref<42x128xi32, #tpu.memory_space<vmem>>, %arg13: memref<42x128xi32, #tpu.memory_space<vmem>>, %arg14: memref<42x128xi32, #tpu.memory_space<vmem>>, %arg15: memref<63496x8xf32, #tpu.memory_space<vmem_shared>>, %arg16: memref<!tpu.dma_semaphore, #tpu.memory_space<semaphore_mem>>) attributes {dimension_semantics = [#tpu.dimension_semantics<core_parallel>, #tpu.dimension_semantics<subcore_parallel>], iteration_bounds = array<i64: 2, 16>, scalar_prefetch = 0 : i64, scratch_operands = 9 : i64, tpu.core_type = #tpu.core_type<sc_vector_subcore>, window_params = [{transform_indices = #map}, {transform_indices = #map}, {transform_indices = #map}, {transform_indices = #map1}, {transform_indices = #map1}, {transform_indices = #map1}]} {
    %mul3A = arith.constant 3968 : i32
    %mul3A_0 = arith.muli %arg1, %mul3A : i32
    "tpu.region"() ({
      %run_scoped3A = tpu.sem_alloc : memref<!tpu.dma_semaphore, #tpu.memory_space<semaphore_mem>>
      %dma_start3A_2533 = arith.constant 0 : i32
      %dma_start3A_2534 = tpu.memref_slice %arg15[%mul3A_0, %dma_start3A_2533] : memref<63496x8xf32, #tpu.memory_space<vmem_shared>> -> memref<3968x8xf32, #tpu.memory_space<vmem_shared>>
      tpu.enqueue_dma source(%arg6 : memref<3968x8xf32, #tpu.memory_space<hbm>>) target(%dma_start3A_2534 : memref<3968x8xf32, #tpu.memory_space<vmem_shared>>) target_semaphore(%run_scoped3A : memref<!tpu.dma_semaphore, #tpu.memory_space<semaphore_mem>>)
      %dma_wait3A_2535 = arith.constant 0 : i32
      %dma_wait3A_2536 = tpu.memref_slice %arg15[%mul3A_0, %dma_wait3A_2535] : memref<63496x8xf32, #tpu.memory_space<vmem_shared>> -> memref<3968x8xf32, #tpu.memory_space<vmem_shared>>
      tpu.wait_dma2 semaphore(%run_scoped3A : memref<!tpu.dma_semaphore, #tpu.memory_space<semaphore_mem>>) src(%arg6 : memref<3968x8xf32, #tpu.memory_space<hbm>>) dst(%dma_wait3A_2536 : memref<3968x8xf32, #tpu.memory_space<vmem_shared>>)
      tpu.yield
    }) : () -> ()
    %mul3A_1 = arith.constant 5376 : i32
    %mul3A_2 = arith.muli %arg1, %mul3A_1 : i32
    "tpu.region"() ({
      %run_scoped3A = tpu.sem_alloc : memref<!tpu.dma_semaphore, #tpu.memory_space<semaphore_mem>>
      %dma_start3A_2533 = tpu.memref_slice %arg2[%mul3A_2] : memref<86016xi32, #tpu.memory_space<hbm>> -> memref<5376xi32, #tpu.memory_space<hbm>>
      %dma_start3A_2534 = tpu.memref_slice %arg2[%mul3A_2] : memref<86016xi32, #tpu.memory_space<hbm>> -> memref<5376xi32, #tpu.memory_space<hbm>>
      tpu.enqueue_dma source(%dma_start3A_2534 : memref<5376xi32, #tpu.memory_space<hbm>>) target(%arg8 : memref<5376xi32, #tpu.memory_space<vmem>>) target_semaphore(%run_scoped3A : memref<!tpu.dma_semaphore, #tpu.memory_space<semaphore_mem>>)
      %dma_wait3A_2535 = tpu.memref_slice %arg2[%mul3A_2] : memref<86016xi32, #tpu.memory_space<hbm>> -> memref<5376xi32, #tpu.memory_space<hbm>>
      %dma_wait3A_2536 = tpu.memref_slice %arg2[%mul3A_2] : memref<86016xi32, #tpu.memory_space<hbm>> -> memref<5376xi32, #tpu.memory_space<hbm>>
      tpu.wait_dma2 semaphore(%run_scoped3A : memref<!tpu.dma_semaphore, #tpu.memory_space<semaphore_mem>>) src(%dma_wait3A_2536 : memref<5376xi32, #tpu.memory_space<hbm>>) dst(%arg8 : memref<5376xi32, #tpu.memory_space<vmem>>)
      tpu.yield
    }) : () -> ()
    "tpu.region"() ({
      %run_scoped3A = tpu.sem_alloc : memref<!tpu.dma_semaphore, #tpu.memory_space<semaphore_mem>>
      %dma_start3A_2533 = tpu.memref_slice %arg3[%mul3A_2] : memref<86016xi32, #tpu.memory_space<hbm>> -> memref<5376xi32, #tpu.memory_space<hbm>>
      %dma_start3A_2534 = tpu.memref_slice %arg3[%mul3A_2] : memref<86016xi32, #tpu.memory_space<hbm>> -> memref<5376xi32, #tpu.memory_space<hbm>>
      tpu.enqueue_dma source(%dma_start3A_2534 : memref<5376xi32, #tpu.memory_space<hbm>>) target(%arg9 : memref<5376xi32, #tpu.memory_space<vmem>>) target_semaphore(%run_scoped3A : memref<!tpu.dma_semaphore, #tpu.memory_space<semaphore_mem>>)
      %dma_wait3A_2535 = tpu.memref_slice %arg3[%mul3A_2] : memref<86016xi32, #tpu.memory_space<hbm>> -> memref<5376xi32, #tpu.memory_space<hbm>>
      %dma_wait3A_2536 = tpu.memref_slice %arg3[%mul3A_2] : memref<86016xi32, #tpu.memory_space<hbm>> -> memref<5376xi32, #tpu.memory_space<hbm>>
      tpu.wait_dma2 semaphore(%run_scoped3A : memref<!tpu.dma_semaphore, #tpu.memory_space<semaphore_mem>>) src(%dma_wait3A_2536 : memref<5376xi32, #tpu.memory_space<hbm>>) dst(%arg9 : memref<5376xi32, #tpu.memory_space<vmem>>)
      tpu.yield
    }) : () -> ()
    "tpu.region"() ({
      %run_scoped3A = tpu.sem_alloc : memref<!tpu.dma_semaphore, #tpu.memory_space<semaphore_mem>>
      %dma_start3A_2533 = tpu.memref_slice %arg4[%mul3A_2] : memref<86016xi32, #tpu.memory_space<hbm>> -> memref<5376xi32, #tpu.memory_space<hbm>>
      %dma_start3A_2534 = tpu.memref_slice %arg4[%mul3A_2] : memref<86016xi32, #tpu.memory_space<hbm>> -> memref<5376xi32, #tpu.memory_space<hbm>>
      tpu.enqueue_dma source(%dma_start3A_2534 : memref<5376xi32, #tpu.memory_space<hbm>>) target(%arg10 : memref<5376xi32, #tpu.memory_space<vmem>>) target_semaphore(%run_scoped3A : memref<!tpu.dma_semaphore, #tpu.memory_space<semaphore_mem>>)
      %dma_wait3A_2535 = tpu.memref_slice %arg4[%mul3A_2] : memref<86016xi32, #tpu.memory_space<hbm>> -> memref<5376xi32, #tpu.memory_space<hbm>>
      %dma_wait3A_2536 = tpu.memref_slice %arg4[%mul3A_2] : memref<86016xi32, #tpu.memory_space<hbm>> -> memref<5376xi32, #tpu.memory_space<hbm>>
      tpu.wait_dma2 semaphore(%run_scoped3A : memref<!tpu.dma_semaphore, #tpu.memory_space<semaphore_mem>>) src(%dma_wait3A_2536 : memref<5376xi32, #tpu.memory_space<hbm>>) dst(%arg10 : memref<5376xi32, #tpu.memory_space<vmem>>)
      tpu.yield
    }) : () -> ()
    "tpu.region"() ({
      %run_scoped3A = tpu.sem_alloc : memref<!tpu.dma_semaphore, #tpu.memory_space<semaphore_mem>>
      %dma_start3A_2533 = arith.constant 0 : i32
      %dma_start3A_2534 = tpu.memref_slice %arg5[%mul3A_2, %dma_start3A_2533] : memref<86016x8xf32, #tpu.memory_space<hbm>> -> memref<5376x8xf32, #tpu.memory_space<hbm>>
      %dma_start3A_2535 = arith.constant 0 : i32
      %dma_start3A_2536 = tpu.memref_slice %arg5[%mul3A_2, %dma_start3A_2535] : memref<86016x8xf32, #tpu.memory_space<hbm>> -> memref<5376x8xf32, #tpu.memory_space<hbm>>
      tpu.enqueue_dma source(%dma_start3A_2536 : memref<5376x8xf32, #tpu.memory_space<hbm>>) target(%arg11 : memref<5376x8xf32, #tpu.memory_space<vmem>>) target_semaphore(%run_scoped3A : memref<!tpu.dma_semaphore, #tpu.memory_space<semaphore_mem>>)
      %dma_wait3A_2537 = arith.constant 0 : i32
      %dma_wait3A_2538 = tpu.memref_slice %arg5[%mul3A_2, %dma_wait3A_2537] : memref<86016x8xf32, #tpu.memory_space<hbm>> -> memref<5376x8xf32, #tpu.memory_space<hbm>>
      %dma_wait3A_2539 = arith.constant 0 : i32
      %dma_wait3A_2540 = tpu.memref_slice %arg5[%mul3A_2, %dma_wait3A_2539] : memref<86016x8xf32, #tpu.memory_space<hbm>> -> memref<5376x8xf32, #tpu.memory_space<hbm>>
      tpu.wait_dma2 semaphore(%run_scoped3A : memref<!tpu.dma_semaphore, #tpu.memory_space<semaphore_mem>>) src(%dma_wait3A_2540 : memref<5376x8xf32, #tpu.memory_space<hbm>>) dst(%arg11 : memref<5376x8xf32, #tpu.memory_space<vmem>>)
      tpu.yield
    }) : () -> ()
    %scan3A = arith.constant 0 : i32
    %scan3A_3 = arith.constant 0 : i32
    %scan3A_4 = arith.constant 336 : i32
    %scan3A_5 = arith.addi %scan3A_3, %scan3A_4 : i32
    %scan3A_6 = arith.constant 1 : i32
    scf.for %scan3A_2533 = %scan3A_3 to %scan3A_5 step %scan3A_6  : i32 {
      %mul3A_2534 = arith.constant 16 : i32
      %mul3A_2535 = arith.muli %scan3A_2533, %mul3A_2534 : i32
      %get3A = arith.index_cast %mul3A_2535 : i32 to index
      %get3A_2536 = tpu.vector_load %arg9[%get3A] {strides = array<i32>} : memref<5376xi32, #tpu.memory_space<vmem>>, vector<16xi32>,
      %get3A_2537 = vector.shape_cast %get3A_2536 : vector<16xi32> to vector<16xi32>
      %get3A_2538 = arith.index_cast %mul3A_2535 : i32 to index
      %get3A_2539 = tpu.vector_load %arg10[%get3A_2538] {strides = array<i32>} : memref<5376xi32, #tpu.memory_space<vmem>>, vector<16xi32>,
      %get3A_2540 = vector.shape_cast %get3A_2539 : vector<16xi32> to vector<16xi32>
      %get3A_2541 = arith.index_cast %mul3A_2535 : i32 to index
      %get3A_2542 = tpu.vector_load %arg8[%get3A_2541] {strides = array<i32>} : memref<5376xi32, #tpu.memory_space<vmem>>, vector<16xi32>,
      %get3A_2543 = vector.shape_cast %get3A_2542 : vector<16xi32> to vector<16xi32>
      %max3A = arith.maxsi %get3A_2537, %get3A_2540 : vector<16xi32>
      %min3A = arith.minsi %get3A_2537, %get3A_2540 : vector<16xi32>
      %sub3A = arith.constant 8 : i32
      %sub3A_2544 = vector.broadcast %sub3A : i32 to vector<16xi32>
      %sub3A_2545 = arith.subi %max3A, %sub3A_2544 : vector<16xi32>
      %shift_right_arithmetic3A = arith.constant 3 : i32
      %shift_right_arithmetic3A_2546 = vector.broadcast %shift_right_arithmetic3A : i32 to vector<16xi32>
      %shift_right_arithmetic3A_2547 = arith.shrsi %sub3A_2545, %shift_right_arithmetic3A_2546 : vector<16xi32>
      %max3A_2548 = arith.constant 0 : i32
      %max3A_2549 = vector.broadcast %max3A_2548 : i32 to vector<16xi32>
      %max3A_2550 = arith.maxsi %shift_right_arithmetic3A_2547, %max3A_2549 : vector<16xi32>
      %shift_right_arithmetic3A_2551 = arith.constant 3 : i32
      %shift_right_arithmetic3A_2552 = vector.broadcast %shift_right_arithmetic3A_2551 : i32 to vector<16xi32>
      %shift_right_arithmetic3A_2553 = arith.shrsi %min3A, %shift_right_arithmetic3A_2552 : vector<16xi32>
      %min3A_2554 = arith.constant 254 : i32
      %min3A_2555 = vector.broadcast %min3A_2554 : i32 to vector<16xi32>
      %min3A_2556 = arith.minsi %shift_right_arithmetic3A_2553, %min3A_2555 : vector<16xi32>
      %ne3A = arith.cmpi ne, %get3A_2537, %get3A_2540 : vector<16xi32>
      %eq3A = vector.broadcast %arg0 : i32 to vector<16xi32>
      %eq3A_2557 = arith.cmpi eq, %get3A_2543, %eq3A : vector<16xi32>
      %and3A = arith.andi %ne3A, %eq3A_2557 : vector<16xi1>
      %shift_right_arithmetic3A_2558 = arith.constant 3 : i32
      %shift_right_arithmetic3A_2559 = arith.shrsi %scan3A_2533, %shift_right_arithmetic3A_2558 : i32
      %and3A_2560 = arith.constant 7 : i32
      %and3A_2561 = arith.andi %scan3A_2533, %and3A_2560 : i32
      %mul3A_2562 = arith.constant 16 : i32
      %mul3A_2563 = arith.muli %and3A_2561, %mul3A_2562 : i32
      %add3A_2564 = arith.constant 0 : i32
      %add3A_2565 = vector.broadcast %add3A_2564 : i32 to vector<16xi32>
      %add3A_2566 = arith.addi %max3A_2550, %add3A_2565 : vector<16xi32>
      %le3A = arith.cmpi sle, %add3A_2566, %min3A_2556 : vector<16xi32>
      %and3A_2567 = arith.andi %and3A, %le3A : vector<16xi1>
      %shift_left3A = arith.constant 3 : i32
      %shift_left3A_2568 = vector.broadcast %shift_left3A : i32 to vector<16xi32>
      %shift_left3A_2569 = arith.shli %add3A_2566, %shift_left3A_2568 : vector<16xi32>
      %sub3A_2570 = arith.subi %get3A_2537, %shift_left3A_2569 : vector<16xi32>
      %sub3A_2571 = arith.subi %get3A_2540, %shift_left3A_2569 : vector<16xi32>
      %mul3A_2572 = arith.constant 15 : i32
      %mul3A_2573 = vector.broadcast %mul3A_2572 : i32 to vector<16xi32>
      %mul3A_2574 = arith.muli %mul3A_2573, %sub3A_2570 : vector<16xi32>
      %add3A_2575 = arith.addi %mul3A_2574, %sub3A_2571 : vector<16xi32>
      %sub3A_2576 = arith.constant 1 : i32
      %sub3A_2577 = vector.broadcast %sub3A_2576 : i32 to vector<16xi32>
      %sub3A_2578 = arith.subi %add3A_2575, %sub3A_2577 : vector<16xi32>
      %lt3A = arith.cmpi slt, %sub3A_2571, %sub3A_2570 : vector<16xi32>
      %jit3A = arith.constant 1 : i32
      %jit3A_2579 = arith.constant 0 : i32
      %broadcast_in_dim3A = vector.broadcast %jit3A : i32 to vector<16xi32>
      %broadcast_in_dim3A_2580 = vector.broadcast %jit3A_2579 : i32 to vector<16xi32>
      %select_n3A = arith.select %lt3A, %broadcast_in_dim3A, %broadcast_in_dim3A_2580 : vector<16xi1>, vector<16xi32>
      %add3A_2581 = arith.addi %sub3A_2578, %select_n3A : vector<16xi32>
      %mul3A_2582 = arith.constant 240 : i32
      %mul3A_2583 = vector.broadcast %mul3A_2582 : i32 to vector<16xi32>
      %mul3A_2584 = arith.muli %add3A_2566, %mul3A_2583 : vector<16xi32>
      %add3A_2585 = arith.addi %mul3A_2584, %add3A_2581 : vector<16xi32>
      %jit3A_2586 = arith.constant 63488 : i32
      %broadcast_in_dim3A_2587 = vector.broadcast %jit3A_2586 : i32 to vector<16xi32>
      %select_n3A_2588 = arith.select %and3A_2567, %add3A_2585, %broadcast_in_dim3A_2587 : vector<16xi1>, vector<16xi32>
      %swap3A = arith.index_cast %shift_right_arithmetic3A_2559 : i32 to index
      %swap3A_2589 = arith.index_cast %mul3A_2563 : i32 to index
      %swap3A_2590 = tpu.vector_load %arg12[%swap3A, %swap3A_2589] {strides = array<i32>} : memref<42x128xi32, #tpu.memory_space<vmem>>, vector<1x16xi32>,
      %swap3A_2591 = vector.shape_cast %swap3A_2590 : vector<1x16xi32> to vector<16xi32>
      %swap3A_2592 = vector.shape_cast %select_n3A_2588 : vector<16xi32> to vector<1x16xi32>
      tpu.vector_store %arg12[%swap3A, %swap3A_2589], %swap3A_2592 {strides = array<i32>} : memref<42x128xi32, #tpu.memory_space<vmem>>, vector<1x16xi32>,
      %add3A_2593 = arith.constant 1 : i32
      %add3A_2594 = vector.broadcast %add3A_2593 : i32 to vector<16xi32>
      %add3A_2595 = arith.addi %max3A_2550, %add3A_2594 : vector<16xi32>
      %le3A_2596 = arith.cmpi sle, %add3A_2595, %min3A_2556 : vector<16xi32>
      %and3A_2597 = arith.andi %and3A, %le3A_2596 : vector<16xi1>
      %shift_left3A_2598 = arith.constant 3 : i32
      %shift_left3A_2599 = vector.broadcast %shift_left3A_2598 : i32 to vector<16xi32>
      %shift_left3A_2600 = arith.shli %add3A_2595, %shift_left3A_2599 : vector<16xi32>
      %sub3A_2601 = arith.subi %get3A_2537, %shift_left3A_2600 : vector<16xi32>
      %sub3A_2602 = arith.subi %get3A_2540, %shift_left3A_2600 : vector<16xi32>
      %mul3A_2603 = arith.constant 15 : i32
      %mul3A_2604 = vector.broadcast %mul3A_2603 : i32 to vector<16xi32>
      %mul3A_2605 = arith.muli %mul3A_2604, %sub3A_2601 : vector<16xi32>
      %add3A_2606 = arith.addi %mul3A_2605, %sub3A_2602 : vector<16xi32>
      %sub3A_2607 = arith.constant 1 : i32
      %sub3A_2608 = vector.broadcast %sub3A_2607 : i32 to vector<16xi32>
      %sub3A_2609 = arith.subi %add3A_2606, %sub3A_2608 : vector<16xi32>
      %lt3A_2610 = arith.cmpi slt, %sub3A_2602, %sub3A_2601 : vector<16xi32>
      %jit3A_2611 = arith.constant 1 : i32
      %jit3A_2612 = arith.constant 0 : i32
      %broadcast_in_dim3A_2613 = vector.broadcast %jit3A_2611 : i32 to vector<16xi32>
      %broadcast_in_dim3A_2614 = vector.broadcast %jit3A_2612 : i32 to vector<16xi32>
      %select_n3A_2615 = arith.select %lt3A_2610, %broadcast_in_dim3A_2613, %broadcast_in_dim3A_2614 : vector<16xi1>, vector<16xi32>
      %add3A_2616 = arith.addi %sub3A_2609, %select_n3A_2615 : vector<16xi32>
      %mul3A_2617 = arith.constant 240 : i32
      %mul3A_2618 = vector.broadcast %mul3A_2617 : i32 to vector<16xi32>
      %mul3A_2619 = arith.muli %add3A_2595, %mul3A_2618 : vector<16xi32>
      %add3A_2620 = arith.addi %mul3A_2619, %add3A_2616 : vector<16xi32>
      %jit3A_2621 = arith.constant 63488 : i32
      %broadcast_in_dim3A_2622 = vector.broadcast %jit3A_2621 : i32 to vector<16xi32>
      %select_n3A_2623 = arith.select %and3A_2597, %add3A_2620, %broadcast_in_dim3A_2622 : vector<16xi1>, vector<16xi32>
      %swap3A_2624 = arith.index_cast %shift_right_arithmetic3A_2559 : i32 to index
      %swap3A_2625 = arith.index_cast %mul3A_2563 : i32 to index
      %swap3A_2626 = tpu.vector_load %arg13[%swap3A_2624, %swap3A_2625] {strides = array<i32>} : memref<42x128xi32, #tpu.memory_space<vmem>>, vector<1x16xi32>,
      %swap3A_2627 = vector.shape_cast %swap3A_2626 : vector<1x16xi32> to vector<16xi32>
      %swap3A_2628 = vector.shape_cast %select_n3A_2623 : vector<16xi32> to vector<1x16xi32>
      tpu.vector_store %arg13[%swap3A_2624, %swap3A_2625], %swap3A_2628 {strides = array<i32>} : memref<42x128xi32, #tpu.memory_space<vmem>>, vector<1x16xi32>,
      %add3A_2629 = arith.constant 2 : i32
      %add3A_2630 = vector.broadcast %add3A_2629 : i32 to vector<16xi32>
      %add3A_2631 = arith.addi %max3A_2550, %add3A_2630 : vector<16xi32>
      %le3A_2632 = arith.cmpi sle, %add3A_2631, %min3A_2556 : vector<16xi32>
      %and3A_2633 = arith.andi %and3A, %le3A_2632 : vector<16xi1>
      %shift_left3A_2634 = arith.constant 3 : i32
      %shift_left3A_2635 = vector.broadcast %shift_left3A_2634 : i32 to vector<16xi32>
      %shift_left3A_2636 = arith.shli %add3A_2631, %shift_left3A_2635 : vector<16xi32>
      %sub3A_2637 = arith.subi %get3A_2537, %shift_left3A_2636 : vector<16xi32>
      %sub3A_2638 = arith.subi %get3A_2540, %shift_left3A_2636 : vector<16xi32>
      %mul3A_2639 = arith.constant 15 : i32
      %mul3A_2640 = vector.broadcast %mul3A_2639 : i32 to vector<16xi32>
      %mul3A_2641 = arith.muli %mul3A_2640, %sub3A_2637 : vector<16xi32>
      %add3A_2642 = arith.addi %mul3A_2641, %sub3A_2638 : vector<16xi32>
      %sub3A_2643 = arith.constant 1 : i32
      %sub3A_2644 = vector.broadcast %sub3A_2643 : i32 to vector<16xi32>
      %sub3A_2645 = arith.subi %add3A_2642, %sub3A_2644 : vector<16xi32>
      %lt3A_2646 = arith.cmpi slt, %sub3A_2638, %sub3A_2637 : vector<16xi32>
      %jit3A_2647 = arith.constant 1 : i32
      %jit3A_2648 = arith.constant 0 : i32
      %broadcast_in_dim3A_2649 = vector.broadcast %jit3A_2647 : i32 to vector<16xi32>
      %broadcast_in_dim3A_2650 = vector.broadcast %jit3A_2648 : i32 to vector<16xi32>
      %select_n3A_2651 = arith.select %lt3A_2646, %broadcast_in_dim3A_2649, %broadcast_in_dim3A_2650 : vector<16xi1>, vector<16xi32>
      %add3A_2652 = arith.addi %sub3A_2645, %select_n3A_2651 : vector<16xi32>
      %mul3A_2653 = arith.constant 240 : i32
      %mul3A_2654 = vector.broadcast %mul3A_2653 : i32 to vector<16xi32>
      %mul3A_2655 = arith.muli %add3A_2631, %mul3A_2654 : vector<16xi32>
      %add3A_2656 = arith.addi %mul3A_2655, %add3A_2652 : vector<16xi32>
      %jit3A_2657 = arith.constant 63488 : i32
      %broadcast_in_dim3A_2658 = vector.broadcast %jit3A_2657 : i32 to vector<16xi32>
      %select_n3A_2659 = arith.select %and3A_2633, %add3A_2656, %broadcast_in_dim3A_2658 : vector<16xi1>, vector<16xi32>
      %swap3A_2660 = arith.index_cast %shift_right_arithmetic3A_2559 : i32 to index
      %swap3A_2661 = arith.index_cast %mul3A_2563 : i32 to index
      %swap3A_2662 = tpu.vector_load %arg14[%swap3A_2660, %swap3A_2661] {strides = array<i32>} : memref<42x128xi32, #tpu.memory_space<vmem>>, vector<1x16xi32>,
      %swap3A_2663 = vector.shape_cast %swap3A_2662 : vector<1x16xi32> to vector<16xi32>
      %swap3A_2664 = vector.shape_cast %select_n3A_2659 : vector<16xi32> to vector<1x16xi32>
      tpu.vector_store %arg14[%swap3A_2660, %swap3A_2661], %swap3A_2664 {strides = array<i32>} : memref<42x128xi32, #tpu.memory_space<vmem>>, vector<1x16xi32>,
    }
    %scan3A_7 = arith.constant 336 : i32
    %barrier3A = arith.constant 0 : index
    tpu.barrier barrier_id(%barrier3A)
    %dma_start3A = arith.constant 0 : i32
    %dma_start3A_8 = arith.constant 0 : i32
    %dma_start3A_9 = arith.constant 0 : i32
    %dma_start3A_10 = tpu.memref_slice %arg11[%dma_start3A_8, %dma_start3A_9] : memref<5376x8xf32, #tpu.memory_space<vmem>> -> memref<128x8xf32, #tpu.memory_space<vmem>>
    %dma_start3A_11 = arith.constant 0 : i32
    %dma_start3A_12 = tpu.memref_slice %arg12[%dma_start3A, %dma_start3A_11] : memref<42x128xi32, #tpu.memory_space<vmem>> -> memref<1x128xi32, #tpu.memory_space<vmem>>
    %dma_start3A_13 = tpu.memref_squeeze %dma_start3A_12 : memref<1x128xi32, #tpu.memory_space<vmem>> -> memref<128xi32, #tpu.memory_space<vmem>>
    %dma_start3A_14 = arith.constant 0 : i32
    %dma_start3A_15 = arith.constant 0 : i32
    %dma_start3A_16 = tpu.memref_slice %arg15[%dma_start3A_14, %dma_start3A_15] : memref<63496x8xf32, #tpu.memory_space<vmem_shared>> -> memref<63496x8xf32, #tpu.memory_space<vmem_shared>>
    tpu.enqueue_indirect_dma source(%dma_start3A_10 : memref<128x8xf32, #tpu.memory_space<vmem>>) target(%dma_start3A_16 : memref<63496x8xf32, #tpu.memory_space<vmem_shared>>) offsets(%dma_start3A_13 : memref<128xi32, #tpu.memory_space<vmem>>) semaphore(%arg16 : memref<!tpu.dma_semaphore, #tpu.memory_space<semaphore_mem>>)
    %dma_start3A_17 = arith.constant 0 : i32
    %dma_start3A_18 = arith.constant 0 : i32
    %dma_start3A_19 = arith.constant 0 : i32
    %dma_start3A_20 = tpu.memref_slice %arg11[%dma_start3A_18, %dma_start3A_19] : memref<5376x8xf32, #tpu.memory_space<vmem>> -> memref<128x8xf32, #tpu.memory_space<vmem>>
    %dma_start3A_21 = arith.constant 0 : i32
    %dma_start3A_22 = tpu.memref_slice %arg13[%dma_start3A_17, %dma_start3A_21] : memref<42x128xi32, #tpu.memory_space<vmem>> -> memref<1x128xi32, #tpu.memory_space<vmem>>
    %dma_start3A_23 = tpu.memref_squeeze %dma_start3A_22 : memref<1x128xi32, #tpu.memory_space<vmem>> -> memref<128xi32, #tpu.memory_space<vmem>>
    %dma_start3A_24 = arith.constant 0 : i32
    %dma_start3A_25 = arith.constant 0 : i32
    %dma_start3A_26 = tpu.memref_slice %arg15[%dma_start3A_24, %dma_start3A_25] : memref<63496x8xf32, #tpu.memory_space<vmem_shared>> -> memref<63496x8xf32, #tpu.memory_space<vmem_shared>>
    tpu.enqueue_indirect_dma source(%dma_start3A_20 : memref<128x8xf32, #tpu.memory_space<vmem>>) target(%dma_start3A_26 : memref<63496x8xf32, #tpu.memory_space<vmem_shared>>) offsets(%dma_start3A_23 : memref<128xi32, #tpu.memory_space<vmem>>) semaphore(%arg16 : memref<!tpu.dma_semaphore, #tpu.memory_space<semaphore_mem>>)
    %dma_start3A_27 = arith.constant 0 : i32
    %dma_start3A_28 = arith.constant 0 : i32
    %dma_start3A_29 = arith.constant 0 : i32
    %dma_start3A_30 = tpu.memref_slice %arg11[%dma_start3A_28, %dma_start3A_29] : memref<5376x8xf32, #tpu.memory_space<vmem>> -> memref<128x8xf32, #tpu.memory_space<vmem>>
    %dma_start3A_31 = arith.constant 0 : i32
    %dma_start3A_32 = tpu.memref_slice %arg14[%dma_start3A_27, %dma_start3A_31] : memref<42x128xi32, #tpu.memory_space<vmem>> -> memref<1x128xi32, #tpu.memory_space<vmem>>
    %dma_start3A_33 = tpu.memref_squeeze %dma_start3A_32 : memref<1x128xi32, #tpu.memory_space<vmem>> -> memref<128xi32, #tpu.memory_space<vmem>>
    %dma_start3A_34 = arith.constant 0 : i32
    %dma_start3A_35 = arith.constant 0 : i32
    %dma_start3A_36 = tpu.memref_slice %arg15[%dma_start3A_34, %dma_start3A_35] : memref<63496x8xf32, #tpu.memory_space<vmem_shared>> -> memref<63496x8xf32, #tpu.memory_space<vmem_shared>>
    tpu.enqueue_indirect_dma source(%dma_start3A_30 : memref<128x8xf32, #tpu.memory_space<vmem>>) target(%dma_start3A_36 : memref<63496x8xf32, #tpu.memory_space<vmem_shared>>) offsets(%dma_start3A_33 : memref<128xi32, #tpu.memory_space<vmem>>) semaphore(%arg16 : memref<!tpu.dma_semaphore, #tpu.memory_space<semaphore_mem>>)
    %dma_start3A_37 = arith.constant 1 : i32
    %dma_start3A_38 = arith.constant 128 : i32
    %dma_start3A_39 = arith.constant 0 : i32
    %dma_start3A_40 = tpu.memref_slice %arg11[%dma_start3A_38, %dma_start3A_39] : memref<5376x8xf32, #tpu.memory_space<vmem>> -> memref<128x8xf32, #tpu.memory_space<vmem>>
    %dma_start3A_41 = arith.constant 0 : i32
    %dma_start3A_42 = tpu.memref_slice %arg12[%dma_start3A_37, %dma_start3A_41] : memref<42x128xi32, #tpu.memory_space<vmem>> -> memref<1x128xi32, #tpu.memory_space<vmem>>
    %dma_start3A_43 = tpu.memref_squeeze %dma_start3A_42 : memref<1x128xi32, #tpu.memory_space<vmem>> -> memref<128xi32, #tpu.memory_space<vmem>>
    %dma_start3A_44 = arith.constant 0 : i32
    %dma_start3A_45 = arith.constant 0 : i32
    %dma_start3A_46 = tpu.memref_slice %arg15[%dma_start3A_44, %dma_start3A_45] : memref<63496x8xf32, #tpu.memory_space<vmem_shared>> -> memref<63496x8xf32, #tpu.memory_space<vmem_shared>>
    tpu.enqueue_indirect_dma source(%dma_start3A_40 : memref<128x8xf32, #tpu.memory_space<vmem>>) target(%dma_start3A_46 : memref<63496x8xf32, #tpu.memory_space<vmem_shared>>) offsets(%dma_start3A_43 : memref<128xi32, #tpu.memory_space<vmem>>) semaphore(%arg16 : memref<!tpu.dma_semaphore, #tpu.memory_space<semaphore_mem>>)
    %dma_start3A_47 = arith.constant 1 : i32
    %dma_start3A_48 = arith.constant 128 : i32
    %dma_start3A_49 = arith.constant 0 : i32
    %dma_start3A_50 = tpu.memref_slice %arg11[%dma_start3A_48, %dma_start3A_49] : memref<5376x8xf32, #tpu.memory_space<vmem>> -> memref<128x8xf32, #tpu.memory_space<vmem>>
    %dma_start3A_51 = arith.constant 0 : i32
    %dma_start3A_52 = tpu.memref_slice %arg13[%dma_start3A_47, %dma_start3A_51] : memref<42x128xi32, #tpu.memory_space<vmem>> -> memref<1x128xi32, #tpu.memory_space<vmem>>
    %dma_start3A_53 = tpu.memref_squeeze %dma_start3A_52 : memref<1x128xi32, #tpu.memory_space<vmem>> -> memref<128xi32, #tpu.memory_space<vmem>>
    %dma_start3A_54 = arith.constant 0 : i32
    %dma_start3A_55 = arith.constant 0 : i32
    %dma_start3A_56 = tpu.memref_slice %arg15[%dma_start3A_54, %dma_start3A_55] : memref<63496x8xf32, #tpu.memory_space<vmem_shared>> -> memref<63496x8xf32, #tpu.memory_space<vmem_shared>>
    tpu.enqueue_indirect_dma source(%dma_start3A_50 : memref<128x8xf32, #tpu.memory_space<vmem>>) target(%dma_start3A_56 : memref<63496x8xf32, #tpu.memory_space<vmem_shared>>) offsets(%dma_start3A_53 : memref<128xi32, #tpu.memory_space<vmem>>) semaphore(%arg16 : memref<!tpu.dma_semaphore, #tpu.memory_space<semaphore_mem>>)
    %dma_start3A_57 = arith.constant 1 : i32
    %dma_start3A_58 = arith.constant 128 : i32
    %dma_start3A_59 = arith.constant 0 : i32
    %dma_start3A_60 = tpu.memref_slice %arg11[%dma_start3A_58, %dma_start3A_59] : memref<5376x8xf32, #tpu.memory_space<vmem>> -> memref<128x8xf32, #tpu.memory_space<vmem>>
    %dma_start3A_61 = arith.constant 0 : i32
    %dma_start3A_62 = tpu.memref_slice %arg14[%dma_start3A_57, %dma_start3A_61] : memref<42x128xi32, #tpu.memory_space<vmem>> -> memref<1x128xi32, #tpu.memory_space<vmem>>
    %dma_start3A_63 = tpu.memref_squeeze %dma_start3A_62 : memref<1x128xi32, #tpu.memory_space<vmem>> -> memref<128xi32, #tpu.memory_space<vmem>>
    %dma_start3A_64 = arith.constant 0 : i32
    %dma_start3A_65 = arith.constant 0 : i32
    %dma_start3A_66 = tpu.memref_slice %arg15[%dma_start3A_64, %dma_start3A_65] : memref<63496x8xf32, #tpu.memory_space<vmem_shared>> -> memref<63496x8xf32, #tpu.memory_space<vmem_shared>>
    tpu.enqueue_indirect_dma source(%dma_start3A_60 : memref<128x8xf32, #tpu.memory_space<vmem>>) target(%dma_start3A_66 : memref<63496x8xf32, #tpu.memory_space<vmem_shared>>) offsets(%dma_start3A_63 : memref<128xi32, #tpu.memory_space<vmem>>) semaphore(%arg16 : memref<!tpu.dma_semaphore, #tpu.memory_space<semaphore_mem>>)
    %dma_start3A_67 = arith.constant 2 : i32
    %dma_start3A_68 = arith.constant 256 : i32
    %dma_start3A_69 = arith.constant 0 : i32
    %dma_start3A_70 = tpu.memref_slice %arg11[%dma_start3A_68, %dma_start3A_69] : memref<5376x8xf32, #tpu.memory_space<vmem>> -> memref<128x8xf32, #tpu.memory_space<vmem>>
    %dma_start3A_71 = arith.constant 0 : i32
    %dma_start3A_72 = tpu.memref_slice %arg12[%dma_start3A_67, %dma_start3A_71] : memref<42x128xi32, #tpu.memory_space<vmem>> -> memref<1x128xi32, #tpu.memory_space<vmem>>
    %dma_start3A_73 = tpu.memref_squeeze %dma_start3A_72 : memref<1x128xi32, #tpu.memory_space<vmem>> -> memref<128xi32, #tpu.memory_space<vmem>>
    %dma_start3A_74 = arith.constant 0 : i32
    %dma_start3A_75 = arith.constant 0 : i32
    %dma_start3A_76 = tpu.memref_slice %arg15[%dma_start3A_74, %dma_start3A_75] : memref<63496x8xf32, #tpu.memory_space<vmem_shared>> -> memref<63496x8xf32, #tpu.memory_space<vmem_shared>>
    tpu.enqueue_indirect_dma source(%dma_start3A_70 : memref<128x8xf32, #tpu.memory_space<vmem>>) target(%dma_start3A_76 : memref<63496x8xf32, #tpu.memory_space<vmem_shared>>) offsets(%dma_start3A_73 : memref<128xi32, #tpu.memory_space<vmem>>) semaphore(%arg16 : memref<!tpu.dma_semaphore, #tpu.memory_space<semaphore_mem>>)
    %dma_start3A_77 = arith.constant 2 : i32
    %dma_start3A_78 = arith.constant 256 : i32
    %dma_start3A_79 = arith.constant 0 : i32
    %dma_start3A_80 = tpu.memref_slice %arg11[%dma_start3A_78, %dma_start3A_79] : memref<5376x8xf32, #tpu.memory_space<vmem>> -> memref<128x8xf32, #tpu.memory_space<vmem>>
    %dma_start3A_81 = arith.constant 0 : i32
    %dma_start3A_82 = tpu.memref_slice %arg13[%dma_start3A_77, %dma_start3A_81] : memref<42x128xi32, #tpu.memory_space<vmem>> -> memref<1x128xi32, #tpu.memory_space<vmem>>
    %dma_start3A_83 = tpu.memref_squeeze %dma_start3A_82 : memref<1x128xi32, #tpu.memory_space<vmem>> -> memref<128xi32, #tpu.memory_space<vmem>>
    %dma_start3A_84 = arith.constant 0 : i32
    %dma_start3A_85 = arith.constant 0 : i32
    %dma_start3A_86 = tpu.memref_slice %arg15[%dma_start3A_84, %dma_start3A_85] : memref<63496x8xf32, #tpu.memory_space<vmem_shared>> -> memref<63496x8xf32, #tpu.memory_space<vmem_shared>>
    tpu.enqueue_indirect_dma source(%dma_start3A_80 : memref<128x8xf32, #tpu.memory_space<vmem>>) target(%dma_start3A_86 : memref<63496x8xf32, #tpu.memory_space<vmem_shared>>) offsets(%dma_start3A_83 : memref<128xi32, #tpu.memory_space<vmem>>) semaphore(%arg16 : memref<!tpu.dma_semaphore, #tpu.memory_space<semaphore_mem>>)
    %dma_start3A_87 = arith.constant 2 : i32
    %dma_start3A_88 = arith.constant 256 : i32
    %dma_start3A_89 = arith.constant 0 : i32
    %dma_start3A_90 = tpu.memref_slice %arg11[%dma_start3A_88, %dma_start3A_89] : memref<5376x8xf32, #tpu.memory_space<vmem>> -> memref<128x8xf32, #tpu.memory_space<vmem>>
    %dma_start3A_91 = arith.constant 0 : i32
    %dma_start3A_92 = tpu.memref_slice %arg14[%dma_start3A_87, %dma_start3A_91] : memref<42x128xi32, #tpu.memory_space<vmem>> -> memref<1x128xi32, #tpu.memory_space<vmem>>
    %dma_start3A_93 = tpu.memref_squeeze %dma_start3A_92 : memref<1x128xi32, #tpu.memory_space<vmem>> -> memref<128xi32, #tpu.memory_space<vmem>>
    %dma_start3A_94 = arith.constant 0 : i32
    %dma_start3A_95 = arith.constant 0 : i32
    %dma_start3A_96 = tpu.memref_slice %arg15[%dma_start3A_94, %dma_start3A_95] : memref<63496x8xf32, #tpu.memory_space<vmem_shared>> -> memref<63496x8xf32, #tpu.memory_space<vmem_shared>>
    tpu.enqueue_indirect_dma source(%dma_start3A_90 : memref<128x8xf32, #tpu.memory_space<vmem>>) target(%dma_start3A_96 : memref<63496x8xf32, #tpu.memory_space<vmem_shared>>) offsets(%dma_start3A_93 : memref<128xi32, #tpu.memory_space<vmem>>) semaphore(%arg16 : memref<!tpu.dma_semaphore, #tpu.memory_space<semaphore_mem>>)
    %dma_start3A_97 = arith.constant 3 : i32
    %dma_start3A_98 = arith.constant 384 : i32
    %dma_start3A_99 = arith.constant 0 : i32
    %dma_start3A_100 = tpu.memref_slice %arg11[%dma_start3A_98, %dma_start3A_99] : memref<5376x8xf32, #tpu.memory_space<vmem>> -> memref<128x8xf32, #tpu.memory_space<vmem>>
    %dma_start3A_101 = arith.constant 0 : i32
    %dma_start3A_102 = tpu.memref_slice %arg12[%dma_start3A_97, %dma_start3A_101] : memref<42x128xi32, #tpu.memory_space<vmem>> -> memref<1x128xi32, #tpu.memory_space<vmem>>
    %dma_start3A_103 = tpu.memref_squeeze %dma_start3A_102 : memref<1x128xi32, #tpu.memory_space<vmem>> -> memref<128xi32, #tpu.memory_space<vmem>>
    %dma_start3A_104 = arith.constant 0 : i32
    %dma_start3A_105 = arith.constant 0 : i32
    %dma_start3A_106 = tpu.memref_slice %arg15[%dma_start3A_104, %dma_start3A_105] : memref<63496x8xf32, #tpu.memory_space<vmem_shared>> -> memref<63496x8xf32, #tpu.memory_space<vmem_shared>>
    tpu.enqueue_indirect_dma source(%dma_start3A_100 : memref<128x8xf32, #tpu.memory_space<vmem>>) target(%dma_start3A_106 : memref<63496x8xf32, #tpu.memory_space<vmem_shared>>) offsets(%dma_start3A_103 : memref<128xi32, #tpu.memory_space<vmem>>) semaphore(%arg16 : memref<!tpu.dma_semaphore, #tpu.memory_space<semaphore_mem>>)
    %dma_start3A_107 = arith.constant 3 : i32
    %dma_start3A_108 = arith.constant 384 : i32
    %dma_start3A_109 = arith.constant 0 : i32
    %dma_start3A_110 = tpu.memref_slice %arg11[%dma_start3A_108, %dma_start3A_109] : memref<5376x8xf32, #tpu.memory_space<vmem>> -> memref<128x8xf32, #tpu.memory_space<vmem>>
    %dma_start3A_111 = arith.constant 0 : i32
    %dma_start3A_112 = tpu.memref_slice %arg13[%dma_start3A_107, %dma_start3A_111] : memref<42x128xi32, #tpu.memory_space<vmem>> -> memref<1x128xi32, #tpu.memory_space<vmem>>
    %dma_start3A_113 = tpu.memref_squeeze %dma_start3A_112 : memref<1x128xi32, #tpu.memory_space<vmem>> -> memref<128xi32, #tpu.memory_space<vmem>>
    %dma_start3A_114 = arith.constant 0 : i32
    %dma_start3A_115 = arith.constant 0 : i32
    %dma_start3A_116 = tpu.memref_slice %arg15[%dma_start3A_114, %dma_start3A_115] : memref<63496x8xf32, #tpu.memory_space<vmem_shared>> -> memref<63496x8xf32, #tpu.memory_space<vmem_shared>>
    tpu.enqueue_indirect_dma source(%dma_start3A_110 : memref<128x8xf32, #tpu.memory_space<vmem>>) target(%dma_start3A_116 : memref<63496x8xf32, #tpu.memory_space<vmem_shared>>) offsets(%dma_start3A_113 : memref<128xi32, #tpu.memory_space<vmem>>) semaphore(%arg16 : memref<!tpu.dma_semaphore, #tpu.memory_space<semaphore_mem>>)
    %dma_start3A_117 = arith.constant 3 : i32
    %dma_start3A_118 = arith.constant 384 : i32
    %dma_start3A_119 = arith.constant 0 : i32
    %dma_start3A_120 = tpu.memref_slice %arg11[%dma_start3A_118, %dma_start3A_119] : memref<5376x8xf32, #tpu.memory_space<vmem>> -> memref<128x8xf32, #tpu.memory_space<vmem>>
    %dma_start3A_121 = arith.constant 0 : i32
    %dma_start3A_122 = tpu.memref_slice %arg14[%dma_start3A_117, %dma_start3A_121] : memref<42x128xi32, #tpu.memory_space<vmem>> -> memref<1x128xi32, #tpu.memory_space<vmem>>
    %dma_start3A_123 = tpu.memref_squeeze %dma_start3A_122 : memref<1x128xi32, #tpu.memory_space<vmem>> -> memref<128xi32, #tpu.memory_space<vmem>>
    %dma_start3A_124 = arith.constant 0 : i32
    %dma_start3A_125 = arith.constant 0 : i32
    %dma_start3A_126 = tpu.memref_slice %arg15[%dma_start3A_124, %dma_start3A_125] : memref<63496x8xf32, #tpu.memory_space<vmem_shared>> -> memref<63496x8xf32, #tpu.memory_space<vmem_shared>>
    tpu.enqueue_indirect_dma source(%dma_start3A_120 : memref<128x8xf32, #tpu.memory_space<vmem>>) target(%dma_start3A_126 : memref<63496x8xf32, #tpu.memory_space<vmem_shared>>) offsets(%dma_start3A_123 : memref<128xi32, #tpu.memory_space<vmem>>) semaphore(%arg16 : memref<!tpu.dma_semaphore, #tpu.memory_space<semaphore_mem>>)
    %dma_start3A_127 = arith.constant 4 : i32
    %dma_start3A_128 = arith.constant 512 : i32
    %dma_start3A_129 = arith.constant 0 : i32
    %dma_start3A_130 = tpu.memref_slice %arg11[%dma_start3A_128, %dma_start3A_129] : memref<5376x8xf32, #tpu.memory_space<vmem>> -> memref<128x8xf32, #tpu.memory_space<vmem>>
    %dma_start3A_131 = arith.constant 0 : i32
    %dma_start3A_132 = tpu.memref_slice %arg12[%dma_start3A_127, %dma_start3A_131] : memref<42x128xi32, #tpu.memory_space<vmem>> -> memref<1x128xi32, #tpu.memory_space<vmem>>
    %dma_start3A_133 = tpu.memref_squeeze %dma_start3A_132 : memref<1x128xi32, #tpu.memory_space<vmem>> -> memref<128xi32, #tpu.memory_space<vmem>>
    %dma_start3A_134 = arith.constant 0 : i32
    %dma_start3A_135 = arith.constant 0 : i32
    %dma_start3A_136 = tpu.memref_slice %arg15[%dma_start3A_134, %dma_start3A_135] : memref<63496x8xf32, #tpu.memory_space<vmem_shared>> -> memref<63496x8xf32, #tpu.memory_space<vmem_shared>>
    tpu.enqueue_indirect_dma source(%dma_start3A_130 : memref<128x8xf32, #tpu.memory_space<vmem>>) target(%dma_start3A_136 : memref<63496x8xf32, #tpu.memory_space<vmem_shared>>) offsets(%dma_start3A_133 : memref<128xi32, #tpu.memory_space<vmem>>) semaphore(%arg16 : memref<!tpu.dma_semaphore, #tpu.memory_space<semaphore_mem>>)
    %dma_start3A_137 = arith.constant 4 : i32
    %dma_start3A_138 = arith.constant 512 : i32
    %dma_start3A_139 = arith.constant 0 : i32
    %dma_start3A_140 = tpu.memref_slice %arg11[%dma_start3A_138, %dma_start3A_139] : memref<5376x8xf32, #tpu.memory_space<vmem>> -> memref<128x8xf32, #tpu.memory_space<vmem>>
    %dma_start3A_141 = arith.constant 0 : i32
    %dma_start3A_142 = tpu.memref_slice %arg13[%dma_start3A_137, %dma_start3A_141] : memref<42x128xi32, #tpu.memory_space<vmem>> -> memref<1x128xi32, #tpu.memory_space<vmem>>
    %dma_start3A_143 = tpu.memref_squeeze %dma_start3A_142 : memref<1x128xi32, #tpu.memory_space<vmem>> -> memref<128xi32, #tpu.memory_space<vmem>>
    %dma_start3A_144 = arith.constant 0 : i32
    %dma_start3A_145 = arith.constant 0 : i32
    %dma_start3A_146 = tpu.memref_slice %arg15[%dma_start3A_144, %dma_start3A_145] : memref<63496x8xf32, #tpu.memory_space<vmem_shared>> -> memref<63496x8xf32, #tpu.memory_space<vmem_shared>>
    tpu.enqueue_indirect_dma source(%dma_start3A_140 : memref<128x8xf32, #tpu.memory_space<vmem>>) target(%dma_start3A_146 : memref<63496x8xf32, #tpu.memory_space<vmem_shared>>) offsets(%dma_start3A_143 : memref<128xi32, #tpu.memory_space<vmem>>) semaphore(%arg16 : memref<!tpu.dma_semaphore, #tpu.memory_space<semaphore_mem>>)
    %dma_start3A_147 = arith.constant 4 : i32
    %dma_start3A_148 = arith.constant 512 : i32
    %dma_start3A_149 = arith.constant 0 : i32
    %dma_start3A_150 = tpu.memref_slice %arg11[%dma_start3A_148, %dma_start3A_149] : memref<5376x8xf32, #tpu.memory_space<vmem>> -> memref<128x8xf32, #tpu.memory_space<vmem>>
    %dma_start3A_151 = arith.constant 0 : i32
    %dma_start3A_152 = tpu.memref_slice %arg14[%dma_start3A_147, %dma_start3A_151] : memref<42x128xi32, #tpu.memory_space<vmem>> -> memref<1x128xi32, #tpu.memory_space<vmem>>
    %dma_start3A_153 = tpu.memref_squeeze %dma_start3A_152 : memref<1x128xi32, #tpu.memory_space<vmem>> -> memref<128xi32, #tpu.memory_space<vmem>>
    %dma_start3A_154 = arith.constant 0 : i32
    %dma_start3A_155 = arith.constant 0 : i32
    %dma_start3A_156 = tpu.memref_slice %arg15[%dma_start3A_154, %dma_start3A_155] : memref<63496x8xf32, #tpu.memory_space<vmem_shared>> -> memref<63496x8xf32, #tpu.memory_space<vmem_shared>>
    tpu.enqueue_indirect_dma source(%dma_start3A_150 : memref<128x8xf32, #tpu.memory_space<vmem>>) target(%dma_start3A_156 : memref<63496x8xf32, #tpu.memory_space<vmem_shared>>) offsets(%dma_start3A_153 : memref<128xi32, #tpu.memory_space<vmem>>) semaphore(%arg16 : memref<!tpu.dma_semaphore, #tpu.memory_space<semaphore_mem>>)
    %dma_start3A_157 = arith.constant 5 : i32
    %dma_start3A_158 = arith.constant 640 : i32
    %dma_start3A_159 = arith.constant 0 : i32
    %dma_start3A_160 = tpu.memref_slice %arg11[%dma_start3A_158, %dma_start3A_159] : memref<5376x8xf32, #tpu.memory_space<vmem>> -> memref<128x8xf32, #tpu.memory_space<vmem>>
    %dma_start3A_161 = arith.constant 0 : i32
    %dma_start3A_162 = tpu.memref_slice %arg12[%dma_start3A_157, %dma_start3A_161] : memref<42x128xi32, #tpu.memory_space<vmem>> -> memref<1x128xi32, #tpu.memory_space<vmem>>
    %dma_start3A_163 = tpu.memref_squeeze %dma_start3A_162 : memref<1x128xi32, #tpu.memory_space<vmem>> -> memref<128xi32, #tpu.memory_space<vmem>>
    %dma_start3A_164 = arith.constant 0 : i32
    %dma_start3A_165 = arith.constant 0 : i32
    %dma_start3A_166 = tpu.memref_slice %arg15[%dma_start3A_164, %dma_start3A_165] : memref<63496x8xf32, #tpu.memory_space<vmem_shared>> -> memref<63496x8xf32, #tpu.memory_space<vmem_shared>>
    tpu.enqueue_indirect_dma source(%dma_start3A_160 : memref<128x8xf32, #tpu.memory_space<vmem>>) target(%dma_start3A_166 : memref<63496x8xf32, #tpu.memory_space<vmem_shared>>) offsets(%dma_start3A_163 : memref<128xi32, #tpu.memory_space<vmem>>) semaphore(%arg16 : memref<!tpu.dma_semaphore, #tpu.memory_space<semaphore_mem>>)
    %dma_start3A_167 = arith.constant 5 : i32
    %dma_start3A_168 = arith.constant 640 : i32
    %dma_start3A_169 = arith.constant 0 : i32
    %dma_start3A_170 = tpu.memref_slice %arg11[%dma_start3A_168, %dma_start3A_169] : memref<5376x8xf32, #tpu.memory_space<vmem>> -> memref<128x8xf32, #tpu.memory_space<vmem>>
    %dma_start3A_171 = arith.constant 0 : i32
    %dma_start3A_172 = tpu.memref_slice %arg13[%dma_start3A_167, %dma_start3A_171] : memref<42x128xi32, #tpu.memory_space<vmem>> -> memref<1x128xi32, #tpu.memory_space<vmem>>
    %dma_start3A_173 = tpu.memref_squeeze %dma_start3A_172 : memref<1x128xi32, #tpu.memory_space<vmem>> -> memref<128xi32, #tpu.memory_space<vmem>>
    %dma_start3A_174 = arith.constant 0 : i32
    %dma_start3A_175 = arith.constant 0 : i32
    %dma_start3A_176 = tpu.memref_slice %arg15[%dma_start3A_174, %dma_start3A_175] : memref<63496x8xf32, #tpu.memory_space<vmem_shared>> -> memref<63496x8xf32, #tpu.memory_space<vmem_shared>>
    tpu.enqueue_indirect_dma source(%dma_start3A_170 : memref<128x8xf32, #tpu.memory_space<vmem>>) target(%dma_start3A_176 : memref<63496x8xf32, #tpu.memory_space<vmem_shared>>) offsets(%dma_start3A_173 : memref<128xi32, #tpu.memory_space<vmem>>) semaphore(%arg16 : memref<!tpu.dma_semaphore, #tpu.memory_space<semaphore_mem>>)
    %dma_start3A_177 = arith.constant 5 : i32
    %dma_start3A_178 = arith.constant 640 : i32
    %dma_start3A_179 = arith.constant 0 : i32
    %dma_start3A_180 = tpu.memref_slice %arg11[%dma_start3A_178, %dma_start3A_179] : memref<5376x8xf32, #tpu.memory_space<vmem>> -> memref<128x8xf32, #tpu.memory_space<vmem>>
    %dma_start3A_181 = arith.constant 0 : i32
    %dma_start3A_182 = tpu.memref_slice %arg14[%dma_start3A_177, %dma_start3A_181] : memref<42x128xi32, #tpu.memory_space<vmem>> -> memref<1x128xi32, #tpu.memory_space<vmem>>
    %dma_start3A_183 = tpu.memref_squeeze %dma_start3A_182 : memref<1x128xi32, #tpu.memory_space<vmem>> -> memref<128xi32, #tpu.memory_space<vmem>>
    %dma_start3A_184 = arith.constant 0 : i32
    %dma_start3A_185 = arith.constant 0 : i32
    %dma_start3A_186 = tpu.memref_slice %arg15[%dma_start3A_184, %dma_start3A_185] : memref<63496x8xf32, #tpu.memory_space<vmem_shared>> -> memref<63496x8xf32, #tpu.memory_space<vmem_shared>>
    tpu.enqueue_indirect_dma source(%dma_start3A_180 : memref<128x8xf32, #tpu.memory_space<vmem>>) target(%dma_start3A_186 : memref<63496x8xf32, #tpu.memory_space<vmem_shared>>) offsets(%dma_start3A_183 : memref<128xi32, #tpu.memory_space<vmem>>) semaphore(%arg16 : memref<!tpu.dma_semaphore, #tpu.memory_space<semaphore_mem>>)
    %dma_start3A_187 = arith.constant 6 : i32
    %dma_start3A_188 = arith.constant 768 : i32
    %dma_start3A_189 = arith.constant 0 : i32
    %dma_start3A_190 = tpu.memref_slice %arg11[%dma_start3A_188, %dma_start3A_189] : memref<5376x8xf32, #tpu.memory_space<vmem>> -> memref<128x8xf32, #tpu.memory_space<vmem>>
    %dma_start3A_191 = arith.constant 0 : i32
    %dma_start3A_192 = tpu.memref_slice %arg12[%dma_start3A_187, %dma_start3A_191] : memref<42x128xi32, #tpu.memory_space<vmem>> -> memref<1x128xi32, #tpu.memory_space<vmem>>
    %dma_start3A_193 = tpu.memref_squeeze %dma_start3A_192 : memref<1x128xi32, #tpu.memory_space<vmem>> -> memref<128xi32, #tpu.memory_space<vmem>>
    %dma_start3A_194 = arith.constant 0 : i32
    %dma_start3A_195 = arith.constant 0 : i32
    %dma_start3A_196 = tpu.memref_slice %arg15[%dma_start3A_194, %dma_start3A_195] : memref<63496x8xf32, #tpu.memory_space<vmem_shared>> -> memref<63496x8xf32, #tpu.memory_space<vmem_shared>>
    tpu.enqueue_indirect_dma source(%dma_start3A_190 : memref<128x8xf32, #tpu.memory_space<vmem>>) target(%dma_start3A_196 : memref<63496x8xf32, #tpu.memory_space<vmem_shared>>) offsets(%dma_start3A_193 : memref<128xi32, #tpu.memory_space<vmem>>) semaphore(%arg16 : memref<!tpu.dma_semaphore, #tpu.memory_space<semaphore_mem>>)
    %dma_start3A_197 = arith.constant 6 : i32
    %dma_start3A_198 = arith.constant 768 : i32
    %dma_start3A_199 = arith.constant 0 : i32
    %dma_start3A_200 = tpu.memref_slice %arg11[%dma_start3A_198, %dma_start3A_199] : memref<5376x8xf32, #tpu.memory_space<vmem>> -> memref<128x8xf32, #tpu.memory_space<vmem>>
    %dma_start3A_201 = arith.constant 0 : i32
    %dma_start3A_202 = tpu.memref_slice %arg13[%dma_start3A_197, %dma_start3A_201] : memref<42x128xi32, #tpu.memory_space<vmem>> -> memref<1x128xi32, #tpu.memory_space<vmem>>
    %dma_start3A_203 = tpu.memref_squeeze %dma_start3A_202 : memref<1x128xi32, #tpu.memory_space<vmem>> -> memref<128xi32, #tpu.memory_space<vmem>>
    %dma_start3A_204 = arith.constant 0 : i32
    %dma_start3A_205 = arith.constant 0 : i32
    %dma_start3A_206 = tpu.memref_slice %arg15[%dma_start3A_204, %dma_start3A_205] : memref<63496x8xf32, #tpu.memory_space<vmem_shared>> -> memref<63496x8xf32, #tpu.memory_space<vmem_shared>>
    tpu.enqueue_indirect_dma source(%dma_start3A_200 : memref<128x8xf32, #tpu.memory_space<vmem>>) target(%dma_start3A_206 : memref<63496x8xf32, #tpu.memory_space<vmem_shared>>) offsets(%dma_start3A_203 : memref<128xi32, #tpu.memory_space<vmem>>) semaphore(%arg16 : memref<!tpu.dma_semaphore, #tpu.memory_space<semaphore_mem>>)
    %dma_start3A_207 = arith.constant 6 : i32
    %dma_start3A_208 = arith.constant 768 : i32
    %dma_start3A_209 = arith.constant 0 : i32
    %dma_start3A_210 = tpu.memref_slice %arg11[%dma_start3A_208, %dma_start3A_209] : memref<5376x8xf32, #tpu.memory_space<vmem>> -> memref<128x8xf32, #tpu.memory_space<vmem>>
    %dma_start3A_211 = arith.constant 0 : i32
    %dma_start3A_212 = tpu.memref_slice %arg14[%dma_start3A_207, %dma_start3A_211] : memref<42x128xi32, #tpu.memory_space<vmem>> -> memref<1x128xi32, #tpu.memory_space<vmem>>
    %dma_start3A_213 = tpu.memref_squeeze %dma_start3A_212 : memref<1x128xi32, #tpu.memory_space<vmem>> -> memref<128xi32, #tpu.memory_space<vmem>>
    %dma_start3A_214 = arith.constant 0 : i32
    %dma_start3A_215 = arith.constant 0 : i32
    %dma_start3A_216 = tpu.memref_slice %arg15[%dma_start3A_214, %dma_start3A_215] : memref<63496x8xf32, #tpu.memory_space<vmem_shared>> -> memref<63496x8xf32, #tpu.memory_space<vmem_shared>>
    tpu.enqueue_indirect_dma source(%dma_start3A_210 : memref<128x8xf32, #tpu.memory_space<vmem>>) target(%dma_start3A_216 : memref<63496x8xf32, #tpu.memory_space<vmem_shared>>) offsets(%dma_start3A_213 : memref<128xi32, #tpu.memory_space<vmem>>) semaphore(%arg16 : memref<!tpu.dma_semaphore, #tpu.memory_space<semaphore_mem>>)
    %dma_wait3A = arith.constant 0 : i32
    %dma_wait3A_217 = arith.constant 0 : i32
    %dma_wait3A_218 = arith.constant 0 : i32
    %dma_wait3A_219 = tpu.memref_slice %arg11[%dma_wait3A_217, %dma_wait3A_218] : memref<5376x8xf32, #tpu.memory_space<vmem>> -> memref<128x8xf32, #tpu.memory_space<vmem>>
    %dma_wait3A_220 = arith.constant 0 : i32
    %dma_wait3A_221 = tpu.memref_slice %arg12[%dma_wait3A, %dma_wait3A_220] : memref<42x128xi32, #tpu.memory_space<vmem>> -> memref<1x128xi32, #tpu.memory_space<vmem>>
    %dma_wait3A_222 = tpu.memref_squeeze %dma_wait3A_221 : memref<1x128xi32, #tpu.memory_space<vmem>> -> memref<128xi32, #tpu.memory_space<vmem>>
    %dma_wait3A_223 = arith.constant 0 : i32
    %dma_wait3A_224 = arith.constant 0 : i32
    %dma_wait3A_225 = tpu.memref_slice %arg15[%dma_wait3A_223, %dma_wait3A_224] : memref<63496x8xf32, #tpu.memory_space<vmem_shared>> -> memref<63496x8xf32, #tpu.memory_space<vmem_shared>>
    tpu.wait_indirect_dma semaphore(%arg16 : memref<!tpu.dma_semaphore, #tpu.memory_space<semaphore_mem>>) src(%dma_wait3A_219 : memref<128x8xf32, #tpu.memory_space<vmem>>) dst(%dma_wait3A_225 : memref<63496x8xf32, #tpu.memory_space<vmem_shared>>)
    %dma_wait3A_226 = arith.constant 0 : i32
    %dma_wait3A_227 = arith.constant 0 : i32
    %dma_wait3A_228 = arith.constant 0 : i32
    %dma_wait3A_229 = tpu.memref_slice %arg11[%dma_wait3A_227, %dma_wait3A_228] : memref<5376x8xf32, #tpu.memory_space<vmem>> -> memref<128x8xf32, #tpu.memory_space<vmem>>
    %dma_wait3A_230 = arith.constant 0 : i32
    %dma_wait3A_231 = tpu.memref_slice %arg13[%dma_wait3A_226, %dma_wait3A_230] : memref<42x128xi32, #tpu.memory_space<vmem>> -> memref<1x128xi32, #tpu.memory_space<vmem>>
    %dma_wait3A_232 = tpu.memref_squeeze %dma_wait3A_231 : memref<1x128xi32, #tpu.memory_space<vmem>> -> memref<128xi32, #tpu.memory_space<vmem>>
    %dma_wait3A_233 = arith.constant 0 : i32
    %dma_wait3A_234 = arith.constant 0 : i32
    %dma_wait3A_235 = tpu.memref_slice %arg15[%dma_wait3A_233, %dma_wait3A_234] : memref<63496x8xf32, #tpu.memory_space<vmem_shared>> -> memref<63496x8xf32, #tpu.memory_space<vmem_shared>>
    tpu.wait_indirect_dma semaphore(%arg16 : memref<!tpu.dma_semaphore, #tpu.memory_space<semaphore_mem>>) src(%dma_wait3A_229 : memref<128x8xf32, #tpu.memory_space<vmem>>) dst(%dma_wait3A_235 : memref<63496x8xf32, #tpu.memory_space<vmem_shared>>)
    %dma_wait3A_236 = arith.constant 0 : i32
    %dma_wait3A_237 = arith.constant 0 : i32
    %dma_wait3A_238 = arith.constant 0 : i32
    %dma_wait3A_239 = tpu.memref_slice %arg11[%dma_wait3A_237, %dma_wait3A_238] : memref<5376x8xf32, #tpu.memory_space<vmem>> -> memref<128x8xf32, #tpu.memory_space<vmem>>
    %dma_wait3A_240 = arith.constant 0 : i32
    %dma_wait3A_241 = tpu.memref_slice %arg14[%dma_wait3A_236, %dma_wait3A_240] : memref<42x128xi32, #tpu.memory_space<vmem>> -> memref<1x128xi32, #tpu.memory_space<vmem>>
    %dma_wait3A_242 = tpu.memref_squeeze %dma_wait3A_241 : memref<1x128xi32, #tpu.memory_space<vmem>> -> memref<128xi32, #tpu.memory_space<vmem>>
    %dma_wait3A_243 = arith.constant 0 : i32
    %dma_wait3A_244 = arith.constant 0 : i32
    %dma_wait3A_245 = tpu.memref_slice %arg15[%dma_wait3A_243, %dma_wait3A_244] : memref<63496x8xf32, #tpu.memory_space<vmem_shared>> -> memref<63496x8xf32, #tpu.memory_space<vmem_shared>>
    tpu.wait_indirect_dma semaphore(%arg16 : memref<!tpu.dma_semaphore, #tpu.memory_space<semaphore_mem>>) src(%dma_wait3A_239 : memref<128x8xf32, #tpu.memory_space<vmem>>) dst(%dma_wait3A_245 : memref<63496x8xf32, #tpu.memory_space<vmem_shared>>)
    %dma_wait3A_246 = arith.constant 1 : i32
    %dma_wait3A_247 = arith.constant 128 : i32
    %dma_wait3A_248 = arith.constant 0 : i32
    %dma_wait3A_249 = tpu.memref_slice %arg11[%dma_wait3A_247, %dma_wait3A_248] : memref<5376x8xf32, #tpu.memory_space<vmem>> -> memref<128x8xf32, #tpu.memory_space<vmem>>
    %dma_wait3A_250 = arith.constant 0 : i32
    %dma_wait3A_251 = tpu.memref_slice %arg12[%dma_wait3A_246, %dma_wait3A_250] : memref<42x128xi32, #tpu.memory_space<vmem>> -> memref<1x128xi32, #tpu.memory_space<vmem>>
    %dma_wait3A_252 = tpu.memref_squeeze %dma_wait3A_251 : memref<1x128xi32, #tpu.memory_space<vmem>> -> memref<128xi32, #tpu.memory_space<vmem>>
    %dma_wait3A_253 = arith.constant 0 : i32
    %dma_wait3A_254 = arith.constant 0 : i32
    %dma_wait3A_255 = tpu.memref_slice %arg15[%dma_wait3A_253, %dma_wait3A_254] : memref<63496x8xf32, #tpu.memory_space<vmem_shared>> -> memref<63496x8xf32, #tpu.memory_space<vmem_shared>>
    tpu.wait_indirect_dma semaphore(%arg16 : memref<!tpu.dma_semaphore, #tpu.memory_space<semaphore_mem>>) src(%dma_wait3A_249 : memref<128x8xf32, #tpu.memory_space<vmem>>) dst(%dma_wait3A_255 : memref<63496x8xf32, #tpu.memory_space<vmem_shared>>)
    %dma_wait3A_256 = arith.constant 1 : i32
    %dma_wait3A_257 = arith.constant 128 : i32
    %dma_wait3A_258 = arith.constant 0 : i32
    %dma_wait3A_259 = tpu.memref_slice %arg11[%dma_wait3A_257, %dma_wait3A_258] : memref<5376x8xf32, #tpu.memory_space<vmem>> -> memref<128x8xf32, #tpu.memory_space<vmem>>
    %dma_wait3A_260 = arith.constant 0 : i32
    %dma_wait3A_261 = tpu.memref_slice %arg13[%dma_wait3A_256, %dma_wait3A_260] : memref<42x128xi32, #tpu.memory_space<vmem>> -> memref<1x128xi32, #tpu.memory_space<vmem>>
    %dma_wait3A_262 = tpu.memref_squeeze %dma_wait3A_261 : memref<1x128xi32, #tpu.memory_space<vmem>> -> memref<128xi32, #tpu.memory_space<vmem>>
    %dma_wait3A_263 = arith.constant 0 : i32
    %dma_wait3A_264 = arith.constant 0 : i32
    %dma_wait3A_265 = tpu.memref_slice %arg15[%dma_wait3A_263, %dma_wait3A_264] : memref<63496x8xf32, #tpu.memory_space<vmem_shared>> -> memref<63496x8xf32, #tpu.memory_space<vmem_shared>>
    tpu.wait_indirect_dma semaphore(%arg16 : memref<!tpu.dma_semaphore, #tpu.memory_space<semaphore_mem>>) src(%dma_wait3A_259 : memref<128x8xf32, #tpu.memory_space<vmem>>) dst(%dma_wait3A_265 : memref<63496x8xf32, #tpu.memory_space<vmem_shared>>)
    %dma_wait3A_266 = arith.constant 1 : i32
    %dma_wait3A_267 = arith.constant 128 : i32
    %dma_wait3A_268 = arith.constant 0 : i32
    %dma_wait3A_269 = tpu.memref_slice %arg11[%dma_wait3A_267, %dma_wait3A_268] : memref<5376x8xf32, #tpu.memory_space<vmem>> -> memref<128x8xf32, #tpu.memory_space<vmem>>
    %dma_wait3A_270 = arith.constant 0 : i32
    %dma_wait3A_271 = tpu.memref_slice %arg14[%dma_wait3A_266, %dma_wait3A_270] : memref<42x128xi32, #tpu.memory_space<vmem>> -> memref<1x128xi32, #tpu.memory_space<vmem>>
    %dma_wait3A_272 = tpu.memref_squeeze %dma_wait3A_271 : memref<1x128xi32, #tpu.memory_space<vmem>> -> memref<128xi32, #tpu.memory_space<vmem>>
    %dma_wait3A_273 = arith.constant 0 : i32
    %dma_wait3A_274 = arith.constant 0 : i32
    %dma_wait3A_275 = tpu.memref_slice %arg15[%dma_wait3A_273, %dma_wait3A_274] : memref<63496x8xf32, #tpu.memory_space<vmem_shared>> -> memref<63496x8xf32, #tpu.memory_space<vmem_shared>>
    tpu.wait_indirect_dma semaphore(%arg16 : memref<!tpu.dma_semaphore, #tpu.memory_space<semaphore_mem>>) src(%dma_wait3A_269 : memref<128x8xf32, #tpu.memory_space<vmem>>) dst(%dma_wait3A_275 : memref<63496x8xf32, #tpu.memory_space<vmem_shared>>)
    %dma_wait3A_276 = arith.constant 2 : i32
    %dma_wait3A_277 = arith.constant 256 : i32
    %dma_wait3A_278 = arith.constant 0 : i32
    %dma_wait3A_279 = tpu.memref_slice %arg11[%dma_wait3A_277, %dma_wait3A_278] : memref<5376x8xf32, #tpu.memory_space<vmem>> -> memref<128x8xf32, #tpu.memory_space<vmem>>
    %dma_wait3A_280 = arith.constant 0 : i32
    %dma_wait3A_281 = tpu.memref_slice %arg12[%dma_wait3A_276, %dma_wait3A_280] : memref<42x128xi32, #tpu.memory_space<vmem>> -> memref<1x128xi32, #tpu.memory_space<vmem>>
    %dma_wait3A_282 = tpu.memref_squeeze %dma_wait3A_281 : memref<1x128xi32, #tpu.memory_space<vmem>> -> memref<128xi32, #tpu.memory_space<vmem>>
    %dma_wait3A_283 = arith.constant 0 : i32
    %dma_wait3A_284 = arith.constant 0 : i32
    %dma_wait3A_285 = tpu.memref_slice %arg15[%dma_wait3A_283, %dma_wait3A_284] : memref<63496x8xf32, #tpu.memory_space<vmem_shared>> -> memref<63496x8xf32, #tpu.memory_space<vmem_shared>>
    tpu.wait_indirect_dma semaphore(%arg16 : memref<!tpu.dma_semaphore, #tpu.memory_space<semaphore_mem>>) src(%dma_wait3A_279 : memref<128x8xf32, #tpu.memory_space<vmem>>) dst(%dma_wait3A_285 : memref<63496x8xf32, #tpu.memory_space<vmem_shared>>)
    %dma_wait3A_286 = arith.constant 2 : i32
    %dma_wait3A_287 = arith.constant 256 : i32
    %dma_wait3A_288 = arith.constant 0 : i32
    %dma_wait3A_289 = tpu.memref_slice %arg11[%dma_wait3A_287, %dma_wait3A_288] : memref<5376x8xf32, #tpu.memory_space<vmem>> -> memref<128x8xf32, #tpu.memory_space<vmem>>
    %dma_wait3A_290 = arith.constant 0 : i32
    %dma_wait3A_291 = tpu.memref_slice %arg13[%dma_wait3A_286, %dma_wait3A_290] : memref<42x128xi32, #tpu.memory_space<vmem>> -> memref<1x128xi32, #tpu.memory_space<vmem>>
    %dma_wait3A_292 = tpu.memref_squeeze %dma_wait3A_291 : memref<1x128xi32, #tpu.memory_space<vmem>> -> memref<128xi32, #tpu.memory_space<vmem>>
    %dma_wait3A_293 = arith.constant 0 : i32
    %dma_wait3A_294 = arith.constant 0 : i32
    %dma_wait3A_295 = tpu.memref_slice %arg15[%dma_wait3A_293, %dma_wait3A_294] : memref<63496x8xf32, #tpu.memory_space<vmem_shared>> -> memref<63496x8xf32, #tpu.memory_space<vmem_shared>>
    tpu.wait_indirect_dma semaphore(%arg16 : memref<!tpu.dma_semaphore, #tpu.memory_space<semaphore_mem>>) src(%dma_wait3A_289 : memref<128x8xf32, #tpu.memory_space<vmem>>) dst(%dma_wait3A_295 : memref<63496x8xf32, #tpu.memory_space<vmem_shared>>)
    %dma_wait3A_296 = arith.constant 2 : i32
    %dma_wait3A_297 = arith.constant 256 : i32
    %dma_wait3A_298 = arith.constant 0 : i32
    %dma_wait3A_299 = tpu.memref_slice %arg11[%dma_wait3A_297, %dma_wait3A_298] : memref<5376x8xf32, #tpu.memory_space<vmem>> -> memref<128x8xf32, #tpu.memory_space<vmem>>
    %dma_wait3A_300 = arith.constant 0 : i32
    %dma_wait3A_301 = tpu.memref_slice %arg14[%dma_wait3A_296, %dma_wait3A_300] : memref<42x128xi32, #tpu.memory_space<vmem>> -> memref<1x128xi32, #tpu.memory_space<vmem>>
    %dma_wait3A_302 = tpu.memref_squeeze %dma_wait3A_301 : memref<1x128xi32, #tpu.memory_space<vmem>> -> memref<128xi32, #tpu.memory_space<vmem>>
    %dma_wait3A_303 = arith.constant 0 : i32
    %dma_wait3A_304 = arith.constant 0 : i32
    %dma_wait3A_305 = tpu.memref_slice %arg15[%dma_wait3A_303, %dma_wait3A_304] : memref<63496x8xf32, #tpu.memory_space<vmem_shared>> -> memref<63496x8xf32, #tpu.memory_space<vmem_shared>>
    tpu.wait_indirect_dma semaphore(%arg16 : memref<!tpu.dma_semaphore, #tpu.memory_space<semaphore_mem>>) src(%dma_wait3A_299 : memref<128x8xf32, #tpu.memory_space<vmem>>) dst(%dma_wait3A_305 : memref<63496x8xf32, #tpu.memory_space<vmem_shared>>)
    %dma_wait3A_306 = arith.constant 3 : i32
    %dma_wait3A_307 = arith.constant 384 : i32
    %dma_wait3A_308 = arith.constant 0 : i32
    %dma_wait3A_309 = tpu.memref_slice %arg11[%dma_wait3A_307, %dma_wait3A_308] : memref<5376x8xf32, #tpu.memory_space<vmem>> -> memref<128x8xf32, #tpu.memory_space<vmem>>
    %dma_wait3A_310 = arith.constant 0 : i32
    %dma_wait3A_311 = tpu.memref_slice %arg12[%dma_wait3A_306, %dma_wait3A_310] : memref<42x128xi32, #tpu.memory_space<vmem>> -> memref<1x128xi32, #tpu.memory_space<vmem>>
    %dma_wait3A_312 = tpu.memref_squeeze %dma_wait3A_311 : memref<1x128xi32, #tpu.memory_space<vmem>> -> memref<128xi32, #tpu.memory_space<vmem>>
    %dma_wait3A_313 = arith.constant 0 : i32
    %dma_wait3A_314 = arith.constant 0 : i32
    %dma_wait3A_315 = tpu.memref_slice %arg15[%dma_wait3A_313, %dma_wait3A_314] : memref<63496x8xf32, #tpu.memory_space<vmem_shared>> -> memref<63496x8xf32, #tpu.memory_space<vmem_shared>>
    tpu.wait_indirect_dma semaphore(%arg16 : memref<!tpu.dma_semaphore, #tpu.memory_space<semaphore_mem>>) src(%dma_wait3A_309 : memref<128x8xf32, #tpu.memory_space<vmem>>) dst(%dma_wait3A_315 : memref<63496x8xf32, #tpu.memory_space<vmem_shared>>)
    %dma_wait3A_316 = arith.constant 3 : i32
    %dma_wait3A_317 = arith.constant 384 : i32
    %dma_wait3A_318 = arith.constant 0 : i32
    %dma_wait3A_319 = tpu.memref_slice %arg11[%dma_wait3A_317, %dma_wait3A_318] : memref<5376x8xf32, #tpu.memory_space<vmem>> -> memref<128x8xf32, #tpu.memory_space<vmem>>
    %dma_wait3A_320 = arith.constant 0 : i32
    %dma_wait3A_321 = tpu.memref_slice %arg13[%dma_wait3A_316, %dma_wait3A_320] : memref<42x128xi32, #tpu.memory_space<vmem>> -> memref<1x128xi32, #tpu.memory_space<vmem>>
    %dma_wait3A_322 = tpu.memref_squeeze %dma_wait3A_321 : memref<1x128xi32, #tpu.memory_space<vmem>> -> memref<128xi32, #tpu.memory_space<vmem>>
    %dma_wait3A_323 = arith.constant 0 : i32
    %dma_wait3A_324 = arith.constant 0 : i32
    %dma_wait3A_325 = tpu.memref_slice %arg15[%dma_wait3A_323, %dma_wait3A_324] : memref<63496x8xf32, #tpu.memory_space<vmem_shared>> -> memref<63496x8xf32, #tpu.memory_space<vmem_shared>>
    tpu.wait_indirect_dma semaphore(%arg16 : memref<!tpu.dma_semaphore, #tpu.memory_space<semaphore_mem>>) src(%dma_wait3A_319 : memref<128x8xf32, #tpu.memory_space<vmem>>) dst(%dma_wait3A_325 : memref<63496x8xf32, #tpu.memory_space<vmem_shared>>)
    %dma_wait3A_326 = arith.constant 3 : i32
    %dma_wait3A_327 = arith.constant 384 : i32
    %dma_wait3A_328 = arith.constant 0 : i32
    %dma_wait3A_329 = tpu.memref_slice %arg11[%dma_wait3A_327, %dma_wait3A_328] : memref<5376x8xf32, #tpu.memory_space<vmem>> -> memref<128x8xf32, #tpu.memory_space<vmem>>
    %dma_wait3A_330 = arith.constant 0 : i32
    %dma_wait3A_331 = tpu.memref_slice %arg14[%dma_wait3A_326, %dma_wait3A_330] : memref<42x128xi32, #tpu.memory_space<vmem>> -> memref<1x128xi32, #tpu.memory_space<vmem>>
    %dma_wait3A_332 = tpu.memref_squeeze %dma_wait3A_331 : memref<1x128xi32, #tpu.memory_space<vmem>> -> memref<128xi32, #tpu.memory_space<vmem>>
    %dma_wait3A_333 = arith.constant 0 : i32
    %dma_wait3A_334 = arith.constant 0 : i32
    %dma_wait3A_335 = tpu.memref_slice %arg15[%dma_wait3A_333, %dma_wait3A_334] : memref<63496x8xf32, #tpu.memory_space<vmem_shared>> -> memref<63496x8xf32, #tpu.memory_space<vmem_shared>>
    tpu.wait_indirect_dma semaphore(%arg16 : memref<!tpu.dma_semaphore, #tpu.memory_space<semaphore_mem>>) src(%dma_wait3A_329 : memref<128x8xf32, #tpu.memory_space<vmem>>) dst(%dma_wait3A_335 : memref<63496x8xf32, #tpu.memory_space<vmem_shared>>)
    %dma_wait3A_336 = arith.constant 4 : i32
    %dma_wait3A_337 = arith.constant 512 : i32
    %dma_wait3A_338 = arith.constant 0 : i32
    %dma_wait3A_339 = tpu.memref_slice %arg11[%dma_wait3A_337, %dma_wait3A_338] : memref<5376x8xf32, #tpu.memory_space<vmem>> -> memref<128x8xf32, #tpu.memory_space<vmem>>
    %dma_wait3A_340 = arith.constant 0 : i32
    %dma_wait3A_341 = tpu.memref_slice %arg12[%dma_wait3A_336, %dma_wait3A_340] : memref<42x128xi32, #tpu.memory_space<vmem>> -> memref<1x128xi32, #tpu.memory_space<vmem>>
    %dma_wait3A_342 = tpu.memref_squeeze %dma_wait3A_341 : memref<1x128xi32, #tpu.memory_space<vmem>> -> memref<128xi32, #tpu.memory_space<vmem>>
    %dma_wait3A_343 = arith.constant 0 : i32
    %dma_wait3A_344 = arith.constant 0 : i32
    %dma_wait3A_345 = tpu.memref_slice %arg15[%dma_wait3A_343, %dma_wait3A_344] : memref<63496x8xf32, #tpu.memory_space<vmem_shared>> -> memref<63496x8xf32, #tpu.memory_space<vmem_shared>>
    tpu.wait_indirect_dma semaphore(%arg16 : memref<!tpu.dma_semaphore, #tpu.memory_space<semaphore_mem>>) src(%dma_wait3A_339 : memref<128x8xf32, #tpu.memory_space<vmem>>) dst(%dma_wait3A_345 : memref<63496x8xf32, #tpu.memory_space<vmem_shared>>)
    %dma_wait3A_346 = arith.constant 4 : i32
    %dma_wait3A_347 = arith.constant 512 : i32
    %dma_wait3A_348 = arith.constant 0 : i32
    %dma_wait3A_349 = tpu.memref_slice %arg11[%dma_wait3A_347, %dma_wait3A_348] : memref<5376x8xf32, #tpu.memory_space<vmem>> -> memref<128x8xf32, #tpu.memory_space<vmem>>
    %dma_wait3A_350 = arith.constant 0 : i32
    %dma_wait3A_351 = tpu.memref_slice %arg13[%dma_wait3A_346, %dma_wait3A_350] : memref<42x128xi32, #tpu.memory_space<vmem>> -> memref<1x128xi32, #tpu.memory_space<vmem>>
    %dma_wait3A_352 = tpu.memref_squeeze %dma_wait3A_351 : memref<1x128xi32, #tpu.memory_space<vmem>> -> memref<128xi32, #tpu.memory_space<vmem>>
    %dma_wait3A_353 = arith.constant 0 : i32
    %dma_wait3A_354 = arith.constant 0 : i32
    %dma_wait3A_355 = tpu.memref_slice %arg15[%dma_wait3A_353, %dma_wait3A_354] : memref<63496x8xf32, #tpu.memory_space<vmem_shared>> -> memref<63496x8xf32, #tpu.memory_space<vmem_shared>>
    tpu.wait_indirect_dma semaphore(%arg16 : memref<!tpu.dma_semaphore, #tpu.memory_space<semaphore_mem>>) src(%dma_wait3A_349 : memref<128x8xf32, #tpu.memory_space<vmem>>) dst(%dma_wait3A_355 : memref<63496x8xf32, #tpu.memory_space<vmem_shared>>)
    %dma_wait3A_356 = arith.constant 4 : i32
    %dma_wait3A_357 = arith.constant 512 : i32
    %dma_wait3A_358 = arith.constant 0 : i32
    %dma_wait3A_359 = tpu.memref_slice %arg11[%dma_wait3A_357, %dma_wait3A_358] : memref<5376x8xf32, #tpu.memory_space<vmem>> -> memref<128x8xf32, #tpu.memory_space<vmem>>
    %dma_wait3A_360 = arith.constant 0 : i32
    %dma_wait3A_361 = tpu.memref_slice %arg14[%dma_wait3A_356, %dma_wait3A_360] : memref<42x128xi32, #tpu.memory_space<vmem>> -> memref<1x128xi32, #tpu.memory_space<vmem>>
    %dma_wait3A_362 = tpu.memref_squeeze %dma_wait3A_361 : memref<1x128xi32, #tpu.memory_space<vmem>> -> memref<128xi32, #tpu.memory_space<vmem>>
    %dma_wait3A_363 = arith.constant 0 : i32
    %dma_wait3A_364 = arith.constant 0 : i32
    %dma_wait3A_365 = tpu.memref_slice %arg15[%dma_wait3A_363, %dma_wait3A_364] : memref<63496x8xf32, #tpu.memory_space<vmem_shared>> -> memref<63496x8xf32, #tpu.memory_space<vmem_shared>>
    tpu.wait_indirect_dma semaphore(%arg16 : memref<!tpu.dma_semaphore, #tpu.memory_space<semaphore_mem>>) src(%dma_wait3A_359 : memref<128x8xf32, #tpu.memory_space<vmem>>) dst(%dma_wait3A_365 : memref<63496x8xf32, #tpu.memory_space<vmem_shared>>)
    %dma_wait3A_366 = arith.constant 5 : i32
    %dma_wait3A_367 = arith.constant 640 : i32
    %dma_wait3A_368 = arith.constant 0 : i32
    %dma_wait3A_369 = tpu.memref_slice %arg11[%dma_wait3A_367, %dma_wait3A_368] : memref<5376x8xf32, #tpu.memory_space<vmem>> -> memref<128x8xf32, #tpu.memory_space<vmem>>
    %dma_wait3A_370 = arith.constant 0 : i32
    %dma_wait3A_371 = tpu.memref_slice %arg12[%dma_wait3A_366, %dma_wait3A_370] : memref<42x128xi32, #tpu.memory_space<vmem>> -> memref<1x128xi32, #tpu.memory_space<vmem>>
    %dma_wait3A_372 = tpu.memref_squeeze %dma_wait3A_371 : memref<1x128xi32, #tpu.memory_space<vmem>> -> memref<128xi32, #tpu.memory_space<vmem>>
    %dma_wait3A_373 = arith.constant 0 : i32
    %dma_wait3A_374 = arith.constant 0 : i32
    %dma_wait3A_375 = tpu.memref_slice %arg15[%dma_wait3A_373, %dma_wait3A_374] : memref<63496x8xf32, #tpu.memory_space<vmem_shared>> -> memref<63496x8xf32, #tpu.memory_space<vmem_shared>>
    tpu.wait_indirect_dma semaphore(%arg16 : memref<!tpu.dma_semaphore, #tpu.memory_space<semaphore_mem>>) src(%dma_wait3A_369 : memref<128x8xf32, #tpu.memory_space<vmem>>) dst(%dma_wait3A_375 : memref<63496x8xf32, #tpu.memory_space<vmem_shared>>)
    %dma_wait3A_376 = arith.constant 5 : i32
    %dma_wait3A_377 = arith.constant 640 : i32
    %dma_wait3A_378 = arith.constant 0 : i32
    %dma_wait3A_379 = tpu.memref_slice %arg11[%dma_wait3A_377, %dma_wait3A_378] : memref<5376x8xf32, #tpu.memory_space<vmem>> -> memref<128x8xf32, #tpu.memory_space<vmem>>
    %dma_wait3A_380 = arith.constant 0 : i32
    %dma_wait3A_381 = tpu.memref_slice %arg13[%dma_wait3A_376, %dma_wait3A_380] : memref<42x128xi32, #tpu.memory_space<vmem>> -> memref<1x128xi32, #tpu.memory_space<vmem>>
    %dma_wait3A_382 = tpu.memref_squeeze %dma_wait3A_381 : memref<1x128xi32, #tpu.memory_space<vmem>> -> memref<128xi32, #tpu.memory_space<vmem>>
    %dma_wait3A_383 = arith.constant 0 : i32
    %dma_wait3A_384 = arith.constant 0 : i32
    %dma_wait3A_385 = tpu.memref_slice %arg15[%dma_wait3A_383, %dma_wait3A_384] : memref<63496x8xf32, #tpu.memory_space<vmem_shared>> -> memref<63496x8xf32, #tpu.memory_space<vmem_shared>>
    tpu.wait_indirect_dma semaphore(%arg16 : memref<!tpu.dma_semaphore, #tpu.memory_space<semaphore_mem>>) src(%dma_wait3A_379 : memref<128x8xf32, #tpu.memory_space<vmem>>) dst(%dma_wait3A_385 : memref<63496x8xf32, #tpu.memory_space<vmem_shared>>)
    %dma_wait3A_386 = arith.constant 5 : i32
    %dma_wait3A_387 = arith.constant 640 : i32
    %dma_wait3A_388 = arith.constant 0 : i32
    %dma_wait3A_389 = tpu.memref_slice %arg11[%dma_wait3A_387, %dma_wait3A_388] : memref<5376x8xf32, #tpu.memory_space<vmem>> -> memref<128x8xf32, #tpu.memory_space<vmem>>
    %dma_wait3A_390 = arith.constant 0 : i32
    %dma_wait3A_391 = tpu.memref_slice %arg14[%dma_wait3A_386, %dma_wait3A_390] : memref<42x128xi32, #tpu.memory_space<vmem>> -> memref<1x128xi32, #tpu.memory_space<vmem>>
    %dma_wait3A_392 = tpu.memref_squeeze %dma_wait3A_391 : memref<1x128xi32, #tpu.memory_space<vmem>> -> memref<128xi32, #tpu.memory_space<vmem>>
    %dma_wait3A_393 = arith.constant 0 : i32
    %dma_wait3A_394 = arith.constant 0 : i32
    %dma_wait3A_395 = tpu.memref_slice %arg15[%dma_wait3A_393, %dma_wait3A_394] : memref<63496x8xf32, #tpu.memory_space<vmem_shared>> -> memref<63496x8xf32, #tpu.memory_space<vmem_shared>>
    tpu.wait_indirect_dma semaphore(%arg16 : memref<!tpu.dma_semaphore, #tpu.memory_space<semaphore_mem>>) src(%dma_wait3A_389 : memref<128x8xf32, #tpu.memory_space<vmem>>) dst(%dma_wait3A_395 : memref<63496x8xf32, #tpu.memory_space<vmem_shared>>)
    %dma_wait3A_396 = arith.constant 6 : i32
    %dma_wait3A_397 = arith.constant 768 : i32
    %dma_wait3A_398 = arith.constant 0 : i32
    %dma_wait3A_399 = tpu.memref_slice %arg11[%dma_wait3A_397, %dma_wait3A_398] : memref<5376x8xf32, #tpu.memory_space<vmem>> -> memref<128x8xf32, #tpu.memory_space<vmem>>
    %dma_wait3A_400 = arith.constant 0 : i32
    %dma_wait3A_401 = tpu.memref_slice %arg12[%dma_wait3A_396, %dma_wait3A_400] : memref<42x128xi32, #tpu.memory_space<vmem>> -> memref<1x128xi32, #tpu.memory_space<vmem>>
    %dma_wait3A_402 = tpu.memref_squeeze %dma_wait3A_401 : memref<1x128xi32, #tpu.memory_space<vmem>> -> memref<128xi32, #tpu.memory_space<vmem>>
    %dma_wait3A_403 = arith.constant 0 : i32
    %dma_wait3A_404 = arith.constant 0 : i32
    %dma_wait3A_405 = tpu.memref_slice %arg15[%dma_wait3A_403, %dma_wait3A_404] : memref<63496x8xf32, #tpu.memory_space<vmem_shared>> -> memref<63496x8xf32, #tpu.memory_space<vmem_shared>>
    tpu.wait_indirect_dma semaphore(%arg16 : memref<!tpu.dma_semaphore, #tpu.memory_space<semaphore_mem>>) src(%dma_wait3A_399 : memref<128x8xf32, #tpu.memory_space<vmem>>) dst(%dma_wait3A_405 : memref<63496x8xf32, #tpu.memory_space<vmem_shared>>)
    %dma_wait3A_406 = arith.constant 6 : i32
    %dma_wait3A_407 = arith.constant 768 : i32
    %dma_wait3A_408 = arith.constant 0 : i32
    %dma_wait3A_409 = tpu.memref_slice %arg11[%dma_wait3A_407, %dma_wait3A_408] : memref<5376x8xf32, #tpu.memory_space<vmem>> -> memref<128x8xf32, #tpu.memory_space<vmem>>
    %dma_wait3A_410 = arith.constant 0 : i32
    %dma_wait3A_411 = tpu.memref_slice %arg13[%dma_wait3A_406, %dma_wait3A_410] : memref<42x128xi32, #tpu.memory_space<vmem>> -> memref<1x128xi32, #tpu.memory_space<vmem>>
    %dma_wait3A_412 = tpu.memref_squeeze %dma_wait3A_411 : memref<1x128xi32, #tpu.memory_space<vmem>> -> memref<128xi32, #tpu.memory_space<vmem>>
    %dma_wait3A_413 = arith.constant 0 : i32
    %dma_wait3A_414 = arith.constant 0 : i32
    %dma_wait3A_415 = tpu.memref_slice %arg15[%dma_wait3A_413, %dma_wait3A_414] : memref<63496x8xf32, #tpu.memory_space<vmem_shared>> -> memref<63496x8xf32, #tpu.memory_space<vmem_shared>>
    tpu.wait_indirect_dma semaphore(%arg16 : memref<!tpu.dma_semaphore, #tpu.memory_space<semaphore_mem>>) src(%dma_wait3A_409 : memref<128x8xf32, #tpu.memory_space<vmem>>) dst(%dma_wait3A_415 : memref<63496x8xf32, #tpu.memory_space<vmem_shared>>)
    %dma_wait3A_416 = arith.constant 6 : i32
    %dma_wait3A_417 = arith.constant 768 : i32
    %dma_wait3A_418 = arith.constant 0 : i32
    %dma_wait3A_419 = tpu.memref_slice %arg11[%dma_wait3A_417, %dma_wait3A_418] : memref<5376x8xf32, #tpu.memory_space<vmem>> -> memref<128x8xf32, #tpu.memory_space<vmem>>
    %dma_wait3A_420 = arith.constant 0 : i32
    %dma_wait3A_421 = tpu.memref_slice %arg14[%dma_wait3A_416, %dma_wait3A_420] : memref<42x128xi32, #tpu.memory_space<vmem>> -> memref<1x128xi32, #tpu.memory_space<vmem>>
    %dma_wait3A_422 = tpu.memref_squeeze %dma_wait3A_421 : memref<1x128xi32, #tpu.memory_space<vmem>> -> memref<128xi32, #tpu.memory_space<vmem>>
    %dma_wait3A_423 = arith.constant 0 : i32
    %dma_wait3A_424 = arith.constant 0 : i32
    %dma_wait3A_425 = tpu.memref_slice %arg15[%dma_wait3A_423, %dma_wait3A_424] : memref<63496x8xf32, #tpu.memory_space<vmem_shared>> -> memref<63496x8xf32, #tpu.memory_space<vmem_shared>>
    tpu.wait_indirect_dma semaphore(%arg16 : memref<!tpu.dma_semaphore, #tpu.memory_space<semaphore_mem>>) src(%dma_wait3A_419 : memref<128x8xf32, #tpu.memory_space<vmem>>) dst(%dma_wait3A_425 : memref<63496x8xf32, #tpu.memory_space<vmem_shared>>)
    %dma_start3A_426 = arith.constant 7 : i32
    %dma_start3A_427 = arith.constant 896 : i32
    %dma_start3A_428 = arith.constant 0 : i32
    %dma_start3A_429 = tpu.memref_slice %arg11[%dma_start3A_427, %dma_start3A_428] : memref<5376x8xf32, #tpu.memory_space<vmem>> -> memref<128x8xf32, #tpu.memory_space<vmem>>
    %dma_start3A_430 = arith.constant 0 : i32
    %dma_start3A_431 = tpu.memref_slice %arg12[%dma_start3A_426, %dma_start3A_430] : memref<42x128xi32, #tpu.memory_space<vmem>> -> memref<1x128xi32, #tpu.memory_space<vmem>>
    %dma_start3A_432 = tpu.memref_squeeze %dma_start3A_431 : memref<1x128xi32, #tpu.memory_space<vmem>> -> memref<128xi32, #tpu.memory_space<vmem>>
    %dma_start3A_433 = arith.constant 0 : i32
    %dma_start3A_434 = arith.constant 0 : i32
    %dma_start3A_435 = tpu.memref_slice %arg15[%dma_start3A_433, %dma_start3A_434] : memref<63496x8xf32, #tpu.memory_space<vmem_shared>> -> memref<63496x8xf32, #tpu.memory_space<vmem_shared>>
    tpu.enqueue_indirect_dma source(%dma_start3A_429 : memref<128x8xf32, #tpu.memory_space<vmem>>) target(%dma_start3A_435 : memref<63496x8xf32, #tpu.memory_space<vmem_shared>>) offsets(%dma_start3A_432 : memref<128xi32, #tpu.memory_space<vmem>>) semaphore(%arg16 : memref<!tpu.dma_semaphore, #tpu.memory_space<semaphore_mem>>)
    %dma_start3A_436 = arith.constant 7 : i32
    %dma_start3A_437 = arith.constant 896 : i32
    %dma_start3A_438 = arith.constant 0 : i32
    %dma_start3A_439 = tpu.memref_slice %arg11[%dma_start3A_437, %dma_start3A_438] : memref<5376x8xf32, #tpu.memory_space<vmem>> -> memref<128x8xf32, #tpu.memory_space<vmem>>
    %dma_start3A_440 = arith.constant 0 : i32
    %dma_start3A_441 = tpu.memref_slice %arg13[%dma_start3A_436, %dma_start3A_440] : memref<42x128xi32, #tpu.memory_space<vmem>> -> memref<1x128xi32, #tpu.memory_space<vmem>>
    %dma_start3A_442 = tpu.memref_squeeze %dma_start3A_441 : memref<1x128xi32, #tpu.memory_space<vmem>> -> memref<128xi32, #tpu.memory_space<vmem>>
    %dma_start3A_443 = arith.constant 0 : i32
    %dma_start3A_444 = arith.constant 0 : i32
    %dma_start3A_445 = tpu.memref_slice %arg15[%dma_start3A_443, %dma_start3A_444] : memref<63496x8xf32, #tpu.memory_space<vmem_shared>> -> memref<63496x8xf32, #tpu.memory_space<vmem_shared>>
    tpu.enqueue_indirect_dma source(%dma_start3A_439 : memref<128x8xf32, #tpu.memory_space<vmem>>) target(%dma_start3A_445 : memref<63496x8xf32, #tpu.memory_space<vmem_shared>>) offsets(%dma_start3A_442 : memref<128xi32, #tpu.memory_space<vmem>>) semaphore(%arg16 : memref<!tpu.dma_semaphore, #tpu.memory_space<semaphore_mem>>)
    %dma_start3A_446 = arith.constant 7 : i32
    %dma_start3A_447 = arith.constant 896 : i32
    %dma_start3A_448 = arith.constant 0 : i32
    %dma_start3A_449 = tpu.memref_slice %arg11[%dma_start3A_447, %dma_start3A_448] : memref<5376x8xf32, #tpu.memory_space<vmem>> -> memref<128x8xf32, #tpu.memory_space<vmem>>
    %dma_start3A_450 = arith.constant 0 : i32
    %dma_start3A_451 = tpu.memref_slice %arg14[%dma_start3A_446, %dma_start3A_450] : memref<42x128xi32, #tpu.memory_space<vmem>> -> memref<1x128xi32, #tpu.memory_space<vmem>>
    %dma_start3A_452 = tpu.memref_squeeze %dma_start3A_451 : memref<1x128xi32, #tpu.memory_space<vmem>> -> memref<128xi32, #tpu.memory_space<vmem>>
    %dma_start3A_453 = arith.constant 0 : i32
    %dma_start3A_454 = arith.constant 0 : i32
    %dma_start3A_455 = tpu.memref_slice %arg15[%dma_start3A_453, %dma_start3A_454] : memref<63496x8xf32, #tpu.memory_space<vmem_shared>> -> memref<63496x8xf32, #tpu.memory_space<vmem_shared>>
    tpu.enqueue_indirect_dma source(%dma_start3A_449 : memref<128x8xf32, #tpu.memory_space<vmem>>) target(%dma_start3A_455 : memref<63496x8xf32, #tpu.memory_space<vmem_shared>>) offsets(%dma_start3A_452 : memref<128xi32, #tpu.memory_space<vmem>>) semaphore(%arg16 : memref<!tpu.dma_semaphore, #tpu.memory_space<semaphore_mem>>)
    %dma_start3A_456 = arith.constant 8 : i32
    %dma_start3A_457 = arith.constant 1024 : i32
    %dma_start3A_458 = arith.constant 0 : i32
    %dma_start3A_459 = tpu.memref_slice %arg11[%dma_start3A_457, %dma_start3A_458] : memref<5376x8xf32, #tpu.memory_space<vmem>> -> memref<128x8xf32, #tpu.memory_space<vmem>>
    %dma_start3A_460 = arith.constant 0 : i32
    %dma_start3A_461 = tpu.memref_slice %arg12[%dma_start3A_456, %dma_start3A_460] : memref<42x128xi32, #tpu.memory_space<vmem>> -> memref<1x128xi32, #tpu.memory_space<vmem>>
    %dma_start3A_462 = tpu.memref_squeeze %dma_start3A_461 : memref<1x128xi32, #tpu.memory_space<vmem>> -> memref<128xi32, #tpu.memory_space<vmem>>
    %dma_start3A_463 = arith.constant 0 : i32
    %dma_start3A_464 = arith.constant 0 : i32
    %dma_start3A_465 = tpu.memref_slice %arg15[%dma_start3A_463, %dma_start3A_464] : memref<63496x8xf32, #tpu.memory_space<vmem_shared>> -> memref<63496x8xf32, #tpu.memory_space<vmem_shared>>
    tpu.enqueue_indirect_dma source(%dma_start3A_459 : memref<128x8xf32, #tpu.memory_space<vmem>>) target(%dma_start3A_465 : memref<63496x8xf32, #tpu.memory_space<vmem_shared>>) offsets(%dma_start3A_462 : memref<128xi32, #tpu.memory_space<vmem>>) semaphore(%arg16 : memref<!tpu.dma_semaphore, #tpu.memory_space<semaphore_mem>>)
    %dma_start3A_466 = arith.constant 8 : i32
    %dma_start3A_467 = arith.constant 1024 : i32
    %dma_start3A_468 = arith.constant 0 : i32
    %dma_start3A_469 = tpu.memref_slice %arg11[%dma_start3A_467, %dma_start3A_468] : memref<5376x8xf32, #tpu.memory_space<vmem>> -> memref<128x8xf32, #tpu.memory_space<vmem>>
    %dma_start3A_470 = arith.constant 0 : i32
    %dma_start3A_471 = tpu.memref_slice %arg13[%dma_start3A_466, %dma_start3A_470] : memref<42x128xi32, #tpu.memory_space<vmem>> -> memref<1x128xi32, #tpu.memory_space<vmem>>
    %dma_start3A_472 = tpu.memref_squeeze %dma_start3A_471 : memref<1x128xi32, #tpu.memory_space<vmem>> -> memref<128xi32, #tpu.memory_space<vmem>>
    %dma_start3A_473 = arith.constant 0 : i32
    %dma_start3A_474 = arith.constant 0 : i32
    %dma_start3A_475 = tpu.memref_slice %arg15[%dma_start3A_473, %dma_start3A_474] : memref<63496x8xf32, #tpu.memory_space<vmem_shared>> -> memref<63496x8xf32, #tpu.memory_space<vmem_shared>>
    tpu.enqueue_indirect_dma source(%dma_start3A_469 : memref<128x8xf32, #tpu.memory_space<vmem>>) target(%dma_start3A_475 : memref<63496x8xf32, #tpu.memory_space<vmem_shared>>) offsets(%dma_start3A_472 : memref<128xi32, #tpu.memory_space<vmem>>) semaphore(%arg16 : memref<!tpu.dma_semaphore, #tpu.memory_space<semaphore_mem>>)
    %dma_start3A_476 = arith.constant 8 : i32
    %dma_start3A_477 = arith.constant 1024 : i32
    %dma_start3A_478 = arith.constant 0 : i32
    %dma_start3A_479 = tpu.memref_slice %arg11[%dma_start3A_477, %dma_start3A_478] : memref<5376x8xf32, #tpu.memory_space<vmem>> -> memref<128x8xf32, #tpu.memory_space<vmem>>
    %dma_start3A_480 = arith.constant 0 : i32
    %dma_start3A_481 = tpu.memref_slice %arg14[%dma_start3A_476, %dma_start3A_480] : memref<42x128xi32, #tpu.memory_space<vmem>> -> memref<1x128xi32, #tpu.memory_space<vmem>>
    %dma_start3A_482 = tpu.memref_squeeze %dma_start3A_481 : memref<1x128xi32, #tpu.memory_space<vmem>> -> memref<128xi32, #tpu.memory_space<vmem>>
    %dma_start3A_483 = arith.constant 0 : i32
    %dma_start3A_484 = arith.constant 0 : i32
    %dma_start3A_485 = tpu.memref_slice %arg15[%dma_start3A_483, %dma_start3A_484] : memref<63496x8xf32, #tpu.memory_space<vmem_shared>> -> memref<63496x8xf32, #tpu.memory_space<vmem_shared>>
    tpu.enqueue_indirect_dma source(%dma_start3A_479 : memref<128x8xf32, #tpu.memory_space<vmem>>) target(%dma_start3A_485 : memref<63496x8xf32, #tpu.memory_space<vmem_shared>>) offsets(%dma_start3A_482 : memref<128xi32, #tpu.memory_space<vmem>>) semaphore(%arg16 : memref<!tpu.dma_semaphore, #tpu.memory_space<semaphore_mem>>)
    %dma_start3A_486 = arith.constant 9 : i32
    %dma_start3A_487 = arith.constant 1152 : i32
    %dma_start3A_488 = arith.constant 0 : i32
    %dma_start3A_489 = tpu.memref_slice %arg11[%dma_start3A_487, %dma_start3A_488] : memref<5376x8xf32, #tpu.memory_space<vmem>> -> memref<128x8xf32, #tpu.memory_space<vmem>>
    %dma_start3A_490 = arith.constant 0 : i32
    %dma_start3A_491 = tpu.memref_slice %arg12[%dma_start3A_486, %dma_start3A_490] : memref<42x128xi32, #tpu.memory_space<vmem>> -> memref<1x128xi32, #tpu.memory_space<vmem>>
    %dma_start3A_492 = tpu.memref_squeeze %dma_start3A_491 : memref<1x128xi32, #tpu.memory_space<vmem>> -> memref<128xi32, #tpu.memory_space<vmem>>
    %dma_start3A_493 = arith.constant 0 : i32
    %dma_start3A_494 = arith.constant 0 : i32
    %dma_start3A_495 = tpu.memref_slice %arg15[%dma_start3A_493, %dma_start3A_494] : memref<63496x8xf32, #tpu.memory_space<vmem_shared>> -> memref<63496x8xf32, #tpu.memory_space<vmem_shared>>
    tpu.enqueue_indirect_dma source(%dma_start3A_489 : memref<128x8xf32, #tpu.memory_space<vmem>>) target(%dma_start3A_495 : memref<63496x8xf32, #tpu.memory_space<vmem_shared>>) offsets(%dma_start3A_492 : memref<128xi32, #tpu.memory_space<vmem>>) semaphore(%arg16 : memref<!tpu.dma_semaphore, #tpu.memory_space<semaphore_mem>>)
    %dma_start3A_496 = arith.constant 9 : i32
    %dma_start3A_497 = arith.constant 1152 : i32
    %dma_start3A_498 = arith.constant 0 : i32
    %dma_start3A_499 = tpu.memref_slice %arg11[%dma_start3A_497, %dma_start3A_498] : memref<5376x8xf32, #tpu.memory_space<vmem>> -> memref<128x8xf32, #tpu.memory_space<vmem>>
    %dma_start3A_500 = arith.constant 0 : i32
    %dma_start3A_501 = tpu.memref_slice %arg13[%dma_start3A_496, %dma_start3A_500] : memref<42x128xi32, #tpu.memory_space<vmem>> -> memref<1x128xi32, #tpu.memory_space<vmem>>
    %dma_start3A_502 = tpu.memref_squeeze %dma_start3A_501 : memref<1x128xi32, #tpu.memory_space<vmem>> -> memref<128xi32, #tpu.memory_space<vmem>>
    %dma_start3A_503 = arith.constant 0 : i32
    %dma_start3A_504 = arith.constant 0 : i32
    %dma_start3A_505 = tpu.memref_slice %arg15[%dma_start3A_503, %dma_start3A_504] : memref<63496x8xf32, #tpu.memory_space<vmem_shared>> -> memref<63496x8xf32, #tpu.memory_space<vmem_shared>>
    tpu.enqueue_indirect_dma source(%dma_start3A_499 : memref<128x8xf32, #tpu.memory_space<vmem>>) target(%dma_start3A_505 : memref<63496x8xf32, #tpu.memory_space<vmem_shared>>) offsets(%dma_start3A_502 : memref<128xi32, #tpu.memory_space<vmem>>) semaphore(%arg16 : memref<!tpu.dma_semaphore, #tpu.memory_space<semaphore_mem>>)
    %dma_start3A_506 = arith.constant 9 : i32
    %dma_start3A_507 = arith.constant 1152 : i32
    %dma_start3A_508 = arith.constant 0 : i32
    %dma_start3A_509 = tpu.memref_slice %arg11[%dma_start3A_507, %dma_start3A_508] : memref<5376x8xf32, #tpu.memory_space<vmem>> -> memref<128x8xf32, #tpu.memory_space<vmem>>
    %dma_start3A_510 = arith.constant 0 : i32
    %dma_start3A_511 = tpu.memref_slice %arg14[%dma_start3A_506, %dma_start3A_510] : memref<42x128xi32, #tpu.memory_space<vmem>> -> memref<1x128xi32, #tpu.memory_space<vmem>>
    %dma_start3A_512 = tpu.memref_squeeze %dma_start3A_511 : memref<1x128xi32, #tpu.memory_space<vmem>> -> memref<128xi32, #tpu.memory_space<vmem>>
    %dma_start3A_513 = arith.constant 0 : i32
    %dma_start3A_514 = arith.constant 0 : i32
    %dma_start3A_515 = tpu.memref_slice %arg15[%dma_start3A_513, %dma_start3A_514] : memref<63496x8xf32, #tpu.memory_space<vmem_shared>> -> memref<63496x8xf32, #tpu.memory_space<vmem_shared>>
    tpu.enqueue_indirect_dma source(%dma_start3A_509 : memref<128x8xf32, #tpu.memory_space<vmem>>) target(%dma_start3A_515 : memref<63496x8xf32, #tpu.memory_space<vmem_shared>>) offsets(%dma_start3A_512 : memref<128xi32, #tpu.memory_space<vmem>>) semaphore(%arg16 : memref<!tpu.dma_semaphore, #tpu.memory_space<semaphore_mem>>)
    %dma_start3A_516 = arith.constant 10 : i32
    %dma_start3A_517 = arith.constant 1280 : i32
    %dma_start3A_518 = arith.constant 0 : i32
    %dma_start3A_519 = tpu.memref_slice %arg11[%dma_start3A_517, %dma_start3A_518] : memref<5376x8xf32, #tpu.memory_space<vmem>> -> memref<128x8xf32, #tpu.memory_space<vmem>>
    %dma_start3A_520 = arith.constant 0 : i32
    %dma_start3A_521 = tpu.memref_slice %arg12[%dma_start3A_516, %dma_start3A_520] : memref<42x128xi32, #tpu.memory_space<vmem>> -> memref<1x128xi32, #tpu.memory_space<vmem>>
    %dma_start3A_522 = tpu.memref_squeeze %dma_start3A_521 : memref<1x128xi32, #tpu.memory_space<vmem>> -> memref<128xi32, #tpu.memory_space<vmem>>
    %dma_start3A_523 = arith.constant 0 : i32
    %dma_start3A_524 = arith.constant 0 : i32
    %dma_start3A_525 = tpu.memref_slice %arg15[%dma_start3A_523, %dma_start3A_524] : memref<63496x8xf32, #tpu.memory_space<vmem_shared>> -> memref<63496x8xf32, #tpu.memory_space<vmem_shared>>
    tpu.enqueue_indirect_dma source(%dma_start3A_519 : memref<128x8xf32, #tpu.memory_space<vmem>>) target(%dma_start3A_525 : memref<63496x8xf32, #tpu.memory_space<vmem_shared>>) offsets(%dma_start3A_522 : memref<128xi32, #tpu.memory_space<vmem>>) semaphore(%arg16 : memref<!tpu.dma_semaphore, #tpu.memory_space<semaphore_mem>>)
    %dma_start3A_526 = arith.constant 10 : i32
    %dma_start3A_527 = arith.constant 1280 : i32
    %dma_start3A_528 = arith.constant 0 : i32
    %dma_start3A_529 = tpu.memref_slice %arg11[%dma_start3A_527, %dma_start3A_528] : memref<5376x8xf32, #tpu.memory_space<vmem>> -> memref<128x8xf32, #tpu.memory_space<vmem>>
    %dma_start3A_530 = arith.constant 0 : i32
    %dma_start3A_531 = tpu.memref_slice %arg13[%dma_start3A_526, %dma_start3A_530] : memref<42x128xi32, #tpu.memory_space<vmem>> -> memref<1x128xi32, #tpu.memory_space<vmem>>
    %dma_start3A_532 = tpu.memref_squeeze %dma_start3A_531 : memref<1x128xi32, #tpu.memory_space<vmem>> -> memref<128xi32, #tpu.memory_space<vmem>>
    %dma_start3A_533 = arith.constant 0 : i32
    %dma_start3A_534 = arith.constant 0 : i32
    %dma_start3A_535 = tpu.memref_slice %arg15[%dma_start3A_533, %dma_start3A_534] : memref<63496x8xf32, #tpu.memory_space<vmem_shared>> -> memref<63496x8xf32, #tpu.memory_space<vmem_shared>>
    tpu.enqueue_indirect_dma source(%dma_start3A_529 : memref<128x8xf32, #tpu.memory_space<vmem>>) target(%dma_start3A_535 : memref<63496x8xf32, #tpu.memory_space<vmem_shared>>) offsets(%dma_start3A_532 : memref<128xi32, #tpu.memory_space<vmem>>) semaphore(%arg16 : memref<!tpu.dma_semaphore, #tpu.memory_space<semaphore_mem>>)
    %dma_start3A_536 = arith.constant 10 : i32
    %dma_start3A_537 = arith.constant 1280 : i32
    %dma_start3A_538 = arith.constant 0 : i32
    %dma_start3A_539 = tpu.memref_slice %arg11[%dma_start3A_537, %dma_start3A_538] : memref<5376x8xf32, #tpu.memory_space<vmem>> -> memref<128x8xf32, #tpu.memory_space<vmem>>
    %dma_start3A_540 = arith.constant 0 : i32
    %dma_start3A_541 = tpu.memref_slice %arg14[%dma_start3A_536, %dma_start3A_540] : memref<42x128xi32, #tpu.memory_space<vmem>> -> memref<1x128xi32, #tpu.memory_space<vmem>>
    %dma_start3A_542 = tpu.memref_squeeze %dma_start3A_541 : memref<1x128xi32, #tpu.memory_space<vmem>> -> memref<128xi32, #tpu.memory_space<vmem>>
    %dma_start3A_543 = arith.constant 0 : i32
    %dma_start3A_544 = arith.constant 0 : i32
    %dma_start3A_545 = tpu.memref_slice %arg15[%dma_start3A_543, %dma_start3A_544] : memref<63496x8xf32, #tpu.memory_space<vmem_shared>> -> memref<63496x8xf32, #tpu.memory_space<vmem_shared>>
    tpu.enqueue_indirect_dma source(%dma_start3A_539 : memref<128x8xf32, #tpu.memory_space<vmem>>) target(%dma_start3A_545 : memref<63496x8xf32, #tpu.memory_space<vmem_shared>>) offsets(%dma_start3A_542 : memref<128xi32, #tpu.memory_space<vmem>>) semaphore(%arg16 : memref<!tpu.dma_semaphore, #tpu.memory_space<semaphore_mem>>)
    %dma_start3A_546 = arith.constant 11 : i32
    %dma_start3A_547 = arith.constant 1408 : i32
    %dma_start3A_548 = arith.constant 0 : i32
    %dma_start3A_549 = tpu.memref_slice %arg11[%dma_start3A_547, %dma_start3A_548] : memref<5376x8xf32, #tpu.memory_space<vmem>> -> memref<128x8xf32, #tpu.memory_space<vmem>>
    %dma_start3A_550 = arith.constant 0 : i32
    %dma_start3A_551 = tpu.memref_slice %arg12[%dma_start3A_546, %dma_start3A_550] : memref<42x128xi32, #tpu.memory_space<vmem>> -> memref<1x128xi32, #tpu.memory_space<vmem>>
    %dma_start3A_552 = tpu.memref_squeeze %dma_start3A_551 : memref<1x128xi32, #tpu.memory_space<vmem>> -> memref<128xi32, #tpu.memory_space<vmem>>
    %dma_start3A_553 = arith.constant 0 : i32
    %dma_start3A_554 = arith.constant 0 : i32
    %dma_start3A_555 = tpu.memref_slice %arg15[%dma_start3A_553, %dma_start3A_554] : memref<63496x8xf32, #tpu.memory_space<vmem_shared>> -> memref<63496x8xf32, #tpu.memory_space<vmem_shared>>
    tpu.enqueue_indirect_dma source(%dma_start3A_549 : memref<128x8xf32, #tpu.memory_space<vmem>>) target(%dma_start3A_555 : memref<63496x8xf32, #tpu.memory_space<vmem_shared>>) offsets(%dma_start3A_552 : memref<128xi32, #tpu.memory_space<vmem>>) semaphore(%arg16 : memref<!tpu.dma_semaphore, #tpu.memory_space<semaphore_mem>>)
    %dma_start3A_556 = arith.constant 11 : i32
    %dma_start3A_557 = arith.constant 1408 : i32
    %dma_start3A_558 = arith.constant 0 : i32
    %dma_start3A_559 = tpu.memref_slice %arg11[%dma_start3A_557, %dma_start3A_558] : memref<5376x8xf32, #tpu.memory_space<vmem>> -> memref<128x8xf32, #tpu.memory_space<vmem>>
    %dma_start3A_560 = arith.constant 0 : i32
    %dma_start3A_561 = tpu.memref_slice %arg13[%dma_start3A_556, %dma_start3A_560] : memref<42x128xi32, #tpu.memory_space<vmem>> -> memref<1x128xi32, #tpu.memory_space<vmem>>
    %dma_start3A_562 = tpu.memref_squeeze %dma_start3A_561 : memref<1x128xi32, #tpu.memory_space<vmem>> -> memref<128xi32, #tpu.memory_space<vmem>>
    %dma_start3A_563 = arith.constant 0 : i32
    %dma_start3A_564 = arith.constant 0 : i32
    %dma_start3A_565 = tpu.memref_slice %arg15[%dma_start3A_563, %dma_start3A_564] : memref<63496x8xf32, #tpu.memory_space<vmem_shared>> -> memref<63496x8xf32, #tpu.memory_space<vmem_shared>>
    tpu.enqueue_indirect_dma source(%dma_start3A_559 : memref<128x8xf32, #tpu.memory_space<vmem>>) target(%dma_start3A_565 : memref<63496x8xf32, #tpu.memory_space<vmem_shared>>) offsets(%dma_start3A_562 : memref<128xi32, #tpu.memory_space<vmem>>) semaphore(%arg16 : memref<!tpu.dma_semaphore, #tpu.memory_space<semaphore_mem>>)
    %dma_start3A_566 = arith.constant 11 : i32
    %dma_start3A_567 = arith.constant 1408 : i32
    %dma_start3A_568 = arith.constant 0 : i32
    %dma_start3A_569 = tpu.memref_slice %arg11[%dma_start3A_567, %dma_start3A_568] : memref<5376x8xf32, #tpu.memory_space<vmem>> -> memref<128x8xf32, #tpu.memory_space<vmem>>
    %dma_start3A_570 = arith.constant 0 : i32
    %dma_start3A_571 = tpu.memref_slice %arg14[%dma_start3A_566, %dma_start3A_570] : memref<42x128xi32, #tpu.memory_space<vmem>> -> memref<1x128xi32, #tpu.memory_space<vmem>>
    %dma_start3A_572 = tpu.memref_squeeze %dma_start3A_571 : memref<1x128xi32, #tpu.memory_space<vmem>> -> memref<128xi32, #tpu.memory_space<vmem>>
    %dma_start3A_573 = arith.constant 0 : i32
    %dma_start3A_574 = arith.constant 0 : i32
    %dma_start3A_575 = tpu.memref_slice %arg15[%dma_start3A_573, %dma_start3A_574] : memref<63496x8xf32, #tpu.memory_space<vmem_shared>> -> memref<63496x8xf32, #tpu.memory_space<vmem_shared>>
    tpu.enqueue_indirect_dma source(%dma_start3A_569 : memref<128x8xf32, #tpu.memory_space<vmem>>) target(%dma_start3A_575 : memref<63496x8xf32, #tpu.memory_space<vmem_shared>>) offsets(%dma_start3A_572 : memref<128xi32, #tpu.memory_space<vmem>>) semaphore(%arg16 : memref<!tpu.dma_semaphore, #tpu.memory_space<semaphore_mem>>)
    %dma_start3A_576 = arith.constant 12 : i32
    %dma_start3A_577 = arith.constant 1536 : i32
    %dma_start3A_578 = arith.constant 0 : i32
    %dma_start3A_579 = tpu.memref_slice %arg11[%dma_start3A_577, %dma_start3A_578] : memref<5376x8xf32, #tpu.memory_space<vmem>> -> memref<128x8xf32, #tpu.memory_space<vmem>>
    %dma_start3A_580 = arith.constant 0 : i32
    %dma_start3A_581 = tpu.memref_slice %arg12[%dma_start3A_576, %dma_start3A_580] : memref<42x128xi32, #tpu.memory_space<vmem>> -> memref<1x128xi32, #tpu.memory_space<vmem>>
    %dma_start3A_582 = tpu.memref_squeeze %dma_start3A_581 : memref<1x128xi32, #tpu.memory_space<vmem>> -> memref<128xi32, #tpu.memory_space<vmem>>
    %dma_start3A_583 = arith.constant 0 : i32
    %dma_start3A_584 = arith.constant 0 : i32
    %dma_start3A_585 = tpu.memref_slice %arg15[%dma_start3A_583, %dma_start3A_584] : memref<63496x8xf32, #tpu.memory_space<vmem_shared>> -> memref<63496x8xf32, #tpu.memory_space<vmem_shared>>
    tpu.enqueue_indirect_dma source(%dma_start3A_579 : memref<128x8xf32, #tpu.memory_space<vmem>>) target(%dma_start3A_585 : memref<63496x8xf32, #tpu.memory_space<vmem_shared>>) offsets(%dma_start3A_582 : memref<128xi32, #tpu.memory_space<vmem>>) semaphore(%arg16 : memref<!tpu.dma_semaphore, #tpu.memory_space<semaphore_mem>>)
    %dma_start3A_586 = arith.constant 12 : i32
    %dma_start3A_587 = arith.constant 1536 : i32
    %dma_start3A_588 = arith.constant 0 : i32
    %dma_start3A_589 = tpu.memref_slice %arg11[%dma_start3A_587, %dma_start3A_588] : memref<5376x8xf32, #tpu.memory_space<vmem>> -> memref<128x8xf32, #tpu.memory_space<vmem>>
    %dma_start3A_590 = arith.constant 0 : i32
    %dma_start3A_591 = tpu.memref_slice %arg13[%dma_start3A_586, %dma_start3A_590] : memref<42x128xi32, #tpu.memory_space<vmem>> -> memref<1x128xi32, #tpu.memory_space<vmem>>
    %dma_start3A_592 = tpu.memref_squeeze %dma_start3A_591 : memref<1x128xi32, #tpu.memory_space<vmem>> -> memref<128xi32, #tpu.memory_space<vmem>>
    %dma_start3A_593 = arith.constant 0 : i32
    %dma_start3A_594 = arith.constant 0 : i32
    %dma_start3A_595 = tpu.memref_slice %arg15[%dma_start3A_593, %dma_start3A_594] : memref<63496x8xf32, #tpu.memory_space<vmem_shared>> -> memref<63496x8xf32, #tpu.memory_space<vmem_shared>>
    tpu.enqueue_indirect_dma source(%dma_start3A_589 : memref<128x8xf32, #tpu.memory_space<vmem>>) target(%dma_start3A_595 : memref<63496x8xf32, #tpu.memory_space<vmem_shared>>) offsets(%dma_start3A_592 : memref<128xi32, #tpu.memory_space<vmem>>) semaphore(%arg16 : memref<!tpu.dma_semaphore, #tpu.memory_space<semaphore_mem>>)
    %dma_start3A_596 = arith.constant 12 : i32
    %dma_start3A_597 = arith.constant 1536 : i32
    %dma_start3A_598 = arith.constant 0 : i32
    %dma_start3A_599 = tpu.memref_slice %arg11[%dma_start3A_597, %dma_start3A_598] : memref<5376x8xf32, #tpu.memory_space<vmem>> -> memref<128x8xf32, #tpu.memory_space<vmem>>
    %dma_start3A_600 = arith.constant 0 : i32
    %dma_start3A_601 = tpu.memref_slice %arg14[%dma_start3A_596, %dma_start3A_600] : memref<42x128xi32, #tpu.memory_space<vmem>> -> memref<1x128xi32, #tpu.memory_space<vmem>>
    %dma_start3A_602 = tpu.memref_squeeze %dma_start3A_601 : memref<1x128xi32, #tpu.memory_space<vmem>> -> memref<128xi32, #tpu.memory_space<vmem>>
    %dma_start3A_603 = arith.constant 0 : i32
    %dma_start3A_604 = arith.constant 0 : i32
    %dma_start3A_605 = tpu.memref_slice %arg15[%dma_start3A_603, %dma_start3A_604] : memref<63496x8xf32, #tpu.memory_space<vmem_shared>> -> memref<63496x8xf32, #tpu.memory_space<vmem_shared>>
    tpu.enqueue_indirect_dma source(%dma_start3A_599 : memref<128x8xf32, #tpu.memory_space<vmem>>) target(%dma_start3A_605 : memref<63496x8xf32, #tpu.memory_space<vmem_shared>>) offsets(%dma_start3A_602 : memref<128xi32, #tpu.memory_space<vmem>>) semaphore(%arg16 : memref<!tpu.dma_semaphore, #tpu.memory_space<semaphore_mem>>)
    %dma_start3A_606 = arith.constant 13 : i32
    %dma_start3A_607 = arith.constant 1664 : i32
    %dma_start3A_608 = arith.constant 0 : i32
    %dma_start3A_609 = tpu.memref_slice %arg11[%dma_start3A_607, %dma_start3A_608] : memref<5376x8xf32, #tpu.memory_space<vmem>> -> memref<128x8xf32, #tpu.memory_space<vmem>>
    %dma_start3A_610 = arith.constant 0 : i32
    %dma_start3A_611 = tpu.memref_slice %arg12[%dma_start3A_606, %dma_start3A_610] : memref<42x128xi32, #tpu.memory_space<vmem>> -> memref<1x128xi32, #tpu.memory_space<vmem>>
    %dma_start3A_612 = tpu.memref_squeeze %dma_start3A_611 : memref<1x128xi32, #tpu.memory_space<vmem>> -> memref<128xi32, #tpu.memory_space<vmem>>
    %dma_start3A_613 = arith.constant 0 : i32
    %dma_start3A_614 = arith.constant 0 : i32
    %dma_start3A_615 = tpu.memref_slice %arg15[%dma_start3A_613, %dma_start3A_614] : memref<63496x8xf32, #tpu.memory_space<vmem_shared>> -> memref<63496x8xf32, #tpu.memory_space<vmem_shared>>
    tpu.enqueue_indirect_dma source(%dma_start3A_609 : memref<128x8xf32, #tpu.memory_space<vmem>>) target(%dma_start3A_615 : memref<63496x8xf32, #tpu.memory_space<vmem_shared>>) offsets(%dma_start3A_612 : memref<128xi32, #tpu.memory_space<vmem>>) semaphore(%arg16 : memref<!tpu.dma_semaphore, #tpu.memory_space<semaphore_mem>>)
    %dma_start3A_616 = arith.constant 13 : i32
    %dma_start3A_617 = arith.constant 1664 : i32
    %dma_start3A_618 = arith.constant 0 : i32
    %dma_start3A_619 = tpu.memref_slice %arg11[%dma_start3A_617, %dma_start3A_618] : memref<5376x8xf32, #tpu.memory_space<vmem>> -> memref<128x8xf32, #tpu.memory_space<vmem>>
    %dma_start3A_620 = arith.constant 0 : i32
    %dma_start3A_621 = tpu.memref_slice %arg13[%dma_start3A_616, %dma_start3A_620] : memref<42x128xi32, #tpu.memory_space<vmem>> -> memref<1x128xi32, #tpu.memory_space<vmem>>
    %dma_start3A_622 = tpu.memref_squeeze %dma_start3A_621 : memref<1x128xi32, #tpu.memory_space<vmem>> -> memref<128xi32, #tpu.memory_space<vmem>>
    %dma_start3A_623 = arith.constant 0 : i32
    %dma_start3A_624 = arith.constant 0 : i32
    %dma_start3A_625 = tpu.memref_slice %arg15[%dma_start3A_623, %dma_start3A_624] : memref<63496x8xf32, #tpu.memory_space<vmem_shared>> -> memref<63496x8xf32, #tpu.memory_space<vmem_shared>>
    tpu.enqueue_indirect_dma source(%dma_start3A_619 : memref<128x8xf32, #tpu.memory_space<vmem>>) target(%dma_start3A_625 : memref<63496x8xf32, #tpu.memory_space<vmem_shared>>) offsets(%dma_start3A_622 : memref<128xi32, #tpu.memory_space<vmem>>) semaphore(%arg16 : memref<!tpu.dma_semaphore, #tpu.memory_space<semaphore_mem>>)
    %dma_start3A_626 = arith.constant 13 : i32
    %dma_start3A_627 = arith.constant 1664 : i32
    %dma_start3A_628 = arith.constant 0 : i32
    %dma_start3A_629 = tpu.memref_slice %arg11[%dma_start3A_627, %dma_start3A_628] : memref<5376x8xf32, #tpu.memory_space<vmem>> -> memref<128x8xf32, #tpu.memory_space<vmem>>
    %dma_start3A_630 = arith.constant 0 : i32
    %dma_start3A_631 = tpu.memref_slice %arg14[%dma_start3A_626, %dma_start3A_630] : memref<42x128xi32, #tpu.memory_space<vmem>> -> memref<1x128xi32, #tpu.memory_space<vmem>>
    %dma_start3A_632 = tpu.memref_squeeze %dma_start3A_631 : memref<1x128xi32, #tpu.memory_space<vmem>> -> memref<128xi32, #tpu.memory_space<vmem>>
    %dma_start3A_633 = arith.constant 0 : i32
    %dma_start3A_634 = arith.constant 0 : i32
    %dma_start3A_635 = tpu.memref_slice %arg15[%dma_start3A_633, %dma_start3A_634] : memref<63496x8xf32, #tpu.memory_space<vmem_shared>> -> memref<63496x8xf32, #tpu.memory_space<vmem_shared>>
    tpu.enqueue_indirect_dma source(%dma_start3A_629 : memref<128x8xf32, #tpu.memory_space<vmem>>) target(%dma_start3A_635 : memref<63496x8xf32, #tpu.memory_space<vmem_shared>>) offsets(%dma_start3A_632 : memref<128xi32, #tpu.memory_space<vmem>>) semaphore(%arg16 : memref<!tpu.dma_semaphore, #tpu.memory_space<semaphore_mem>>)
    %dma_wait3A_636 = arith.constant 7 : i32
    %dma_wait3A_637 = arith.constant 896 : i32
    %dma_wait3A_638 = arith.constant 0 : i32
    %dma_wait3A_639 = tpu.memref_slice %arg11[%dma_wait3A_637, %dma_wait3A_638] : memref<5376x8xf32, #tpu.memory_space<vmem>> -> memref<128x8xf32, #tpu.memory_space<vmem>>
    %dma_wait3A_640 = arith.constant 0 : i32
    %dma_wait3A_641 = tpu.memref_slice %arg12[%dma_wait3A_636, %dma_wait3A_640] : memref<42x128xi32, #tpu.memory_space<vmem>> -> memref<1x128xi32, #tpu.memory_space<vmem>>
    %dma_wait3A_642 = tpu.memref_squeeze %dma_wait3A_641 : memref<1x128xi32, #tpu.memory_space<vmem>> -> memref<128xi32, #tpu.memory_space<vmem>>
    %dma_wait3A_643 = arith.constant 0 : i32
    %dma_wait3A_644 = arith.constant 0 : i32
    %dma_wait3A_645 = tpu.memref_slice %arg15[%dma_wait3A_643, %dma_wait3A_644] : memref<63496x8xf32, #tpu.memory_space<vmem_shared>> -> memref<63496x8xf32, #tpu.memory_space<vmem_shared>>
    tpu.wait_indirect_dma semaphore(%arg16 : memref<!tpu.dma_semaphore, #tpu.memory_space<semaphore_mem>>) src(%dma_wait3A_639 : memref<128x8xf32, #tpu.memory_space<vmem>>) dst(%dma_wait3A_645 : memref<63496x8xf32, #tpu.memory_space<vmem_shared>>)
    %dma_wait3A_646 = arith.constant 7 : i32
    %dma_wait3A_647 = arith.constant 896 : i32
    %dma_wait3A_648 = arith.constant 0 : i32
    %dma_wait3A_649 = tpu.memref_slice %arg11[%dma_wait3A_647, %dma_wait3A_648] : memref<5376x8xf32, #tpu.memory_space<vmem>> -> memref<128x8xf32, #tpu.memory_space<vmem>>
    %dma_wait3A_650 = arith.constant 0 : i32
    %dma_wait3A_651 = tpu.memref_slice %arg13[%dma_wait3A_646, %dma_wait3A_650] : memref<42x128xi32, #tpu.memory_space<vmem>> -> memref<1x128xi32, #tpu.memory_space<vmem>>
    %dma_wait3A_652 = tpu.memref_squeeze %dma_wait3A_651 : memref<1x128xi32, #tpu.memory_space<vmem>> -> memref<128xi32, #tpu.memory_space<vmem>>
    %dma_wait3A_653 = arith.constant 0 : i32
    %dma_wait3A_654 = arith.constant 0 : i32
    %dma_wait3A_655 = tpu.memref_slice %arg15[%dma_wait3A_653, %dma_wait3A_654] : memref<63496x8xf32, #tpu.memory_space<vmem_shared>> -> memref<63496x8xf32, #tpu.memory_space<vmem_shared>>
    tpu.wait_indirect_dma semaphore(%arg16 : memref<!tpu.dma_semaphore, #tpu.memory_space<semaphore_mem>>) src(%dma_wait3A_649 : memref<128x8xf32, #tpu.memory_space<vmem>>) dst(%dma_wait3A_655 : memref<63496x8xf32, #tpu.memory_space<vmem_shared>>)
    %dma_wait3A_656 = arith.constant 7 : i32
    %dma_wait3A_657 = arith.constant 896 : i32
    %dma_wait3A_658 = arith.constant 0 : i32
    %dma_wait3A_659 = tpu.memref_slice %arg11[%dma_wait3A_657, %dma_wait3A_658] : memref<5376x8xf32, #tpu.memory_space<vmem>> -> memref<128x8xf32, #tpu.memory_space<vmem>>
    %dma_wait3A_660 = arith.constant 0 : i32
    %dma_wait3A_661 = tpu.memref_slice %arg14[%dma_wait3A_656, %dma_wait3A_660] : memref<42x128xi32, #tpu.memory_space<vmem>> -> memref<1x128xi32, #tpu.memory_space<vmem>>
    %dma_wait3A_662 = tpu.memref_squeeze %dma_wait3A_661 : memref<1x128xi32, #tpu.memory_space<vmem>> -> memref<128xi32, #tpu.memory_space<vmem>>
    %dma_wait3A_663 = arith.constant 0 : i32
    %dma_wait3A_664 = arith.constant 0 : i32
    %dma_wait3A_665 = tpu.memref_slice %arg15[%dma_wait3A_663, %dma_wait3A_664] : memref<63496x8xf32, #tpu.memory_space<vmem_shared>> -> memref<63496x8xf32, #tpu.memory_space<vmem_shared>>
    tpu.wait_indirect_dma semaphore(%arg16 : memref<!tpu.dma_semaphore, #tpu.memory_space<semaphore_mem>>) src(%dma_wait3A_659 : memref<128x8xf32, #tpu.memory_space<vmem>>) dst(%dma_wait3A_665 : memref<63496x8xf32, #tpu.memory_space<vmem_shared>>)
    %dma_wait3A_666 = arith.constant 8 : i32
    %dma_wait3A_667 = arith.constant 1024 : i32
    %dma_wait3A_668 = arith.constant 0 : i32
    %dma_wait3A_669 = tpu.memref_slice %arg11[%dma_wait3A_667, %dma_wait3A_668] : memref<5376x8xf32, #tpu.memory_space<vmem>> -> memref<128x8xf32, #tpu.memory_space<vmem>>
    %dma_wait3A_670 = arith.constant 0 : i32
    %dma_wait3A_671 = tpu.memref_slice %arg12[%dma_wait3A_666, %dma_wait3A_670] : memref<42x128xi32, #tpu.memory_space<vmem>> -> memref<1x128xi32, #tpu.memory_space<vmem>>
    %dma_wait3A_672 = tpu.memref_squeeze %dma_wait3A_671 : memref<1x128xi32, #tpu.memory_space<vmem>> -> memref<128xi32, #tpu.memory_space<vmem>>
    %dma_wait3A_673 = arith.constant 0 : i32
    %dma_wait3A_674 = arith.constant 0 : i32
    %dma_wait3A_675 = tpu.memref_slice %arg15[%dma_wait3A_673, %dma_wait3A_674] : memref<63496x8xf32, #tpu.memory_space<vmem_shared>> -> memref<63496x8xf32, #tpu.memory_space<vmem_shared>>
    tpu.wait_indirect_dma semaphore(%arg16 : memref<!tpu.dma_semaphore, #tpu.memory_space<semaphore_mem>>) src(%dma_wait3A_669 : memref<128x8xf32, #tpu.memory_space<vmem>>) dst(%dma_wait3A_675 : memref<63496x8xf32, #tpu.memory_space<vmem_shared>>)
    %dma_wait3A_676 = arith.constant 8 : i32
    %dma_wait3A_677 = arith.constant 1024 : i32
    %dma_wait3A_678 = arith.constant 0 : i32
    %dma_wait3A_679 = tpu.memref_slice %arg11[%dma_wait3A_677, %dma_wait3A_678] : memref<5376x8xf32, #tpu.memory_space<vmem>> -> memref<128x8xf32, #tpu.memory_space<vmem>>
    %dma_wait3A_680 = arith.constant 0 : i32
    %dma_wait3A_681 = tpu.memref_slice %arg13[%dma_wait3A_676, %dma_wait3A_680] : memref<42x128xi32, #tpu.memory_space<vmem>> -> memref<1x128xi32, #tpu.memory_space<vmem>>
    %dma_wait3A_682 = tpu.memref_squeeze %dma_wait3A_681 : memref<1x128xi32, #tpu.memory_space<vmem>> -> memref<128xi32, #tpu.memory_space<vmem>>
    %dma_wait3A_683 = arith.constant 0 : i32
    %dma_wait3A_684 = arith.constant 0 : i32
    %dma_wait3A_685 = tpu.memref_slice %arg15[%dma_wait3A_683, %dma_wait3A_684] : memref<63496x8xf32, #tpu.memory_space<vmem_shared>> -> memref<63496x8xf32, #tpu.memory_space<vmem_shared>>
    tpu.wait_indirect_dma semaphore(%arg16 : memref<!tpu.dma_semaphore, #tpu.memory_space<semaphore_mem>>) src(%dma_wait3A_679 : memref<128x8xf32, #tpu.memory_space<vmem>>) dst(%dma_wait3A_685 : memref<63496x8xf32, #tpu.memory_space<vmem_shared>>)
    %dma_wait3A_686 = arith.constant 8 : i32
    %dma_wait3A_687 = arith.constant 1024 : i32
    %dma_wait3A_688 = arith.constant 0 : i32
    %dma_wait3A_689 = tpu.memref_slice %arg11[%dma_wait3A_687, %dma_wait3A_688] : memref<5376x8xf32, #tpu.memory_space<vmem>> -> memref<128x8xf32, #tpu.memory_space<vmem>>
    %dma_wait3A_690 = arith.constant 0 : i32
    %dma_wait3A_691 = tpu.memref_slice %arg14[%dma_wait3A_686, %dma_wait3A_690] : memref<42x128xi32, #tpu.memory_space<vmem>> -> memref<1x128xi32, #tpu.memory_space<vmem>>
    %dma_wait3A_692 = tpu.memref_squeeze %dma_wait3A_691 : memref<1x128xi32, #tpu.memory_space<vmem>> -> memref<128xi32, #tpu.memory_space<vmem>>
    %dma_wait3A_693 = arith.constant 0 : i32
    %dma_wait3A_694 = arith.constant 0 : i32
    %dma_wait3A_695 = tpu.memref_slice %arg15[%dma_wait3A_693, %dma_wait3A_694] : memref<63496x8xf32, #tpu.memory_space<vmem_shared>> -> memref<63496x8xf32, #tpu.memory_space<vmem_shared>>
    tpu.wait_indirect_dma semaphore(%arg16 : memref<!tpu.dma_semaphore, #tpu.memory_space<semaphore_mem>>) src(%dma_wait3A_689 : memref<128x8xf32, #tpu.memory_space<vmem>>) dst(%dma_wait3A_695 : memref<63496x8xf32, #tpu.memory_space<vmem_shared>>)
    %dma_wait3A_696 = arith.constant 9 : i32
    %dma_wait3A_697 = arith.constant 1152 : i32
    %dma_wait3A_698 = arith.constant 0 : i32
    %dma_wait3A_699 = tpu.memref_slice %arg11[%dma_wait3A_697, %dma_wait3A_698] : memref<5376x8xf32, #tpu.memory_space<vmem>> -> memref<128x8xf32, #tpu.memory_space<vmem>>
    %dma_wait3A_700 = arith.constant 0 : i32
    %dma_wait3A_701 = tpu.memref_slice %arg12[%dma_wait3A_696, %dma_wait3A_700] : memref<42x128xi32, #tpu.memory_space<vmem>> -> memref<1x128xi32, #tpu.memory_space<vmem>>
    %dma_wait3A_702 = tpu.memref_squeeze %dma_wait3A_701 : memref<1x128xi32, #tpu.memory_space<vmem>> -> memref<128xi32, #tpu.memory_space<vmem>>
    %dma_wait3A_703 = arith.constant 0 : i32
    %dma_wait3A_704 = arith.constant 0 : i32
    %dma_wait3A_705 = tpu.memref_slice %arg15[%dma_wait3A_703, %dma_wait3A_704] : memref<63496x8xf32, #tpu.memory_space<vmem_shared>> -> memref<63496x8xf32, #tpu.memory_space<vmem_shared>>
    tpu.wait_indirect_dma semaphore(%arg16 : memref<!tpu.dma_semaphore, #tpu.memory_space<semaphore_mem>>) src(%dma_wait3A_699 : memref<128x8xf32, #tpu.memory_space<vmem>>) dst(%dma_wait3A_705 : memref<63496x8xf32, #tpu.memory_space<vmem_shared>>)
    %dma_wait3A_706 = arith.constant 9 : i32
    %dma_wait3A_707 = arith.constant 1152 : i32
    %dma_wait3A_708 = arith.constant 0 : i32
    %dma_wait3A_709 = tpu.memref_slice %arg11[%dma_wait3A_707, %dma_wait3A_708] : memref<5376x8xf32, #tpu.memory_space<vmem>> -> memref<128x8xf32, #tpu.memory_space<vmem>>
    %dma_wait3A_710 = arith.constant 0 : i32
    %dma_wait3A_711 = tpu.memref_slice %arg13[%dma_wait3A_706, %dma_wait3A_710] : memref<42x128xi32, #tpu.memory_space<vmem>> -> memref<1x128xi32, #tpu.memory_space<vmem>>
    %dma_wait3A_712 = tpu.memref_squeeze %dma_wait3A_711 : memref<1x128xi32, #tpu.memory_space<vmem>> -> memref<128xi32, #tpu.memory_space<vmem>>
    %dma_wait3A_713 = arith.constant 0 : i32
    %dma_wait3A_714 = arith.constant 0 : i32
    %dma_wait3A_715 = tpu.memref_slice %arg15[%dma_wait3A_713, %dma_wait3A_714] : memref<63496x8xf32, #tpu.memory_space<vmem_shared>> -> memref<63496x8xf32, #tpu.memory_space<vmem_shared>>
    tpu.wait_indirect_dma semaphore(%arg16 : memref<!tpu.dma_semaphore, #tpu.memory_space<semaphore_mem>>) src(%dma_wait3A_709 : memref<128x8xf32, #tpu.memory_space<vmem>>) dst(%dma_wait3A_715 : memref<63496x8xf32, #tpu.memory_space<vmem_shared>>)
    %dma_wait3A_716 = arith.constant 9 : i32
    %dma_wait3A_717 = arith.constant 1152 : i32
    %dma_wait3A_718 = arith.constant 0 : i32
    %dma_wait3A_719 = tpu.memref_slice %arg11[%dma_wait3A_717, %dma_wait3A_718] : memref<5376x8xf32, #tpu.memory_space<vmem>> -> memref<128x8xf32, #tpu.memory_space<vmem>>
    %dma_wait3A_720 = arith.constant 0 : i32
    %dma_wait3A_721 = tpu.memref_slice %arg14[%dma_wait3A_716, %dma_wait3A_720] : memref<42x128xi32, #tpu.memory_space<vmem>> -> memref<1x128xi32, #tpu.memory_space<vmem>>
    %dma_wait3A_722 = tpu.memref_squeeze %dma_wait3A_721 : memref<1x128xi32, #tpu.memory_space<vmem>> -> memref<128xi32, #tpu.memory_space<vmem>>
    %dma_wait3A_723 = arith.constant 0 : i32
    %dma_wait3A_724 = arith.constant 0 : i32
    %dma_wait3A_725 = tpu.memref_slice %arg15[%dma_wait3A_723, %dma_wait3A_724] : memref<63496x8xf32, #tpu.memory_space<vmem_shared>> -> memref<63496x8xf32, #tpu.memory_space<vmem_shared>>
    tpu.wait_indirect_dma semaphore(%arg16 : memref<!tpu.dma_semaphore, #tpu.memory_space<semaphore_mem>>) src(%dma_wait3A_719 : memref<128x8xf32, #tpu.memory_space<vmem>>) dst(%dma_wait3A_725 : memref<63496x8xf32, #tpu.memory_space<vmem_shared>>)
    %dma_wait3A_726 = arith.constant 10 : i32
    %dma_wait3A_727 = arith.constant 1280 : i32
    %dma_wait3A_728 = arith.constant 0 : i32
    %dma_wait3A_729 = tpu.memref_slice %arg11[%dma_wait3A_727, %dma_wait3A_728] : memref<5376x8xf32, #tpu.memory_space<vmem>> -> memref<128x8xf32, #tpu.memory_space<vmem>>
    %dma_wait3A_730 = arith.constant 0 : i32
    %dma_wait3A_731 = tpu.memref_slice %arg12[%dma_wait3A_726, %dma_wait3A_730] : memref<42x128xi32, #tpu.memory_space<vmem>> -> memref<1x128xi32, #tpu.memory_space<vmem>>
    %dma_wait3A_732 = tpu.memref_squeeze %dma_wait3A_731 : memref<1x128xi32, #tpu.memory_space<vmem>> -> memref<128xi32, #tpu.memory_space<vmem>>
    %dma_wait3A_733 = arith.constant 0 : i32
    %dma_wait3A_734 = arith.constant 0 : i32
    %dma_wait3A_735 = tpu.memref_slice %arg15[%dma_wait3A_733, %dma_wait3A_734] : memref<63496x8xf32, #tpu.memory_space<vmem_shared>> -> memref<63496x8xf32, #tpu.memory_space<vmem_shared>>
    tpu.wait_indirect_dma semaphore(%arg16 : memref<!tpu.dma_semaphore, #tpu.memory_space<semaphore_mem>>) src(%dma_wait3A_729 : memref<128x8xf32, #tpu.memory_space<vmem>>) dst(%dma_wait3A_735 : memref<63496x8xf32, #tpu.memory_space<vmem_shared>>)
    %dma_wait3A_736 = arith.constant 10 : i32
    %dma_wait3A_737 = arith.constant 1280 : i32
    %dma_wait3A_738 = arith.constant 0 : i32
    %dma_wait3A_739 = tpu.memref_slice %arg11[%dma_wait3A_737, %dma_wait3A_738] : memref<5376x8xf32, #tpu.memory_space<vmem>> -> memref<128x8xf32, #tpu.memory_space<vmem>>
    %dma_wait3A_740 = arith.constant 0 : i32
    %dma_wait3A_741 = tpu.memref_slice %arg13[%dma_wait3A_736, %dma_wait3A_740] : memref<42x128xi32, #tpu.memory_space<vmem>> -> memref<1x128xi32, #tpu.memory_space<vmem>>
    %dma_wait3A_742 = tpu.memref_squeeze %dma_wait3A_741 : memref<1x128xi32, #tpu.memory_space<vmem>> -> memref<128xi32, #tpu.memory_space<vmem>>
    %dma_wait3A_743 = arith.constant 0 : i32
    %dma_wait3A_744 = arith.constant 0 : i32
    %dma_wait3A_745 = tpu.memref_slice %arg15[%dma_wait3A_743, %dma_wait3A_744] : memref<63496x8xf32, #tpu.memory_space<vmem_shared>> -> memref<63496x8xf32, #tpu.memory_space<vmem_shared>>
    tpu.wait_indirect_dma semaphore(%arg16 : memref<!tpu.dma_semaphore, #tpu.memory_space<semaphore_mem>>) src(%dma_wait3A_739 : memref<128x8xf32, #tpu.memory_space<vmem>>) dst(%dma_wait3A_745 : memref<63496x8xf32, #tpu.memory_space<vmem_shared>>)
    %dma_wait3A_746 = arith.constant 10 : i32
    %dma_wait3A_747 = arith.constant 1280 : i32
    %dma_wait3A_748 = arith.constant 0 : i32
    %dma_wait3A_749 = tpu.memref_slice %arg11[%dma_wait3A_747, %dma_wait3A_748] : memref<5376x8xf32, #tpu.memory_space<vmem>> -> memref<128x8xf32, #tpu.memory_space<vmem>>
    %dma_wait3A_750 = arith.constant 0 : i32
    %dma_wait3A_751 = tpu.memref_slice %arg14[%dma_wait3A_746, %dma_wait3A_750] : memref<42x128xi32, #tpu.memory_space<vmem>> -> memref<1x128xi32, #tpu.memory_space<vmem>>
    %dma_wait3A_752 = tpu.memref_squeeze %dma_wait3A_751 : memref<1x128xi32, #tpu.memory_space<vmem>> -> memref<128xi32, #tpu.memory_space<vmem>>
    %dma_wait3A_753 = arith.constant 0 : i32
    %dma_wait3A_754 = arith.constant 0 : i32
    %dma_wait3A_755 = tpu.memref_slice %arg15[%dma_wait3A_753, %dma_wait3A_754] : memref<63496x8xf32, #tpu.memory_space<vmem_shared>> -> memref<63496x8xf32, #tpu.memory_space<vmem_shared>>
    tpu.wait_indirect_dma semaphore(%arg16 : memref<!tpu.dma_semaphore, #tpu.memory_space<semaphore_mem>>) src(%dma_wait3A_749 : memref<128x8xf32, #tpu.memory_space<vmem>>) dst(%dma_wait3A_755 : memref<63496x8xf32, #tpu.memory_space<vmem_shared>>)
    %dma_wait3A_756 = arith.constant 11 : i32
    %dma_wait3A_757 = arith.constant 1408 : i32
    %dma_wait3A_758 = arith.constant 0 : i32
    %dma_wait3A_759 = tpu.memref_slice %arg11[%dma_wait3A_757, %dma_wait3A_758] : memref<5376x8xf32, #tpu.memory_space<vmem>> -> memref<128x8xf32, #tpu.memory_space<vmem>>
    %dma_wait3A_760 = arith.constant 0 : i32
    %dma_wait3A_761 = tpu.memref_slice %arg12[%dma_wait3A_756, %dma_wait3A_760] : memref<42x128xi32, #tpu.memory_space<vmem>> -> memref<1x128xi32, #tpu.memory_space<vmem>>
    %dma_wait3A_762 = tpu.memref_squeeze %dma_wait3A_761 : memref<1x128xi32, #tpu.memory_space<vmem>> -> memref<128xi32, #tpu.memory_space<vmem>>
    %dma_wait3A_763 = arith.constant 0 : i32
    %dma_wait3A_764 = arith.constant 0 : i32
    %dma_wait3A_765 = tpu.memref_slice %arg15[%dma_wait3A_763, %dma_wait3A_764] : memref<63496x8xf32, #tpu.memory_space<vmem_shared>> -> memref<63496x8xf32, #tpu.memory_space<vmem_shared>>
    tpu.wait_indirect_dma semaphore(%arg16 : memref<!tpu.dma_semaphore, #tpu.memory_space<semaphore_mem>>) src(%dma_wait3A_759 : memref<128x8xf32, #tpu.memory_space<vmem>>) dst(%dma_wait3A_765 : memref<63496x8xf32, #tpu.memory_space<vmem_shared>>)
    %dma_wait3A_766 = arith.constant 11 : i32
    %dma_wait3A_767 = arith.constant 1408 : i32
    %dma_wait3A_768 = arith.constant 0 : i32
    %dma_wait3A_769 = tpu.memref_slice %arg11[%dma_wait3A_767, %dma_wait3A_768] : memref<5376x8xf32, #tpu.memory_space<vmem>> -> memref<128x8xf32, #tpu.memory_space<vmem>>
    %dma_wait3A_770 = arith.constant 0 : i32
    %dma_wait3A_771 = tpu.memref_slice %arg13[%dma_wait3A_766, %dma_wait3A_770] : memref<42x128xi32, #tpu.memory_space<vmem>> -> memref<1x128xi32, #tpu.memory_space<vmem>>
    %dma_wait3A_772 = tpu.memref_squeeze %dma_wait3A_771 : memref<1x128xi32, #tpu.memory_space<vmem>> -> memref<128xi32, #tpu.memory_space<vmem>>
    %dma_wait3A_773 = arith.constant 0 : i32
    %dma_wait3A_774 = arith.constant 0 : i32
    %dma_wait3A_775 = tpu.memref_slice %arg15[%dma_wait3A_773, %dma_wait3A_774] : memref<63496x8xf32, #tpu.memory_space<vmem_shared>> -> memref<63496x8xf32, #tpu.memory_space<vmem_shared>>
    tpu.wait_indirect_dma semaphore(%arg16 : memref<!tpu.dma_semaphore, #tpu.memory_space<semaphore_mem>>) src(%dma_wait3A_769 : memref<128x8xf32, #tpu.memory_space<vmem>>) dst(%dma_wait3A_775 : memref<63496x8xf32, #tpu.memory_space<vmem_shared>>)
    %dma_wait3A_776 = arith.constant 11 : i32
    %dma_wait3A_777 = arith.constant 1408 : i32
    %dma_wait3A_778 = arith.constant 0 : i32
    %dma_wait3A_779 = tpu.memref_slice %arg11[%dma_wait3A_777, %dma_wait3A_778] : memref<5376x8xf32, #tpu.memory_space<vmem>> -> memref<128x8xf32, #tpu.memory_space<vmem>>
    %dma_wait3A_780 = arith.constant 0 : i32
    %dma_wait3A_781 = tpu.memref_slice %arg14[%dma_wait3A_776, %dma_wait3A_780] : memref<42x128xi32, #tpu.memory_space<vmem>> -> memref<1x128xi32, #tpu.memory_space<vmem>>
    %dma_wait3A_782 = tpu.memref_squeeze %dma_wait3A_781 : memref<1x128xi32, #tpu.memory_space<vmem>> -> memref<128xi32, #tpu.memory_space<vmem>>
    %dma_wait3A_783 = arith.constant 0 : i32
    %dma_wait3A_784 = arith.constant 0 : i32
    %dma_wait3A_785 = tpu.memref_slice %arg15[%dma_wait3A_783, %dma_wait3A_784] : memref<63496x8xf32, #tpu.memory_space<vmem_shared>> -> memref<63496x8xf32, #tpu.memory_space<vmem_shared>>
    tpu.wait_indirect_dma semaphore(%arg16 : memref<!tpu.dma_semaphore, #tpu.memory_space<semaphore_mem>>) src(%dma_wait3A_779 : memref<128x8xf32, #tpu.memory_space<vmem>>) dst(%dma_wait3A_785 : memref<63496x8xf32, #tpu.memory_space<vmem_shared>>)
    %dma_wait3A_786 = arith.constant 12 : i32
    %dma_wait3A_787 = arith.constant 1536 : i32
    %dma_wait3A_788 = arith.constant 0 : i32
    %dma_wait3A_789 = tpu.memref_slice %arg11[%dma_wait3A_787, %dma_wait3A_788] : memref<5376x8xf32, #tpu.memory_space<vmem>> -> memref<128x8xf32, #tpu.memory_space<vmem>>
    %dma_wait3A_790 = arith.constant 0 : i32
    %dma_wait3A_791 = tpu.memref_slice %arg12[%dma_wait3A_786, %dma_wait3A_790] : memref<42x128xi32, #tpu.memory_space<vmem>> -> memref<1x128xi32, #tpu.memory_space<vmem>>
    %dma_wait3A_792 = tpu.memref_squeeze %dma_wait3A_791 : memref<1x128xi32, #tpu.memory_space<vmem>> -> memref<128xi32, #tpu.memory_space<vmem>>
    %dma_wait3A_793 = arith.constant 0 : i32
    %dma_wait3A_794 = arith.constant 0 : i32
    %dma_wait3A_795 = tpu.memref_slice %arg15[%dma_wait3A_793, %dma_wait3A_794] : memref<63496x8xf32, #tpu.memory_space<vmem_shared>> -> memref<63496x8xf32, #tpu.memory_space<vmem_shared>>
    tpu.wait_indirect_dma semaphore(%arg16 : memref<!tpu.dma_semaphore, #tpu.memory_space<semaphore_mem>>) src(%dma_wait3A_789 : memref<128x8xf32, #tpu.memory_space<vmem>>) dst(%dma_wait3A_795 : memref<63496x8xf32, #tpu.memory_space<vmem_shared>>)
    %dma_wait3A_796 = arith.constant 12 : i32
    %dma_wait3A_797 = arith.constant 1536 : i32
    %dma_wait3A_798 = arith.constant 0 : i32
    %dma_wait3A_799 = tpu.memref_slice %arg11[%dma_wait3A_797, %dma_wait3A_798] : memref<5376x8xf32, #tpu.memory_space<vmem>> -> memref<128x8xf32, #tpu.memory_space<vmem>>
    %dma_wait3A_800 = arith.constant 0 : i32
    %dma_wait3A_801 = tpu.memref_slice %arg13[%dma_wait3A_796, %dma_wait3A_800] : memref<42x128xi32, #tpu.memory_space<vmem>> -> memref<1x128xi32, #tpu.memory_space<vmem>>
    %dma_wait3A_802 = tpu.memref_squeeze %dma_wait3A_801 : memref<1x128xi32, #tpu.memory_space<vmem>> -> memref<128xi32, #tpu.memory_space<vmem>>
    %dma_wait3A_803 = arith.constant 0 : i32
    %dma_wait3A_804 = arith.constant 0 : i32
    %dma_wait3A_805 = tpu.memref_slice %arg15[%dma_wait3A_803, %dma_wait3A_804] : memref<63496x8xf32, #tpu.memory_space<vmem_shared>> -> memref<63496x8xf32, #tpu.memory_space<vmem_shared>>
    tpu.wait_indirect_dma semaphore(%arg16 : memref<!tpu.dma_semaphore, #tpu.memory_space<semaphore_mem>>) src(%dma_wait3A_799 : memref<128x8xf32, #tpu.memory_space<vmem>>) dst(%dma_wait3A_805 : memref<63496x8xf32, #tpu.memory_space<vmem_shared>>)
    %dma_wait3A_806 = arith.constant 12 : i32
    %dma_wait3A_807 = arith.constant 1536 : i32
    %dma_wait3A_808 = arith.constant 0 : i32
    %dma_wait3A_809 = tpu.memref_slice %arg11[%dma_wait3A_807, %dma_wait3A_808] : memref<5376x8xf32, #tpu.memory_space<vmem>> -> memref<128x8xf32, #tpu.memory_space<vmem>>
    %dma_wait3A_810 = arith.constant 0 : i32
    %dma_wait3A_811 = tpu.memref_slice %arg14[%dma_wait3A_806, %dma_wait3A_810] : memref<42x128xi32, #tpu.memory_space<vmem>> -> memref<1x128xi32, #tpu.memory_space<vmem>>
    %dma_wait3A_812 = tpu.memref_squeeze %dma_wait3A_811 : memref<1x128xi32, #tpu.memory_space<vmem>> -> memref<128xi32, #tpu.memory_space<vmem>>
    %dma_wait3A_813 = arith.constant 0 : i32
    %dma_wait3A_814 = arith.constant 0 : i32
    %dma_wait3A_815 = tpu.memref_slice %arg15[%dma_wait3A_813, %dma_wait3A_814] : memref<63496x8xf32, #tpu.memory_space<vmem_shared>> -> memref<63496x8xf32, #tpu.memory_space<vmem_shared>>
    tpu.wait_indirect_dma semaphore(%arg16 : memref<!tpu.dma_semaphore, #tpu.memory_space<semaphore_mem>>) src(%dma_wait3A_809 : memref<128x8xf32, #tpu.memory_space<vmem>>) dst(%dma_wait3A_815 : memref<63496x8xf32, #tpu.memory_space<vmem_shared>>)
    %dma_wait3A_816 = arith.constant 13 : i32
    %dma_wait3A_817 = arith.constant 1664 : i32
    %dma_wait3A_818 = arith.constant 0 : i32
    %dma_wait3A_819 = tpu.memref_slice %arg11[%dma_wait3A_817, %dma_wait3A_818] : memref<5376x8xf32, #tpu.memory_space<vmem>> -> memref<128x8xf32, #tpu.memory_space<vmem>>
    %dma_wait3A_820 = arith.constant 0 : i32
    %dma_wait3A_821 = tpu.memref_slice %arg12[%dma_wait3A_816, %dma_wait3A_820] : memref<42x128xi32, #tpu.memory_space<vmem>> -> memref<1x128xi32, #tpu.memory_space<vmem>>
    %dma_wait3A_822 = tpu.memref_squeeze %dma_wait3A_821 : memref<1x128xi32, #tpu.memory_space<vmem>> -> memref<128xi32, #tpu.memory_space<vmem>>
    %dma_wait3A_823 = arith.constant 0 : i32
    %dma_wait3A_824 = arith.constant 0 : i32
    %dma_wait3A_825 = tpu.memref_slice %arg15[%dma_wait3A_823, %dma_wait3A_824] : memref<63496x8xf32, #tpu.memory_space<vmem_shared>> -> memref<63496x8xf32, #tpu.memory_space<vmem_shared>>
    tpu.wait_indirect_dma semaphore(%arg16 : memref<!tpu.dma_semaphore, #tpu.memory_space<semaphore_mem>>) src(%dma_wait3A_819 : memref<128x8xf32, #tpu.memory_space<vmem>>) dst(%dma_wait3A_825 : memref<63496x8xf32, #tpu.memory_space<vmem_shared>>)
    %dma_wait3A_826 = arith.constant 13 : i32
    %dma_wait3A_827 = arith.constant 1664 : i32
    %dma_wait3A_828 = arith.constant 0 : i32
    %dma_wait3A_829 = tpu.memref_slice %arg11[%dma_wait3A_827, %dma_wait3A_828] : memref<5376x8xf32, #tpu.memory_space<vmem>> -> memref<128x8xf32, #tpu.memory_space<vmem>>
    %dma_wait3A_830 = arith.constant 0 : i32
    %dma_wait3A_831 = tpu.memref_slice %arg13[%dma_wait3A_826, %dma_wait3A_830] : memref<42x128xi32, #tpu.memory_space<vmem>> -> memref<1x128xi32, #tpu.memory_space<vmem>>
    %dma_wait3A_832 = tpu.memref_squeeze %dma_wait3A_831 : memref<1x128xi32, #tpu.memory_space<vmem>> -> memref<128xi32, #tpu.memory_space<vmem>>
    %dma_wait3A_833 = arith.constant 0 : i32
    %dma_wait3A_834 = arith.constant 0 : i32
    %dma_wait3A_835 = tpu.memref_slice %arg15[%dma_wait3A_833, %dma_wait3A_834] : memref<63496x8xf32, #tpu.memory_space<vmem_shared>> -> memref<63496x8xf32, #tpu.memory_space<vmem_shared>>
    tpu.wait_indirect_dma semaphore(%arg16 : memref<!tpu.dma_semaphore, #tpu.memory_space<semaphore_mem>>) src(%dma_wait3A_829 : memref<128x8xf32, #tpu.memory_space<vmem>>) dst(%dma_wait3A_835 : memref<63496x8xf32, #tpu.memory_space<vmem_shared>>)
    %dma_wait3A_836 = arith.constant 13 : i32
    %dma_wait3A_837 = arith.constant 1664 : i32
    %dma_wait3A_838 = arith.constant 0 : i32
    %dma_wait3A_839 = tpu.memref_slice %arg11[%dma_wait3A_837, %dma_wait3A_838] : memref<5376x8xf32, #tpu.memory_space<vmem>> -> memref<128x8xf32, #tpu.memory_space<vmem>>
    %dma_wait3A_840 = arith.constant 0 : i32
    %dma_wait3A_841 = tpu.memref_slice %arg14[%dma_wait3A_836, %dma_wait3A_840] : memref<42x128xi32, #tpu.memory_space<vmem>> -> memref<1x128xi32, #tpu.memory_space<vmem>>
    %dma_wait3A_842 = tpu.memref_squeeze %dma_wait3A_841 : memref<1x128xi32, #tpu.memory_space<vmem>> -> memref<128xi32, #tpu.memory_space<vmem>>
    %dma_wait3A_843 = arith.constant 0 : i32
    %dma_wait3A_844 = arith.constant 0 : i32
    %dma_wait3A_845 = tpu.memref_slice %arg15[%dma_wait3A_843, %dma_wait3A_844] : memref<63496x8xf32, #tpu.memory_space<vmem_shared>> -> memref<63496x8xf32, #tpu.memory_space<vmem_shared>>
    tpu.wait_indirect_dma semaphore(%arg16 : memref<!tpu.dma_semaphore, #tpu.memory_space<semaphore_mem>>) src(%dma_wait3A_839 : memref<128x8xf32, #tpu.memory_space<vmem>>) dst(%dma_wait3A_845 : memref<63496x8xf32, #tpu.memory_space<vmem_shared>>)
    %dma_start3A_846 = arith.constant 14 : i32
    %dma_start3A_847 = arith.constant 1792 : i32
    %dma_start3A_848 = arith.constant 0 : i32
    %dma_start3A_849 = tpu.memref_slice %arg11[%dma_start3A_847, %dma_start3A_848] : memref<5376x8xf32, #tpu.memory_space<vmem>> -> memref<128x8xf32, #tpu.memory_space<vmem>>
    %dma_start3A_850 = arith.constant 0 : i32
    %dma_start3A_851 = tpu.memref_slice %arg12[%dma_start3A_846, %dma_start3A_850] : memref<42x128xi32, #tpu.memory_space<vmem>> -> memref<1x128xi32, #tpu.memory_space<vmem>>
    %dma_start3A_852 = tpu.memref_squeeze %dma_start3A_851 : memref<1x128xi32, #tpu.memory_space<vmem>> -> memref<128xi32, #tpu.memory_space<vmem>>
    %dma_start3A_853 = arith.constant 0 : i32
    %dma_start3A_854 = arith.constant 0 : i32
    %dma_start3A_855 = tpu.memref_slice %arg15[%dma_start3A_853, %dma_start3A_854] : memref<63496x8xf32, #tpu.memory_space<vmem_shared>> -> memref<63496x8xf32, #tpu.memory_space<vmem_shared>>
    tpu.enqueue_indirect_dma source(%dma_start3A_849 : memref<128x8xf32, #tpu.memory_space<vmem>>) target(%dma_start3A_855 : memref<63496x8xf32, #tpu.memory_space<vmem_shared>>) offsets(%dma_start3A_852 : memref<128xi32, #tpu.memory_space<vmem>>) semaphore(%arg16 : memref<!tpu.dma_semaphore, #tpu.memory_space<semaphore_mem>>)
    %dma_start3A_856 = arith.constant 14 : i32
    %dma_start3A_857 = arith.constant 1792 : i32
    %dma_start3A_858 = arith.constant 0 : i32
    %dma_start3A_859 = tpu.memref_slice %arg11[%dma_start3A_857, %dma_start3A_858] : memref<5376x8xf32, #tpu.memory_space<vmem>> -> memref<128x8xf32, #tpu.memory_space<vmem>>
    %dma_start3A_860 = arith.constant 0 : i32
    %dma_start3A_861 = tpu.memref_slice %arg13[%dma_start3A_856, %dma_start3A_860] : memref<42x128xi32, #tpu.memory_space<vmem>> -> memref<1x128xi32, #tpu.memory_space<vmem>>
    %dma_start3A_862 = tpu.memref_squeeze %dma_start3A_861 : memref<1x128xi32, #tpu.memory_space<vmem>> -> memref<128xi32, #tpu.memory_space<vmem>>
    %dma_start3A_863 = arith.constant 0 : i32
    %dma_start3A_864 = arith.constant 0 : i32
    %dma_start3A_865 = tpu.memref_slice %arg15[%dma_start3A_863, %dma_start3A_864] : memref<63496x8xf32, #tpu.memory_space<vmem_shared>> -> memref<63496x8xf32, #tpu.memory_space<vmem_shared>>
    tpu.enqueue_indirect_dma source(%dma_start3A_859 : memref<128x8xf32, #tpu.memory_space<vmem>>) target(%dma_start3A_865 : memref<63496x8xf32, #tpu.memory_space<vmem_shared>>) offsets(%dma_start3A_862 : memref<128xi32, #tpu.memory_space<vmem>>) semaphore(%arg16 : memref<!tpu.dma_semaphore, #tpu.memory_space<semaphore_mem>>)
    %dma_start3A_866 = arith.constant 14 : i32
    %dma_start3A_867 = arith.constant 1792 : i32
    %dma_start3A_868 = arith.constant 0 : i32
    %dma_start3A_869 = tpu.memref_slice %arg11[%dma_start3A_867, %dma_start3A_868] : memref<5376x8xf32, #tpu.memory_space<vmem>> -> memref<128x8xf32, #tpu.memory_space<vmem>>
    %dma_start3A_870 = arith.constant 0 : i32
    %dma_start3A_871 = tpu.memref_slice %arg14[%dma_start3A_866, %dma_start3A_870] : memref<42x128xi32, #tpu.memory_space<vmem>> -> memref<1x128xi32, #tpu.memory_space<vmem>>
    %dma_start3A_872 = tpu.memref_squeeze %dma_start3A_871 : memref<1x128xi32, #tpu.memory_space<vmem>> -> memref<128xi32, #tpu.memory_space<vmem>>
    %dma_start3A_873 = arith.constant 0 : i32
    %dma_start3A_874 = arith.constant 0 : i32
    %dma_start3A_875 = tpu.memref_slice %arg15[%dma_start3A_873, %dma_start3A_874] : memref<63496x8xf32, #tpu.memory_space<vmem_shared>> -> memref<63496x8xf32, #tpu.memory_space<vmem_shared>>
    tpu.enqueue_indirect_dma source(%dma_start3A_869 : memref<128x8xf32, #tpu.memory_space<vmem>>) target(%dma_start3A_875 : memref<63496x8xf32, #tpu.memory_space<vmem_shared>>) offsets(%dma_start3A_872 : memref<128xi32, #tpu.memory_space<vmem>>) semaphore(%arg16 : memref<!tpu.dma_semaphore, #tpu.memory_space<semaphore_mem>>)
    %dma_start3A_876 = arith.constant 15 : i32
    %dma_start3A_877 = arith.constant 1920 : i32
    %dma_start3A_878 = arith.constant 0 : i32
    %dma_start3A_879 = tpu.memref_slice %arg11[%dma_start3A_877, %dma_start3A_878] : memref<5376x8xf32, #tpu.memory_space<vmem>> -> memref<128x8xf32, #tpu.memory_space<vmem>>
    %dma_start3A_880 = arith.constant 0 : i32
    %dma_start3A_881 = tpu.memref_slice %arg12[%dma_start3A_876, %dma_start3A_880] : memref<42x128xi32, #tpu.memory_space<vmem>> -> memref<1x128xi32, #tpu.memory_space<vmem>>
    %dma_start3A_882 = tpu.memref_squeeze %dma_start3A_881 : memref<1x128xi32, #tpu.memory_space<vmem>> -> memref<128xi32, #tpu.memory_space<vmem>>
    %dma_start3A_883 = arith.constant 0 : i32
    %dma_start3A_884 = arith.constant 0 : i32
    %dma_start3A_885 = tpu.memref_slice %arg15[%dma_start3A_883, %dma_start3A_884] : memref<63496x8xf32, #tpu.memory_space<vmem_shared>> -> memref<63496x8xf32, #tpu.memory_space<vmem_shared>>
    tpu.enqueue_indirect_dma source(%dma_start3A_879 : memref<128x8xf32, #tpu.memory_space<vmem>>) target(%dma_start3A_885 : memref<63496x8xf32, #tpu.memory_space<vmem_shared>>) offsets(%dma_start3A_882 : memref<128xi32, #tpu.memory_space<vmem>>) semaphore(%arg16 : memref<!tpu.dma_semaphore, #tpu.memory_space<semaphore_mem>>)
    %dma_start3A_886 = arith.constant 15 : i32
    %dma_start3A_887 = arith.constant 1920 : i32
    %dma_start3A_888 = arith.constant 0 : i32
    %dma_start3A_889 = tpu.memref_slice %arg11[%dma_start3A_887, %dma_start3A_888] : memref<5376x8xf32, #tpu.memory_space<vmem>> -> memref<128x8xf32, #tpu.memory_space<vmem>>
    %dma_start3A_890 = arith.constant 0 : i32
    %dma_start3A_891 = tpu.memref_slice %arg13[%dma_start3A_886, %dma_start3A_890] : memref<42x128xi32, #tpu.memory_space<vmem>> -> memref<1x128xi32, #tpu.memory_space<vmem>>
    %dma_start3A_892 = tpu.memref_squeeze %dma_start3A_891 : memref<1x128xi32, #tpu.memory_space<vmem>> -> memref<128xi32, #tpu.memory_space<vmem>>
    %dma_start3A_893 = arith.constant 0 : i32
    %dma_start3A_894 = arith.constant 0 : i32
    %dma_start3A_895 = tpu.memref_slice %arg15[%dma_start3A_893, %dma_start3A_894] : memref<63496x8xf32, #tpu.memory_space<vmem_shared>> -> memref<63496x8xf32, #tpu.memory_space<vmem_shared>>
    tpu.enqueue_indirect_dma source(%dma_start3A_889 : memref<128x8xf32, #tpu.memory_space<vmem>>) target(%dma_start3A_895 : memref<63496x8xf32, #tpu.memory_space<vmem_shared>>) offsets(%dma_start3A_892 : memref<128xi32, #tpu.memory_space<vmem>>) semaphore(%arg16 : memref<!tpu.dma_semaphore, #tpu.memory_space<semaphore_mem>>)
    %dma_start3A_896 = arith.constant 15 : i32
    %dma_start3A_897 = arith.constant 1920 : i32
    %dma_start3A_898 = arith.constant 0 : i32
    %dma_start3A_899 = tpu.memref_slice %arg11[%dma_start3A_897, %dma_start3A_898] : memref<5376x8xf32, #tpu.memory_space<vmem>> -> memref<128x8xf32, #tpu.memory_space<vmem>>
    %dma_start3A_900 = arith.constant 0 : i32
    %dma_start3A_901 = tpu.memref_slice %arg14[%dma_start3A_896, %dma_start3A_900] : memref<42x128xi32, #tpu.memory_space<vmem>> -> memref<1x128xi32, #tpu.memory_space<vmem>>
    %dma_start3A_902 = tpu.memref_squeeze %dma_start3A_901 : memref<1x128xi32, #tpu.memory_space<vmem>> -> memref<128xi32, #tpu.memory_space<vmem>>
    %dma_start3A_903 = arith.constant 0 : i32
    %dma_start3A_904 = arith.constant 0 : i32
    %dma_start3A_905 = tpu.memref_slice %arg15[%dma_start3A_903, %dma_start3A_904] : memref<63496x8xf32, #tpu.memory_space<vmem_shared>> -> memref<63496x8xf32, #tpu.memory_space<vmem_shared>>
    tpu.enqueue_indirect_dma source(%dma_start3A_899 : memref<128x8xf32, #tpu.memory_space<vmem>>) target(%dma_start3A_905 : memref<63496x8xf32, #tpu.memory_space<vmem_shared>>) offsets(%dma_start3A_902 : memref<128xi32, #tpu.memory_space<vmem>>) semaphore(%arg16 : memref<!tpu.dma_semaphore, #tpu.memory_space<semaphore_mem>>)
    %dma_start3A_906 = arith.constant 16 : i32
    %dma_start3A_907 = arith.constant 2048 : i32
    %dma_start3A_908 = arith.constant 0 : i32
    %dma_start3A_909 = tpu.memref_slice %arg11[%dma_start3A_907, %dma_start3A_908] : memref<5376x8xf32, #tpu.memory_space<vmem>> -> memref<128x8xf32, #tpu.memory_space<vmem>>
    %dma_start3A_910 = arith.constant 0 : i32
    %dma_start3A_911 = tpu.memref_slice %arg12[%dma_start3A_906, %dma_start3A_910] : memref<42x128xi32, #tpu.memory_space<vmem>> -> memref<1x128xi32, #tpu.memory_space<vmem>>
    %dma_start3A_912 = tpu.memref_squeeze %dma_start3A_911 : memref<1x128xi32, #tpu.memory_space<vmem>> -> memref<128xi32, #tpu.memory_space<vmem>>
    %dma_start3A_913 = arith.constant 0 : i32
    %dma_start3A_914 = arith.constant 0 : i32
    %dma_start3A_915 = tpu.memref_slice %arg15[%dma_start3A_913, %dma_start3A_914] : memref<63496x8xf32, #tpu.memory_space<vmem_shared>> -> memref<63496x8xf32, #tpu.memory_space<vmem_shared>>
    tpu.enqueue_indirect_dma source(%dma_start3A_909 : memref<128x8xf32, #tpu.memory_space<vmem>>) target(%dma_start3A_915 : memref<63496x8xf32, #tpu.memory_space<vmem_shared>>) offsets(%dma_start3A_912 : memref<128xi32, #tpu.memory_space<vmem>>) semaphore(%arg16 : memref<!tpu.dma_semaphore, #tpu.memory_space<semaphore_mem>>)
    %dma_start3A_916 = arith.constant 16 : i32
    %dma_start3A_917 = arith.constant 2048 : i32
    %dma_start3A_918 = arith.constant 0 : i32
    %dma_start3A_919 = tpu.memref_slice %arg11[%dma_start3A_917, %dma_start3A_918] : memref<5376x8xf32, #tpu.memory_space<vmem>> -> memref<128x8xf32, #tpu.memory_space<vmem>>
    %dma_start3A_920 = arith.constant 0 : i32
    %dma_start3A_921 = tpu.memref_slice %arg13[%dma_start3A_916, %dma_start3A_920] : memref<42x128xi32, #tpu.memory_space<vmem>> -> memref<1x128xi32, #tpu.memory_space<vmem>>
    %dma_start3A_922 = tpu.memref_squeeze %dma_start3A_921 : memref<1x128xi32, #tpu.memory_space<vmem>> -> memref<128xi32, #tpu.memory_space<vmem>>
    %dma_start3A_923 = arith.constant 0 : i32
    %dma_start3A_924 = arith.constant 0 : i32
    %dma_start3A_925 = tpu.memref_slice %arg15[%dma_start3A_923, %dma_start3A_924] : memref<63496x8xf32, #tpu.memory_space<vmem_shared>> -> memref<63496x8xf32, #tpu.memory_space<vmem_shared>>
    tpu.enqueue_indirect_dma source(%dma_start3A_919 : memref<128x8xf32, #tpu.memory_space<vmem>>) target(%dma_start3A_925 : memref<63496x8xf32, #tpu.memory_space<vmem_shared>>) offsets(%dma_start3A_922 : memref<128xi32, #tpu.memory_space<vmem>>) semaphore(%arg16 : memref<!tpu.dma_semaphore, #tpu.memory_space<semaphore_mem>>)
    %dma_start3A_926 = arith.constant 16 : i32
    %dma_start3A_927 = arith.constant 2048 : i32
    %dma_start3A_928 = arith.constant 0 : i32
    %dma_start3A_929 = tpu.memref_slice %arg11[%dma_start3A_927, %dma_start3A_928] : memref<5376x8xf32, #tpu.memory_space<vmem>> -> memref<128x8xf32, #tpu.memory_space<vmem>>
    %dma_start3A_930 = arith.constant 0 : i32
    %dma_start3A_931 = tpu.memref_slice %arg14[%dma_start3A_926, %dma_start3A_930] : memref<42x128xi32, #tpu.memory_space<vmem>> -> memref<1x128xi32, #tpu.memory_space<vmem>>
    %dma_start3A_932 = tpu.memref_squeeze %dma_start3A_931 : memref<1x128xi32, #tpu.memory_space<vmem>> -> memref<128xi32, #tpu.memory_space<vmem>>
    %dma_start3A_933 = arith.constant 0 : i32
    %dma_start3A_934 = arith.constant 0 : i32
    %dma_start3A_935 = tpu.memref_slice %arg15[%dma_start3A_933, %dma_start3A_934] : memref<63496x8xf32, #tpu.memory_space<vmem_shared>> -> memref<63496x8xf32, #tpu.memory_space<vmem_shared>>
    tpu.enqueue_indirect_dma source(%dma_start3A_929 : memref<128x8xf32, #tpu.memory_space<vmem>>) target(%dma_start3A_935 : memref<63496x8xf32, #tpu.memory_space<vmem_shared>>) offsets(%dma_start3A_932 : memref<128xi32, #tpu.memory_space<vmem>>) semaphore(%arg16 : memref<!tpu.dma_semaphore, #tpu.memory_space<semaphore_mem>>)
    %dma_start3A_936 = arith.constant 17 : i32
    %dma_start3A_937 = arith.constant 2176 : i32
    %dma_start3A_938 = arith.constant 0 : i32
    %dma_start3A_939 = tpu.memref_slice %arg11[%dma_start3A_937, %dma_start3A_938] : memref<5376x8xf32, #tpu.memory_space<vmem>> -> memref<128x8xf32, #tpu.memory_space<vmem>>
    %dma_start3A_940 = arith.constant 0 : i32
    %dma_start3A_941 = tpu.memref_slice %arg12[%dma_start3A_936, %dma_start3A_940] : memref<42x128xi32, #tpu.memory_space<vmem>> -> memref<1x128xi32, #tpu.memory_space<vmem>>
    %dma_start3A_942 = tpu.memref_squeeze %dma_start3A_941 : memref<1x128xi32, #tpu.memory_space<vmem>> -> memref<128xi32, #tpu.memory_space<vmem>>
    %dma_start3A_943 = arith.constant 0 : i32
    %dma_start3A_944 = arith.constant 0 : i32
    %dma_start3A_945 = tpu.memref_slice %arg15[%dma_start3A_943, %dma_start3A_944] : memref<63496x8xf32, #tpu.memory_space<vmem_shared>> -> memref<63496x8xf32, #tpu.memory_space<vmem_shared>>
    tpu.enqueue_indirect_dma source(%dma_start3A_939 : memref<128x8xf32, #tpu.memory_space<vmem>>) target(%dma_start3A_945 : memref<63496x8xf32, #tpu.memory_space<vmem_shared>>) offsets(%dma_start3A_942 : memref<128xi32, #tpu.memory_space<vmem>>) semaphore(%arg16 : memref<!tpu.dma_semaphore, #tpu.memory_space<semaphore_mem>>)
    %dma_start3A_946 = arith.constant 17 : i32
    %dma_start3A_947 = arith.constant 2176 : i32
    %dma_start3A_948 = arith.constant 0 : i32
    %dma_start3A_949 = tpu.memref_slice %arg11[%dma_start3A_947, %dma_start3A_948] : memref<5376x8xf32, #tpu.memory_space<vmem>> -> memref<128x8xf32, #tpu.memory_space<vmem>>
    %dma_start3A_950 = arith.constant 0 : i32
    %dma_start3A_951 = tpu.memref_slice %arg13[%dma_start3A_946, %dma_start3A_950] : memref<42x128xi32, #tpu.memory_space<vmem>> -> memref<1x128xi32, #tpu.memory_space<vmem>>
    %dma_start3A_952 = tpu.memref_squeeze %dma_start3A_951 : memref<1x128xi32, #tpu.memory_space<vmem>> -> memref<128xi32, #tpu.memory_space<vmem>>
    %dma_start3A_953 = arith.constant 0 : i32
    %dma_start3A_954 = arith.constant 0 : i32
    %dma_start3A_955 = tpu.memref_slice %arg15[%dma_start3A_953, %dma_start3A_954] : memref<63496x8xf32, #tpu.memory_space<vmem_shared>> -> memref<63496x8xf32, #tpu.memory_space<vmem_shared>>
    tpu.enqueue_indirect_dma source(%dma_start3A_949 : memref<128x8xf32, #tpu.memory_space<vmem>>) target(%dma_start3A_955 : memref<63496x8xf32, #tpu.memory_space<vmem_shared>>) offsets(%dma_start3A_952 : memref<128xi32, #tpu.memory_space<vmem>>) semaphore(%arg16 : memref<!tpu.dma_semaphore, #tpu.memory_space<semaphore_mem>>)
    %dma_start3A_956 = arith.constant 17 : i32
    %dma_start3A_957 = arith.constant 2176 : i32
    %dma_start3A_958 = arith.constant 0 : i32
    %dma_start3A_959 = tpu.memref_slice %arg11[%dma_start3A_957, %dma_start3A_958] : memref<5376x8xf32, #tpu.memory_space<vmem>> -> memref<128x8xf32, #tpu.memory_space<vmem>>
    %dma_start3A_960 = arith.constant 0 : i32
    %dma_start3A_961 = tpu.memref_slice %arg14[%dma_start3A_956, %dma_start3A_960] : memref<42x128xi32, #tpu.memory_space<vmem>> -> memref<1x128xi32, #tpu.memory_space<vmem>>
    %dma_start3A_962 = tpu.memref_squeeze %dma_start3A_961 : memref<1x128xi32, #tpu.memory_space<vmem>> -> memref<128xi32, #tpu.memory_space<vmem>>
    %dma_start3A_963 = arith.constant 0 : i32
    %dma_start3A_964 = arith.constant 0 : i32
    %dma_start3A_965 = tpu.memref_slice %arg15[%dma_start3A_963, %dma_start3A_964] : memref<63496x8xf32, #tpu.memory_space<vmem_shared>> -> memref<63496x8xf32, #tpu.memory_space<vmem_shared>>
    tpu.enqueue_indirect_dma source(%dma_start3A_959 : memref<128x8xf32, #tpu.memory_space<vmem>>) target(%dma_start3A_965 : memref<63496x8xf32, #tpu.memory_space<vmem_shared>>) offsets(%dma_start3A_962 : memref<128xi32, #tpu.memory_space<vmem>>) semaphore(%arg16 : memref<!tpu.dma_semaphore, #tpu.memory_space<semaphore_mem>>)
    %dma_start3A_966 = arith.constant 18 : i32
    %dma_start3A_967 = arith.constant 2304 : i32
    %dma_start3A_968 = arith.constant 0 : i32
    %dma_start3A_969 = tpu.memref_slice %arg11[%dma_start3A_967, %dma_start3A_968] : memref<5376x8xf32, #tpu.memory_space<vmem>> -> memref<128x8xf32, #tpu.memory_space<vmem>>
    %dma_start3A_970 = arith.constant 0 : i32
    %dma_start3A_971 = tpu.memref_slice %arg12[%dma_start3A_966, %dma_start3A_970] : memref<42x128xi32, #tpu.memory_space<vmem>> -> memref<1x128xi32, #tpu.memory_space<vmem>>
    %dma_start3A_972 = tpu.memref_squeeze %dma_start3A_971 : memref<1x128xi32, #tpu.memory_space<vmem>> -> memref<128xi32, #tpu.memory_space<vmem>>
    %dma_start3A_973 = arith.constant 0 : i32
    %dma_start3A_974 = arith.constant 0 : i32
    %dma_start3A_975 = tpu.memref_slice %arg15[%dma_start3A_973, %dma_start3A_974] : memref<63496x8xf32, #tpu.memory_space<vmem_shared>> -> memref<63496x8xf32, #tpu.memory_space<vmem_shared>>
    tpu.enqueue_indirect_dma source(%dma_start3A_969 : memref<128x8xf32, #tpu.memory_space<vmem>>) target(%dma_start3A_975 : memref<63496x8xf32, #tpu.memory_space<vmem_shared>>) offsets(%dma_start3A_972 : memref<128xi32, #tpu.memory_space<vmem>>) semaphore(%arg16 : memref<!tpu.dma_semaphore, #tpu.memory_space<semaphore_mem>>)
    %dma_start3A_976 = arith.constant 18 : i32
    %dma_start3A_977 = arith.constant 2304 : i32
    %dma_start3A_978 = arith.constant 0 : i32
    %dma_start3A_979 = tpu.memref_slice %arg11[%dma_start3A_977, %dma_start3A_978] : memref<5376x8xf32, #tpu.memory_space<vmem>> -> memref<128x8xf32, #tpu.memory_space<vmem>>
    %dma_start3A_980 = arith.constant 0 : i32
    %dma_start3A_981 = tpu.memref_slice %arg13[%dma_start3A_976, %dma_start3A_980] : memref<42x128xi32, #tpu.memory_space<vmem>> -> memref<1x128xi32, #tpu.memory_space<vmem>>
    %dma_start3A_982 = tpu.memref_squeeze %dma_start3A_981 : memref<1x128xi32, #tpu.memory_space<vmem>> -> memref<128xi32, #tpu.memory_space<vmem>>
    %dma_start3A_983 = arith.constant 0 : i32
    %dma_start3A_984 = arith.constant 0 : i32
    %dma_start3A_985 = tpu.memref_slice %arg15[%dma_start3A_983, %dma_start3A_984] : memref<63496x8xf32, #tpu.memory_space<vmem_shared>> -> memref<63496x8xf32, #tpu.memory_space<vmem_shared>>
    tpu.enqueue_indirect_dma source(%dma_start3A_979 : memref<128x8xf32, #tpu.memory_space<vmem>>) target(%dma_start3A_985 : memref<63496x8xf32, #tpu.memory_space<vmem_shared>>) offsets(%dma_start3A_982 : memref<128xi32, #tpu.memory_space<vmem>>) semaphore(%arg16 : memref<!tpu.dma_semaphore, #tpu.memory_space<semaphore_mem>>)
    %dma_start3A_986 = arith.constant 18 : i32
    %dma_start3A_987 = arith.constant 2304 : i32
    %dma_start3A_988 = arith.constant 0 : i32
    %dma_start3A_989 = tpu.memref_slice %arg11[%dma_start3A_987, %dma_start3A_988] : memref<5376x8xf32, #tpu.memory_space<vmem>> -> memref<128x8xf32, #tpu.memory_space<vmem>>
    %dma_start3A_990 = arith.constant 0 : i32
    %dma_start3A_991 = tpu.memref_slice %arg14[%dma_start3A_986, %dma_start3A_990] : memref<42x128xi32, #tpu.memory_space<vmem>> -> memref<1x128xi32, #tpu.memory_space<vmem>>
    %dma_start3A_992 = tpu.memref_squeeze %dma_start3A_991 : memref<1x128xi32, #tpu.memory_space<vmem>> -> memref<128xi32, #tpu.memory_space<vmem>>
    %dma_start3A_993 = arith.constant 0 : i32
    %dma_start3A_994 = arith.constant 0 : i32
    %dma_start3A_995 = tpu.memref_slice %arg15[%dma_start3A_993, %dma_start3A_994] : memref<63496x8xf32, #tpu.memory_space<vmem_shared>> -> memref<63496x8xf32, #tpu.memory_space<vmem_shared>>
    tpu.enqueue_indirect_dma source(%dma_start3A_989 : memref<128x8xf32, #tpu.memory_space<vmem>>) target(%dma_start3A_995 : memref<63496x8xf32, #tpu.memory_space<vmem_shared>>) offsets(%dma_start3A_992 : memref<128xi32, #tpu.memory_space<vmem>>) semaphore(%arg16 : memref<!tpu.dma_semaphore, #tpu.memory_space<semaphore_mem>>)
    %dma_start3A_996 = arith.constant 19 : i32
    %dma_start3A_997 = arith.constant 2432 : i32
    %dma_start3A_998 = arith.constant 0 : i32
    %dma_start3A_999 = tpu.memref_slice %arg11[%dma_start3A_997, %dma_start3A_998] : memref<5376x8xf32, #tpu.memory_space<vmem>> -> memref<128x8xf32, #tpu.memory_space<vmem>>
    %dma_start3A_1000 = arith.constant 0 : i32
    %dma_start3A_1001 = tpu.memref_slice %arg12[%dma_start3A_996, %dma_start3A_1000] : memref<42x128xi32, #tpu.memory_space<vmem>> -> memref<1x128xi32, #tpu.memory_space<vmem>>
    %dma_start3A_1002 = tpu.memref_squeeze %dma_start3A_1001 : memref<1x128xi32, #tpu.memory_space<vmem>> -> memref<128xi32, #tpu.memory_space<vmem>>
    %dma_start3A_1003 = arith.constant 0 : i32
    %dma_start3A_1004 = arith.constant 0 : i32
    %dma_start3A_1005 = tpu.memref_slice %arg15[%dma_start3A_1003, %dma_start3A_1004] : memref<63496x8xf32, #tpu.memory_space<vmem_shared>> -> memref<63496x8xf32, #tpu.memory_space<vmem_shared>>
    tpu.enqueue_indirect_dma source(%dma_start3A_999 : memref<128x8xf32, #tpu.memory_space<vmem>>) target(%dma_start3A_1005 : memref<63496x8xf32, #tpu.memory_space<vmem_shared>>) offsets(%dma_start3A_1002 : memref<128xi32, #tpu.memory_space<vmem>>) semaphore(%arg16 : memref<!tpu.dma_semaphore, #tpu.memory_space<semaphore_mem>>)
    %dma_start3A_1006 = arith.constant 19 : i32
    %dma_start3A_1007 = arith.constant 2432 : i32
    %dma_start3A_1008 = arith.constant 0 : i32
    %dma_start3A_1009 = tpu.memref_slice %arg11[%dma_start3A_1007, %dma_start3A_1008] : memref<5376x8xf32, #tpu.memory_space<vmem>> -> memref<128x8xf32, #tpu.memory_space<vmem>>
    %dma_start3A_1010 = arith.constant 0 : i32
    %dma_start3A_1011 = tpu.memref_slice %arg13[%dma_start3A_1006, %dma_start3A_1010] : memref<42x128xi32, #tpu.memory_space<vmem>> -> memref<1x128xi32, #tpu.memory_space<vmem>>
    %dma_start3A_1012 = tpu.memref_squeeze %dma_start3A_1011 : memref<1x128xi32, #tpu.memory_space<vmem>> -> memref<128xi32, #tpu.memory_space<vmem>>
    %dma_start3A_1013 = arith.constant 0 : i32
    %dma_start3A_1014 = arith.constant 0 : i32
    %dma_start3A_1015 = tpu.memref_slice %arg15[%dma_start3A_1013, %dma_start3A_1014] : memref<63496x8xf32, #tpu.memory_space<vmem_shared>> -> memref<63496x8xf32, #tpu.memory_space<vmem_shared>>
    tpu.enqueue_indirect_dma source(%dma_start3A_1009 : memref<128x8xf32, #tpu.memory_space<vmem>>) target(%dma_start3A_1015 : memref<63496x8xf32, #tpu.memory_space<vmem_shared>>) offsets(%dma_start3A_1012 : memref<128xi32, #tpu.memory_space<vmem>>) semaphore(%arg16 : memref<!tpu.dma_semaphore, #tpu.memory_space<semaphore_mem>>)
    %dma_start3A_1016 = arith.constant 19 : i32
    %dma_start3A_1017 = arith.constant 2432 : i32
    %dma_start3A_1018 = arith.constant 0 : i32
    %dma_start3A_1019 = tpu.memref_slice %arg11[%dma_start3A_1017, %dma_start3A_1018] : memref<5376x8xf32, #tpu.memory_space<vmem>> -> memref<128x8xf32, #tpu.memory_space<vmem>>
    %dma_start3A_1020 = arith.constant 0 : i32
    %dma_start3A_1021 = tpu.memref_slice %arg14[%dma_start3A_1016, %dma_start3A_1020] : memref<42x128xi32, #tpu.memory_space<vmem>> -> memref<1x128xi32, #tpu.memory_space<vmem>>
    %dma_start3A_1022 = tpu.memref_squeeze %dma_start3A_1021 : memref<1x128xi32, #tpu.memory_space<vmem>> -> memref<128xi32, #tpu.memory_space<vmem>>
    %dma_start3A_1023 = arith.constant 0 : i32
    %dma_start3A_1024 = arith.constant 0 : i32
    %dma_start3A_1025 = tpu.memref_slice %arg15[%dma_start3A_1023, %dma_start3A_1024] : memref<63496x8xf32, #tpu.memory_space<vmem_shared>> -> memref<63496x8xf32, #tpu.memory_space<vmem_shared>>
    tpu.enqueue_indirect_dma source(%dma_start3A_1019 : memref<128x8xf32, #tpu.memory_space<vmem>>) target(%dma_start3A_1025 : memref<63496x8xf32, #tpu.memory_space<vmem_shared>>) offsets(%dma_start3A_1022 : memref<128xi32, #tpu.memory_space<vmem>>) semaphore(%arg16 : memref<!tpu.dma_semaphore, #tpu.memory_space<semaphore_mem>>)
    %dma_start3A_1026 = arith.constant 20 : i32
    %dma_start3A_1027 = arith.constant 2560 : i32
    %dma_start3A_1028 = arith.constant 0 : i32
    %dma_start3A_1029 = tpu.memref_slice %arg11[%dma_start3A_1027, %dma_start3A_1028] : memref<5376x8xf32, #tpu.memory_space<vmem>> -> memref<128x8xf32, #tpu.memory_space<vmem>>
    %dma_start3A_1030 = arith.constant 0 : i32
    %dma_start3A_1031 = tpu.memref_slice %arg12[%dma_start3A_1026, %dma_start3A_1030] : memref<42x128xi32, #tpu.memory_space<vmem>> -> memref<1x128xi32, #tpu.memory_space<vmem>>
    %dma_start3A_1032 = tpu.memref_squeeze %dma_start3A_1031 : memref<1x128xi32, #tpu.memory_space<vmem>> -> memref<128xi32, #tpu.memory_space<vmem>>
    %dma_start3A_1033 = arith.constant 0 : i32
    %dma_start3A_1034 = arith.constant 0 : i32
    %dma_start3A_1035 = tpu.memref_slice %arg15[%dma_start3A_1033, %dma_start3A_1034] : memref<63496x8xf32, #tpu.memory_space<vmem_shared>> -> memref<63496x8xf32, #tpu.memory_space<vmem_shared>>
    tpu.enqueue_indirect_dma source(%dma_start3A_1029 : memref<128x8xf32, #tpu.memory_space<vmem>>) target(%dma_start3A_1035 : memref<63496x8xf32, #tpu.memory_space<vmem_shared>>) offsets(%dma_start3A_1032 : memref<128xi32, #tpu.memory_space<vmem>>) semaphore(%arg16 : memref<!tpu.dma_semaphore, #tpu.memory_space<semaphore_mem>>)
    %dma_start3A_1036 = arith.constant 20 : i32
    %dma_start3A_1037 = arith.constant 2560 : i32
    %dma_start3A_1038 = arith.constant 0 : i32
    %dma_start3A_1039 = tpu.memref_slice %arg11[%dma_start3A_1037, %dma_start3A_1038] : memref<5376x8xf32, #tpu.memory_space<vmem>> -> memref<128x8xf32, #tpu.memory_space<vmem>>
    %dma_start3A_1040 = arith.constant 0 : i32
    %dma_start3A_1041 = tpu.memref_slice %arg13[%dma_start3A_1036, %dma_start3A_1040] : memref<42x128xi32, #tpu.memory_space<vmem>> -> memref<1x128xi32, #tpu.memory_space<vmem>>
    %dma_start3A_1042 = tpu.memref_squeeze %dma_start3A_1041 : memref<1x128xi32, #tpu.memory_space<vmem>> -> memref<128xi32, #tpu.memory_space<vmem>>
    %dma_start3A_1043 = arith.constant 0 : i32
    %dma_start3A_1044 = arith.constant 0 : i32
    %dma_start3A_1045 = tpu.memref_slice %arg15[%dma_start3A_1043, %dma_start3A_1044] : memref<63496x8xf32, #tpu.memory_space<vmem_shared>> -> memref<63496x8xf32, #tpu.memory_space<vmem_shared>>
    tpu.enqueue_indirect_dma source(%dma_start3A_1039 : memref<128x8xf32, #tpu.memory_space<vmem>>) target(%dma_start3A_1045 : memref<63496x8xf32, #tpu.memory_space<vmem_shared>>) offsets(%dma_start3A_1042 : memref<128xi32, #tpu.memory_space<vmem>>) semaphore(%arg16 : memref<!tpu.dma_semaphore, #tpu.memory_space<semaphore_mem>>)
    %dma_start3A_1046 = arith.constant 20 : i32
    %dma_start3A_1047 = arith.constant 2560 : i32
    %dma_start3A_1048 = arith.constant 0 : i32
    %dma_start3A_1049 = tpu.memref_slice %arg11[%dma_start3A_1047, %dma_start3A_1048] : memref<5376x8xf32, #tpu.memory_space<vmem>> -> memref<128x8xf32, #tpu.memory_space<vmem>>
    %dma_start3A_1050 = arith.constant 0 : i32
    %dma_start3A_1051 = tpu.memref_slice %arg14[%dma_start3A_1046, %dma_start3A_1050] : memref<42x128xi32, #tpu.memory_space<vmem>> -> memref<1x128xi32, #tpu.memory_space<vmem>>
    %dma_start3A_1052 = tpu.memref_squeeze %dma_start3A_1051 : memref<1x128xi32, #tpu.memory_space<vmem>> -> memref<128xi32, #tpu.memory_space<vmem>>
    %dma_start3A_1053 = arith.constant 0 : i32
    %dma_start3A_1054 = arith.constant 0 : i32
    %dma_start3A_1055 = tpu.memref_slice %arg15[%dma_start3A_1053, %dma_start3A_1054] : memref<63496x8xf32, #tpu.memory_space<vmem_shared>> -> memref<63496x8xf32, #tpu.memory_space<vmem_shared>>
    tpu.enqueue_indirect_dma source(%dma_start3A_1049 : memref<128x8xf32, #tpu.memory_space<vmem>>) target(%dma_start3A_1055 : memref<63496x8xf32, #tpu.memory_space<vmem_shared>>) offsets(%dma_start3A_1052 : memref<128xi32, #tpu.memory_space<vmem>>) semaphore(%arg16 : memref<!tpu.dma_semaphore, #tpu.memory_space<semaphore_mem>>)
    %dma_wait3A_1056 = arith.constant 14 : i32
    %dma_wait3A_1057 = arith.constant 1792 : i32
    %dma_wait3A_1058 = arith.constant 0 : i32
    %dma_wait3A_1059 = tpu.memref_slice %arg11[%dma_wait3A_1057, %dma_wait3A_1058] : memref<5376x8xf32, #tpu.memory_space<vmem>> -> memref<128x8xf32, #tpu.memory_space<vmem>>
    %dma_wait3A_1060 = arith.constant 0 : i32
    %dma_wait3A_1061 = tpu.memref_slice %arg12[%dma_wait3A_1056, %dma_wait3A_1060] : memref<42x128xi32, #tpu.memory_space<vmem>> -> memref<1x128xi32, #tpu.memory_space<vmem>>
    %dma_wait3A_1062 = tpu.memref_squeeze %dma_wait3A_1061 : memref<1x128xi32, #tpu.memory_space<vmem>> -> memref<128xi32, #tpu.memory_space<vmem>>
    %dma_wait3A_1063 = arith.constant 0 : i32
    %dma_wait3A_1064 = arith.constant 0 : i32
    %dma_wait3A_1065 = tpu.memref_slice %arg15[%dma_wait3A_1063, %dma_wait3A_1064] : memref<63496x8xf32, #tpu.memory_space<vmem_shared>> -> memref<63496x8xf32, #tpu.memory_space<vmem_shared>>
    tpu.wait_indirect_dma semaphore(%arg16 : memref<!tpu.dma_semaphore, #tpu.memory_space<semaphore_mem>>) src(%dma_wait3A_1059 : memref<128x8xf32, #tpu.memory_space<vmem>>) dst(%dma_wait3A_1065 : memref<63496x8xf32, #tpu.memory_space<vmem_shared>>)
    %dma_wait3A_1066 = arith.constant 14 : i32
    %dma_wait3A_1067 = arith.constant 1792 : i32
    %dma_wait3A_1068 = arith.constant 0 : i32
    %dma_wait3A_1069 = tpu.memref_slice %arg11[%dma_wait3A_1067, %dma_wait3A_1068] : memref<5376x8xf32, #tpu.memory_space<vmem>> -> memref<128x8xf32, #tpu.memory_space<vmem>>
    %dma_wait3A_1070 = arith.constant 0 : i32
    %dma_wait3A_1071 = tpu.memref_slice %arg13[%dma_wait3A_1066, %dma_wait3A_1070] : memref<42x128xi32, #tpu.memory_space<vmem>> -> memref<1x128xi32, #tpu.memory_space<vmem>>
    %dma_wait3A_1072 = tpu.memref_squeeze %dma_wait3A_1071 : memref<1x128xi32, #tpu.memory_space<vmem>> -> memref<128xi32, #tpu.memory_space<vmem>>
    %dma_wait3A_1073 = arith.constant 0 : i32
    %dma_wait3A_1074 = arith.constant 0 : i32
    %dma_wait3A_1075 = tpu.memref_slice %arg15[%dma_wait3A_1073, %dma_wait3A_1074] : memref<63496x8xf32, #tpu.memory_space<vmem_shared>> -> memref<63496x8xf32, #tpu.memory_space<vmem_shared>>
    tpu.wait_indirect_dma semaphore(%arg16 : memref<!tpu.dma_semaphore, #tpu.memory_space<semaphore_mem>>) src(%dma_wait3A_1069 : memref<128x8xf32, #tpu.memory_space<vmem>>) dst(%dma_wait3A_1075 : memref<63496x8xf32, #tpu.memory_space<vmem_shared>>)
    %dma_wait3A_1076 = arith.constant 14 : i32
    %dma_wait3A_1077 = arith.constant 1792 : i32
    %dma_wait3A_1078 = arith.constant 0 : i32
    %dma_wait3A_1079 = tpu.memref_slice %arg11[%dma_wait3A_1077, %dma_wait3A_1078] : memref<5376x8xf32, #tpu.memory_space<vmem>> -> memref<128x8xf32, #tpu.memory_space<vmem>>
    %dma_wait3A_1080 = arith.constant 0 : i32
    %dma_wait3A_1081 = tpu.memref_slice %arg14[%dma_wait3A_1076, %dma_wait3A_1080] : memref<42x128xi32, #tpu.memory_space<vmem>> -> memref<1x128xi32, #tpu.memory_space<vmem>>
    %dma_wait3A_1082 = tpu.memref_squeeze %dma_wait3A_1081 : memref<1x128xi32, #tpu.memory_space<vmem>> -> memref<128xi32, #tpu.memory_space<vmem>>
    %dma_wait3A_1083 = arith.constant 0 : i32
    %dma_wait3A_1084 = arith.constant 0 : i32
    %dma_wait3A_1085 = tpu.memref_slice %arg15[%dma_wait3A_1083, %dma_wait3A_1084] : memref<63496x8xf32, #tpu.memory_space<vmem_shared>> -> memref<63496x8xf32, #tpu.memory_space<vmem_shared>>
    tpu.wait_indirect_dma semaphore(%arg16 : memref<!tpu.dma_semaphore, #tpu.memory_space<semaphore_mem>>) src(%dma_wait3A_1079 : memref<128x8xf32, #tpu.memory_space<vmem>>) dst(%dma_wait3A_1085 : memref<63496x8xf32, #tpu.memory_space<vmem_shared>>)
    %dma_wait3A_1086 = arith.constant 15 : i32
    %dma_wait3A_1087 = arith.constant 1920 : i32
    %dma_wait3A_1088 = arith.constant 0 : i32
    %dma_wait3A_1089 = tpu.memref_slice %arg11[%dma_wait3A_1087, %dma_wait3A_1088] : memref<5376x8xf32, #tpu.memory_space<vmem>> -> memref<128x8xf32, #tpu.memory_space<vmem>>
    %dma_wait3A_1090 = arith.constant 0 : i32
    %dma_wait3A_1091 = tpu.memref_slice %arg12[%dma_wait3A_1086, %dma_wait3A_1090] : memref<42x128xi32, #tpu.memory_space<vmem>> -> memref<1x128xi32, #tpu.memory_space<vmem>>
    %dma_wait3A_1092 = tpu.memref_squeeze %dma_wait3A_1091 : memref<1x128xi32, #tpu.memory_space<vmem>> -> memref<128xi32, #tpu.memory_space<vmem>>
    %dma_wait3A_1093 = arith.constant 0 : i32
    %dma_wait3A_1094 = arith.constant 0 : i32
    %dma_wait3A_1095 = tpu.memref_slice %arg15[%dma_wait3A_1093, %dma_wait3A_1094] : memref<63496x8xf32, #tpu.memory_space<vmem_shared>> -> memref<63496x8xf32, #tpu.memory_space<vmem_shared>>
    tpu.wait_indirect_dma semaphore(%arg16 : memref<!tpu.dma_semaphore, #tpu.memory_space<semaphore_mem>>) src(%dma_wait3A_1089 : memref<128x8xf32, #tpu.memory_space<vmem>>) dst(%dma_wait3A_1095 : memref<63496x8xf32, #tpu.memory_space<vmem_shared>>)
    %dma_wait3A_1096 = arith.constant 15 : i32
    %dma_wait3A_1097 = arith.constant 1920 : i32
    %dma_wait3A_1098 = arith.constant 0 : i32
    %dma_wait3A_1099 = tpu.memref_slice %arg11[%dma_wait3A_1097, %dma_wait3A_1098] : memref<5376x8xf32, #tpu.memory_space<vmem>> -> memref<128x8xf32, #tpu.memory_space<vmem>>
    %dma_wait3A_1100 = arith.constant 0 : i32
    %dma_wait3A_1101 = tpu.memref_slice %arg13[%dma_wait3A_1096, %dma_wait3A_1100] : memref<42x128xi32, #tpu.memory_space<vmem>> -> memref<1x128xi32, #tpu.memory_space<vmem>>
    %dma_wait3A_1102 = tpu.memref_squeeze %dma_wait3A_1101 : memref<1x128xi32, #tpu.memory_space<vmem>> -> memref<128xi32, #tpu.memory_space<vmem>>
    %dma_wait3A_1103 = arith.constant 0 : i32
    %dma_wait3A_1104 = arith.constant 0 : i32
    %dma_wait3A_1105 = tpu.memref_slice %arg15[%dma_wait3A_1103, %dma_wait3A_1104] : memref<63496x8xf32, #tpu.memory_space<vmem_shared>> -> memref<63496x8xf32, #tpu.memory_space<vmem_shared>>
    tpu.wait_indirect_dma semaphore(%arg16 : memref<!tpu.dma_semaphore, #tpu.memory_space<semaphore_mem>>) src(%dma_wait3A_1099 : memref<128x8xf32, #tpu.memory_space<vmem>>) dst(%dma_wait3A_1105 : memref<63496x8xf32, #tpu.memory_space<vmem_shared>>)
    %dma_wait3A_1106 = arith.constant 15 : i32
    %dma_wait3A_1107 = arith.constant 1920 : i32
    %dma_wait3A_1108 = arith.constant 0 : i32
    %dma_wait3A_1109 = tpu.memref_slice %arg11[%dma_wait3A_1107, %dma_wait3A_1108] : memref<5376x8xf32, #tpu.memory_space<vmem>> -> memref<128x8xf32, #tpu.memory_space<vmem>>
    %dma_wait3A_1110 = arith.constant 0 : i32
    %dma_wait3A_1111 = tpu.memref_slice %arg14[%dma_wait3A_1106, %dma_wait3A_1110] : memref<42x128xi32, #tpu.memory_space<vmem>> -> memref<1x128xi32, #tpu.memory_space<vmem>>
    %dma_wait3A_1112 = tpu.memref_squeeze %dma_wait3A_1111 : memref<1x128xi32, #tpu.memory_space<vmem>> -> memref<128xi32, #tpu.memory_space<vmem>>
    %dma_wait3A_1113 = arith.constant 0 : i32
    %dma_wait3A_1114 = arith.constant 0 : i32
    %dma_wait3A_1115 = tpu.memref_slice %arg15[%dma_wait3A_1113, %dma_wait3A_1114] : memref<63496x8xf32, #tpu.memory_space<vmem_shared>> -> memref<63496x8xf32, #tpu.memory_space<vmem_shared>>
    tpu.wait_indirect_dma semaphore(%arg16 : memref<!tpu.dma_semaphore, #tpu.memory_space<semaphore_mem>>) src(%dma_wait3A_1109 : memref<128x8xf32, #tpu.memory_space<vmem>>) dst(%dma_wait3A_1115 : memref<63496x8xf32, #tpu.memory_space<vmem_shared>>)
    %dma_wait3A_1116 = arith.constant 16 : i32
    %dma_wait3A_1117 = arith.constant 2048 : i32
    %dma_wait3A_1118 = arith.constant 0 : i32
    %dma_wait3A_1119 = tpu.memref_slice %arg11[%dma_wait3A_1117, %dma_wait3A_1118] : memref<5376x8xf32, #tpu.memory_space<vmem>> -> memref<128x8xf32, #tpu.memory_space<vmem>>
    %dma_wait3A_1120 = arith.constant 0 : i32
    %dma_wait3A_1121 = tpu.memref_slice %arg12[%dma_wait3A_1116, %dma_wait3A_1120] : memref<42x128xi32, #tpu.memory_space<vmem>> -> memref<1x128xi32, #tpu.memory_space<vmem>>
    %dma_wait3A_1122 = tpu.memref_squeeze %dma_wait3A_1121 : memref<1x128xi32, #tpu.memory_space<vmem>> -> memref<128xi32, #tpu.memory_space<vmem>>
    %dma_wait3A_1123 = arith.constant 0 : i32
    %dma_wait3A_1124 = arith.constant 0 : i32
    %dma_wait3A_1125 = tpu.memref_slice %arg15[%dma_wait3A_1123, %dma_wait3A_1124] : memref<63496x8xf32, #tpu.memory_space<vmem_shared>> -> memref<63496x8xf32, #tpu.memory_space<vmem_shared>>
    tpu.wait_indirect_dma semaphore(%arg16 : memref<!tpu.dma_semaphore, #tpu.memory_space<semaphore_mem>>) src(%dma_wait3A_1119 : memref<128x8xf32, #tpu.memory_space<vmem>>) dst(%dma_wait3A_1125 : memref<63496x8xf32, #tpu.memory_space<vmem_shared>>)
    %dma_wait3A_1126 = arith.constant 16 : i32
    %dma_wait3A_1127 = arith.constant 2048 : i32
    %dma_wait3A_1128 = arith.constant 0 : i32
    %dma_wait3A_1129 = tpu.memref_slice %arg11[%dma_wait3A_1127, %dma_wait3A_1128] : memref<5376x8xf32, #tpu.memory_space<vmem>> -> memref<128x8xf32, #tpu.memory_space<vmem>>
    %dma_wait3A_1130 = arith.constant 0 : i32
    %dma_wait3A_1131 = tpu.memref_slice %arg13[%dma_wait3A_1126, %dma_wait3A_1130] : memref<42x128xi32, #tpu.memory_space<vmem>> -> memref<1x128xi32, #tpu.memory_space<vmem>>
    %dma_wait3A_1132 = tpu.memref_squeeze %dma_wait3A_1131 : memref<1x128xi32, #tpu.memory_space<vmem>> -> memref<128xi32, #tpu.memory_space<vmem>>
    %dma_wait3A_1133 = arith.constant 0 : i32
    %dma_wait3A_1134 = arith.constant 0 : i32
    %dma_wait3A_1135 = tpu.memref_slice %arg15[%dma_wait3A_1133, %dma_wait3A_1134] : memref<63496x8xf32, #tpu.memory_space<vmem_shared>> -> memref<63496x8xf32, #tpu.memory_space<vmem_shared>>
    tpu.wait_indirect_dma semaphore(%arg16 : memref<!tpu.dma_semaphore, #tpu.memory_space<semaphore_mem>>) src(%dma_wait3A_1129 : memref<128x8xf32, #tpu.memory_space<vmem>>) dst(%dma_wait3A_1135 : memref<63496x8xf32, #tpu.memory_space<vmem_shared>>)
    %dma_wait3A_1136 = arith.constant 16 : i32
    %dma_wait3A_1137 = arith.constant 2048 : i32
    %dma_wait3A_1138 = arith.constant 0 : i32
    %dma_wait3A_1139 = tpu.memref_slice %arg11[%dma_wait3A_1137, %dma_wait3A_1138] : memref<5376x8xf32, #tpu.memory_space<vmem>> -> memref<128x8xf32, #tpu.memory_space<vmem>>
    %dma_wait3A_1140 = arith.constant 0 : i32
    %dma_wait3A_1141 = tpu.memref_slice %arg14[%dma_wait3A_1136, %dma_wait3A_1140] : memref<42x128xi32, #tpu.memory_space<vmem>> -> memref<1x128xi32, #tpu.memory_space<vmem>>
    %dma_wait3A_1142 = tpu.memref_squeeze %dma_wait3A_1141 : memref<1x128xi32, #tpu.memory_space<vmem>> -> memref<128xi32, #tpu.memory_space<vmem>>
    %dma_wait3A_1143 = arith.constant 0 : i32
    %dma_wait3A_1144 = arith.constant 0 : i32
    %dma_wait3A_1145 = tpu.memref_slice %arg15[%dma_wait3A_1143, %dma_wait3A_1144] : memref<63496x8xf32, #tpu.memory_space<vmem_shared>> -> memref<63496x8xf32, #tpu.memory_space<vmem_shared>>
    tpu.wait_indirect_dma semaphore(%arg16 : memref<!tpu.dma_semaphore, #tpu.memory_space<semaphore_mem>>) src(%dma_wait3A_1139 : memref<128x8xf32, #tpu.memory_space<vmem>>) dst(%dma_wait3A_1145 : memref<63496x8xf32, #tpu.memory_space<vmem_shared>>)
    %dma_wait3A_1146 = arith.constant 17 : i32
    %dma_wait3A_1147 = arith.constant 2176 : i32
    %dma_wait3A_1148 = arith.constant 0 : i32
    %dma_wait3A_1149 = tpu.memref_slice %arg11[%dma_wait3A_1147, %dma_wait3A_1148] : memref<5376x8xf32, #tpu.memory_space<vmem>> -> memref<128x8xf32, #tpu.memory_space<vmem>>
    %dma_wait3A_1150 = arith.constant 0 : i32
    %dma_wait3A_1151 = tpu.memref_slice %arg12[%dma_wait3A_1146, %dma_wait3A_1150] : memref<42x128xi32, #tpu.memory_space<vmem>> -> memref<1x128xi32, #tpu.memory_space<vmem>>
    %dma_wait3A_1152 = tpu.memref_squeeze %dma_wait3A_1151 : memref<1x128xi32, #tpu.memory_space<vmem>> -> memref<128xi32, #tpu.memory_space<vmem>>
    %dma_wait3A_1153 = arith.constant 0 : i32
    %dma_wait3A_1154 = arith.constant 0 : i32
    %dma_wait3A_1155 = tpu.memref_slice %arg15[%dma_wait3A_1153, %dma_wait3A_1154] : memref<63496x8xf32, #tpu.memory_space<vmem_shared>> -> memref<63496x8xf32, #tpu.memory_space<vmem_shared>>
    tpu.wait_indirect_dma semaphore(%arg16 : memref<!tpu.dma_semaphore, #tpu.memory_space<semaphore_mem>>) src(%dma_wait3A_1149 : memref<128x8xf32, #tpu.memory_space<vmem>>) dst(%dma_wait3A_1155 : memref<63496x8xf32, #tpu.memory_space<vmem_shared>>)
    %dma_wait3A_1156 = arith.constant 17 : i32
    %dma_wait3A_1157 = arith.constant 2176 : i32
    %dma_wait3A_1158 = arith.constant 0 : i32
    %dma_wait3A_1159 = tpu.memref_slice %arg11[%dma_wait3A_1157, %dma_wait3A_1158] : memref<5376x8xf32, #tpu.memory_space<vmem>> -> memref<128x8xf32, #tpu.memory_space<vmem>>
    %dma_wait3A_1160 = arith.constant 0 : i32
    %dma_wait3A_1161 = tpu.memref_slice %arg13[%dma_wait3A_1156, %dma_wait3A_1160] : memref<42x128xi32, #tpu.memory_space<vmem>> -> memref<1x128xi32, #tpu.memory_space<vmem>>
    %dma_wait3A_1162 = tpu.memref_squeeze %dma_wait3A_1161 : memref<1x128xi32, #tpu.memory_space<vmem>> -> memref<128xi32, #tpu.memory_space<vmem>>
    %dma_wait3A_1163 = arith.constant 0 : i32
    %dma_wait3A_1164 = arith.constant 0 : i32
    %dma_wait3A_1165 = tpu.memref_slice %arg15[%dma_wait3A_1163, %dma_wait3A_1164] : memref<63496x8xf32, #tpu.memory_space<vmem_shared>> -> memref<63496x8xf32, #tpu.memory_space<vmem_shared>>
    tpu.wait_indirect_dma semaphore(%arg16 : memref<!tpu.dma_semaphore, #tpu.memory_space<semaphore_mem>>) src(%dma_wait3A_1159 : memref<128x8xf32, #tpu.memory_space<vmem>>) dst(%dma_wait3A_1165 : memref<63496x8xf32, #tpu.memory_space<vmem_shared>>)
    %dma_wait3A_1166 = arith.constant 17 : i32
    %dma_wait3A_1167 = arith.constant 2176 : i32
    %dma_wait3A_1168 = arith.constant 0 : i32
    %dma_wait3A_1169 = tpu.memref_slice %arg11[%dma_wait3A_1167, %dma_wait3A_1168] : memref<5376x8xf32, #tpu.memory_space<vmem>> -> memref<128x8xf32, #tpu.memory_space<vmem>>
    %dma_wait3A_1170 = arith.constant 0 : i32
    %dma_wait3A_1171 = tpu.memref_slice %arg14[%dma_wait3A_1166, %dma_wait3A_1170] : memref<42x128xi32, #tpu.memory_space<vmem>> -> memref<1x128xi32, #tpu.memory_space<vmem>>
    %dma_wait3A_1172 = tpu.memref_squeeze %dma_wait3A_1171 : memref<1x128xi32, #tpu.memory_space<vmem>> -> memref<128xi32, #tpu.memory_space<vmem>>
    %dma_wait3A_1173 = arith.constant 0 : i32
    %dma_wait3A_1174 = arith.constant 0 : i32
    %dma_wait3A_1175 = tpu.memref_slice %arg15[%dma_wait3A_1173, %dma_wait3A_1174] : memref<63496x8xf32, #tpu.memory_space<vmem_shared>> -> memref<63496x8xf32, #tpu.memory_space<vmem_shared>>
    tpu.wait_indirect_dma semaphore(%arg16 : memref<!tpu.dma_semaphore, #tpu.memory_space<semaphore_mem>>) src(%dma_wait3A_1169 : memref<128x8xf32, #tpu.memory_space<vmem>>) dst(%dma_wait3A_1175 : memref<63496x8xf32, #tpu.memory_space<vmem_shared>>)
    %dma_wait3A_1176 = arith.constant 18 : i32
    %dma_wait3A_1177 = arith.constant 2304 : i32
    %dma_wait3A_1178 = arith.constant 0 : i32
    %dma_wait3A_1179 = tpu.memref_slice %arg11[%dma_wait3A_1177, %dma_wait3A_1178] : memref<5376x8xf32, #tpu.memory_space<vmem>> -> memref<128x8xf32, #tpu.memory_space<vmem>>
    %dma_wait3A_1180 = arith.constant 0 : i32
    %dma_wait3A_1181 = tpu.memref_slice %arg12[%dma_wait3A_1176, %dma_wait3A_1180] : memref<42x128xi32, #tpu.memory_space<vmem>> -> memref<1x128xi32, #tpu.memory_space<vmem>>
    %dma_wait3A_1182 = tpu.memref_squeeze %dma_wait3A_1181 : memref<1x128xi32, #tpu.memory_space<vmem>> -> memref<128xi32, #tpu.memory_space<vmem>>
    %dma_wait3A_1183 = arith.constant 0 : i32
    %dma_wait3A_1184 = arith.constant 0 : i32
    %dma_wait3A_1185 = tpu.memref_slice %arg15[%dma_wait3A_1183, %dma_wait3A_1184] : memref<63496x8xf32, #tpu.memory_space<vmem_shared>> -> memref<63496x8xf32, #tpu.memory_space<vmem_shared>>
    tpu.wait_indirect_dma semaphore(%arg16 : memref<!tpu.dma_semaphore, #tpu.memory_space<semaphore_mem>>) src(%dma_wait3A_1179 : memref<128x8xf32, #tpu.memory_space<vmem>>) dst(%dma_wait3A_1185 : memref<63496x8xf32, #tpu.memory_space<vmem_shared>>)
    %dma_wait3A_1186 = arith.constant 18 : i32
    %dma_wait3A_1187 = arith.constant 2304 : i32
    %dma_wait3A_1188 = arith.constant 0 : i32
    %dma_wait3A_1189 = tpu.memref_slice %arg11[%dma_wait3A_1187, %dma_wait3A_1188] : memref<5376x8xf32, #tpu.memory_space<vmem>> -> memref<128x8xf32, #tpu.memory_space<vmem>>
    %dma_wait3A_1190 = arith.constant 0 : i32
    %dma_wait3A_1191 = tpu.memref_slice %arg13[%dma_wait3A_1186, %dma_wait3A_1190] : memref<42x128xi32, #tpu.memory_space<vmem>> -> memref<1x128xi32, #tpu.memory_space<vmem>>
    %dma_wait3A_1192 = tpu.memref_squeeze %dma_wait3A_1191 : memref<1x128xi32, #tpu.memory_space<vmem>> -> memref<128xi32, #tpu.memory_space<vmem>>
    %dma_wait3A_1193 = arith.constant 0 : i32
    %dma_wait3A_1194 = arith.constant 0 : i32
    %dma_wait3A_1195 = tpu.memref_slice %arg15[%dma_wait3A_1193, %dma_wait3A_1194] : memref<63496x8xf32, #tpu.memory_space<vmem_shared>> -> memref<63496x8xf32, #tpu.memory_space<vmem_shared>>
    tpu.wait_indirect_dma semaphore(%arg16 : memref<!tpu.dma_semaphore, #tpu.memory_space<semaphore_mem>>) src(%dma_wait3A_1189 : memref<128x8xf32, #tpu.memory_space<vmem>>) dst(%dma_wait3A_1195 : memref<63496x8xf32, #tpu.memory_space<vmem_shared>>)
    %dma_wait3A_1196 = arith.constant 18 : i32
    %dma_wait3A_1197 = arith.constant 2304 : i32
    %dma_wait3A_1198 = arith.constant 0 : i32
    %dma_wait3A_1199 = tpu.memref_slice %arg11[%dma_wait3A_1197, %dma_wait3A_1198] : memref<5376x8xf32, #tpu.memory_space<vmem>> -> memref<128x8xf32, #tpu.memory_space<vmem>>
    %dma_wait3A_1200 = arith.constant 0 : i32
    %dma_wait3A_1201 = tpu.memref_slice %arg14[%dma_wait3A_1196, %dma_wait3A_1200] : memref<42x128xi32, #tpu.memory_space<vmem>> -> memref<1x128xi32, #tpu.memory_space<vmem>>
    %dma_wait3A_1202 = tpu.memref_squeeze %dma_wait3A_1201 : memref<1x128xi32, #tpu.memory_space<vmem>> -> memref<128xi32, #tpu.memory_space<vmem>>
    %dma_wait3A_1203 = arith.constant 0 : i32
    %dma_wait3A_1204 = arith.constant 0 : i32
    %dma_wait3A_1205 = tpu.memref_slice %arg15[%dma_wait3A_1203, %dma_wait3A_1204] : memref<63496x8xf32, #tpu.memory_space<vmem_shared>> -> memref<63496x8xf32, #tpu.memory_space<vmem_shared>>
    tpu.wait_indirect_dma semaphore(%arg16 : memref<!tpu.dma_semaphore, #tpu.memory_space<semaphore_mem>>) src(%dma_wait3A_1199 : memref<128x8xf32, #tpu.memory_space<vmem>>) dst(%dma_wait3A_1205 : memref<63496x8xf32, #tpu.memory_space<vmem_shared>>)
    %dma_wait3A_1206 = arith.constant 19 : i32
    %dma_wait3A_1207 = arith.constant 2432 : i32
    %dma_wait3A_1208 = arith.constant 0 : i32
    %dma_wait3A_1209 = tpu.memref_slice %arg11[%dma_wait3A_1207, %dma_wait3A_1208] : memref<5376x8xf32, #tpu.memory_space<vmem>> -> memref<128x8xf32, #tpu.memory_space<vmem>>
    %dma_wait3A_1210 = arith.constant 0 : i32
    %dma_wait3A_1211 = tpu.memref_slice %arg12[%dma_wait3A_1206, %dma_wait3A_1210] : memref<42x128xi32, #tpu.memory_space<vmem>> -> memref<1x128xi32, #tpu.memory_space<vmem>>
    %dma_wait3A_1212 = tpu.memref_squeeze %dma_wait3A_1211 : memref<1x128xi32, #tpu.memory_space<vmem>> -> memref<128xi32, #tpu.memory_space<vmem>>
    %dma_wait3A_1213 = arith.constant 0 : i32
    %dma_wait3A_1214 = arith.constant 0 : i32
    %dma_wait3A_1215 = tpu.memref_slice %arg15[%dma_wait3A_1213, %dma_wait3A_1214] : memref<63496x8xf32, #tpu.memory_space<vmem_shared>> -> memref<63496x8xf32, #tpu.memory_space<vmem_shared>>
    tpu.wait_indirect_dma semaphore(%arg16 : memref<!tpu.dma_semaphore, #tpu.memory_space<semaphore_mem>>) src(%dma_wait3A_1209 : memref<128x8xf32, #tpu.memory_space<vmem>>) dst(%dma_wait3A_1215 : memref<63496x8xf32, #tpu.memory_space<vmem_shared>>)
    %dma_wait3A_1216 = arith.constant 19 : i32
    %dma_wait3A_1217 = arith.constant 2432 : i32
    %dma_wait3A_1218 = arith.constant 0 : i32
    %dma_wait3A_1219 = tpu.memref_slice %arg11[%dma_wait3A_1217, %dma_wait3A_1218] : memref<5376x8xf32, #tpu.memory_space<vmem>> -> memref<128x8xf32, #tpu.memory_space<vmem>>
    %dma_wait3A_1220 = arith.constant 0 : i32
    %dma_wait3A_1221 = tpu.memref_slice %arg13[%dma_wait3A_1216, %dma_wait3A_1220] : memref<42x128xi32, #tpu.memory_space<vmem>> -> memref<1x128xi32, #tpu.memory_space<vmem>>
    %dma_wait3A_1222 = tpu.memref_squeeze %dma_wait3A_1221 : memref<1x128xi32, #tpu.memory_space<vmem>> -> memref<128xi32, #tpu.memory_space<vmem>>
    %dma_wait3A_1223 = arith.constant 0 : i32
    %dma_wait3A_1224 = arith.constant 0 : i32
    %dma_wait3A_1225 = tpu.memref_slice %arg15[%dma_wait3A_1223, %dma_wait3A_1224] : memref<63496x8xf32, #tpu.memory_space<vmem_shared>> -> memref<63496x8xf32, #tpu.memory_space<vmem_shared>>
    tpu.wait_indirect_dma semaphore(%arg16 : memref<!tpu.dma_semaphore, #tpu.memory_space<semaphore_mem>>) src(%dma_wait3A_1219 : memref<128x8xf32, #tpu.memory_space<vmem>>) dst(%dma_wait3A_1225 : memref<63496x8xf32, #tpu.memory_space<vmem_shared>>)
    %dma_wait3A_1226 = arith.constant 19 : i32
    %dma_wait3A_1227 = arith.constant 2432 : i32
    %dma_wait3A_1228 = arith.constant 0 : i32
    %dma_wait3A_1229 = tpu.memref_slice %arg11[%dma_wait3A_1227, %dma_wait3A_1228] : memref<5376x8xf32, #tpu.memory_space<vmem>> -> memref<128x8xf32, #tpu.memory_space<vmem>>
    %dma_wait3A_1230 = arith.constant 0 : i32
    %dma_wait3A_1231 = tpu.memref_slice %arg14[%dma_wait3A_1226, %dma_wait3A_1230] : memref<42x128xi32, #tpu.memory_space<vmem>> -> memref<1x128xi32, #tpu.memory_space<vmem>>
    %dma_wait3A_1232 = tpu.memref_squeeze %dma_wait3A_1231 : memref<1x128xi32, #tpu.memory_space<vmem>> -> memref<128xi32, #tpu.memory_space<vmem>>
    %dma_wait3A_1233 = arith.constant 0 : i32
    %dma_wait3A_1234 = arith.constant 0 : i32
    %dma_wait3A_1235 = tpu.memref_slice %arg15[%dma_wait3A_1233, %dma_wait3A_1234] : memref<63496x8xf32, #tpu.memory_space<vmem_shared>> -> memref<63496x8xf32, #tpu.memory_space<vmem_shared>>
    tpu.wait_indirect_dma semaphore(%arg16 : memref<!tpu.dma_semaphore, #tpu.memory_space<semaphore_mem>>) src(%dma_wait3A_1229 : memref<128x8xf32, #tpu.memory_space<vmem>>) dst(%dma_wait3A_1235 : memref<63496x8xf32, #tpu.memory_space<vmem_shared>>)
    %dma_wait3A_1236 = arith.constant 20 : i32
    %dma_wait3A_1237 = arith.constant 2560 : i32
    %dma_wait3A_1238 = arith.constant 0 : i32
    %dma_wait3A_1239 = tpu.memref_slice %arg11[%dma_wait3A_1237, %dma_wait3A_1238] : memref<5376x8xf32, #tpu.memory_space<vmem>> -> memref<128x8xf32, #tpu.memory_space<vmem>>
    %dma_wait3A_1240 = arith.constant 0 : i32
    %dma_wait3A_1241 = tpu.memref_slice %arg12[%dma_wait3A_1236, %dma_wait3A_1240] : memref<42x128xi32, #tpu.memory_space<vmem>> -> memref<1x128xi32, #tpu.memory_space<vmem>>
    %dma_wait3A_1242 = tpu.memref_squeeze %dma_wait3A_1241 : memref<1x128xi32, #tpu.memory_space<vmem>> -> memref<128xi32, #tpu.memory_space<vmem>>
    %dma_wait3A_1243 = arith.constant 0 : i32
    %dma_wait3A_1244 = arith.constant 0 : i32
    %dma_wait3A_1245 = tpu.memref_slice %arg15[%dma_wait3A_1243, %dma_wait3A_1244] : memref<63496x8xf32, #tpu.memory_space<vmem_shared>> -> memref<63496x8xf32, #tpu.memory_space<vmem_shared>>
    tpu.wait_indirect_dma semaphore(%arg16 : memref<!tpu.dma_semaphore, #tpu.memory_space<semaphore_mem>>) src(%dma_wait3A_1239 : memref<128x8xf32, #tpu.memory_space<vmem>>) dst(%dma_wait3A_1245 : memref<63496x8xf32, #tpu.memory_space<vmem_shared>>)
    %dma_wait3A_1246 = arith.constant 20 : i32
    %dma_wait3A_1247 = arith.constant 2560 : i32
    %dma_wait3A_1248 = arith.constant 0 : i32
    %dma_wait3A_1249 = tpu.memref_slice %arg11[%dma_wait3A_1247, %dma_wait3A_1248] : memref<5376x8xf32, #tpu.memory_space<vmem>> -> memref<128x8xf32, #tpu.memory_space<vmem>>
    %dma_wait3A_1250 = arith.constant 0 : i32
    %dma_wait3A_1251 = tpu.memref_slice %arg13[%dma_wait3A_1246, %dma_wait3A_1250] : memref<42x128xi32, #tpu.memory_space<vmem>> -> memref<1x128xi32, #tpu.memory_space<vmem>>
    %dma_wait3A_1252 = tpu.memref_squeeze %dma_wait3A_1251 : memref<1x128xi32, #tpu.memory_space<vmem>> -> memref<128xi32, #tpu.memory_space<vmem>>
    %dma_wait3A_1253 = arith.constant 0 : i32
    %dma_wait3A_1254 = arith.constant 0 : i32
    %dma_wait3A_1255 = tpu.memref_slice %arg15[%dma_wait3A_1253, %dma_wait3A_1254] : memref<63496x8xf32, #tpu.memory_space<vmem_shared>> -> memref<63496x8xf32, #tpu.memory_space<vmem_shared>>
    tpu.wait_indirect_dma semaphore(%arg16 : memref<!tpu.dma_semaphore, #tpu.memory_space<semaphore_mem>>) src(%dma_wait3A_1249 : memref<128x8xf32, #tpu.memory_space<vmem>>) dst(%dma_wait3A_1255 : memref<63496x8xf32, #tpu.memory_space<vmem_shared>>)
    %dma_wait3A_1256 = arith.constant 20 : i32
    %dma_wait3A_1257 = arith.constant 2560 : i32
    %dma_wait3A_1258 = arith.constant 0 : i32
    %dma_wait3A_1259 = tpu.memref_slice %arg11[%dma_wait3A_1257, %dma_wait3A_1258] : memref<5376x8xf32, #tpu.memory_space<vmem>> -> memref<128x8xf32, #tpu.memory_space<vmem>>
    %dma_wait3A_1260 = arith.constant 0 : i32
    %dma_wait3A_1261 = tpu.memref_slice %arg14[%dma_wait3A_1256, %dma_wait3A_1260] : memref<42x128xi32, #tpu.memory_space<vmem>> -> memref<1x128xi32, #tpu.memory_space<vmem>>
    %dma_wait3A_1262 = tpu.memref_squeeze %dma_wait3A_1261 : memref<1x128xi32, #tpu.memory_space<vmem>> -> memref<128xi32, #tpu.memory_space<vmem>>
    %dma_wait3A_1263 = arith.constant 0 : i32
    %dma_wait3A_1264 = arith.constant 0 : i32
    %dma_wait3A_1265 = tpu.memref_slice %arg15[%dma_wait3A_1263, %dma_wait3A_1264] : memref<63496x8xf32, #tpu.memory_space<vmem_shared>> -> memref<63496x8xf32, #tpu.memory_space<vmem_shared>>
    tpu.wait_indirect_dma semaphore(%arg16 : memref<!tpu.dma_semaphore, #tpu.memory_space<semaphore_mem>>) src(%dma_wait3A_1259 : memref<128x8xf32, #tpu.memory_space<vmem>>) dst(%dma_wait3A_1265 : memref<63496x8xf32, #tpu.memory_space<vmem_shared>>)
    %dma_start3A_1266 = arith.constant 21 : i32
    %dma_start3A_1267 = arith.constant 2688 : i32
    %dma_start3A_1268 = arith.constant 0 : i32
    %dma_start3A_1269 = tpu.memref_slice %arg11[%dma_start3A_1267, %dma_start3A_1268] : memref<5376x8xf32, #tpu.memory_space<vmem>> -> memref<128x8xf32, #tpu.memory_space<vmem>>
    %dma_start3A_1270 = arith.constant 0 : i32
    %dma_start3A_1271 = tpu.memref_slice %arg12[%dma_start3A_1266, %dma_start3A_1270] : memref<42x128xi32, #tpu.memory_space<vmem>> -> memref<1x128xi32, #tpu.memory_space<vmem>>
    %dma_start3A_1272 = tpu.memref_squeeze %dma_start3A_1271 : memref<1x128xi32, #tpu.memory_space<vmem>> -> memref<128xi32, #tpu.memory_space<vmem>>
    %dma_start3A_1273 = arith.constant 0 : i32
    %dma_start3A_1274 = arith.constant 0 : i32
    %dma_start3A_1275 = tpu.memref_slice %arg15[%dma_start3A_1273, %dma_start3A_1274] : memref<63496x8xf32, #tpu.memory_space<vmem_shared>> -> memref<63496x8xf32, #tpu.memory_space<vmem_shared>>
    tpu.enqueue_indirect_dma source(%dma_start3A_1269 : memref<128x8xf32, #tpu.memory_space<vmem>>) target(%dma_start3A_1275 : memref<63496x8xf32, #tpu.memory_space<vmem_shared>>) offsets(%dma_start3A_1272 : memref<128xi32, #tpu.memory_space<vmem>>) semaphore(%arg16 : memref<!tpu.dma_semaphore, #tpu.memory_space<semaphore_mem>>)
    %dma_start3A_1276 = arith.constant 21 : i32
    %dma_start3A_1277 = arith.constant 2688 : i32
    %dma_start3A_1278 = arith.constant 0 : i32
    %dma_start3A_1279 = tpu.memref_slice %arg11[%dma_start3A_1277, %dma_start3A_1278] : memref<5376x8xf32, #tpu.memory_space<vmem>> -> memref<128x8xf32, #tpu.memory_space<vmem>>
    %dma_start3A_1280 = arith.constant 0 : i32
    %dma_start3A_1281 = tpu.memref_slice %arg13[%dma_start3A_1276, %dma_start3A_1280] : memref<42x128xi32, #tpu.memory_space<vmem>> -> memref<1x128xi32, #tpu.memory_space<vmem>>
    %dma_start3A_1282 = tpu.memref_squeeze %dma_start3A_1281 : memref<1x128xi32, #tpu.memory_space<vmem>> -> memref<128xi32, #tpu.memory_space<vmem>>
    %dma_start3A_1283 = arith.constant 0 : i32
    %dma_start3A_1284 = arith.constant 0 : i32
    %dma_start3A_1285 = tpu.memref_slice %arg15[%dma_start3A_1283, %dma_start3A_1284] : memref<63496x8xf32, #tpu.memory_space<vmem_shared>> -> memref<63496x8xf32, #tpu.memory_space<vmem_shared>>
    tpu.enqueue_indirect_dma source(%dma_start3A_1279 : memref<128x8xf32, #tpu.memory_space<vmem>>) target(%dma_start3A_1285 : memref<63496x8xf32, #tpu.memory_space<vmem_shared>>) offsets(%dma_start3A_1282 : memref<128xi32, #tpu.memory_space<vmem>>) semaphore(%arg16 : memref<!tpu.dma_semaphore, #tpu.memory_space<semaphore_mem>>)
    %dma_start3A_1286 = arith.constant 21 : i32
    %dma_start3A_1287 = arith.constant 2688 : i32
    %dma_start3A_1288 = arith.constant 0 : i32
    %dma_start3A_1289 = tpu.memref_slice %arg11[%dma_start3A_1287, %dma_start3A_1288] : memref<5376x8xf32, #tpu.memory_space<vmem>> -> memref<128x8xf32, #tpu.memory_space<vmem>>
    %dma_start3A_1290 = arith.constant 0 : i32
    %dma_start3A_1291 = tpu.memref_slice %arg14[%dma_start3A_1286, %dma_start3A_1290] : memref<42x128xi32, #tpu.memory_space<vmem>> -> memref<1x128xi32, #tpu.memory_space<vmem>>
    %dma_start3A_1292 = tpu.memref_squeeze %dma_start3A_1291 : memref<1x128xi32, #tpu.memory_space<vmem>> -> memref<128xi32, #tpu.memory_space<vmem>>
    %dma_start3A_1293 = arith.constant 0 : i32
    %dma_start3A_1294 = arith.constant 0 : i32
    %dma_start3A_1295 = tpu.memref_slice %arg15[%dma_start3A_1293, %dma_start3A_1294] : memref<63496x8xf32, #tpu.memory_space<vmem_shared>> -> memref<63496x8xf32, #tpu.memory_space<vmem_shared>>
    tpu.enqueue_indirect_dma source(%dma_start3A_1289 : memref<128x8xf32, #tpu.memory_space<vmem>>) target(%dma_start3A_1295 : memref<63496x8xf32, #tpu.memory_space<vmem_shared>>) offsets(%dma_start3A_1292 : memref<128xi32, #tpu.memory_space<vmem>>) semaphore(%arg16 : memref<!tpu.dma_semaphore, #tpu.memory_space<semaphore_mem>>)
    %dma_start3A_1296 = arith.constant 22 : i32
    %dma_start3A_1297 = arith.constant 2816 : i32
    %dma_start3A_1298 = arith.constant 0 : i32
    %dma_start3A_1299 = tpu.memref_slice %arg11[%dma_start3A_1297, %dma_start3A_1298] : memref<5376x8xf32, #tpu.memory_space<vmem>> -> memref<128x8xf32, #tpu.memory_space<vmem>>
    %dma_start3A_1300 = arith.constant 0 : i32
    %dma_start3A_1301 = tpu.memref_slice %arg12[%dma_start3A_1296, %dma_start3A_1300] : memref<42x128xi32, #tpu.memory_space<vmem>> -> memref<1x128xi32, #tpu.memory_space<vmem>>
    %dma_start3A_1302 = tpu.memref_squeeze %dma_start3A_1301 : memref<1x128xi32, #tpu.memory_space<vmem>> -> memref<128xi32, #tpu.memory_space<vmem>>
    %dma_start3A_1303 = arith.constant 0 : i32
    %dma_start3A_1304 = arith.constant 0 : i32
    %dma_start3A_1305 = tpu.memref_slice %arg15[%dma_start3A_1303, %dma_start3A_1304] : memref<63496x8xf32, #tpu.memory_space<vmem_shared>> -> memref<63496x8xf32, #tpu.memory_space<vmem_shared>>
    tpu.enqueue_indirect_dma source(%dma_start3A_1299 : memref<128x8xf32, #tpu.memory_space<vmem>>) target(%dma_start3A_1305 : memref<63496x8xf32, #tpu.memory_space<vmem_shared>>) offsets(%dma_start3A_1302 : memref<128xi32, #tpu.memory_space<vmem>>) semaphore(%arg16 : memref<!tpu.dma_semaphore, #tpu.memory_space<semaphore_mem>>)
    %dma_start3A_1306 = arith.constant 22 : i32
    %dma_start3A_1307 = arith.constant 2816 : i32
    %dma_start3A_1308 = arith.constant 0 : i32
    %dma_start3A_1309 = tpu.memref_slice %arg11[%dma_start3A_1307, %dma_start3A_1308] : memref<5376x8xf32, #tpu.memory_space<vmem>> -> memref<128x8xf32, #tpu.memory_space<vmem>>
    %dma_start3A_1310 = arith.constant 0 : i32
    %dma_start3A_1311 = tpu.memref_slice %arg13[%dma_start3A_1306, %dma_start3A_1310] : memref<42x128xi32, #tpu.memory_space<vmem>> -> memref<1x128xi32, #tpu.memory_space<vmem>>
    %dma_start3A_1312 = tpu.memref_squeeze %dma_start3A_1311 : memref<1x128xi32, #tpu.memory_space<vmem>> -> memref<128xi32, #tpu.memory_space<vmem>>
    %dma_start3A_1313 = arith.constant 0 : i32
    %dma_start3A_1314 = arith.constant 0 : i32
    %dma_start3A_1315 = tpu.memref_slice %arg15[%dma_start3A_1313, %dma_start3A_1314] : memref<63496x8xf32, #tpu.memory_space<vmem_shared>> -> memref<63496x8xf32, #tpu.memory_space<vmem_shared>>
    tpu.enqueue_indirect_dma source(%dma_start3A_1309 : memref<128x8xf32, #tpu.memory_space<vmem>>) target(%dma_start3A_1315 : memref<63496x8xf32, #tpu.memory_space<vmem_shared>>) offsets(%dma_start3A_1312 : memref<128xi32, #tpu.memory_space<vmem>>) semaphore(%arg16 : memref<!tpu.dma_semaphore, #tpu.memory_space<semaphore_mem>>)
    %dma_start3A_1316 = arith.constant 22 : i32
    %dma_start3A_1317 = arith.constant 2816 : i32
    %dma_start3A_1318 = arith.constant 0 : i32
    %dma_start3A_1319 = tpu.memref_slice %arg11[%dma_start3A_1317, %dma_start3A_1318] : memref<5376x8xf32, #tpu.memory_space<vmem>> -> memref<128x8xf32, #tpu.memory_space<vmem>>
    %dma_start3A_1320 = arith.constant 0 : i32
    %dma_start3A_1321 = tpu.memref_slice %arg14[%dma_start3A_1316, %dma_start3A_1320] : memref<42x128xi32, #tpu.memory_space<vmem>> -> memref<1x128xi32, #tpu.memory_space<vmem>>
    %dma_start3A_1322 = tpu.memref_squeeze %dma_start3A_1321 : memref<1x128xi32, #tpu.memory_space<vmem>> -> memref<128xi32, #tpu.memory_space<vmem>>
    %dma_start3A_1323 = arith.constant 0 : i32
    %dma_start3A_1324 = arith.constant 0 : i32
    %dma_start3A_1325 = tpu.memref_slice %arg15[%dma_start3A_1323, %dma_start3A_1324] : memref<63496x8xf32, #tpu.memory_space<vmem_shared>> -> memref<63496x8xf32, #tpu.memory_space<vmem_shared>>
    tpu.enqueue_indirect_dma source(%dma_start3A_1319 : memref<128x8xf32, #tpu.memory_space<vmem>>) target(%dma_start3A_1325 : memref<63496x8xf32, #tpu.memory_space<vmem_shared>>) offsets(%dma_start3A_1322 : memref<128xi32, #tpu.memory_space<vmem>>) semaphore(%arg16 : memref<!tpu.dma_semaphore, #tpu.memory_space<semaphore_mem>>)
    %dma_start3A_1326 = arith.constant 23 : i32
    %dma_start3A_1327 = arith.constant 2944 : i32
    %dma_start3A_1328 = arith.constant 0 : i32
    %dma_start3A_1329 = tpu.memref_slice %arg11[%dma_start3A_1327, %dma_start3A_1328] : memref<5376x8xf32, #tpu.memory_space<vmem>> -> memref<128x8xf32, #tpu.memory_space<vmem>>
    %dma_start3A_1330 = arith.constant 0 : i32
    %dma_start3A_1331 = tpu.memref_slice %arg12[%dma_start3A_1326, %dma_start3A_1330] : memref<42x128xi32, #tpu.memory_space<vmem>> -> memref<1x128xi32, #tpu.memory_space<vmem>>
    %dma_start3A_1332 = tpu.memref_squeeze %dma_start3A_1331 : memref<1x128xi32, #tpu.memory_space<vmem>> -> memref<128xi32, #tpu.memory_space<vmem>>
    %dma_start3A_1333 = arith.constant 0 : i32
    %dma_start3A_1334 = arith.constant 0 : i32
    %dma_start3A_1335 = tpu.memref_slice %arg15[%dma_start3A_1333, %dma_start3A_1334] : memref<63496x8xf32, #tpu.memory_space<vmem_shared>> -> memref<63496x8xf32, #tpu.memory_space<vmem_shared>>
    tpu.enqueue_indirect_dma source(%dma_start3A_1329 : memref<128x8xf32, #tpu.memory_space<vmem>>) target(%dma_start3A_1335 : memref<63496x8xf32, #tpu.memory_space<vmem_shared>>) offsets(%dma_start3A_1332 : memref<128xi32, #tpu.memory_space<vmem>>) semaphore(%arg16 : memref<!tpu.dma_semaphore, #tpu.memory_space<semaphore_mem>>)
    %dma_start3A_1336 = arith.constant 23 : i32
    %dma_start3A_1337 = arith.constant 2944 : i32
    %dma_start3A_1338 = arith.constant 0 : i32
    %dma_start3A_1339 = tpu.memref_slice %arg11[%dma_start3A_1337, %dma_start3A_1338] : memref<5376x8xf32, #tpu.memory_space<vmem>> -> memref<128x8xf32, #tpu.memory_space<vmem>>
    %dma_start3A_1340 = arith.constant 0 : i32
    %dma_start3A_1341 = tpu.memref_slice %arg13[%dma_start3A_1336, %dma_start3A_1340] : memref<42x128xi32, #tpu.memory_space<vmem>> -> memref<1x128xi32, #tpu.memory_space<vmem>>
    %dma_start3A_1342 = tpu.memref_squeeze %dma_start3A_1341 : memref<1x128xi32, #tpu.memory_space<vmem>> -> memref<128xi32, #tpu.memory_space<vmem>>
    %dma_start3A_1343 = arith.constant 0 : i32
    %dma_start3A_1344 = arith.constant 0 : i32
    %dma_start3A_1345 = tpu.memref_slice %arg15[%dma_start3A_1343, %dma_start3A_1344] : memref<63496x8xf32, #tpu.memory_space<vmem_shared>> -> memref<63496x8xf32, #tpu.memory_space<vmem_shared>>
    tpu.enqueue_indirect_dma source(%dma_start3A_1339 : memref<128x8xf32, #tpu.memory_space<vmem>>) target(%dma_start3A_1345 : memref<63496x8xf32, #tpu.memory_space<vmem_shared>>) offsets(%dma_start3A_1342 : memref<128xi32, #tpu.memory_space<vmem>>) semaphore(%arg16 : memref<!tpu.dma_semaphore, #tpu.memory_space<semaphore_mem>>)
    %dma_start3A_1346 = arith.constant 23 : i32
    %dma_start3A_1347 = arith.constant 2944 : i32
    %dma_start3A_1348 = arith.constant 0 : i32
    %dma_start3A_1349 = tpu.memref_slice %arg11[%dma_start3A_1347, %dma_start3A_1348] : memref<5376x8xf32, #tpu.memory_space<vmem>> -> memref<128x8xf32, #tpu.memory_space<vmem>>
    %dma_start3A_1350 = arith.constant 0 : i32
    %dma_start3A_1351 = tpu.memref_slice %arg14[%dma_start3A_1346, %dma_start3A_1350] : memref<42x128xi32, #tpu.memory_space<vmem>> -> memref<1x128xi32, #tpu.memory_space<vmem>>
    %dma_start3A_1352 = tpu.memref_squeeze %dma_start3A_1351 : memref<1x128xi32, #tpu.memory_space<vmem>> -> memref<128xi32, #tpu.memory_space<vmem>>
    %dma_start3A_1353 = arith.constant 0 : i32
    %dma_start3A_1354 = arith.constant 0 : i32
    %dma_start3A_1355 = tpu.memref_slice %arg15[%dma_start3A_1353, %dma_start3A_1354] : memref<63496x8xf32, #tpu.memory_space<vmem_shared>> -> memref<63496x8xf32, #tpu.memory_space<vmem_shared>>
    tpu.enqueue_indirect_dma source(%dma_start3A_1349 : memref<128x8xf32, #tpu.memory_space<vmem>>) target(%dma_start3A_1355 : memref<63496x8xf32, #tpu.memory_space<vmem_shared>>) offsets(%dma_start3A_1352 : memref<128xi32, #tpu.memory_space<vmem>>) semaphore(%arg16 : memref<!tpu.dma_semaphore, #tpu.memory_space<semaphore_mem>>)
    %dma_start3A_1356 = arith.constant 24 : i32
    %dma_start3A_1357 = arith.constant 3072 : i32
    %dma_start3A_1358 = arith.constant 0 : i32
    %dma_start3A_1359 = tpu.memref_slice %arg11[%dma_start3A_1357, %dma_start3A_1358] : memref<5376x8xf32, #tpu.memory_space<vmem>> -> memref<128x8xf32, #tpu.memory_space<vmem>>
    %dma_start3A_1360 = arith.constant 0 : i32
    %dma_start3A_1361 = tpu.memref_slice %arg12[%dma_start3A_1356, %dma_start3A_1360] : memref<42x128xi32, #tpu.memory_space<vmem>> -> memref<1x128xi32, #tpu.memory_space<vmem>>
    %dma_start3A_1362 = tpu.memref_squeeze %dma_start3A_1361 : memref<1x128xi32, #tpu.memory_space<vmem>> -> memref<128xi32, #tpu.memory_space<vmem>>
    %dma_start3A_1363 = arith.constant 0 : i32
    %dma_start3A_1364 = arith.constant 0 : i32
    %dma_start3A_1365 = tpu.memref_slice %arg15[%dma_start3A_1363, %dma_start3A_1364] : memref<63496x8xf32, #tpu.memory_space<vmem_shared>> -> memref<63496x8xf32, #tpu.memory_space<vmem_shared>>
    tpu.enqueue_indirect_dma source(%dma_start3A_1359 : memref<128x8xf32, #tpu.memory_space<vmem>>) target(%dma_start3A_1365 : memref<63496x8xf32, #tpu.memory_space<vmem_shared>>) offsets(%dma_start3A_1362 : memref<128xi32, #tpu.memory_space<vmem>>) semaphore(%arg16 : memref<!tpu.dma_semaphore, #tpu.memory_space<semaphore_mem>>)
    %dma_start3A_1366 = arith.constant 24 : i32
    %dma_start3A_1367 = arith.constant 3072 : i32
    %dma_start3A_1368 = arith.constant 0 : i32
    %dma_start3A_1369 = tpu.memref_slice %arg11[%dma_start3A_1367, %dma_start3A_1368] : memref<5376x8xf32, #tpu.memory_space<vmem>> -> memref<128x8xf32, #tpu.memory_space<vmem>>
    %dma_start3A_1370 = arith.constant 0 : i32
    %dma_start3A_1371 = tpu.memref_slice %arg13[%dma_start3A_1366, %dma_start3A_1370] : memref<42x128xi32, #tpu.memory_space<vmem>> -> memref<1x128xi32, #tpu.memory_space<vmem>>
    %dma_start3A_1372 = tpu.memref_squeeze %dma_start3A_1371 : memref<1x128xi32, #tpu.memory_space<vmem>> -> memref<128xi32, #tpu.memory_space<vmem>>
    %dma_start3A_1373 = arith.constant 0 : i32
    %dma_start3A_1374 = arith.constant 0 : i32
    %dma_start3A_1375 = tpu.memref_slice %arg15[%dma_start3A_1373, %dma_start3A_1374] : memref<63496x8xf32, #tpu.memory_space<vmem_shared>> -> memref<63496x8xf32, #tpu.memory_space<vmem_shared>>
    tpu.enqueue_indirect_dma source(%dma_start3A_1369 : memref<128x8xf32, #tpu.memory_space<vmem>>) target(%dma_start3A_1375 : memref<63496x8xf32, #tpu.memory_space<vmem_shared>>) offsets(%dma_start3A_1372 : memref<128xi32, #tpu.memory_space<vmem>>) semaphore(%arg16 : memref<!tpu.dma_semaphore, #tpu.memory_space<semaphore_mem>>)
    %dma_start3A_1376 = arith.constant 24 : i32
    %dma_start3A_1377 = arith.constant 3072 : i32
    %dma_start3A_1378 = arith.constant 0 : i32
    %dma_start3A_1379 = tpu.memref_slice %arg11[%dma_start3A_1377, %dma_start3A_1378] : memref<5376x8xf32, #tpu.memory_space<vmem>> -> memref<128x8xf32, #tpu.memory_space<vmem>>
    %dma_start3A_1380 = arith.constant 0 : i32
    %dma_start3A_1381 = tpu.memref_slice %arg14[%dma_start3A_1376, %dma_start3A_1380] : memref<42x128xi32, #tpu.memory_space<vmem>> -> memref<1x128xi32, #tpu.memory_space<vmem>>
    %dma_start3A_1382 = tpu.memref_squeeze %dma_start3A_1381 : memref<1x128xi32, #tpu.memory_space<vmem>> -> memref<128xi32, #tpu.memory_space<vmem>>
    %dma_start3A_1383 = arith.constant 0 : i32
    %dma_start3A_1384 = arith.constant 0 : i32
    %dma_start3A_1385 = tpu.memref_slice %arg15[%dma_start3A_1383, %dma_start3A_1384] : memref<63496x8xf32, #tpu.memory_space<vmem_shared>> -> memref<63496x8xf32, #tpu.memory_space<vmem_shared>>
    tpu.enqueue_indirect_dma source(%dma_start3A_1379 : memref<128x8xf32, #tpu.memory_space<vmem>>) target(%dma_start3A_1385 : memref<63496x8xf32, #tpu.memory_space<vmem_shared>>) offsets(%dma_start3A_1382 : memref<128xi32, #tpu.memory_space<vmem>>) semaphore(%arg16 : memref<!tpu.dma_semaphore, #tpu.memory_space<semaphore_mem>>)
    %dma_start3A_1386 = arith.constant 25 : i32
    %dma_start3A_1387 = arith.constant 3200 : i32
    %dma_start3A_1388 = arith.constant 0 : i32
    %dma_start3A_1389 = tpu.memref_slice %arg11[%dma_start3A_1387, %dma_start3A_1388] : memref<5376x8xf32, #tpu.memory_space<vmem>> -> memref<128x8xf32, #tpu.memory_space<vmem>>
    %dma_start3A_1390 = arith.constant 0 : i32
    %dma_start3A_1391 = tpu.memref_slice %arg12[%dma_start3A_1386, %dma_start3A_1390] : memref<42x128xi32, #tpu.memory_space<vmem>> -> memref<1x128xi32, #tpu.memory_space<vmem>>
    %dma_start3A_1392 = tpu.memref_squeeze %dma_start3A_1391 : memref<1x128xi32, #tpu.memory_space<vmem>> -> memref<128xi32, #tpu.memory_space<vmem>>
    %dma_start3A_1393 = arith.constant 0 : i32
    %dma_start3A_1394 = arith.constant 0 : i32
    %dma_start3A_1395 = tpu.memref_slice %arg15[%dma_start3A_1393, %dma_start3A_1394] : memref<63496x8xf32, #tpu.memory_space<vmem_shared>> -> memref<63496x8xf32, #tpu.memory_space<vmem_shared>>
    tpu.enqueue_indirect_dma source(%dma_start3A_1389 : memref<128x8xf32, #tpu.memory_space<vmem>>) target(%dma_start3A_1395 : memref<63496x8xf32, #tpu.memory_space<vmem_shared>>) offsets(%dma_start3A_1392 : memref<128xi32, #tpu.memory_space<vmem>>) semaphore(%arg16 : memref<!tpu.dma_semaphore, #tpu.memory_space<semaphore_mem>>)
    %dma_start3A_1396 = arith.constant 25 : i32
    %dma_start3A_1397 = arith.constant 3200 : i32
    %dma_start3A_1398 = arith.constant 0 : i32
    %dma_start3A_1399 = tpu.memref_slice %arg11[%dma_start3A_1397, %dma_start3A_1398] : memref<5376x8xf32, #tpu.memory_space<vmem>> -> memref<128x8xf32, #tpu.memory_space<vmem>>
    %dma_start3A_1400 = arith.constant 0 : i32
    %dma_start3A_1401 = tpu.memref_slice %arg13[%dma_start3A_1396, %dma_start3A_1400] : memref<42x128xi32, #tpu.memory_space<vmem>> -> memref<1x128xi32, #tpu.memory_space<vmem>>
    %dma_start3A_1402 = tpu.memref_squeeze %dma_start3A_1401 : memref<1x128xi32, #tpu.memory_space<vmem>> -> memref<128xi32, #tpu.memory_space<vmem>>
    %dma_start3A_1403 = arith.constant 0 : i32
    %dma_start3A_1404 = arith.constant 0 : i32
    %dma_start3A_1405 = tpu.memref_slice %arg15[%dma_start3A_1403, %dma_start3A_1404] : memref<63496x8xf32, #tpu.memory_space<vmem_shared>> -> memref<63496x8xf32, #tpu.memory_space<vmem_shared>>
    tpu.enqueue_indirect_dma source(%dma_start3A_1399 : memref<128x8xf32, #tpu.memory_space<vmem>>) target(%dma_start3A_1405 : memref<63496x8xf32, #tpu.memory_space<vmem_shared>>) offsets(%dma_start3A_1402 : memref<128xi32, #tpu.memory_space<vmem>>) semaphore(%arg16 : memref<!tpu.dma_semaphore, #tpu.memory_space<semaphore_mem>>)
    %dma_start3A_1406 = arith.constant 25 : i32
    %dma_start3A_1407 = arith.constant 3200 : i32
    %dma_start3A_1408 = arith.constant 0 : i32
    %dma_start3A_1409 = tpu.memref_slice %arg11[%dma_start3A_1407, %dma_start3A_1408] : memref<5376x8xf32, #tpu.memory_space<vmem>> -> memref<128x8xf32, #tpu.memory_space<vmem>>
    %dma_start3A_1410 = arith.constant 0 : i32
    %dma_start3A_1411 = tpu.memref_slice %arg14[%dma_start3A_1406, %dma_start3A_1410] : memref<42x128xi32, #tpu.memory_space<vmem>> -> memref<1x128xi32, #tpu.memory_space<vmem>>
    %dma_start3A_1412 = tpu.memref_squeeze %dma_start3A_1411 : memref<1x128xi32, #tpu.memory_space<vmem>> -> memref<128xi32, #tpu.memory_space<vmem>>
    %dma_start3A_1413 = arith.constant 0 : i32
    %dma_start3A_1414 = arith.constant 0 : i32
    %dma_start3A_1415 = tpu.memref_slice %arg15[%dma_start3A_1413, %dma_start3A_1414] : memref<63496x8xf32, #tpu.memory_space<vmem_shared>> -> memref<63496x8xf32, #tpu.memory_space<vmem_shared>>
    tpu.enqueue_indirect_dma source(%dma_start3A_1409 : memref<128x8xf32, #tpu.memory_space<vmem>>) target(%dma_start3A_1415 : memref<63496x8xf32, #tpu.memory_space<vmem_shared>>) offsets(%dma_start3A_1412 : memref<128xi32, #tpu.memory_space<vmem>>) semaphore(%arg16 : memref<!tpu.dma_semaphore, #tpu.memory_space<semaphore_mem>>)
    %dma_start3A_1416 = arith.constant 26 : i32
    %dma_start3A_1417 = arith.constant 3328 : i32
    %dma_start3A_1418 = arith.constant 0 : i32
    %dma_start3A_1419 = tpu.memref_slice %arg11[%dma_start3A_1417, %dma_start3A_1418] : memref<5376x8xf32, #tpu.memory_space<vmem>> -> memref<128x8xf32, #tpu.memory_space<vmem>>
    %dma_start3A_1420 = arith.constant 0 : i32
    %dma_start3A_1421 = tpu.memref_slice %arg12[%dma_start3A_1416, %dma_start3A_1420] : memref<42x128xi32, #tpu.memory_space<vmem>> -> memref<1x128xi32, #tpu.memory_space<vmem>>
    %dma_start3A_1422 = tpu.memref_squeeze %dma_start3A_1421 : memref<1x128xi32, #tpu.memory_space<vmem>> -> memref<128xi32, #tpu.memory_space<vmem>>
    %dma_start3A_1423 = arith.constant 0 : i32
    %dma_start3A_1424 = arith.constant 0 : i32
    %dma_start3A_1425 = tpu.memref_slice %arg15[%dma_start3A_1423, %dma_start3A_1424] : memref<63496x8xf32, #tpu.memory_space<vmem_shared>> -> memref<63496x8xf32, #tpu.memory_space<vmem_shared>>
    tpu.enqueue_indirect_dma source(%dma_start3A_1419 : memref<128x8xf32, #tpu.memory_space<vmem>>) target(%dma_start3A_1425 : memref<63496x8xf32, #tpu.memory_space<vmem_shared>>) offsets(%dma_start3A_1422 : memref<128xi32, #tpu.memory_space<vmem>>) semaphore(%arg16 : memref<!tpu.dma_semaphore, #tpu.memory_space<semaphore_mem>>)
    %dma_start3A_1426 = arith.constant 26 : i32
    %dma_start3A_1427 = arith.constant 3328 : i32
    %dma_start3A_1428 = arith.constant 0 : i32
    %dma_start3A_1429 = tpu.memref_slice %arg11[%dma_start3A_1427, %dma_start3A_1428] : memref<5376x8xf32, #tpu.memory_space<vmem>> -> memref<128x8xf32, #tpu.memory_space<vmem>>
    %dma_start3A_1430 = arith.constant 0 : i32
    %dma_start3A_1431 = tpu.memref_slice %arg13[%dma_start3A_1426, %dma_start3A_1430] : memref<42x128xi32, #tpu.memory_space<vmem>> -> memref<1x128xi32, #tpu.memory_space<vmem>>
    %dma_start3A_1432 = tpu.memref_squeeze %dma_start3A_1431 : memref<1x128xi32, #tpu.memory_space<vmem>> -> memref<128xi32, #tpu.memory_space<vmem>>
    %dma_start3A_1433 = arith.constant 0 : i32
    %dma_start3A_1434 = arith.constant 0 : i32
    %dma_start3A_1435 = tpu.memref_slice %arg15[%dma_start3A_1433, %dma_start3A_1434] : memref<63496x8xf32, #tpu.memory_space<vmem_shared>> -> memref<63496x8xf32, #tpu.memory_space<vmem_shared>>
    tpu.enqueue_indirect_dma source(%dma_start3A_1429 : memref<128x8xf32, #tpu.memory_space<vmem>>) target(%dma_start3A_1435 : memref<63496x8xf32, #tpu.memory_space<vmem_shared>>) offsets(%dma_start3A_1432 : memref<128xi32, #tpu.memory_space<vmem>>) semaphore(%arg16 : memref<!tpu.dma_semaphore, #tpu.memory_space<semaphore_mem>>)
    %dma_start3A_1436 = arith.constant 26 : i32
    %dma_start3A_1437 = arith.constant 3328 : i32
    %dma_start3A_1438 = arith.constant 0 : i32
    %dma_start3A_1439 = tpu.memref_slice %arg11[%dma_start3A_1437, %dma_start3A_1438] : memref<5376x8xf32, #tpu.memory_space<vmem>> -> memref<128x8xf32, #tpu.memory_space<vmem>>
    %dma_start3A_1440 = arith.constant 0 : i32
    %dma_start3A_1441 = tpu.memref_slice %arg14[%dma_start3A_1436, %dma_start3A_1440] : memref<42x128xi32, #tpu.memory_space<vmem>> -> memref<1x128xi32, #tpu.memory_space<vmem>>
    %dma_start3A_1442 = tpu.memref_squeeze %dma_start3A_1441 : memref<1x128xi32, #tpu.memory_space<vmem>> -> memref<128xi32, #tpu.memory_space<vmem>>
    %dma_start3A_1443 = arith.constant 0 : i32
    %dma_start3A_1444 = arith.constant 0 : i32
    %dma_start3A_1445 = tpu.memref_slice %arg15[%dma_start3A_1443, %dma_start3A_1444] : memref<63496x8xf32, #tpu.memory_space<vmem_shared>> -> memref<63496x8xf32, #tpu.memory_space<vmem_shared>>
    tpu.enqueue_indirect_dma source(%dma_start3A_1439 : memref<128x8xf32, #tpu.memory_space<vmem>>) target(%dma_start3A_1445 : memref<63496x8xf32, #tpu.memory_space<vmem_shared>>) offsets(%dma_start3A_1442 : memref<128xi32, #tpu.memory_space<vmem>>) semaphore(%arg16 : memref<!tpu.dma_semaphore, #tpu.memory_space<semaphore_mem>>)
    %dma_start3A_1446 = arith.constant 27 : i32
    %dma_start3A_1447 = arith.constant 3456 : i32
    %dma_start3A_1448 = arith.constant 0 : i32
    %dma_start3A_1449 = tpu.memref_slice %arg11[%dma_start3A_1447, %dma_start3A_1448] : memref<5376x8xf32, #tpu.memory_space<vmem>> -> memref<128x8xf32, #tpu.memory_space<vmem>>
    %dma_start3A_1450 = arith.constant 0 : i32
    %dma_start3A_1451 = tpu.memref_slice %arg12[%dma_start3A_1446, %dma_start3A_1450] : memref<42x128xi32, #tpu.memory_space<vmem>> -> memref<1x128xi32, #tpu.memory_space<vmem>>
    %dma_start3A_1452 = tpu.memref_squeeze %dma_start3A_1451 : memref<1x128xi32, #tpu.memory_space<vmem>> -> memref<128xi32, #tpu.memory_space<vmem>>
    %dma_start3A_1453 = arith.constant 0 : i32
    %dma_start3A_1454 = arith.constant 0 : i32
    %dma_start3A_1455 = tpu.memref_slice %arg15[%dma_start3A_1453, %dma_start3A_1454] : memref<63496x8xf32, #tpu.memory_space<vmem_shared>> -> memref<63496x8xf32, #tpu.memory_space<vmem_shared>>
    tpu.enqueue_indirect_dma source(%dma_start3A_1449 : memref<128x8xf32, #tpu.memory_space<vmem>>) target(%dma_start3A_1455 : memref<63496x8xf32, #tpu.memory_space<vmem_shared>>) offsets(%dma_start3A_1452 : memref<128xi32, #tpu.memory_space<vmem>>) semaphore(%arg16 : memref<!tpu.dma_semaphore, #tpu.memory_space<semaphore_mem>>)
    %dma_start3A_1456 = arith.constant 27 : i32
    %dma_start3A_1457 = arith.constant 3456 : i32
    %dma_start3A_1458 = arith.constant 0 : i32
    %dma_start3A_1459 = tpu.memref_slice %arg11[%dma_start3A_1457, %dma_start3A_1458] : memref<5376x8xf32, #tpu.memory_space<vmem>> -> memref<128x8xf32, #tpu.memory_space<vmem>>
    %dma_start3A_1460 = arith.constant 0 : i32
    %dma_start3A_1461 = tpu.memref_slice %arg13[%dma_start3A_1456, %dma_start3A_1460] : memref<42x128xi32, #tpu.memory_space<vmem>> -> memref<1x128xi32, #tpu.memory_space<vmem>>
    %dma_start3A_1462 = tpu.memref_squeeze %dma_start3A_1461 : memref<1x128xi32, #tpu.memory_space<vmem>> -> memref<128xi32, #tpu.memory_space<vmem>>
    %dma_start3A_1463 = arith.constant 0 : i32
    %dma_start3A_1464 = arith.constant 0 : i32
    %dma_start3A_1465 = tpu.memref_slice %arg15[%dma_start3A_1463, %dma_start3A_1464] : memref<63496x8xf32, #tpu.memory_space<vmem_shared>> -> memref<63496x8xf32, #tpu.memory_space<vmem_shared>>
    tpu.enqueue_indirect_dma source(%dma_start3A_1459 : memref<128x8xf32, #tpu.memory_space<vmem>>) target(%dma_start3A_1465 : memref<63496x8xf32, #tpu.memory_space<vmem_shared>>) offsets(%dma_start3A_1462 : memref<128xi32, #tpu.memory_space<vmem>>) semaphore(%arg16 : memref<!tpu.dma_semaphore, #tpu.memory_space<semaphore_mem>>)
    %dma_start3A_1466 = arith.constant 27 : i32
    %dma_start3A_1467 = arith.constant 3456 : i32
    %dma_start3A_1468 = arith.constant 0 : i32
    %dma_start3A_1469 = tpu.memref_slice %arg11[%dma_start3A_1467, %dma_start3A_1468] : memref<5376x8xf32, #tpu.memory_space<vmem>> -> memref<128x8xf32, #tpu.memory_space<vmem>>
    %dma_start3A_1470 = arith.constant 0 : i32
    %dma_start3A_1471 = tpu.memref_slice %arg14[%dma_start3A_1466, %dma_start3A_1470] : memref<42x128xi32, #tpu.memory_space<vmem>> -> memref<1x128xi32, #tpu.memory_space<vmem>>
    %dma_start3A_1472 = tpu.memref_squeeze %dma_start3A_1471 : memref<1x128xi32, #tpu.memory_space<vmem>> -> memref<128xi32, #tpu.memory_space<vmem>>
    %dma_start3A_1473 = arith.constant 0 : i32
    %dma_start3A_1474 = arith.constant 0 : i32
    %dma_start3A_1475 = tpu.memref_slice %arg15[%dma_start3A_1473, %dma_start3A_1474] : memref<63496x8xf32, #tpu.memory_space<vmem_shared>> -> memref<63496x8xf32, #tpu.memory_space<vmem_shared>>
    tpu.enqueue_indirect_dma source(%dma_start3A_1469 : memref<128x8xf32, #tpu.memory_space<vmem>>) target(%dma_start3A_1475 : memref<63496x8xf32, #tpu.memory_space<vmem_shared>>) offsets(%dma_start3A_1472 : memref<128xi32, #tpu.memory_space<vmem>>) semaphore(%arg16 : memref<!tpu.dma_semaphore, #tpu.memory_space<semaphore_mem>>)
    %dma_wait3A_1476 = arith.constant 21 : i32
    %dma_wait3A_1477 = arith.constant 2688 : i32
    %dma_wait3A_1478 = arith.constant 0 : i32
    %dma_wait3A_1479 = tpu.memref_slice %arg11[%dma_wait3A_1477, %dma_wait3A_1478] : memref<5376x8xf32, #tpu.memory_space<vmem>> -> memref<128x8xf32, #tpu.memory_space<vmem>>
    %dma_wait3A_1480 = arith.constant 0 : i32
    %dma_wait3A_1481 = tpu.memref_slice %arg12[%dma_wait3A_1476, %dma_wait3A_1480] : memref<42x128xi32, #tpu.memory_space<vmem>> -> memref<1x128xi32, #tpu.memory_space<vmem>>
    %dma_wait3A_1482 = tpu.memref_squeeze %dma_wait3A_1481 : memref<1x128xi32, #tpu.memory_space<vmem>> -> memref<128xi32, #tpu.memory_space<vmem>>
    %dma_wait3A_1483 = arith.constant 0 : i32
    %dma_wait3A_1484 = arith.constant 0 : i32
    %dma_wait3A_1485 = tpu.memref_slice %arg15[%dma_wait3A_1483, %dma_wait3A_1484] : memref<63496x8xf32, #tpu.memory_space<vmem_shared>> -> memref<63496x8xf32, #tpu.memory_space<vmem_shared>>
    tpu.wait_indirect_dma semaphore(%arg16 : memref<!tpu.dma_semaphore, #tpu.memory_space<semaphore_mem>>) src(%dma_wait3A_1479 : memref<128x8xf32, #tpu.memory_space<vmem>>) dst(%dma_wait3A_1485 : memref<63496x8xf32, #tpu.memory_space<vmem_shared>>)
    %dma_wait3A_1486 = arith.constant 21 : i32
    %dma_wait3A_1487 = arith.constant 2688 : i32
    %dma_wait3A_1488 = arith.constant 0 : i32
    %dma_wait3A_1489 = tpu.memref_slice %arg11[%dma_wait3A_1487, %dma_wait3A_1488] : memref<5376x8xf32, #tpu.memory_space<vmem>> -> memref<128x8xf32, #tpu.memory_space<vmem>>
    %dma_wait3A_1490 = arith.constant 0 : i32
    %dma_wait3A_1491 = tpu.memref_slice %arg13[%dma_wait3A_1486, %dma_wait3A_1490] : memref<42x128xi32, #tpu.memory_space<vmem>> -> memref<1x128xi32, #tpu.memory_space<vmem>>
    %dma_wait3A_1492 = tpu.memref_squeeze %dma_wait3A_1491 : memref<1x128xi32, #tpu.memory_space<vmem>> -> memref<128xi32, #tpu.memory_space<vmem>>
    %dma_wait3A_1493 = arith.constant 0 : i32
    %dma_wait3A_1494 = arith.constant 0 : i32
    %dma_wait3A_1495 = tpu.memref_slice %arg15[%dma_wait3A_1493, %dma_wait3A_1494] : memref<63496x8xf32, #tpu.memory_space<vmem_shared>> -> memref<63496x8xf32, #tpu.memory_space<vmem_shared>>
    tpu.wait_indirect_dma semaphore(%arg16 : memref<!tpu.dma_semaphore, #tpu.memory_space<semaphore_mem>>) src(%dma_wait3A_1489 : memref<128x8xf32, #tpu.memory_space<vmem>>) dst(%dma_wait3A_1495 : memref<63496x8xf32, #tpu.memory_space<vmem_shared>>)
    %dma_wait3A_1496 = arith.constant 21 : i32
    %dma_wait3A_1497 = arith.constant 2688 : i32
    %dma_wait3A_1498 = arith.constant 0 : i32
    %dma_wait3A_1499 = tpu.memref_slice %arg11[%dma_wait3A_1497, %dma_wait3A_1498] : memref<5376x8xf32, #tpu.memory_space<vmem>> -> memref<128x8xf32, #tpu.memory_space<vmem>>
    %dma_wait3A_1500 = arith.constant 0 : i32
    %dma_wait3A_1501 = tpu.memref_slice %arg14[%dma_wait3A_1496, %dma_wait3A_1500] : memref<42x128xi32, #tpu.memory_space<vmem>> -> memref<1x128xi32, #tpu.memory_space<vmem>>
    %dma_wait3A_1502 = tpu.memref_squeeze %dma_wait3A_1501 : memref<1x128xi32, #tpu.memory_space<vmem>> -> memref<128xi32, #tpu.memory_space<vmem>>
    %dma_wait3A_1503 = arith.constant 0 : i32
    %dma_wait3A_1504 = arith.constant 0 : i32
    %dma_wait3A_1505 = tpu.memref_slice %arg15[%dma_wait3A_1503, %dma_wait3A_1504] : memref<63496x8xf32, #tpu.memory_space<vmem_shared>> -> memref<63496x8xf32, #tpu.memory_space<vmem_shared>>
    tpu.wait_indirect_dma semaphore(%arg16 : memref<!tpu.dma_semaphore, #tpu.memory_space<semaphore_mem>>) src(%dma_wait3A_1499 : memref<128x8xf32, #tpu.memory_space<vmem>>) dst(%dma_wait3A_1505 : memref<63496x8xf32, #tpu.memory_space<vmem_shared>>)
    %dma_wait3A_1506 = arith.constant 22 : i32
    %dma_wait3A_1507 = arith.constant 2816 : i32
    %dma_wait3A_1508 = arith.constant 0 : i32
    %dma_wait3A_1509 = tpu.memref_slice %arg11[%dma_wait3A_1507, %dma_wait3A_1508] : memref<5376x8xf32, #tpu.memory_space<vmem>> -> memref<128x8xf32, #tpu.memory_space<vmem>>
    %dma_wait3A_1510 = arith.constant 0 : i32
    %dma_wait3A_1511 = tpu.memref_slice %arg12[%dma_wait3A_1506, %dma_wait3A_1510] : memref<42x128xi32, #tpu.memory_space<vmem>> -> memref<1x128xi32, #tpu.memory_space<vmem>>
    %dma_wait3A_1512 = tpu.memref_squeeze %dma_wait3A_1511 : memref<1x128xi32, #tpu.memory_space<vmem>> -> memref<128xi32, #tpu.memory_space<vmem>>
    %dma_wait3A_1513 = arith.constant 0 : i32
    %dma_wait3A_1514 = arith.constant 0 : i32
    %dma_wait3A_1515 = tpu.memref_slice %arg15[%dma_wait3A_1513, %dma_wait3A_1514] : memref<63496x8xf32, #tpu.memory_space<vmem_shared>> -> memref<63496x8xf32, #tpu.memory_space<vmem_shared>>
    tpu.wait_indirect_dma semaphore(%arg16 : memref<!tpu.dma_semaphore, #tpu.memory_space<semaphore_mem>>) src(%dma_wait3A_1509 : memref<128x8xf32, #tpu.memory_space<vmem>>) dst(%dma_wait3A_1515 : memref<63496x8xf32, #tpu.memory_space<vmem_shared>>)
    %dma_wait3A_1516 = arith.constant 22 : i32
    %dma_wait3A_1517 = arith.constant 2816 : i32
    %dma_wait3A_1518 = arith.constant 0 : i32
    %dma_wait3A_1519 = tpu.memref_slice %arg11[%dma_wait3A_1517, %dma_wait3A_1518] : memref<5376x8xf32, #tpu.memory_space<vmem>> -> memref<128x8xf32, #tpu.memory_space<vmem>>
    %dma_wait3A_1520 = arith.constant 0 : i32
    %dma_wait3A_1521 = tpu.memref_slice %arg13[%dma_wait3A_1516, %dma_wait3A_1520] : memref<42x128xi32, #tpu.memory_space<vmem>> -> memref<1x128xi32, #tpu.memory_space<vmem>>
    %dma_wait3A_1522 = tpu.memref_squeeze %dma_wait3A_1521 : memref<1x128xi32, #tpu.memory_space<vmem>> -> memref<128xi32, #tpu.memory_space<vmem>>
    %dma_wait3A_1523 = arith.constant 0 : i32
    %dma_wait3A_1524 = arith.constant 0 : i32
    %dma_wait3A_1525 = tpu.memref_slice %arg15[%dma_wait3A_1523, %dma_wait3A_1524] : memref<63496x8xf32, #tpu.memory_space<vmem_shared>> -> memref<63496x8xf32, #tpu.memory_space<vmem_shared>>
    tpu.wait_indirect_dma semaphore(%arg16 : memref<!tpu.dma_semaphore, #tpu.memory_space<semaphore_mem>>) src(%dma_wait3A_1519 : memref<128x8xf32, #tpu.memory_space<vmem>>) dst(%dma_wait3A_1525 : memref<63496x8xf32, #tpu.memory_space<vmem_shared>>)
    %dma_wait3A_1526 = arith.constant 22 : i32
    %dma_wait3A_1527 = arith.constant 2816 : i32
    %dma_wait3A_1528 = arith.constant 0 : i32
    %dma_wait3A_1529 = tpu.memref_slice %arg11[%dma_wait3A_1527, %dma_wait3A_1528] : memref<5376x8xf32, #tpu.memory_space<vmem>> -> memref<128x8xf32, #tpu.memory_space<vmem>>
    %dma_wait3A_1530 = arith.constant 0 : i32
    %dma_wait3A_1531 = tpu.memref_slice %arg14[%dma_wait3A_1526, %dma_wait3A_1530] : memref<42x128xi32, #tpu.memory_space<vmem>> -> memref<1x128xi32, #tpu.memory_space<vmem>>
    %dma_wait3A_1532 = tpu.memref_squeeze %dma_wait3A_1531 : memref<1x128xi32, #tpu.memory_space<vmem>> -> memref<128xi32, #tpu.memory_space<vmem>>
    %dma_wait3A_1533 = arith.constant 0 : i32
    %dma_wait3A_1534 = arith.constant 0 : i32
    %dma_wait3A_1535 = tpu.memref_slice %arg15[%dma_wait3A_1533, %dma_wait3A_1534] : memref<63496x8xf32, #tpu.memory_space<vmem_shared>> -> memref<63496x8xf32, #tpu.memory_space<vmem_shared>>
    tpu.wait_indirect_dma semaphore(%arg16 : memref<!tpu.dma_semaphore, #tpu.memory_space<semaphore_mem>>) src(%dma_wait3A_1529 : memref<128x8xf32, #tpu.memory_space<vmem>>) dst(%dma_wait3A_1535 : memref<63496x8xf32, #tpu.memory_space<vmem_shared>>)
    %dma_wait3A_1536 = arith.constant 23 : i32
    %dma_wait3A_1537 = arith.constant 2944 : i32
    %dma_wait3A_1538 = arith.constant 0 : i32
    %dma_wait3A_1539 = tpu.memref_slice %arg11[%dma_wait3A_1537, %dma_wait3A_1538] : memref<5376x8xf32, #tpu.memory_space<vmem>> -> memref<128x8xf32, #tpu.memory_space<vmem>>
    %dma_wait3A_1540 = arith.constant 0 : i32
    %dma_wait3A_1541 = tpu.memref_slice %arg12[%dma_wait3A_1536, %dma_wait3A_1540] : memref<42x128xi32, #tpu.memory_space<vmem>> -> memref<1x128xi32, #tpu.memory_space<vmem>>
    %dma_wait3A_1542 = tpu.memref_squeeze %dma_wait3A_1541 : memref<1x128xi32, #tpu.memory_space<vmem>> -> memref<128xi32, #tpu.memory_space<vmem>>
    %dma_wait3A_1543 = arith.constant 0 : i32
    %dma_wait3A_1544 = arith.constant 0 : i32
    %dma_wait3A_1545 = tpu.memref_slice %arg15[%dma_wait3A_1543, %dma_wait3A_1544] : memref<63496x8xf32, #tpu.memory_space<vmem_shared>> -> memref<63496x8xf32, #tpu.memory_space<vmem_shared>>
    tpu.wait_indirect_dma semaphore(%arg16 : memref<!tpu.dma_semaphore, #tpu.memory_space<semaphore_mem>>) src(%dma_wait3A_1539 : memref<128x8xf32, #tpu.memory_space<vmem>>) dst(%dma_wait3A_1545 : memref<63496x8xf32, #tpu.memory_space<vmem_shared>>)
    %dma_wait3A_1546 = arith.constant 23 : i32
    %dma_wait3A_1547 = arith.constant 2944 : i32
    %dma_wait3A_1548 = arith.constant 0 : i32
    %dma_wait3A_1549 = tpu.memref_slice %arg11[%dma_wait3A_1547, %dma_wait3A_1548] : memref<5376x8xf32, #tpu.memory_space<vmem>> -> memref<128x8xf32, #tpu.memory_space<vmem>>
    %dma_wait3A_1550 = arith.constant 0 : i32
    %dma_wait3A_1551 = tpu.memref_slice %arg13[%dma_wait3A_1546, %dma_wait3A_1550] : memref<42x128xi32, #tpu.memory_space<vmem>> -> memref<1x128xi32, #tpu.memory_space<vmem>>
    %dma_wait3A_1552 = tpu.memref_squeeze %dma_wait3A_1551 : memref<1x128xi32, #tpu.memory_space<vmem>> -> memref<128xi32, #tpu.memory_space<vmem>>
    %dma_wait3A_1553 = arith.constant 0 : i32
    %dma_wait3A_1554 = arith.constant 0 : i32
    %dma_wait3A_1555 = tpu.memref_slice %arg15[%dma_wait3A_1553, %dma_wait3A_1554] : memref<63496x8xf32, #tpu.memory_space<vmem_shared>> -> memref<63496x8xf32, #tpu.memory_space<vmem_shared>>
    tpu.wait_indirect_dma semaphore(%arg16 : memref<!tpu.dma_semaphore, #tpu.memory_space<semaphore_mem>>) src(%dma_wait3A_1549 : memref<128x8xf32, #tpu.memory_space<vmem>>) dst(%dma_wait3A_1555 : memref<63496x8xf32, #tpu.memory_space<vmem_shared>>)
    %dma_wait3A_1556 = arith.constant 23 : i32
    %dma_wait3A_1557 = arith.constant 2944 : i32
    %dma_wait3A_1558 = arith.constant 0 : i32
    %dma_wait3A_1559 = tpu.memref_slice %arg11[%dma_wait3A_1557, %dma_wait3A_1558] : memref<5376x8xf32, #tpu.memory_space<vmem>> -> memref<128x8xf32, #tpu.memory_space<vmem>>
    %dma_wait3A_1560 = arith.constant 0 : i32
    %dma_wait3A_1561 = tpu.memref_slice %arg14[%dma_wait3A_1556, %dma_wait3A_1560] : memref<42x128xi32, #tpu.memory_space<vmem>> -> memref<1x128xi32, #tpu.memory_space<vmem>>
    %dma_wait3A_1562 = tpu.memref_squeeze %dma_wait3A_1561 : memref<1x128xi32, #tpu.memory_space<vmem>> -> memref<128xi32, #tpu.memory_space<vmem>>
    %dma_wait3A_1563 = arith.constant 0 : i32
    %dma_wait3A_1564 = arith.constant 0 : i32
    %dma_wait3A_1565 = tpu.memref_slice %arg15[%dma_wait3A_1563, %dma_wait3A_1564] : memref<63496x8xf32, #tpu.memory_space<vmem_shared>> -> memref<63496x8xf32, #tpu.memory_space<vmem_shared>>
    tpu.wait_indirect_dma semaphore(%arg16 : memref<!tpu.dma_semaphore, #tpu.memory_space<semaphore_mem>>) src(%dma_wait3A_1559 : memref<128x8xf32, #tpu.memory_space<vmem>>) dst(%dma_wait3A_1565 : memref<63496x8xf32, #tpu.memory_space<vmem_shared>>)
    %dma_wait3A_1566 = arith.constant 24 : i32
    %dma_wait3A_1567 = arith.constant 3072 : i32
    %dma_wait3A_1568 = arith.constant 0 : i32
    %dma_wait3A_1569 = tpu.memref_slice %arg11[%dma_wait3A_1567, %dma_wait3A_1568] : memref<5376x8xf32, #tpu.memory_space<vmem>> -> memref<128x8xf32, #tpu.memory_space<vmem>>
    %dma_wait3A_1570 = arith.constant 0 : i32
    %dma_wait3A_1571 = tpu.memref_slice %arg12[%dma_wait3A_1566, %dma_wait3A_1570] : memref<42x128xi32, #tpu.memory_space<vmem>> -> memref<1x128xi32, #tpu.memory_space<vmem>>
    %dma_wait3A_1572 = tpu.memref_squeeze %dma_wait3A_1571 : memref<1x128xi32, #tpu.memory_space<vmem>> -> memref<128xi32, #tpu.memory_space<vmem>>
    %dma_wait3A_1573 = arith.constant 0 : i32
    %dma_wait3A_1574 = arith.constant 0 : i32
    %dma_wait3A_1575 = tpu.memref_slice %arg15[%dma_wait3A_1573, %dma_wait3A_1574] : memref<63496x8xf32, #tpu.memory_space<vmem_shared>> -> memref<63496x8xf32, #tpu.memory_space<vmem_shared>>
    tpu.wait_indirect_dma semaphore(%arg16 : memref<!tpu.dma_semaphore, #tpu.memory_space<semaphore_mem>>) src(%dma_wait3A_1569 : memref<128x8xf32, #tpu.memory_space<vmem>>) dst(%dma_wait3A_1575 : memref<63496x8xf32, #tpu.memory_space<vmem_shared>>)
    %dma_wait3A_1576 = arith.constant 24 : i32
    %dma_wait3A_1577 = arith.constant 3072 : i32
    %dma_wait3A_1578 = arith.constant 0 : i32
    %dma_wait3A_1579 = tpu.memref_slice %arg11[%dma_wait3A_1577, %dma_wait3A_1578] : memref<5376x8xf32, #tpu.memory_space<vmem>> -> memref<128x8xf32, #tpu.memory_space<vmem>>
    %dma_wait3A_1580 = arith.constant 0 : i32
    %dma_wait3A_1581 = tpu.memref_slice %arg13[%dma_wait3A_1576, %dma_wait3A_1580] : memref<42x128xi32, #tpu.memory_space<vmem>> -> memref<1x128xi32, #tpu.memory_space<vmem>>
    %dma_wait3A_1582 = tpu.memref_squeeze %dma_wait3A_1581 : memref<1x128xi32, #tpu.memory_space<vmem>> -> memref<128xi32, #tpu.memory_space<vmem>>
    %dma_wait3A_1583 = arith.constant 0 : i32
    %dma_wait3A_1584 = arith.constant 0 : i32
    %dma_wait3A_1585 = tpu.memref_slice %arg15[%dma_wait3A_1583, %dma_wait3A_1584] : memref<63496x8xf32, #tpu.memory_space<vmem_shared>> -> memref<63496x8xf32, #tpu.memory_space<vmem_shared>>
    tpu.wait_indirect_dma semaphore(%arg16 : memref<!tpu.dma_semaphore, #tpu.memory_space<semaphore_mem>>) src(%dma_wait3A_1579 : memref<128x8xf32, #tpu.memory_space<vmem>>) dst(%dma_wait3A_1585 : memref<63496x8xf32, #tpu.memory_space<vmem_shared>>)
    %dma_wait3A_1586 = arith.constant 24 : i32
    %dma_wait3A_1587 = arith.constant 3072 : i32
    %dma_wait3A_1588 = arith.constant 0 : i32
    %dma_wait3A_1589 = tpu.memref_slice %arg11[%dma_wait3A_1587, %dma_wait3A_1588] : memref<5376x8xf32, #tpu.memory_space<vmem>> -> memref<128x8xf32, #tpu.memory_space<vmem>>
    %dma_wait3A_1590 = arith.constant 0 : i32
    %dma_wait3A_1591 = tpu.memref_slice %arg14[%dma_wait3A_1586, %dma_wait3A_1590] : memref<42x128xi32, #tpu.memory_space<vmem>> -> memref<1x128xi32, #tpu.memory_space<vmem>>
    %dma_wait3A_1592 = tpu.memref_squeeze %dma_wait3A_1591 : memref<1x128xi32, #tpu.memory_space<vmem>> -> memref<128xi32, #tpu.memory_space<vmem>>
    %dma_wait3A_1593 = arith.constant 0 : i32
    %dma_wait3A_1594 = arith.constant 0 : i32
    %dma_wait3A_1595 = tpu.memref_slice %arg15[%dma_wait3A_1593, %dma_wait3A_1594] : memref<63496x8xf32, #tpu.memory_space<vmem_shared>> -> memref<63496x8xf32, #tpu.memory_space<vmem_shared>>
    tpu.wait_indirect_dma semaphore(%arg16 : memref<!tpu.dma_semaphore, #tpu.memory_space<semaphore_mem>>) src(%dma_wait3A_1589 : memref<128x8xf32, #tpu.memory_space<vmem>>) dst(%dma_wait3A_1595 : memref<63496x8xf32, #tpu.memory_space<vmem_shared>>)
    %dma_wait3A_1596 = arith.constant 25 : i32
    %dma_wait3A_1597 = arith.constant 3200 : i32
    %dma_wait3A_1598 = arith.constant 0 : i32
    %dma_wait3A_1599 = tpu.memref_slice %arg11[%dma_wait3A_1597, %dma_wait3A_1598] : memref<5376x8xf32, #tpu.memory_space<vmem>> -> memref<128x8xf32, #tpu.memory_space<vmem>>
    %dma_wait3A_1600 = arith.constant 0 : i32
    %dma_wait3A_1601 = tpu.memref_slice %arg12[%dma_wait3A_1596, %dma_wait3A_1600] : memref<42x128xi32, #tpu.memory_space<vmem>> -> memref<1x128xi32, #tpu.memory_space<vmem>>
    %dma_wait3A_1602 = tpu.memref_squeeze %dma_wait3A_1601 : memref<1x128xi32, #tpu.memory_space<vmem>> -> memref<128xi32, #tpu.memory_space<vmem>>
    %dma_wait3A_1603 = arith.constant 0 : i32
    %dma_wait3A_1604 = arith.constant 0 : i32
    %dma_wait3A_1605 = tpu.memref_slice %arg15[%dma_wait3A_1603, %dma_wait3A_1604] : memref<63496x8xf32, #tpu.memory_space<vmem_shared>> -> memref<63496x8xf32, #tpu.memory_space<vmem_shared>>
    tpu.wait_indirect_dma semaphore(%arg16 : memref<!tpu.dma_semaphore, #tpu.memory_space<semaphore_mem>>) src(%dma_wait3A_1599 : memref<128x8xf32, #tpu.memory_space<vmem>>) dst(%dma_wait3A_1605 : memref<63496x8xf32, #tpu.memory_space<vmem_shared>>)
    %dma_wait3A_1606 = arith.constant 25 : i32
    %dma_wait3A_1607 = arith.constant 3200 : i32
    %dma_wait3A_1608 = arith.constant 0 : i32
    %dma_wait3A_1609 = tpu.memref_slice %arg11[%dma_wait3A_1607, %dma_wait3A_1608] : memref<5376x8xf32, #tpu.memory_space<vmem>> -> memref<128x8xf32, #tpu.memory_space<vmem>>
    %dma_wait3A_1610 = arith.constant 0 : i32
    %dma_wait3A_1611 = tpu.memref_slice %arg13[%dma_wait3A_1606, %dma_wait3A_1610] : memref<42x128xi32, #tpu.memory_space<vmem>> -> memref<1x128xi32, #tpu.memory_space<vmem>>
    %dma_wait3A_1612 = tpu.memref_squeeze %dma_wait3A_1611 : memref<1x128xi32, #tpu.memory_space<vmem>> -> memref<128xi32, #tpu.memory_space<vmem>>
    %dma_wait3A_1613 = arith.constant 0 : i32
    %dma_wait3A_1614 = arith.constant 0 : i32
    %dma_wait3A_1615 = tpu.memref_slice %arg15[%dma_wait3A_1613, %dma_wait3A_1614] : memref<63496x8xf32, #tpu.memory_space<vmem_shared>> -> memref<63496x8xf32, #tpu.memory_space<vmem_shared>>
    tpu.wait_indirect_dma semaphore(%arg16 : memref<!tpu.dma_semaphore, #tpu.memory_space<semaphore_mem>>) src(%dma_wait3A_1609 : memref<128x8xf32, #tpu.memory_space<vmem>>) dst(%dma_wait3A_1615 : memref<63496x8xf32, #tpu.memory_space<vmem_shared>>)
    %dma_wait3A_1616 = arith.constant 25 : i32
    %dma_wait3A_1617 = arith.constant 3200 : i32
    %dma_wait3A_1618 = arith.constant 0 : i32
    %dma_wait3A_1619 = tpu.memref_slice %arg11[%dma_wait3A_1617, %dma_wait3A_1618] : memref<5376x8xf32, #tpu.memory_space<vmem>> -> memref<128x8xf32, #tpu.memory_space<vmem>>
    %dma_wait3A_1620 = arith.constant 0 : i32
    %dma_wait3A_1621 = tpu.memref_slice %arg14[%dma_wait3A_1616, %dma_wait3A_1620] : memref<42x128xi32, #tpu.memory_space<vmem>> -> memref<1x128xi32, #tpu.memory_space<vmem>>
    %dma_wait3A_1622 = tpu.memref_squeeze %dma_wait3A_1621 : memref<1x128xi32, #tpu.memory_space<vmem>> -> memref<128xi32, #tpu.memory_space<vmem>>
    %dma_wait3A_1623 = arith.constant 0 : i32
    %dma_wait3A_1624 = arith.constant 0 : i32
    %dma_wait3A_1625 = tpu.memref_slice %arg15[%dma_wait3A_1623, %dma_wait3A_1624] : memref<63496x8xf32, #tpu.memory_space<vmem_shared>> -> memref<63496x8xf32, #tpu.memory_space<vmem_shared>>
    tpu.wait_indirect_dma semaphore(%arg16 : memref<!tpu.dma_semaphore, #tpu.memory_space<semaphore_mem>>) src(%dma_wait3A_1619 : memref<128x8xf32, #tpu.memory_space<vmem>>) dst(%dma_wait3A_1625 : memref<63496x8xf32, #tpu.memory_space<vmem_shared>>)
    %dma_wait3A_1626 = arith.constant 26 : i32
    %dma_wait3A_1627 = arith.constant 3328 : i32
    %dma_wait3A_1628 = arith.constant 0 : i32
    %dma_wait3A_1629 = tpu.memref_slice %arg11[%dma_wait3A_1627, %dma_wait3A_1628] : memref<5376x8xf32, #tpu.memory_space<vmem>> -> memref<128x8xf32, #tpu.memory_space<vmem>>
    %dma_wait3A_1630 = arith.constant 0 : i32
    %dma_wait3A_1631 = tpu.memref_slice %arg12[%dma_wait3A_1626, %dma_wait3A_1630] : memref<42x128xi32, #tpu.memory_space<vmem>> -> memref<1x128xi32, #tpu.memory_space<vmem>>
    %dma_wait3A_1632 = tpu.memref_squeeze %dma_wait3A_1631 : memref<1x128xi32, #tpu.memory_space<vmem>> -> memref<128xi32, #tpu.memory_space<vmem>>
    %dma_wait3A_1633 = arith.constant 0 : i32
    %dma_wait3A_1634 = arith.constant 0 : i32
    %dma_wait3A_1635 = tpu.memref_slice %arg15[%dma_wait3A_1633, %dma_wait3A_1634] : memref<63496x8xf32, #tpu.memory_space<vmem_shared>> -> memref<63496x8xf32, #tpu.memory_space<vmem_shared>>
    tpu.wait_indirect_dma semaphore(%arg16 : memref<!tpu.dma_semaphore, #tpu.memory_space<semaphore_mem>>) src(%dma_wait3A_1629 : memref<128x8xf32, #tpu.memory_space<vmem>>) dst(%dma_wait3A_1635 : memref<63496x8xf32, #tpu.memory_space<vmem_shared>>)
    %dma_wait3A_1636 = arith.constant 26 : i32
    %dma_wait3A_1637 = arith.constant 3328 : i32
    %dma_wait3A_1638 = arith.constant 0 : i32
    %dma_wait3A_1639 = tpu.memref_slice %arg11[%dma_wait3A_1637, %dma_wait3A_1638] : memref<5376x8xf32, #tpu.memory_space<vmem>> -> memref<128x8xf32, #tpu.memory_space<vmem>>
    %dma_wait3A_1640 = arith.constant 0 : i32
    %dma_wait3A_1641 = tpu.memref_slice %arg13[%dma_wait3A_1636, %dma_wait3A_1640] : memref<42x128xi32, #tpu.memory_space<vmem>> -> memref<1x128xi32, #tpu.memory_space<vmem>>
    %dma_wait3A_1642 = tpu.memref_squeeze %dma_wait3A_1641 : memref<1x128xi32, #tpu.memory_space<vmem>> -> memref<128xi32, #tpu.memory_space<vmem>>
    %dma_wait3A_1643 = arith.constant 0 : i32
    %dma_wait3A_1644 = arith.constant 0 : i32
    %dma_wait3A_1645 = tpu.memref_slice %arg15[%dma_wait3A_1643, %dma_wait3A_1644] : memref<63496x8xf32, #tpu.memory_space<vmem_shared>> -> memref<63496x8xf32, #tpu.memory_space<vmem_shared>>
    tpu.wait_indirect_dma semaphore(%arg16 : memref<!tpu.dma_semaphore, #tpu.memory_space<semaphore_mem>>) src(%dma_wait3A_1639 : memref<128x8xf32, #tpu.memory_space<vmem>>) dst(%dma_wait3A_1645 : memref<63496x8xf32, #tpu.memory_space<vmem_shared>>)
    %dma_wait3A_1646 = arith.constant 26 : i32
    %dma_wait3A_1647 = arith.constant 3328 : i32
    %dma_wait3A_1648 = arith.constant 0 : i32
    %dma_wait3A_1649 = tpu.memref_slice %arg11[%dma_wait3A_1647, %dma_wait3A_1648] : memref<5376x8xf32, #tpu.memory_space<vmem>> -> memref<128x8xf32, #tpu.memory_space<vmem>>
    %dma_wait3A_1650 = arith.constant 0 : i32
    %dma_wait3A_1651 = tpu.memref_slice %arg14[%dma_wait3A_1646, %dma_wait3A_1650] : memref<42x128xi32, #tpu.memory_space<vmem>> -> memref<1x128xi32, #tpu.memory_space<vmem>>
    %dma_wait3A_1652 = tpu.memref_squeeze %dma_wait3A_1651 : memref<1x128xi32, #tpu.memory_space<vmem>> -> memref<128xi32, #tpu.memory_space<vmem>>
    %dma_wait3A_1653 = arith.constant 0 : i32
    %dma_wait3A_1654 = arith.constant 0 : i32
    %dma_wait3A_1655 = tpu.memref_slice %arg15[%dma_wait3A_1653, %dma_wait3A_1654] : memref<63496x8xf32, #tpu.memory_space<vmem_shared>> -> memref<63496x8xf32, #tpu.memory_space<vmem_shared>>
    tpu.wait_indirect_dma semaphore(%arg16 : memref<!tpu.dma_semaphore, #tpu.memory_space<semaphore_mem>>) src(%dma_wait3A_1649 : memref<128x8xf32, #tpu.memory_space<vmem>>) dst(%dma_wait3A_1655 : memref<63496x8xf32, #tpu.memory_space<vmem_shared>>)
    %dma_wait3A_1656 = arith.constant 27 : i32
    %dma_wait3A_1657 = arith.constant 3456 : i32
    %dma_wait3A_1658 = arith.constant 0 : i32
    %dma_wait3A_1659 = tpu.memref_slice %arg11[%dma_wait3A_1657, %dma_wait3A_1658] : memref<5376x8xf32, #tpu.memory_space<vmem>> -> memref<128x8xf32, #tpu.memory_space<vmem>>
    %dma_wait3A_1660 = arith.constant 0 : i32
    %dma_wait3A_1661 = tpu.memref_slice %arg12[%dma_wait3A_1656, %dma_wait3A_1660] : memref<42x128xi32, #tpu.memory_space<vmem>> -> memref<1x128xi32, #tpu.memory_space<vmem>>
    %dma_wait3A_1662 = tpu.memref_squeeze %dma_wait3A_1661 : memref<1x128xi32, #tpu.memory_space<vmem>> -> memref<128xi32, #tpu.memory_space<vmem>>
    %dma_wait3A_1663 = arith.constant 0 : i32
    %dma_wait3A_1664 = arith.constant 0 : i32
    %dma_wait3A_1665 = tpu.memref_slice %arg15[%dma_wait3A_1663, %dma_wait3A_1664] : memref<63496x8xf32, #tpu.memory_space<vmem_shared>> -> memref<63496x8xf32, #tpu.memory_space<vmem_shared>>
    tpu.wait_indirect_dma semaphore(%arg16 : memref<!tpu.dma_semaphore, #tpu.memory_space<semaphore_mem>>) src(%dma_wait3A_1659 : memref<128x8xf32, #tpu.memory_space<vmem>>) dst(%dma_wait3A_1665 : memref<63496x8xf32, #tpu.memory_space<vmem_shared>>)
    %dma_wait3A_1666 = arith.constant 27 : i32
    %dma_wait3A_1667 = arith.constant 3456 : i32
    %dma_wait3A_1668 = arith.constant 0 : i32
    %dma_wait3A_1669 = tpu.memref_slice %arg11[%dma_wait3A_1667, %dma_wait3A_1668] : memref<5376x8xf32, #tpu.memory_space<vmem>> -> memref<128x8xf32, #tpu.memory_space<vmem>>
    %dma_wait3A_1670 = arith.constant 0 : i32
    %dma_wait3A_1671 = tpu.memref_slice %arg13[%dma_wait3A_1666, %dma_wait3A_1670] : memref<42x128xi32, #tpu.memory_space<vmem>> -> memref<1x128xi32, #tpu.memory_space<vmem>>
    %dma_wait3A_1672 = tpu.memref_squeeze %dma_wait3A_1671 : memref<1x128xi32, #tpu.memory_space<vmem>> -> memref<128xi32, #tpu.memory_space<vmem>>
    %dma_wait3A_1673 = arith.constant 0 : i32
    %dma_wait3A_1674 = arith.constant 0 : i32
    %dma_wait3A_1675 = tpu.memref_slice %arg15[%dma_wait3A_1673, %dma_wait3A_1674] : memref<63496x8xf32, #tpu.memory_space<vmem_shared>> -> memref<63496x8xf32, #tpu.memory_space<vmem_shared>>
    tpu.wait_indirect_dma semaphore(%arg16 : memref<!tpu.dma_semaphore, #tpu.memory_space<semaphore_mem>>) src(%dma_wait3A_1669 : memref<128x8xf32, #tpu.memory_space<vmem>>) dst(%dma_wait3A_1675 : memref<63496x8xf32, #tpu.memory_space<vmem_shared>>)
    %dma_wait3A_1676 = arith.constant 27 : i32
    %dma_wait3A_1677 = arith.constant 3456 : i32
    %dma_wait3A_1678 = arith.constant 0 : i32
    %dma_wait3A_1679 = tpu.memref_slice %arg11[%dma_wait3A_1677, %dma_wait3A_1678] : memref<5376x8xf32, #tpu.memory_space<vmem>> -> memref<128x8xf32, #tpu.memory_space<vmem>>
    %dma_wait3A_1680 = arith.constant 0 : i32
    %dma_wait3A_1681 = tpu.memref_slice %arg14[%dma_wait3A_1676, %dma_wait3A_1680] : memref<42x128xi32, #tpu.memory_space<vmem>> -> memref<1x128xi32, #tpu.memory_space<vmem>>
    %dma_wait3A_1682 = tpu.memref_squeeze %dma_wait3A_1681 : memref<1x128xi32, #tpu.memory_space<vmem>> -> memref<128xi32, #tpu.memory_space<vmem>>
    %dma_wait3A_1683 = arith.constant 0 : i32
    %dma_wait3A_1684 = arith.constant 0 : i32
    %dma_wait3A_1685 = tpu.memref_slice %arg15[%dma_wait3A_1683, %dma_wait3A_1684] : memref<63496x8xf32, #tpu.memory_space<vmem_shared>> -> memref<63496x8xf32, #tpu.memory_space<vmem_shared>>
    tpu.wait_indirect_dma semaphore(%arg16 : memref<!tpu.dma_semaphore, #tpu.memory_space<semaphore_mem>>) src(%dma_wait3A_1679 : memref<128x8xf32, #tpu.memory_space<vmem>>) dst(%dma_wait3A_1685 : memref<63496x8xf32, #tpu.memory_space<vmem_shared>>)
    %dma_start3A_1686 = arith.constant 28 : i32
    %dma_start3A_1687 = arith.constant 3584 : i32
    %dma_start3A_1688 = arith.constant 0 : i32
    %dma_start3A_1689 = tpu.memref_slice %arg11[%dma_start3A_1687, %dma_start3A_1688] : memref<5376x8xf32, #tpu.memory_space<vmem>> -> memref<128x8xf32, #tpu.memory_space<vmem>>
    %dma_start3A_1690 = arith.constant 0 : i32
    %dma_start3A_1691 = tpu.memref_slice %arg12[%dma_start3A_1686, %dma_start3A_1690] : memref<42x128xi32, #tpu.memory_space<vmem>> -> memref<1x128xi32, #tpu.memory_space<vmem>>
    %dma_start3A_1692 = tpu.memref_squeeze %dma_start3A_1691 : memref<1x128xi32, #tpu.memory_space<vmem>> -> memref<128xi32, #tpu.memory_space<vmem>>
    %dma_start3A_1693 = arith.constant 0 : i32
    %dma_start3A_1694 = arith.constant 0 : i32
    %dma_start3A_1695 = tpu.memref_slice %arg15[%dma_start3A_1693, %dma_start3A_1694] : memref<63496x8xf32, #tpu.memory_space<vmem_shared>> -> memref<63496x8xf32, #tpu.memory_space<vmem_shared>>
    tpu.enqueue_indirect_dma source(%dma_start3A_1689 : memref<128x8xf32, #tpu.memory_space<vmem>>) target(%dma_start3A_1695 : memref<63496x8xf32, #tpu.memory_space<vmem_shared>>) offsets(%dma_start3A_1692 : memref<128xi32, #tpu.memory_space<vmem>>) semaphore(%arg16 : memref<!tpu.dma_semaphore, #tpu.memory_space<semaphore_mem>>)
    %dma_start3A_1696 = arith.constant 28 : i32
    %dma_start3A_1697 = arith.constant 3584 : i32
    %dma_start3A_1698 = arith.constant 0 : i32
    %dma_start3A_1699 = tpu.memref_slice %arg11[%dma_start3A_1697, %dma_start3A_1698] : memref<5376x8xf32, #tpu.memory_space<vmem>> -> memref<128x8xf32, #tpu.memory_space<vmem>>
    %dma_start3A_1700 = arith.constant 0 : i32
    %dma_start3A_1701 = tpu.memref_slice %arg13[%dma_start3A_1696, %dma_start3A_1700] : memref<42x128xi32, #tpu.memory_space<vmem>> -> memref<1x128xi32, #tpu.memory_space<vmem>>
    %dma_start3A_1702 = tpu.memref_squeeze %dma_start3A_1701 : memref<1x128xi32, #tpu.memory_space<vmem>> -> memref<128xi32, #tpu.memory_space<vmem>>
    %dma_start3A_1703 = arith.constant 0 : i32
    %dma_start3A_1704 = arith.constant 0 : i32
    %dma_start3A_1705 = tpu.memref_slice %arg15[%dma_start3A_1703, %dma_start3A_1704] : memref<63496x8xf32, #tpu.memory_space<vmem_shared>> -> memref<63496x8xf32, #tpu.memory_space<vmem_shared>>
    tpu.enqueue_indirect_dma source(%dma_start3A_1699 : memref<128x8xf32, #tpu.memory_space<vmem>>) target(%dma_start3A_1705 : memref<63496x8xf32, #tpu.memory_space<vmem_shared>>) offsets(%dma_start3A_1702 : memref<128xi32, #tpu.memory_space<vmem>>) semaphore(%arg16 : memref<!tpu.dma_semaphore, #tpu.memory_space<semaphore_mem>>)
    %dma_start3A_1706 = arith.constant 28 : i32
    %dma_start3A_1707 = arith.constant 3584 : i32
    %dma_start3A_1708 = arith.constant 0 : i32
    %dma_start3A_1709 = tpu.memref_slice %arg11[%dma_start3A_1707, %dma_start3A_1708] : memref<5376x8xf32, #tpu.memory_space<vmem>> -> memref<128x8xf32, #tpu.memory_space<vmem>>
    %dma_start3A_1710 = arith.constant 0 : i32
    %dma_start3A_1711 = tpu.memref_slice %arg14[%dma_start3A_1706, %dma_start3A_1710] : memref<42x128xi32, #tpu.memory_space<vmem>> -> memref<1x128xi32, #tpu.memory_space<vmem>>
    %dma_start3A_1712 = tpu.memref_squeeze %dma_start3A_1711 : memref<1x128xi32, #tpu.memory_space<vmem>> -> memref<128xi32, #tpu.memory_space<vmem>>
    %dma_start3A_1713 = arith.constant 0 : i32
    %dma_start3A_1714 = arith.constant 0 : i32
    %dma_start3A_1715 = tpu.memref_slice %arg15[%dma_start3A_1713, %dma_start3A_1714] : memref<63496x8xf32, #tpu.memory_space<vmem_shared>> -> memref<63496x8xf32, #tpu.memory_space<vmem_shared>>
    tpu.enqueue_indirect_dma source(%dma_start3A_1709 : memref<128x8xf32, #tpu.memory_space<vmem>>) target(%dma_start3A_1715 : memref<63496x8xf32, #tpu.memory_space<vmem_shared>>) offsets(%dma_start3A_1712 : memref<128xi32, #tpu.memory_space<vmem>>) semaphore(%arg16 : memref<!tpu.dma_semaphore, #tpu.memory_space<semaphore_mem>>)
    %dma_start3A_1716 = arith.constant 29 : i32
    %dma_start3A_1717 = arith.constant 3712 : i32
    %dma_start3A_1718 = arith.constant 0 : i32
    %dma_start3A_1719 = tpu.memref_slice %arg11[%dma_start3A_1717, %dma_start3A_1718] : memref<5376x8xf32, #tpu.memory_space<vmem>> -> memref<128x8xf32, #tpu.memory_space<vmem>>
    %dma_start3A_1720 = arith.constant 0 : i32
    %dma_start3A_1721 = tpu.memref_slice %arg12[%dma_start3A_1716, %dma_start3A_1720] : memref<42x128xi32, #tpu.memory_space<vmem>> -> memref<1x128xi32, #tpu.memory_space<vmem>>
    %dma_start3A_1722 = tpu.memref_squeeze %dma_start3A_1721 : memref<1x128xi32, #tpu.memory_space<vmem>> -> memref<128xi32, #tpu.memory_space<vmem>>
    %dma_start3A_1723 = arith.constant 0 : i32
    %dma_start3A_1724 = arith.constant 0 : i32
    %dma_start3A_1725 = tpu.memref_slice %arg15[%dma_start3A_1723, %dma_start3A_1724] : memref<63496x8xf32, #tpu.memory_space<vmem_shared>> -> memref<63496x8xf32, #tpu.memory_space<vmem_shared>>
    tpu.enqueue_indirect_dma source(%dma_start3A_1719 : memref<128x8xf32, #tpu.memory_space<vmem>>) target(%dma_start3A_1725 : memref<63496x8xf32, #tpu.memory_space<vmem_shared>>) offsets(%dma_start3A_1722 : memref<128xi32, #tpu.memory_space<vmem>>) semaphore(%arg16 : memref<!tpu.dma_semaphore, #tpu.memory_space<semaphore_mem>>)
    %dma_start3A_1726 = arith.constant 29 : i32
    %dma_start3A_1727 = arith.constant 3712 : i32
    %dma_start3A_1728 = arith.constant 0 : i32
    %dma_start3A_1729 = tpu.memref_slice %arg11[%dma_start3A_1727, %dma_start3A_1728] : memref<5376x8xf32, #tpu.memory_space<vmem>> -> memref<128x8xf32, #tpu.memory_space<vmem>>
    %dma_start3A_1730 = arith.constant 0 : i32
    %dma_start3A_1731 = tpu.memref_slice %arg13[%dma_start3A_1726, %dma_start3A_1730] : memref<42x128xi32, #tpu.memory_space<vmem>> -> memref<1x128xi32, #tpu.memory_space<vmem>>
    %dma_start3A_1732 = tpu.memref_squeeze %dma_start3A_1731 : memref<1x128xi32, #tpu.memory_space<vmem>> -> memref<128xi32, #tpu.memory_space<vmem>>
    %dma_start3A_1733 = arith.constant 0 : i32
    %dma_start3A_1734 = arith.constant 0 : i32
    %dma_start3A_1735 = tpu.memref_slice %arg15[%dma_start3A_1733, %dma_start3A_1734] : memref<63496x8xf32, #tpu.memory_space<vmem_shared>> -> memref<63496x8xf32, #tpu.memory_space<vmem_shared>>
    tpu.enqueue_indirect_dma source(%dma_start3A_1729 : memref<128x8xf32, #tpu.memory_space<vmem>>) target(%dma_start3A_1735 : memref<63496x8xf32, #tpu.memory_space<vmem_shared>>) offsets(%dma_start3A_1732 : memref<128xi32, #tpu.memory_space<vmem>>) semaphore(%arg16 : memref<!tpu.dma_semaphore, #tpu.memory_space<semaphore_mem>>)
    %dma_start3A_1736 = arith.constant 29 : i32
    %dma_start3A_1737 = arith.constant 3712 : i32
    %dma_start3A_1738 = arith.constant 0 : i32
    %dma_start3A_1739 = tpu.memref_slice %arg11[%dma_start3A_1737, %dma_start3A_1738] : memref<5376x8xf32, #tpu.memory_space<vmem>> -> memref<128x8xf32, #tpu.memory_space<vmem>>
    %dma_start3A_1740 = arith.constant 0 : i32
    %dma_start3A_1741 = tpu.memref_slice %arg14[%dma_start3A_1736, %dma_start3A_1740] : memref<42x128xi32, #tpu.memory_space<vmem>> -> memref<1x128xi32, #tpu.memory_space<vmem>>
    %dma_start3A_1742 = tpu.memref_squeeze %dma_start3A_1741 : memref<1x128xi32, #tpu.memory_space<vmem>> -> memref<128xi32, #tpu.memory_space<vmem>>
    %dma_start3A_1743 = arith.constant 0 : i32
    %dma_start3A_1744 = arith.constant 0 : i32
    %dma_start3A_1745 = tpu.memref_slice %arg15[%dma_start3A_1743, %dma_start3A_1744] : memref<63496x8xf32, #tpu.memory_space<vmem_shared>> -> memref<63496x8xf32, #tpu.memory_space<vmem_shared>>
    tpu.enqueue_indirect_dma source(%dma_start3A_1739 : memref<128x8xf32, #tpu.memory_space<vmem>>) target(%dma_start3A_1745 : memref<63496x8xf32, #tpu.memory_space<vmem_shared>>) offsets(%dma_start3A_1742 : memref<128xi32, #tpu.memory_space<vmem>>) semaphore(%arg16 : memref<!tpu.dma_semaphore, #tpu.memory_space<semaphore_mem>>)
    %dma_start3A_1746 = arith.constant 30 : i32
    %dma_start3A_1747 = arith.constant 3840 : i32
    %dma_start3A_1748 = arith.constant 0 : i32
    %dma_start3A_1749 = tpu.memref_slice %arg11[%dma_start3A_1747, %dma_start3A_1748] : memref<5376x8xf32, #tpu.memory_space<vmem>> -> memref<128x8xf32, #tpu.memory_space<vmem>>
    %dma_start3A_1750 = arith.constant 0 : i32
    %dma_start3A_1751 = tpu.memref_slice %arg12[%dma_start3A_1746, %dma_start3A_1750] : memref<42x128xi32, #tpu.memory_space<vmem>> -> memref<1x128xi32, #tpu.memory_space<vmem>>
    %dma_start3A_1752 = tpu.memref_squeeze %dma_start3A_1751 : memref<1x128xi32, #tpu.memory_space<vmem>> -> memref<128xi32, #tpu.memory_space<vmem>>
    %dma_start3A_1753 = arith.constant 0 : i32
    %dma_start3A_1754 = arith.constant 0 : i32
    %dma_start3A_1755 = tpu.memref_slice %arg15[%dma_start3A_1753, %dma_start3A_1754] : memref<63496x8xf32, #tpu.memory_space<vmem_shared>> -> memref<63496x8xf32, #tpu.memory_space<vmem_shared>>
    tpu.enqueue_indirect_dma source(%dma_start3A_1749 : memref<128x8xf32, #tpu.memory_space<vmem>>) target(%dma_start3A_1755 : memref<63496x8xf32, #tpu.memory_space<vmem_shared>>) offsets(%dma_start3A_1752 : memref<128xi32, #tpu.memory_space<vmem>>) semaphore(%arg16 : memref<!tpu.dma_semaphore, #tpu.memory_space<semaphore_mem>>)
    %dma_start3A_1756 = arith.constant 30 : i32
    %dma_start3A_1757 = arith.constant 3840 : i32
    %dma_start3A_1758 = arith.constant 0 : i32
    %dma_start3A_1759 = tpu.memref_slice %arg11[%dma_start3A_1757, %dma_start3A_1758] : memref<5376x8xf32, #tpu.memory_space<vmem>> -> memref<128x8xf32, #tpu.memory_space<vmem>>
    %dma_start3A_1760 = arith.constant 0 : i32
    %dma_start3A_1761 = tpu.memref_slice %arg13[%dma_start3A_1756, %dma_start3A_1760] : memref<42x128xi32, #tpu.memory_space<vmem>> -> memref<1x128xi32, #tpu.memory_space<vmem>>
    %dma_start3A_1762 = tpu.memref_squeeze %dma_start3A_1761 : memref<1x128xi32, #tpu.memory_space<vmem>> -> memref<128xi32, #tpu.memory_space<vmem>>
    %dma_start3A_1763 = arith.constant 0 : i32
    %dma_start3A_1764 = arith.constant 0 : i32
    %dma_start3A_1765 = tpu.memref_slice %arg15[%dma_start3A_1763, %dma_start3A_1764] : memref<63496x8xf32, #tpu.memory_space<vmem_shared>> -> memref<63496x8xf32, #tpu.memory_space<vmem_shared>>
    tpu.enqueue_indirect_dma source(%dma_start3A_1759 : memref<128x8xf32, #tpu.memory_space<vmem>>) target(%dma_start3A_1765 : memref<63496x8xf32, #tpu.memory_space<vmem_shared>>) offsets(%dma_start3A_1762 : memref<128xi32, #tpu.memory_space<vmem>>) semaphore(%arg16 : memref<!tpu.dma_semaphore, #tpu.memory_space<semaphore_mem>>)
    %dma_start3A_1766 = arith.constant 30 : i32
    %dma_start3A_1767 = arith.constant 3840 : i32
    %dma_start3A_1768 = arith.constant 0 : i32
    %dma_start3A_1769 = tpu.memref_slice %arg11[%dma_start3A_1767, %dma_start3A_1768] : memref<5376x8xf32, #tpu.memory_space<vmem>> -> memref<128x8xf32, #tpu.memory_space<vmem>>
    %dma_start3A_1770 = arith.constant 0 : i32
    %dma_start3A_1771 = tpu.memref_slice %arg14[%dma_start3A_1766, %dma_start3A_1770] : memref<42x128xi32, #tpu.memory_space<vmem>> -> memref<1x128xi32, #tpu.memory_space<vmem>>
    %dma_start3A_1772 = tpu.memref_squeeze %dma_start3A_1771 : memref<1x128xi32, #tpu.memory_space<vmem>> -> memref<128xi32, #tpu.memory_space<vmem>>
    %dma_start3A_1773 = arith.constant 0 : i32
    %dma_start3A_1774 = arith.constant 0 : i32
    %dma_start3A_1775 = tpu.memref_slice %arg15[%dma_start3A_1773, %dma_start3A_1774] : memref<63496x8xf32, #tpu.memory_space<vmem_shared>> -> memref<63496x8xf32, #tpu.memory_space<vmem_shared>>
    tpu.enqueue_indirect_dma source(%dma_start3A_1769 : memref<128x8xf32, #tpu.memory_space<vmem>>) target(%dma_start3A_1775 : memref<63496x8xf32, #tpu.memory_space<vmem_shared>>) offsets(%dma_start3A_1772 : memref<128xi32, #tpu.memory_space<vmem>>) semaphore(%arg16 : memref<!tpu.dma_semaphore, #tpu.memory_space<semaphore_mem>>)
    %dma_start3A_1776 = arith.constant 31 : i32
    %dma_start3A_1777 = arith.constant 3968 : i32
    %dma_start3A_1778 = arith.constant 0 : i32
    %dma_start3A_1779 = tpu.memref_slice %arg11[%dma_start3A_1777, %dma_start3A_1778] : memref<5376x8xf32, #tpu.memory_space<vmem>> -> memref<128x8xf32, #tpu.memory_space<vmem>>
    %dma_start3A_1780 = arith.constant 0 : i32
    %dma_start3A_1781 = tpu.memref_slice %arg12[%dma_start3A_1776, %dma_start3A_1780] : memref<42x128xi32, #tpu.memory_space<vmem>> -> memref<1x128xi32, #tpu.memory_space<vmem>>
    %dma_start3A_1782 = tpu.memref_squeeze %dma_start3A_1781 : memref<1x128xi32, #tpu.memory_space<vmem>> -> memref<128xi32, #tpu.memory_space<vmem>>
    %dma_start3A_1783 = arith.constant 0 : i32
    %dma_start3A_1784 = arith.constant 0 : i32
    %dma_start3A_1785 = tpu.memref_slice %arg15[%dma_start3A_1783, %dma_start3A_1784] : memref<63496x8xf32, #tpu.memory_space<vmem_shared>> -> memref<63496x8xf32, #tpu.memory_space<vmem_shared>>
    tpu.enqueue_indirect_dma source(%dma_start3A_1779 : memref<128x8xf32, #tpu.memory_space<vmem>>) target(%dma_start3A_1785 : memref<63496x8xf32, #tpu.memory_space<vmem_shared>>) offsets(%dma_start3A_1782 : memref<128xi32, #tpu.memory_space<vmem>>) semaphore(%arg16 : memref<!tpu.dma_semaphore, #tpu.memory_space<semaphore_mem>>)
    %dma_start3A_1786 = arith.constant 31 : i32
    %dma_start3A_1787 = arith.constant 3968 : i32
    %dma_start3A_1788 = arith.constant 0 : i32
    %dma_start3A_1789 = tpu.memref_slice %arg11[%dma_start3A_1787, %dma_start3A_1788] : memref<5376x8xf32, #tpu.memory_space<vmem>> -> memref<128x8xf32, #tpu.memory_space<vmem>>
    %dma_start3A_1790 = arith.constant 0 : i32
    %dma_start3A_1791 = tpu.memref_slice %arg13[%dma_start3A_1786, %dma_start3A_1790] : memref<42x128xi32, #tpu.memory_space<vmem>> -> memref<1x128xi32, #tpu.memory_space<vmem>>
    %dma_start3A_1792 = tpu.memref_squeeze %dma_start3A_1791 : memref<1x128xi32, #tpu.memory_space<vmem>> -> memref<128xi32, #tpu.memory_space<vmem>>
    %dma_start3A_1793 = arith.constant 0 : i32
    %dma_start3A_1794 = arith.constant 0 : i32
    %dma_start3A_1795 = tpu.memref_slice %arg15[%dma_start3A_1793, %dma_start3A_1794] : memref<63496x8xf32, #tpu.memory_space<vmem_shared>> -> memref<63496x8xf32, #tpu.memory_space<vmem_shared>>
    tpu.enqueue_indirect_dma source(%dma_start3A_1789 : memref<128x8xf32, #tpu.memory_space<vmem>>) target(%dma_start3A_1795 : memref<63496x8xf32, #tpu.memory_space<vmem_shared>>) offsets(%dma_start3A_1792 : memref<128xi32, #tpu.memory_space<vmem>>) semaphore(%arg16 : memref<!tpu.dma_semaphore, #tpu.memory_space<semaphore_mem>>)
    %dma_start3A_1796 = arith.constant 31 : i32
    %dma_start3A_1797 = arith.constant 3968 : i32
    %dma_start3A_1798 = arith.constant 0 : i32
    %dma_start3A_1799 = tpu.memref_slice %arg11[%dma_start3A_1797, %dma_start3A_1798] : memref<5376x8xf32, #tpu.memory_space<vmem>> -> memref<128x8xf32, #tpu.memory_space<vmem>>
    %dma_start3A_1800 = arith.constant 0 : i32
    %dma_start3A_1801 = tpu.memref_slice %arg14[%dma_start3A_1796, %dma_start3A_1800] : memref<42x128xi32, #tpu.memory_space<vmem>> -> memref<1x128xi32, #tpu.memory_space<vmem>>
    %dma_start3A_1802 = tpu.memref_squeeze %dma_start3A_1801 : memref<1x128xi32, #tpu.memory_space<vmem>> -> memref<128xi32, #tpu.memory_space<vmem>>
    %dma_start3A_1803 = arith.constant 0 : i32
    %dma_start3A_1804 = arith.constant 0 : i32
    %dma_start3A_1805 = tpu.memref_slice %arg15[%dma_start3A_1803, %dma_start3A_1804] : memref<63496x8xf32, #tpu.memory_space<vmem_shared>> -> memref<63496x8xf32, #tpu.memory_space<vmem_shared>>
    tpu.enqueue_indirect_dma source(%dma_start3A_1799 : memref<128x8xf32, #tpu.memory_space<vmem>>) target(%dma_start3A_1805 : memref<63496x8xf32, #tpu.memory_space<vmem_shared>>) offsets(%dma_start3A_1802 : memref<128xi32, #tpu.memory_space<vmem>>) semaphore(%arg16 : memref<!tpu.dma_semaphore, #tpu.memory_space<semaphore_mem>>)
    %dma_start3A_1806 = arith.constant 32 : i32
    %dma_start3A_1807 = arith.constant 4096 : i32
    %dma_start3A_1808 = arith.constant 0 : i32
    %dma_start3A_1809 = tpu.memref_slice %arg11[%dma_start3A_1807, %dma_start3A_1808] : memref<5376x8xf32, #tpu.memory_space<vmem>> -> memref<128x8xf32, #tpu.memory_space<vmem>>
    %dma_start3A_1810 = arith.constant 0 : i32
    %dma_start3A_1811 = tpu.memref_slice %arg12[%dma_start3A_1806, %dma_start3A_1810] : memref<42x128xi32, #tpu.memory_space<vmem>> -> memref<1x128xi32, #tpu.memory_space<vmem>>
    %dma_start3A_1812 = tpu.memref_squeeze %dma_start3A_1811 : memref<1x128xi32, #tpu.memory_space<vmem>> -> memref<128xi32, #tpu.memory_space<vmem>>
    %dma_start3A_1813 = arith.constant 0 : i32
    %dma_start3A_1814 = arith.constant 0 : i32
    %dma_start3A_1815 = tpu.memref_slice %arg15[%dma_start3A_1813, %dma_start3A_1814] : memref<63496x8xf32, #tpu.memory_space<vmem_shared>> -> memref<63496x8xf32, #tpu.memory_space<vmem_shared>>
    tpu.enqueue_indirect_dma source(%dma_start3A_1809 : memref<128x8xf32, #tpu.memory_space<vmem>>) target(%dma_start3A_1815 : memref<63496x8xf32, #tpu.memory_space<vmem_shared>>) offsets(%dma_start3A_1812 : memref<128xi32, #tpu.memory_space<vmem>>) semaphore(%arg16 : memref<!tpu.dma_semaphore, #tpu.memory_space<semaphore_mem>>)
    %dma_start3A_1816 = arith.constant 32 : i32
    %dma_start3A_1817 = arith.constant 4096 : i32
    %dma_start3A_1818 = arith.constant 0 : i32
    %dma_start3A_1819 = tpu.memref_slice %arg11[%dma_start3A_1817, %dma_start3A_1818] : memref<5376x8xf32, #tpu.memory_space<vmem>> -> memref<128x8xf32, #tpu.memory_space<vmem>>
    %dma_start3A_1820 = arith.constant 0 : i32
    %dma_start3A_1821 = tpu.memref_slice %arg13[%dma_start3A_1816, %dma_start3A_1820] : memref<42x128xi32, #tpu.memory_space<vmem>> -> memref<1x128xi32, #tpu.memory_space<vmem>>
    %dma_start3A_1822 = tpu.memref_squeeze %dma_start3A_1821 : memref<1x128xi32, #tpu.memory_space<vmem>> -> memref<128xi32, #tpu.memory_space<vmem>>
    %dma_start3A_1823 = arith.constant 0 : i32
    %dma_start3A_1824 = arith.constant 0 : i32
    %dma_start3A_1825 = tpu.memref_slice %arg15[%dma_start3A_1823, %dma_start3A_1824] : memref<63496x8xf32, #tpu.memory_space<vmem_shared>> -> memref<63496x8xf32, #tpu.memory_space<vmem_shared>>
    tpu.enqueue_indirect_dma source(%dma_start3A_1819 : memref<128x8xf32, #tpu.memory_space<vmem>>) target(%dma_start3A_1825 : memref<63496x8xf32, #tpu.memory_space<vmem_shared>>) offsets(%dma_start3A_1822 : memref<128xi32, #tpu.memory_space<vmem>>) semaphore(%arg16 : memref<!tpu.dma_semaphore, #tpu.memory_space<semaphore_mem>>)
    %dma_start3A_1826 = arith.constant 32 : i32
    %dma_start3A_1827 = arith.constant 4096 : i32
    %dma_start3A_1828 = arith.constant 0 : i32
    %dma_start3A_1829 = tpu.memref_slice %arg11[%dma_start3A_1827, %dma_start3A_1828] : memref<5376x8xf32, #tpu.memory_space<vmem>> -> memref<128x8xf32, #tpu.memory_space<vmem>>
    %dma_start3A_1830 = arith.constant 0 : i32
    %dma_start3A_1831 = tpu.memref_slice %arg14[%dma_start3A_1826, %dma_start3A_1830] : memref<42x128xi32, #tpu.memory_space<vmem>> -> memref<1x128xi32, #tpu.memory_space<vmem>>
    %dma_start3A_1832 = tpu.memref_squeeze %dma_start3A_1831 : memref<1x128xi32, #tpu.memory_space<vmem>> -> memref<128xi32, #tpu.memory_space<vmem>>
    %dma_start3A_1833 = arith.constant 0 : i32
    %dma_start3A_1834 = arith.constant 0 : i32
    %dma_start3A_1835 = tpu.memref_slice %arg15[%dma_start3A_1833, %dma_start3A_1834] : memref<63496x8xf32, #tpu.memory_space<vmem_shared>> -> memref<63496x8xf32, #tpu.memory_space<vmem_shared>>
    tpu.enqueue_indirect_dma source(%dma_start3A_1829 : memref<128x8xf32, #tpu.memory_space<vmem>>) target(%dma_start3A_1835 : memref<63496x8xf32, #tpu.memory_space<vmem_shared>>) offsets(%dma_start3A_1832 : memref<128xi32, #tpu.memory_space<vmem>>) semaphore(%arg16 : memref<!tpu.dma_semaphore, #tpu.memory_space<semaphore_mem>>)
    %dma_start3A_1836 = arith.constant 33 : i32
    %dma_start3A_1837 = arith.constant 4224 : i32
    %dma_start3A_1838 = arith.constant 0 : i32
    %dma_start3A_1839 = tpu.memref_slice %arg11[%dma_start3A_1837, %dma_start3A_1838] : memref<5376x8xf32, #tpu.memory_space<vmem>> -> memref<128x8xf32, #tpu.memory_space<vmem>>
    %dma_start3A_1840 = arith.constant 0 : i32
    %dma_start3A_1841 = tpu.memref_slice %arg12[%dma_start3A_1836, %dma_start3A_1840] : memref<42x128xi32, #tpu.memory_space<vmem>> -> memref<1x128xi32, #tpu.memory_space<vmem>>
    %dma_start3A_1842 = tpu.memref_squeeze %dma_start3A_1841 : memref<1x128xi32, #tpu.memory_space<vmem>> -> memref<128xi32, #tpu.memory_space<vmem>>
    %dma_start3A_1843 = arith.constant 0 : i32
    %dma_start3A_1844 = arith.constant 0 : i32
    %dma_start3A_1845 = tpu.memref_slice %arg15[%dma_start3A_1843, %dma_start3A_1844] : memref<63496x8xf32, #tpu.memory_space<vmem_shared>> -> memref<63496x8xf32, #tpu.memory_space<vmem_shared>>
    tpu.enqueue_indirect_dma source(%dma_start3A_1839 : memref<128x8xf32, #tpu.memory_space<vmem>>) target(%dma_start3A_1845 : memref<63496x8xf32, #tpu.memory_space<vmem_shared>>) offsets(%dma_start3A_1842 : memref<128xi32, #tpu.memory_space<vmem>>) semaphore(%arg16 : memref<!tpu.dma_semaphore, #tpu.memory_space<semaphore_mem>>)
    %dma_start3A_1846 = arith.constant 33 : i32
    %dma_start3A_1847 = arith.constant 4224 : i32
    %dma_start3A_1848 = arith.constant 0 : i32
    %dma_start3A_1849 = tpu.memref_slice %arg11[%dma_start3A_1847, %dma_start3A_1848] : memref<5376x8xf32, #tpu.memory_space<vmem>> -> memref<128x8xf32, #tpu.memory_space<vmem>>
    %dma_start3A_1850 = arith.constant 0 : i32
    %dma_start3A_1851 = tpu.memref_slice %arg13[%dma_start3A_1846, %dma_start3A_1850] : memref<42x128xi32, #tpu.memory_space<vmem>> -> memref<1x128xi32, #tpu.memory_space<vmem>>
    %dma_start3A_1852 = tpu.memref_squeeze %dma_start3A_1851 : memref<1x128xi32, #tpu.memory_space<vmem>> -> memref<128xi32, #tpu.memory_space<vmem>>
    %dma_start3A_1853 = arith.constant 0 : i32
    %dma_start3A_1854 = arith.constant 0 : i32
    %dma_start3A_1855 = tpu.memref_slice %arg15[%dma_start3A_1853, %dma_start3A_1854] : memref<63496x8xf32, #tpu.memory_space<vmem_shared>> -> memref<63496x8xf32, #tpu.memory_space<vmem_shared>>
    tpu.enqueue_indirect_dma source(%dma_start3A_1849 : memref<128x8xf32, #tpu.memory_space<vmem>>) target(%dma_start3A_1855 : memref<63496x8xf32, #tpu.memory_space<vmem_shared>>) offsets(%dma_start3A_1852 : memref<128xi32, #tpu.memory_space<vmem>>) semaphore(%arg16 : memref<!tpu.dma_semaphore, #tpu.memory_space<semaphore_mem>>)
    %dma_start3A_1856 = arith.constant 33 : i32
    %dma_start3A_1857 = arith.constant 4224 : i32
    %dma_start3A_1858 = arith.constant 0 : i32
    %dma_start3A_1859 = tpu.memref_slice %arg11[%dma_start3A_1857, %dma_start3A_1858] : memref<5376x8xf32, #tpu.memory_space<vmem>> -> memref<128x8xf32, #tpu.memory_space<vmem>>
    %dma_start3A_1860 = arith.constant 0 : i32
    %dma_start3A_1861 = tpu.memref_slice %arg14[%dma_start3A_1856, %dma_start3A_1860] : memref<42x128xi32, #tpu.memory_space<vmem>> -> memref<1x128xi32, #tpu.memory_space<vmem>>
    %dma_start3A_1862 = tpu.memref_squeeze %dma_start3A_1861 : memref<1x128xi32, #tpu.memory_space<vmem>> -> memref<128xi32, #tpu.memory_space<vmem>>
    %dma_start3A_1863 = arith.constant 0 : i32
    %dma_start3A_1864 = arith.constant 0 : i32
    %dma_start3A_1865 = tpu.memref_slice %arg15[%dma_start3A_1863, %dma_start3A_1864] : memref<63496x8xf32, #tpu.memory_space<vmem_shared>> -> memref<63496x8xf32, #tpu.memory_space<vmem_shared>>
    tpu.enqueue_indirect_dma source(%dma_start3A_1859 : memref<128x8xf32, #tpu.memory_space<vmem>>) target(%dma_start3A_1865 : memref<63496x8xf32, #tpu.memory_space<vmem_shared>>) offsets(%dma_start3A_1862 : memref<128xi32, #tpu.memory_space<vmem>>) semaphore(%arg16 : memref<!tpu.dma_semaphore, #tpu.memory_space<semaphore_mem>>)
    %dma_start3A_1866 = arith.constant 34 : i32
    %dma_start3A_1867 = arith.constant 4352 : i32
    %dma_start3A_1868 = arith.constant 0 : i32
    %dma_start3A_1869 = tpu.memref_slice %arg11[%dma_start3A_1867, %dma_start3A_1868] : memref<5376x8xf32, #tpu.memory_space<vmem>> -> memref<128x8xf32, #tpu.memory_space<vmem>>
    %dma_start3A_1870 = arith.constant 0 : i32
    %dma_start3A_1871 = tpu.memref_slice %arg12[%dma_start3A_1866, %dma_start3A_1870] : memref<42x128xi32, #tpu.memory_space<vmem>> -> memref<1x128xi32, #tpu.memory_space<vmem>>
    %dma_start3A_1872 = tpu.memref_squeeze %dma_start3A_1871 : memref<1x128xi32, #tpu.memory_space<vmem>> -> memref<128xi32, #tpu.memory_space<vmem>>
    %dma_start3A_1873 = arith.constant 0 : i32
    %dma_start3A_1874 = arith.constant 0 : i32
    %dma_start3A_1875 = tpu.memref_slice %arg15[%dma_start3A_1873, %dma_start3A_1874] : memref<63496x8xf32, #tpu.memory_space<vmem_shared>> -> memref<63496x8xf32, #tpu.memory_space<vmem_shared>>
    tpu.enqueue_indirect_dma source(%dma_start3A_1869 : memref<128x8xf32, #tpu.memory_space<vmem>>) target(%dma_start3A_1875 : memref<63496x8xf32, #tpu.memory_space<vmem_shared>>) offsets(%dma_start3A_1872 : memref<128xi32, #tpu.memory_space<vmem>>) semaphore(%arg16 : memref<!tpu.dma_semaphore, #tpu.memory_space<semaphore_mem>>)
    %dma_start3A_1876 = arith.constant 34 : i32
    %dma_start3A_1877 = arith.constant 4352 : i32
    %dma_start3A_1878 = arith.constant 0 : i32
    %dma_start3A_1879 = tpu.memref_slice %arg11[%dma_start3A_1877, %dma_start3A_1878] : memref<5376x8xf32, #tpu.memory_space<vmem>> -> memref<128x8xf32, #tpu.memory_space<vmem>>
    %dma_start3A_1880 = arith.constant 0 : i32
    %dma_start3A_1881 = tpu.memref_slice %arg13[%dma_start3A_1876, %dma_start3A_1880] : memref<42x128xi32, #tpu.memory_space<vmem>> -> memref<1x128xi32, #tpu.memory_space<vmem>>
    %dma_start3A_1882 = tpu.memref_squeeze %dma_start3A_1881 : memref<1x128xi32, #tpu.memory_space<vmem>> -> memref<128xi32, #tpu.memory_space<vmem>>
    %dma_start3A_1883 = arith.constant 0 : i32
    %dma_start3A_1884 = arith.constant 0 : i32
    %dma_start3A_1885 = tpu.memref_slice %arg15[%dma_start3A_1883, %dma_start3A_1884] : memref<63496x8xf32, #tpu.memory_space<vmem_shared>> -> memref<63496x8xf32, #tpu.memory_space<vmem_shared>>
    tpu.enqueue_indirect_dma source(%dma_start3A_1879 : memref<128x8xf32, #tpu.memory_space<vmem>>) target(%dma_start3A_1885 : memref<63496x8xf32, #tpu.memory_space<vmem_shared>>) offsets(%dma_start3A_1882 : memref<128xi32, #tpu.memory_space<vmem>>) semaphore(%arg16 : memref<!tpu.dma_semaphore, #tpu.memory_space<semaphore_mem>>)
    %dma_start3A_1886 = arith.constant 34 : i32
    %dma_start3A_1887 = arith.constant 4352 : i32
    %dma_start3A_1888 = arith.constant 0 : i32
    %dma_start3A_1889 = tpu.memref_slice %arg11[%dma_start3A_1887, %dma_start3A_1888] : memref<5376x8xf32, #tpu.memory_space<vmem>> -> memref<128x8xf32, #tpu.memory_space<vmem>>
    %dma_start3A_1890 = arith.constant 0 : i32
    %dma_start3A_1891 = tpu.memref_slice %arg14[%dma_start3A_1886, %dma_start3A_1890] : memref<42x128xi32, #tpu.memory_space<vmem>> -> memref<1x128xi32, #tpu.memory_space<vmem>>
    %dma_start3A_1892 = tpu.memref_squeeze %dma_start3A_1891 : memref<1x128xi32, #tpu.memory_space<vmem>> -> memref<128xi32, #tpu.memory_space<vmem>>
    %dma_start3A_1893 = arith.constant 0 : i32
    %dma_start3A_1894 = arith.constant 0 : i32
    %dma_start3A_1895 = tpu.memref_slice %arg15[%dma_start3A_1893, %dma_start3A_1894] : memref<63496x8xf32, #tpu.memory_space<vmem_shared>> -> memref<63496x8xf32, #tpu.memory_space<vmem_shared>>
    tpu.enqueue_indirect_dma source(%dma_start3A_1889 : memref<128x8xf32, #tpu.memory_space<vmem>>) target(%dma_start3A_1895 : memref<63496x8xf32, #tpu.memory_space<vmem_shared>>) offsets(%dma_start3A_1892 : memref<128xi32, #tpu.memory_space<vmem>>) semaphore(%arg16 : memref<!tpu.dma_semaphore, #tpu.memory_space<semaphore_mem>>)
    %dma_wait3A_1896 = arith.constant 28 : i32
    %dma_wait3A_1897 = arith.constant 3584 : i32
    %dma_wait3A_1898 = arith.constant 0 : i32
    %dma_wait3A_1899 = tpu.memref_slice %arg11[%dma_wait3A_1897, %dma_wait3A_1898] : memref<5376x8xf32, #tpu.memory_space<vmem>> -> memref<128x8xf32, #tpu.memory_space<vmem>>
    %dma_wait3A_1900 = arith.constant 0 : i32
    %dma_wait3A_1901 = tpu.memref_slice %arg12[%dma_wait3A_1896, %dma_wait3A_1900] : memref<42x128xi32, #tpu.memory_space<vmem>> -> memref<1x128xi32, #tpu.memory_space<vmem>>
    %dma_wait3A_1902 = tpu.memref_squeeze %dma_wait3A_1901 : memref<1x128xi32, #tpu.memory_space<vmem>> -> memref<128xi32, #tpu.memory_space<vmem>>
    %dma_wait3A_1903 = arith.constant 0 : i32
    %dma_wait3A_1904 = arith.constant 0 : i32
    %dma_wait3A_1905 = tpu.memref_slice %arg15[%dma_wait3A_1903, %dma_wait3A_1904] : memref<63496x8xf32, #tpu.memory_space<vmem_shared>> -> memref<63496x8xf32, #tpu.memory_space<vmem_shared>>
    tpu.wait_indirect_dma semaphore(%arg16 : memref<!tpu.dma_semaphore, #tpu.memory_space<semaphore_mem>>) src(%dma_wait3A_1899 : memref<128x8xf32, #tpu.memory_space<vmem>>) dst(%dma_wait3A_1905 : memref<63496x8xf32, #tpu.memory_space<vmem_shared>>)
    %dma_wait3A_1906 = arith.constant 28 : i32
    %dma_wait3A_1907 = arith.constant 3584 : i32
    %dma_wait3A_1908 = arith.constant 0 : i32
    %dma_wait3A_1909 = tpu.memref_slice %arg11[%dma_wait3A_1907, %dma_wait3A_1908] : memref<5376x8xf32, #tpu.memory_space<vmem>> -> memref<128x8xf32, #tpu.memory_space<vmem>>
    %dma_wait3A_1910 = arith.constant 0 : i32
    %dma_wait3A_1911 = tpu.memref_slice %arg13[%dma_wait3A_1906, %dma_wait3A_1910] : memref<42x128xi32, #tpu.memory_space<vmem>> -> memref<1x128xi32, #tpu.memory_space<vmem>>
    %dma_wait3A_1912 = tpu.memref_squeeze %dma_wait3A_1911 : memref<1x128xi32, #tpu.memory_space<vmem>> -> memref<128xi32, #tpu.memory_space<vmem>>
    %dma_wait3A_1913 = arith.constant 0 : i32
    %dma_wait3A_1914 = arith.constant 0 : i32
    %dma_wait3A_1915 = tpu.memref_slice %arg15[%dma_wait3A_1913, %dma_wait3A_1914] : memref<63496x8xf32, #tpu.memory_space<vmem_shared>> -> memref<63496x8xf32, #tpu.memory_space<vmem_shared>>
    tpu.wait_indirect_dma semaphore(%arg16 : memref<!tpu.dma_semaphore, #tpu.memory_space<semaphore_mem>>) src(%dma_wait3A_1909 : memref<128x8xf32, #tpu.memory_space<vmem>>) dst(%dma_wait3A_1915 : memref<63496x8xf32, #tpu.memory_space<vmem_shared>>)
    %dma_wait3A_1916 = arith.constant 28 : i32
    %dma_wait3A_1917 = arith.constant 3584 : i32
    %dma_wait3A_1918 = arith.constant 0 : i32
    %dma_wait3A_1919 = tpu.memref_slice %arg11[%dma_wait3A_1917, %dma_wait3A_1918] : memref<5376x8xf32, #tpu.memory_space<vmem>> -> memref<128x8xf32, #tpu.memory_space<vmem>>
    %dma_wait3A_1920 = arith.constant 0 : i32
    %dma_wait3A_1921 = tpu.memref_slice %arg14[%dma_wait3A_1916, %dma_wait3A_1920] : memref<42x128xi32, #tpu.memory_space<vmem>> -> memref<1x128xi32, #tpu.memory_space<vmem>>
    %dma_wait3A_1922 = tpu.memref_squeeze %dma_wait3A_1921 : memref<1x128xi32, #tpu.memory_space<vmem>> -> memref<128xi32, #tpu.memory_space<vmem>>
    %dma_wait3A_1923 = arith.constant 0 : i32
    %dma_wait3A_1924 = arith.constant 0 : i32
    %dma_wait3A_1925 = tpu.memref_slice %arg15[%dma_wait3A_1923, %dma_wait3A_1924] : memref<63496x8xf32, #tpu.memory_space<vmem_shared>> -> memref<63496x8xf32, #tpu.memory_space<vmem_shared>>
    tpu.wait_indirect_dma semaphore(%arg16 : memref<!tpu.dma_semaphore, #tpu.memory_space<semaphore_mem>>) src(%dma_wait3A_1919 : memref<128x8xf32, #tpu.memory_space<vmem>>) dst(%dma_wait3A_1925 : memref<63496x8xf32, #tpu.memory_space<vmem_shared>>)
    %dma_wait3A_1926 = arith.constant 29 : i32
    %dma_wait3A_1927 = arith.constant 3712 : i32
    %dma_wait3A_1928 = arith.constant 0 : i32
    %dma_wait3A_1929 = tpu.memref_slice %arg11[%dma_wait3A_1927, %dma_wait3A_1928] : memref<5376x8xf32, #tpu.memory_space<vmem>> -> memref<128x8xf32, #tpu.memory_space<vmem>>
    %dma_wait3A_1930 = arith.constant 0 : i32
    %dma_wait3A_1931 = tpu.memref_slice %arg12[%dma_wait3A_1926, %dma_wait3A_1930] : memref<42x128xi32, #tpu.memory_space<vmem>> -> memref<1x128xi32, #tpu.memory_space<vmem>>
    %dma_wait3A_1932 = tpu.memref_squeeze %dma_wait3A_1931 : memref<1x128xi32, #tpu.memory_space<vmem>> -> memref<128xi32, #tpu.memory_space<vmem>>
    %dma_wait3A_1933 = arith.constant 0 : i32
    %dma_wait3A_1934 = arith.constant 0 : i32
    %dma_wait3A_1935 = tpu.memref_slice %arg15[%dma_wait3A_1933, %dma_wait3A_1934] : memref<63496x8xf32, #tpu.memory_space<vmem_shared>> -> memref<63496x8xf32, #tpu.memory_space<vmem_shared>>
    tpu.wait_indirect_dma semaphore(%arg16 : memref<!tpu.dma_semaphore, #tpu.memory_space<semaphore_mem>>) src(%dma_wait3A_1929 : memref<128x8xf32, #tpu.memory_space<vmem>>) dst(%dma_wait3A_1935 : memref<63496x8xf32, #tpu.memory_space<vmem_shared>>)
    %dma_wait3A_1936 = arith.constant 29 : i32
    %dma_wait3A_1937 = arith.constant 3712 : i32
    %dma_wait3A_1938 = arith.constant 0 : i32
    %dma_wait3A_1939 = tpu.memref_slice %arg11[%dma_wait3A_1937, %dma_wait3A_1938] : memref<5376x8xf32, #tpu.memory_space<vmem>> -> memref<128x8xf32, #tpu.memory_space<vmem>>
    %dma_wait3A_1940 = arith.constant 0 : i32
    %dma_wait3A_1941 = tpu.memref_slice %arg13[%dma_wait3A_1936, %dma_wait3A_1940] : memref<42x128xi32, #tpu.memory_space<vmem>> -> memref<1x128xi32, #tpu.memory_space<vmem>>
    %dma_wait3A_1942 = tpu.memref_squeeze %dma_wait3A_1941 : memref<1x128xi32, #tpu.memory_space<vmem>> -> memref<128xi32, #tpu.memory_space<vmem>>
    %dma_wait3A_1943 = arith.constant 0 : i32
    %dma_wait3A_1944 = arith.constant 0 : i32
    %dma_wait3A_1945 = tpu.memref_slice %arg15[%dma_wait3A_1943, %dma_wait3A_1944] : memref<63496x8xf32, #tpu.memory_space<vmem_shared>> -> memref<63496x8xf32, #tpu.memory_space<vmem_shared>>
    tpu.wait_indirect_dma semaphore(%arg16 : memref<!tpu.dma_semaphore, #tpu.memory_space<semaphore_mem>>) src(%dma_wait3A_1939 : memref<128x8xf32, #tpu.memory_space<vmem>>) dst(%dma_wait3A_1945 : memref<63496x8xf32, #tpu.memory_space<vmem_shared>>)
    %dma_wait3A_1946 = arith.constant 29 : i32
    %dma_wait3A_1947 = arith.constant 3712 : i32
    %dma_wait3A_1948 = arith.constant 0 : i32
    %dma_wait3A_1949 = tpu.memref_slice %arg11[%dma_wait3A_1947, %dma_wait3A_1948] : memref<5376x8xf32, #tpu.memory_space<vmem>> -> memref<128x8xf32, #tpu.memory_space<vmem>>
    %dma_wait3A_1950 = arith.constant 0 : i32
    %dma_wait3A_1951 = tpu.memref_slice %arg14[%dma_wait3A_1946, %dma_wait3A_1950] : memref<42x128xi32, #tpu.memory_space<vmem>> -> memref<1x128xi32, #tpu.memory_space<vmem>>
    %dma_wait3A_1952 = tpu.memref_squeeze %dma_wait3A_1951 : memref<1x128xi32, #tpu.memory_space<vmem>> -> memref<128xi32, #tpu.memory_space<vmem>>
    %dma_wait3A_1953 = arith.constant 0 : i32
    %dma_wait3A_1954 = arith.constant 0 : i32
    %dma_wait3A_1955 = tpu.memref_slice %arg15[%dma_wait3A_1953, %dma_wait3A_1954] : memref<63496x8xf32, #tpu.memory_space<vmem_shared>> -> memref<63496x8xf32, #tpu.memory_space<vmem_shared>>
    tpu.wait_indirect_dma semaphore(%arg16 : memref<!tpu.dma_semaphore, #tpu.memory_space<semaphore_mem>>) src(%dma_wait3A_1949 : memref<128x8xf32, #tpu.memory_space<vmem>>) dst(%dma_wait3A_1955 : memref<63496x8xf32, #tpu.memory_space<vmem_shared>>)
    %dma_wait3A_1956 = arith.constant 30 : i32
    %dma_wait3A_1957 = arith.constant 3840 : i32
    %dma_wait3A_1958 = arith.constant 0 : i32
    %dma_wait3A_1959 = tpu.memref_slice %arg11[%dma_wait3A_1957, %dma_wait3A_1958] : memref<5376x8xf32, #tpu.memory_space<vmem>> -> memref<128x8xf32, #tpu.memory_space<vmem>>
    %dma_wait3A_1960 = arith.constant 0 : i32
    %dma_wait3A_1961 = tpu.memref_slice %arg12[%dma_wait3A_1956, %dma_wait3A_1960] : memref<42x128xi32, #tpu.memory_space<vmem>> -> memref<1x128xi32, #tpu.memory_space<vmem>>
    %dma_wait3A_1962 = tpu.memref_squeeze %dma_wait3A_1961 : memref<1x128xi32, #tpu.memory_space<vmem>> -> memref<128xi32, #tpu.memory_space<vmem>>
    %dma_wait3A_1963 = arith.constant 0 : i32
    %dma_wait3A_1964 = arith.constant 0 : i32
    %dma_wait3A_1965 = tpu.memref_slice %arg15[%dma_wait3A_1963, %dma_wait3A_1964] : memref<63496x8xf32, #tpu.memory_space<vmem_shared>> -> memref<63496x8xf32, #tpu.memory_space<vmem_shared>>
    tpu.wait_indirect_dma semaphore(%arg16 : memref<!tpu.dma_semaphore, #tpu.memory_space<semaphore_mem>>) src(%dma_wait3A_1959 : memref<128x8xf32, #tpu.memory_space<vmem>>) dst(%dma_wait3A_1965 : memref<63496x8xf32, #tpu.memory_space<vmem_shared>>)
    %dma_wait3A_1966 = arith.constant 30 : i32
    %dma_wait3A_1967 = arith.constant 3840 : i32
    %dma_wait3A_1968 = arith.constant 0 : i32
    %dma_wait3A_1969 = tpu.memref_slice %arg11[%dma_wait3A_1967, %dma_wait3A_1968] : memref<5376x8xf32, #tpu.memory_space<vmem>> -> memref<128x8xf32, #tpu.memory_space<vmem>>
    %dma_wait3A_1970 = arith.constant 0 : i32
    %dma_wait3A_1971 = tpu.memref_slice %arg13[%dma_wait3A_1966, %dma_wait3A_1970] : memref<42x128xi32, #tpu.memory_space<vmem>> -> memref<1x128xi32, #tpu.memory_space<vmem>>
    %dma_wait3A_1972 = tpu.memref_squeeze %dma_wait3A_1971 : memref<1x128xi32, #tpu.memory_space<vmem>> -> memref<128xi32, #tpu.memory_space<vmem>>
    %dma_wait3A_1973 = arith.constant 0 : i32
    %dma_wait3A_1974 = arith.constant 0 : i32
    %dma_wait3A_1975 = tpu.memref_slice %arg15[%dma_wait3A_1973, %dma_wait3A_1974] : memref<63496x8xf32, #tpu.memory_space<vmem_shared>> -> memref<63496x8xf32, #tpu.memory_space<vmem_shared>>
    tpu.wait_indirect_dma semaphore(%arg16 : memref<!tpu.dma_semaphore, #tpu.memory_space<semaphore_mem>>) src(%dma_wait3A_1969 : memref<128x8xf32, #tpu.memory_space<vmem>>) dst(%dma_wait3A_1975 : memref<63496x8xf32, #tpu.memory_space<vmem_shared>>)
    %dma_wait3A_1976 = arith.constant 30 : i32
    %dma_wait3A_1977 = arith.constant 3840 : i32
    %dma_wait3A_1978 = arith.constant 0 : i32
    %dma_wait3A_1979 = tpu.memref_slice %arg11[%dma_wait3A_1977, %dma_wait3A_1978] : memref<5376x8xf32, #tpu.memory_space<vmem>> -> memref<128x8xf32, #tpu.memory_space<vmem>>
    %dma_wait3A_1980 = arith.constant 0 : i32
    %dma_wait3A_1981 = tpu.memref_slice %arg14[%dma_wait3A_1976, %dma_wait3A_1980] : memref<42x128xi32, #tpu.memory_space<vmem>> -> memref<1x128xi32, #tpu.memory_space<vmem>>
    %dma_wait3A_1982 = tpu.memref_squeeze %dma_wait3A_1981 : memref<1x128xi32, #tpu.memory_space<vmem>> -> memref<128xi32, #tpu.memory_space<vmem>>
    %dma_wait3A_1983 = arith.constant 0 : i32
    %dma_wait3A_1984 = arith.constant 0 : i32
    %dma_wait3A_1985 = tpu.memref_slice %arg15[%dma_wait3A_1983, %dma_wait3A_1984] : memref<63496x8xf32, #tpu.memory_space<vmem_shared>> -> memref<63496x8xf32, #tpu.memory_space<vmem_shared>>
    tpu.wait_indirect_dma semaphore(%arg16 : memref<!tpu.dma_semaphore, #tpu.memory_space<semaphore_mem>>) src(%dma_wait3A_1979 : memref<128x8xf32, #tpu.memory_space<vmem>>) dst(%dma_wait3A_1985 : memref<63496x8xf32, #tpu.memory_space<vmem_shared>>)
    %dma_wait3A_1986 = arith.constant 31 : i32
    %dma_wait3A_1987 = arith.constant 3968 : i32
    %dma_wait3A_1988 = arith.constant 0 : i32
    %dma_wait3A_1989 = tpu.memref_slice %arg11[%dma_wait3A_1987, %dma_wait3A_1988] : memref<5376x8xf32, #tpu.memory_space<vmem>> -> memref<128x8xf32, #tpu.memory_space<vmem>>
    %dma_wait3A_1990 = arith.constant 0 : i32
    %dma_wait3A_1991 = tpu.memref_slice %arg12[%dma_wait3A_1986, %dma_wait3A_1990] : memref<42x128xi32, #tpu.memory_space<vmem>> -> memref<1x128xi32, #tpu.memory_space<vmem>>
    %dma_wait3A_1992 = tpu.memref_squeeze %dma_wait3A_1991 : memref<1x128xi32, #tpu.memory_space<vmem>> -> memref<128xi32, #tpu.memory_space<vmem>>
    %dma_wait3A_1993 = arith.constant 0 : i32
    %dma_wait3A_1994 = arith.constant 0 : i32
    %dma_wait3A_1995 = tpu.memref_slice %arg15[%dma_wait3A_1993, %dma_wait3A_1994] : memref<63496x8xf32, #tpu.memory_space<vmem_shared>> -> memref<63496x8xf32, #tpu.memory_space<vmem_shared>>
    tpu.wait_indirect_dma semaphore(%arg16 : memref<!tpu.dma_semaphore, #tpu.memory_space<semaphore_mem>>) src(%dma_wait3A_1989 : memref<128x8xf32, #tpu.memory_space<vmem>>) dst(%dma_wait3A_1995 : memref<63496x8xf32, #tpu.memory_space<vmem_shared>>)
    %dma_wait3A_1996 = arith.constant 31 : i32
    %dma_wait3A_1997 = arith.constant 3968 : i32
    %dma_wait3A_1998 = arith.constant 0 : i32
    %dma_wait3A_1999 = tpu.memref_slice %arg11[%dma_wait3A_1997, %dma_wait3A_1998] : memref<5376x8xf32, #tpu.memory_space<vmem>> -> memref<128x8xf32, #tpu.memory_space<vmem>>
    %dma_wait3A_2000 = arith.constant 0 : i32
    %dma_wait3A_2001 = tpu.memref_slice %arg13[%dma_wait3A_1996, %dma_wait3A_2000] : memref<42x128xi32, #tpu.memory_space<vmem>> -> memref<1x128xi32, #tpu.memory_space<vmem>>
    %dma_wait3A_2002 = tpu.memref_squeeze %dma_wait3A_2001 : memref<1x128xi32, #tpu.memory_space<vmem>> -> memref<128xi32, #tpu.memory_space<vmem>>
    %dma_wait3A_2003 = arith.constant 0 : i32
    %dma_wait3A_2004 = arith.constant 0 : i32
    %dma_wait3A_2005 = tpu.memref_slice %arg15[%dma_wait3A_2003, %dma_wait3A_2004] : memref<63496x8xf32, #tpu.memory_space<vmem_shared>> -> memref<63496x8xf32, #tpu.memory_space<vmem_shared>>
    tpu.wait_indirect_dma semaphore(%arg16 : memref<!tpu.dma_semaphore, #tpu.memory_space<semaphore_mem>>) src(%dma_wait3A_1999 : memref<128x8xf32, #tpu.memory_space<vmem>>) dst(%dma_wait3A_2005 : memref<63496x8xf32, #tpu.memory_space<vmem_shared>>)
    %dma_wait3A_2006 = arith.constant 31 : i32
    %dma_wait3A_2007 = arith.constant 3968 : i32
    %dma_wait3A_2008 = arith.constant 0 : i32
    %dma_wait3A_2009 = tpu.memref_slice %arg11[%dma_wait3A_2007, %dma_wait3A_2008] : memref<5376x8xf32, #tpu.memory_space<vmem>> -> memref<128x8xf32, #tpu.memory_space<vmem>>
    %dma_wait3A_2010 = arith.constant 0 : i32
    %dma_wait3A_2011 = tpu.memref_slice %arg14[%dma_wait3A_2006, %dma_wait3A_2010] : memref<42x128xi32, #tpu.memory_space<vmem>> -> memref<1x128xi32, #tpu.memory_space<vmem>>
    %dma_wait3A_2012 = tpu.memref_squeeze %dma_wait3A_2011 : memref<1x128xi32, #tpu.memory_space<vmem>> -> memref<128xi32, #tpu.memory_space<vmem>>
    %dma_wait3A_2013 = arith.constant 0 : i32
    %dma_wait3A_2014 = arith.constant 0 : i32
    %dma_wait3A_2015 = tpu.memref_slice %arg15[%dma_wait3A_2013, %dma_wait3A_2014] : memref<63496x8xf32, #tpu.memory_space<vmem_shared>> -> memref<63496x8xf32, #tpu.memory_space<vmem_shared>>
    tpu.wait_indirect_dma semaphore(%arg16 : memref<!tpu.dma_semaphore, #tpu.memory_space<semaphore_mem>>) src(%dma_wait3A_2009 : memref<128x8xf32, #tpu.memory_space<vmem>>) dst(%dma_wait3A_2015 : memref<63496x8xf32, #tpu.memory_space<vmem_shared>>)
    %dma_wait3A_2016 = arith.constant 32 : i32
    %dma_wait3A_2017 = arith.constant 4096 : i32
    %dma_wait3A_2018 = arith.constant 0 : i32
    %dma_wait3A_2019 = tpu.memref_slice %arg11[%dma_wait3A_2017, %dma_wait3A_2018] : memref<5376x8xf32, #tpu.memory_space<vmem>> -> memref<128x8xf32, #tpu.memory_space<vmem>>
    %dma_wait3A_2020 = arith.constant 0 : i32
    %dma_wait3A_2021 = tpu.memref_slice %arg12[%dma_wait3A_2016, %dma_wait3A_2020] : memref<42x128xi32, #tpu.memory_space<vmem>> -> memref<1x128xi32, #tpu.memory_space<vmem>>
    %dma_wait3A_2022 = tpu.memref_squeeze %dma_wait3A_2021 : memref<1x128xi32, #tpu.memory_space<vmem>> -> memref<128xi32, #tpu.memory_space<vmem>>
    %dma_wait3A_2023 = arith.constant 0 : i32
    %dma_wait3A_2024 = arith.constant 0 : i32
    %dma_wait3A_2025 = tpu.memref_slice %arg15[%dma_wait3A_2023, %dma_wait3A_2024] : memref<63496x8xf32, #tpu.memory_space<vmem_shared>> -> memref<63496x8xf32, #tpu.memory_space<vmem_shared>>
    tpu.wait_indirect_dma semaphore(%arg16 : memref<!tpu.dma_semaphore, #tpu.memory_space<semaphore_mem>>) src(%dma_wait3A_2019 : memref<128x8xf32, #tpu.memory_space<vmem>>) dst(%dma_wait3A_2025 : memref<63496x8xf32, #tpu.memory_space<vmem_shared>>)
    %dma_wait3A_2026 = arith.constant 32 : i32
    %dma_wait3A_2027 = arith.constant 4096 : i32
    %dma_wait3A_2028 = arith.constant 0 : i32
    %dma_wait3A_2029 = tpu.memref_slice %arg11[%dma_wait3A_2027, %dma_wait3A_2028] : memref<5376x8xf32, #tpu.memory_space<vmem>> -> memref<128x8xf32, #tpu.memory_space<vmem>>
    %dma_wait3A_2030 = arith.constant 0 : i32
    %dma_wait3A_2031 = tpu.memref_slice %arg13[%dma_wait3A_2026, %dma_wait3A_2030] : memref<42x128xi32, #tpu.memory_space<vmem>> -> memref<1x128xi32, #tpu.memory_space<vmem>>
    %dma_wait3A_2032 = tpu.memref_squeeze %dma_wait3A_2031 : memref<1x128xi32, #tpu.memory_space<vmem>> -> memref<128xi32, #tpu.memory_space<vmem>>
    %dma_wait3A_2033 = arith.constant 0 : i32
    %dma_wait3A_2034 = arith.constant 0 : i32
    %dma_wait3A_2035 = tpu.memref_slice %arg15[%dma_wait3A_2033, %dma_wait3A_2034] : memref<63496x8xf32, #tpu.memory_space<vmem_shared>> -> memref<63496x8xf32, #tpu.memory_space<vmem_shared>>
    tpu.wait_indirect_dma semaphore(%arg16 : memref<!tpu.dma_semaphore, #tpu.memory_space<semaphore_mem>>) src(%dma_wait3A_2029 : memref<128x8xf32, #tpu.memory_space<vmem>>) dst(%dma_wait3A_2035 : memref<63496x8xf32, #tpu.memory_space<vmem_shared>>)
    %dma_wait3A_2036 = arith.constant 32 : i32
    %dma_wait3A_2037 = arith.constant 4096 : i32
    %dma_wait3A_2038 = arith.constant 0 : i32
    %dma_wait3A_2039 = tpu.memref_slice %arg11[%dma_wait3A_2037, %dma_wait3A_2038] : memref<5376x8xf32, #tpu.memory_space<vmem>> -> memref<128x8xf32, #tpu.memory_space<vmem>>
    %dma_wait3A_2040 = arith.constant 0 : i32
    %dma_wait3A_2041 = tpu.memref_slice %arg14[%dma_wait3A_2036, %dma_wait3A_2040] : memref<42x128xi32, #tpu.memory_space<vmem>> -> memref<1x128xi32, #tpu.memory_space<vmem>>
    %dma_wait3A_2042 = tpu.memref_squeeze %dma_wait3A_2041 : memref<1x128xi32, #tpu.memory_space<vmem>> -> memref<128xi32, #tpu.memory_space<vmem>>
    %dma_wait3A_2043 = arith.constant 0 : i32
    %dma_wait3A_2044 = arith.constant 0 : i32
    %dma_wait3A_2045 = tpu.memref_slice %arg15[%dma_wait3A_2043, %dma_wait3A_2044] : memref<63496x8xf32, #tpu.memory_space<vmem_shared>> -> memref<63496x8xf32, #tpu.memory_space<vmem_shared>>
    tpu.wait_indirect_dma semaphore(%arg16 : memref<!tpu.dma_semaphore, #tpu.memory_space<semaphore_mem>>) src(%dma_wait3A_2039 : memref<128x8xf32, #tpu.memory_space<vmem>>) dst(%dma_wait3A_2045 : memref<63496x8xf32, #tpu.memory_space<vmem_shared>>)
    %dma_wait3A_2046 = arith.constant 33 : i32
    %dma_wait3A_2047 = arith.constant 4224 : i32
    %dma_wait3A_2048 = arith.constant 0 : i32
    %dma_wait3A_2049 = tpu.memref_slice %arg11[%dma_wait3A_2047, %dma_wait3A_2048] : memref<5376x8xf32, #tpu.memory_space<vmem>> -> memref<128x8xf32, #tpu.memory_space<vmem>>
    %dma_wait3A_2050 = arith.constant 0 : i32
    %dma_wait3A_2051 = tpu.memref_slice %arg12[%dma_wait3A_2046, %dma_wait3A_2050] : memref<42x128xi32, #tpu.memory_space<vmem>> -> memref<1x128xi32, #tpu.memory_space<vmem>>
    %dma_wait3A_2052 = tpu.memref_squeeze %dma_wait3A_2051 : memref<1x128xi32, #tpu.memory_space<vmem>> -> memref<128xi32, #tpu.memory_space<vmem>>
    %dma_wait3A_2053 = arith.constant 0 : i32
    %dma_wait3A_2054 = arith.constant 0 : i32
    %dma_wait3A_2055 = tpu.memref_slice %arg15[%dma_wait3A_2053, %dma_wait3A_2054] : memref<63496x8xf32, #tpu.memory_space<vmem_shared>> -> memref<63496x8xf32, #tpu.memory_space<vmem_shared>>
    tpu.wait_indirect_dma semaphore(%arg16 : memref<!tpu.dma_semaphore, #tpu.memory_space<semaphore_mem>>) src(%dma_wait3A_2049 : memref<128x8xf32, #tpu.memory_space<vmem>>) dst(%dma_wait3A_2055 : memref<63496x8xf32, #tpu.memory_space<vmem_shared>>)
    %dma_wait3A_2056 = arith.constant 33 : i32
    %dma_wait3A_2057 = arith.constant 4224 : i32
    %dma_wait3A_2058 = arith.constant 0 : i32
    %dma_wait3A_2059 = tpu.memref_slice %arg11[%dma_wait3A_2057, %dma_wait3A_2058] : memref<5376x8xf32, #tpu.memory_space<vmem>> -> memref<128x8xf32, #tpu.memory_space<vmem>>
    %dma_wait3A_2060 = arith.constant 0 : i32
    %dma_wait3A_2061 = tpu.memref_slice %arg13[%dma_wait3A_2056, %dma_wait3A_2060] : memref<42x128xi32, #tpu.memory_space<vmem>> -> memref<1x128xi32, #tpu.memory_space<vmem>>
    %dma_wait3A_2062 = tpu.memref_squeeze %dma_wait3A_2061 : memref<1x128xi32, #tpu.memory_space<vmem>> -> memref<128xi32, #tpu.memory_space<vmem>>
    %dma_wait3A_2063 = arith.constant 0 : i32
    %dma_wait3A_2064 = arith.constant 0 : i32
    %dma_wait3A_2065 = tpu.memref_slice %arg15[%dma_wait3A_2063, %dma_wait3A_2064] : memref<63496x8xf32, #tpu.memory_space<vmem_shared>> -> memref<63496x8xf32, #tpu.memory_space<vmem_shared>>
    tpu.wait_indirect_dma semaphore(%arg16 : memref<!tpu.dma_semaphore, #tpu.memory_space<semaphore_mem>>) src(%dma_wait3A_2059 : memref<128x8xf32, #tpu.memory_space<vmem>>) dst(%dma_wait3A_2065 : memref<63496x8xf32, #tpu.memory_space<vmem_shared>>)
    %dma_wait3A_2066 = arith.constant 33 : i32
    %dma_wait3A_2067 = arith.constant 4224 : i32
    %dma_wait3A_2068 = arith.constant 0 : i32
    %dma_wait3A_2069 = tpu.memref_slice %arg11[%dma_wait3A_2067, %dma_wait3A_2068] : memref<5376x8xf32, #tpu.memory_space<vmem>> -> memref<128x8xf32, #tpu.memory_space<vmem>>
    %dma_wait3A_2070 = arith.constant 0 : i32
    %dma_wait3A_2071 = tpu.memref_slice %arg14[%dma_wait3A_2066, %dma_wait3A_2070] : memref<42x128xi32, #tpu.memory_space<vmem>> -> memref<1x128xi32, #tpu.memory_space<vmem>>
    %dma_wait3A_2072 = tpu.memref_squeeze %dma_wait3A_2071 : memref<1x128xi32, #tpu.memory_space<vmem>> -> memref<128xi32, #tpu.memory_space<vmem>>
    %dma_wait3A_2073 = arith.constant 0 : i32
    %dma_wait3A_2074 = arith.constant 0 : i32
    %dma_wait3A_2075 = tpu.memref_slice %arg15[%dma_wait3A_2073, %dma_wait3A_2074] : memref<63496x8xf32, #tpu.memory_space<vmem_shared>> -> memref<63496x8xf32, #tpu.memory_space<vmem_shared>>
    tpu.wait_indirect_dma semaphore(%arg16 : memref<!tpu.dma_semaphore, #tpu.memory_space<semaphore_mem>>) src(%dma_wait3A_2069 : memref<128x8xf32, #tpu.memory_space<vmem>>) dst(%dma_wait3A_2075 : memref<63496x8xf32, #tpu.memory_space<vmem_shared>>)
    %dma_wait3A_2076 = arith.constant 34 : i32
    %dma_wait3A_2077 = arith.constant 4352 : i32
    %dma_wait3A_2078 = arith.constant 0 : i32
    %dma_wait3A_2079 = tpu.memref_slice %arg11[%dma_wait3A_2077, %dma_wait3A_2078] : memref<5376x8xf32, #tpu.memory_space<vmem>> -> memref<128x8xf32, #tpu.memory_space<vmem>>
    %dma_wait3A_2080 = arith.constant 0 : i32
    %dma_wait3A_2081 = tpu.memref_slice %arg12[%dma_wait3A_2076, %dma_wait3A_2080] : memref<42x128xi32, #tpu.memory_space<vmem>> -> memref<1x128xi32, #tpu.memory_space<vmem>>
    %dma_wait3A_2082 = tpu.memref_squeeze %dma_wait3A_2081 : memref<1x128xi32, #tpu.memory_space<vmem>> -> memref<128xi32, #tpu.memory_space<vmem>>
    %dma_wait3A_2083 = arith.constant 0 : i32
    %dma_wait3A_2084 = arith.constant 0 : i32
    %dma_wait3A_2085 = tpu.memref_slice %arg15[%dma_wait3A_2083, %dma_wait3A_2084] : memref<63496x8xf32, #tpu.memory_space<vmem_shared>> -> memref<63496x8xf32, #tpu.memory_space<vmem_shared>>
    tpu.wait_indirect_dma semaphore(%arg16 : memref<!tpu.dma_semaphore, #tpu.memory_space<semaphore_mem>>) src(%dma_wait3A_2079 : memref<128x8xf32, #tpu.memory_space<vmem>>) dst(%dma_wait3A_2085 : memref<63496x8xf32, #tpu.memory_space<vmem_shared>>)
    %dma_wait3A_2086 = arith.constant 34 : i32
    %dma_wait3A_2087 = arith.constant 4352 : i32
    %dma_wait3A_2088 = arith.constant 0 : i32
    %dma_wait3A_2089 = tpu.memref_slice %arg11[%dma_wait3A_2087, %dma_wait3A_2088] : memref<5376x8xf32, #tpu.memory_space<vmem>> -> memref<128x8xf32, #tpu.memory_space<vmem>>
    %dma_wait3A_2090 = arith.constant 0 : i32
    %dma_wait3A_2091 = tpu.memref_slice %arg13[%dma_wait3A_2086, %dma_wait3A_2090] : memref<42x128xi32, #tpu.memory_space<vmem>> -> memref<1x128xi32, #tpu.memory_space<vmem>>
    %dma_wait3A_2092 = tpu.memref_squeeze %dma_wait3A_2091 : memref<1x128xi32, #tpu.memory_space<vmem>> -> memref<128xi32, #tpu.memory_space<vmem>>
    %dma_wait3A_2093 = arith.constant 0 : i32
    %dma_wait3A_2094 = arith.constant 0 : i32
    %dma_wait3A_2095 = tpu.memref_slice %arg15[%dma_wait3A_2093, %dma_wait3A_2094] : memref<63496x8xf32, #tpu.memory_space<vmem_shared>> -> memref<63496x8xf32, #tpu.memory_space<vmem_shared>>
    tpu.wait_indirect_dma semaphore(%arg16 : memref<!tpu.dma_semaphore, #tpu.memory_space<semaphore_mem>>) src(%dma_wait3A_2089 : memref<128x8xf32, #tpu.memory_space<vmem>>) dst(%dma_wait3A_2095 : memref<63496x8xf32, #tpu.memory_space<vmem_shared>>)
    %dma_wait3A_2096 = arith.constant 34 : i32
    %dma_wait3A_2097 = arith.constant 4352 : i32
    %dma_wait3A_2098 = arith.constant 0 : i32
    %dma_wait3A_2099 = tpu.memref_slice %arg11[%dma_wait3A_2097, %dma_wait3A_2098] : memref<5376x8xf32, #tpu.memory_space<vmem>> -> memref<128x8xf32, #tpu.memory_space<vmem>>
    %dma_wait3A_2100 = arith.constant 0 : i32
    %dma_wait3A_2101 = tpu.memref_slice %arg14[%dma_wait3A_2096, %dma_wait3A_2100] : memref<42x128xi32, #tpu.memory_space<vmem>> -> memref<1x128xi32, #tpu.memory_space<vmem>>
    %dma_wait3A_2102 = tpu.memref_squeeze %dma_wait3A_2101 : memref<1x128xi32, #tpu.memory_space<vmem>> -> memref<128xi32, #tpu.memory_space<vmem>>
    %dma_wait3A_2103 = arith.constant 0 : i32
    %dma_wait3A_2104 = arith.constant 0 : i32
    %dma_wait3A_2105 = tpu.memref_slice %arg15[%dma_wait3A_2103, %dma_wait3A_2104] : memref<63496x8xf32, #tpu.memory_space<vmem_shared>> -> memref<63496x8xf32, #tpu.memory_space<vmem_shared>>
    tpu.wait_indirect_dma semaphore(%arg16 : memref<!tpu.dma_semaphore, #tpu.memory_space<semaphore_mem>>) src(%dma_wait3A_2099 : memref<128x8xf32, #tpu.memory_space<vmem>>) dst(%dma_wait3A_2105 : memref<63496x8xf32, #tpu.memory_space<vmem_shared>>)
    %dma_start3A_2106 = arith.constant 35 : i32
    %dma_start3A_2107 = arith.constant 4480 : i32
    %dma_start3A_2108 = arith.constant 0 : i32
    %dma_start3A_2109 = tpu.memref_slice %arg11[%dma_start3A_2107, %dma_start3A_2108] : memref<5376x8xf32, #tpu.memory_space<vmem>> -> memref<128x8xf32, #tpu.memory_space<vmem>>
    %dma_start3A_2110 = arith.constant 0 : i32
    %dma_start3A_2111 = tpu.memref_slice %arg12[%dma_start3A_2106, %dma_start3A_2110] : memref<42x128xi32, #tpu.memory_space<vmem>> -> memref<1x128xi32, #tpu.memory_space<vmem>>
    %dma_start3A_2112 = tpu.memref_squeeze %dma_start3A_2111 : memref<1x128xi32, #tpu.memory_space<vmem>> -> memref<128xi32, #tpu.memory_space<vmem>>
    %dma_start3A_2113 = arith.constant 0 : i32
    %dma_start3A_2114 = arith.constant 0 : i32
    %dma_start3A_2115 = tpu.memref_slice %arg15[%dma_start3A_2113, %dma_start3A_2114] : memref<63496x8xf32, #tpu.memory_space<vmem_shared>> -> memref<63496x8xf32, #tpu.memory_space<vmem_shared>>
    tpu.enqueue_indirect_dma source(%dma_start3A_2109 : memref<128x8xf32, #tpu.memory_space<vmem>>) target(%dma_start3A_2115 : memref<63496x8xf32, #tpu.memory_space<vmem_shared>>) offsets(%dma_start3A_2112 : memref<128xi32, #tpu.memory_space<vmem>>) semaphore(%arg16 : memref<!tpu.dma_semaphore, #tpu.memory_space<semaphore_mem>>)
    %dma_start3A_2116 = arith.constant 35 : i32
    %dma_start3A_2117 = arith.constant 4480 : i32
    %dma_start3A_2118 = arith.constant 0 : i32
    %dma_start3A_2119 = tpu.memref_slice %arg11[%dma_start3A_2117, %dma_start3A_2118] : memref<5376x8xf32, #tpu.memory_space<vmem>> -> memref<128x8xf32, #tpu.memory_space<vmem>>
    %dma_start3A_2120 = arith.constant 0 : i32
    %dma_start3A_2121 = tpu.memref_slice %arg13[%dma_start3A_2116, %dma_start3A_2120] : memref<42x128xi32, #tpu.memory_space<vmem>> -> memref<1x128xi32, #tpu.memory_space<vmem>>
    %dma_start3A_2122 = tpu.memref_squeeze %dma_start3A_2121 : memref<1x128xi32, #tpu.memory_space<vmem>> -> memref<128xi32, #tpu.memory_space<vmem>>
    %dma_start3A_2123 = arith.constant 0 : i32
    %dma_start3A_2124 = arith.constant 0 : i32
    %dma_start3A_2125 = tpu.memref_slice %arg15[%dma_start3A_2123, %dma_start3A_2124] : memref<63496x8xf32, #tpu.memory_space<vmem_shared>> -> memref<63496x8xf32, #tpu.memory_space<vmem_shared>>
    tpu.enqueue_indirect_dma source(%dma_start3A_2119 : memref<128x8xf32, #tpu.memory_space<vmem>>) target(%dma_start3A_2125 : memref<63496x8xf32, #tpu.memory_space<vmem_shared>>) offsets(%dma_start3A_2122 : memref<128xi32, #tpu.memory_space<vmem>>) semaphore(%arg16 : memref<!tpu.dma_semaphore, #tpu.memory_space<semaphore_mem>>)
    %dma_start3A_2126 = arith.constant 35 : i32
    %dma_start3A_2127 = arith.constant 4480 : i32
    %dma_start3A_2128 = arith.constant 0 : i32
    %dma_start3A_2129 = tpu.memref_slice %arg11[%dma_start3A_2127, %dma_start3A_2128] : memref<5376x8xf32, #tpu.memory_space<vmem>> -> memref<128x8xf32, #tpu.memory_space<vmem>>
    %dma_start3A_2130 = arith.constant 0 : i32
    %dma_start3A_2131 = tpu.memref_slice %arg14[%dma_start3A_2126, %dma_start3A_2130] : memref<42x128xi32, #tpu.memory_space<vmem>> -> memref<1x128xi32, #tpu.memory_space<vmem>>
    %dma_start3A_2132 = tpu.memref_squeeze %dma_start3A_2131 : memref<1x128xi32, #tpu.memory_space<vmem>> -> memref<128xi32, #tpu.memory_space<vmem>>
    %dma_start3A_2133 = arith.constant 0 : i32
    %dma_start3A_2134 = arith.constant 0 : i32
    %dma_start3A_2135 = tpu.memref_slice %arg15[%dma_start3A_2133, %dma_start3A_2134] : memref<63496x8xf32, #tpu.memory_space<vmem_shared>> -> memref<63496x8xf32, #tpu.memory_space<vmem_shared>>
    tpu.enqueue_indirect_dma source(%dma_start3A_2129 : memref<128x8xf32, #tpu.memory_space<vmem>>) target(%dma_start3A_2135 : memref<63496x8xf32, #tpu.memory_space<vmem_shared>>) offsets(%dma_start3A_2132 : memref<128xi32, #tpu.memory_space<vmem>>) semaphore(%arg16 : memref<!tpu.dma_semaphore, #tpu.memory_space<semaphore_mem>>)
    %dma_start3A_2136 = arith.constant 36 : i32
    %dma_start3A_2137 = arith.constant 4608 : i32
    %dma_start3A_2138 = arith.constant 0 : i32
    %dma_start3A_2139 = tpu.memref_slice %arg11[%dma_start3A_2137, %dma_start3A_2138] : memref<5376x8xf32, #tpu.memory_space<vmem>> -> memref<128x8xf32, #tpu.memory_space<vmem>>
    %dma_start3A_2140 = arith.constant 0 : i32
    %dma_start3A_2141 = tpu.memref_slice %arg12[%dma_start3A_2136, %dma_start3A_2140] : memref<42x128xi32, #tpu.memory_space<vmem>> -> memref<1x128xi32, #tpu.memory_space<vmem>>
    %dma_start3A_2142 = tpu.memref_squeeze %dma_start3A_2141 : memref<1x128xi32, #tpu.memory_space<vmem>> -> memref<128xi32, #tpu.memory_space<vmem>>
    %dma_start3A_2143 = arith.constant 0 : i32
    %dma_start3A_2144 = arith.constant 0 : i32
    %dma_start3A_2145 = tpu.memref_slice %arg15[%dma_start3A_2143, %dma_start3A_2144] : memref<63496x8xf32, #tpu.memory_space<vmem_shared>> -> memref<63496x8xf32, #tpu.memory_space<vmem_shared>>
    tpu.enqueue_indirect_dma source(%dma_start3A_2139 : memref<128x8xf32, #tpu.memory_space<vmem>>) target(%dma_start3A_2145 : memref<63496x8xf32, #tpu.memory_space<vmem_shared>>) offsets(%dma_start3A_2142 : memref<128xi32, #tpu.memory_space<vmem>>) semaphore(%arg16 : memref<!tpu.dma_semaphore, #tpu.memory_space<semaphore_mem>>)
    %dma_start3A_2146 = arith.constant 36 : i32
    %dma_start3A_2147 = arith.constant 4608 : i32
    %dma_start3A_2148 = arith.constant 0 : i32
    %dma_start3A_2149 = tpu.memref_slice %arg11[%dma_start3A_2147, %dma_start3A_2148] : memref<5376x8xf32, #tpu.memory_space<vmem>> -> memref<128x8xf32, #tpu.memory_space<vmem>>
    %dma_start3A_2150 = arith.constant 0 : i32
    %dma_start3A_2151 = tpu.memref_slice %arg13[%dma_start3A_2146, %dma_start3A_2150] : memref<42x128xi32, #tpu.memory_space<vmem>> -> memref<1x128xi32, #tpu.memory_space<vmem>>
    %dma_start3A_2152 = tpu.memref_squeeze %dma_start3A_2151 : memref<1x128xi32, #tpu.memory_space<vmem>> -> memref<128xi32, #tpu.memory_space<vmem>>
    %dma_start3A_2153 = arith.constant 0 : i32
    %dma_start3A_2154 = arith.constant 0 : i32
    %dma_start3A_2155 = tpu.memref_slice %arg15[%dma_start3A_2153, %dma_start3A_2154] : memref<63496x8xf32, #tpu.memory_space<vmem_shared>> -> memref<63496x8xf32, #tpu.memory_space<vmem_shared>>
    tpu.enqueue_indirect_dma source(%dma_start3A_2149 : memref<128x8xf32, #tpu.memory_space<vmem>>) target(%dma_start3A_2155 : memref<63496x8xf32, #tpu.memory_space<vmem_shared>>) offsets(%dma_start3A_2152 : memref<128xi32, #tpu.memory_space<vmem>>) semaphore(%arg16 : memref<!tpu.dma_semaphore, #tpu.memory_space<semaphore_mem>>)
    %dma_start3A_2156 = arith.constant 36 : i32
    %dma_start3A_2157 = arith.constant 4608 : i32
    %dma_start3A_2158 = arith.constant 0 : i32
    %dma_start3A_2159 = tpu.memref_slice %arg11[%dma_start3A_2157, %dma_start3A_2158] : memref<5376x8xf32, #tpu.memory_space<vmem>> -> memref<128x8xf32, #tpu.memory_space<vmem>>
    %dma_start3A_2160 = arith.constant 0 : i32
    %dma_start3A_2161 = tpu.memref_slice %arg14[%dma_start3A_2156, %dma_start3A_2160] : memref<42x128xi32, #tpu.memory_space<vmem>> -> memref<1x128xi32, #tpu.memory_space<vmem>>
    %dma_start3A_2162 = tpu.memref_squeeze %dma_start3A_2161 : memref<1x128xi32, #tpu.memory_space<vmem>> -> memref<128xi32, #tpu.memory_space<vmem>>
    %dma_start3A_2163 = arith.constant 0 : i32
    %dma_start3A_2164 = arith.constant 0 : i32
    %dma_start3A_2165 = tpu.memref_slice %arg15[%dma_start3A_2163, %dma_start3A_2164] : memref<63496x8xf32, #tpu.memory_space<vmem_shared>> -> memref<63496x8xf32, #tpu.memory_space<vmem_shared>>
    tpu.enqueue_indirect_dma source(%dma_start3A_2159 : memref<128x8xf32, #tpu.memory_space<vmem>>) target(%dma_start3A_2165 : memref<63496x8xf32, #tpu.memory_space<vmem_shared>>) offsets(%dma_start3A_2162 : memref<128xi32, #tpu.memory_space<vmem>>) semaphore(%arg16 : memref<!tpu.dma_semaphore, #tpu.memory_space<semaphore_mem>>)
    %dma_start3A_2166 = arith.constant 37 : i32
    %dma_start3A_2167 = arith.constant 4736 : i32
    %dma_start3A_2168 = arith.constant 0 : i32
    %dma_start3A_2169 = tpu.memref_slice %arg11[%dma_start3A_2167, %dma_start3A_2168] : memref<5376x8xf32, #tpu.memory_space<vmem>> -> memref<128x8xf32, #tpu.memory_space<vmem>>
    %dma_start3A_2170 = arith.constant 0 : i32
    %dma_start3A_2171 = tpu.memref_slice %arg12[%dma_start3A_2166, %dma_start3A_2170] : memref<42x128xi32, #tpu.memory_space<vmem>> -> memref<1x128xi32, #tpu.memory_space<vmem>>
    %dma_start3A_2172 = tpu.memref_squeeze %dma_start3A_2171 : memref<1x128xi32, #tpu.memory_space<vmem>> -> memref<128xi32, #tpu.memory_space<vmem>>
    %dma_start3A_2173 = arith.constant 0 : i32
    %dma_start3A_2174 = arith.constant 0 : i32
    %dma_start3A_2175 = tpu.memref_slice %arg15[%dma_start3A_2173, %dma_start3A_2174] : memref<63496x8xf32, #tpu.memory_space<vmem_shared>> -> memref<63496x8xf32, #tpu.memory_space<vmem_shared>>
    tpu.enqueue_indirect_dma source(%dma_start3A_2169 : memref<128x8xf32, #tpu.memory_space<vmem>>) target(%dma_start3A_2175 : memref<63496x8xf32, #tpu.memory_space<vmem_shared>>) offsets(%dma_start3A_2172 : memref<128xi32, #tpu.memory_space<vmem>>) semaphore(%arg16 : memref<!tpu.dma_semaphore, #tpu.memory_space<semaphore_mem>>)
    %dma_start3A_2176 = arith.constant 37 : i32
    %dma_start3A_2177 = arith.constant 4736 : i32
    %dma_start3A_2178 = arith.constant 0 : i32
    %dma_start3A_2179 = tpu.memref_slice %arg11[%dma_start3A_2177, %dma_start3A_2178] : memref<5376x8xf32, #tpu.memory_space<vmem>> -> memref<128x8xf32, #tpu.memory_space<vmem>>
    %dma_start3A_2180 = arith.constant 0 : i32
    %dma_start3A_2181 = tpu.memref_slice %arg13[%dma_start3A_2176, %dma_start3A_2180] : memref<42x128xi32, #tpu.memory_space<vmem>> -> memref<1x128xi32, #tpu.memory_space<vmem>>
    %dma_start3A_2182 = tpu.memref_squeeze %dma_start3A_2181 : memref<1x128xi32, #tpu.memory_space<vmem>> -> memref<128xi32, #tpu.memory_space<vmem>>
    %dma_start3A_2183 = arith.constant 0 : i32
    %dma_start3A_2184 = arith.constant 0 : i32
    %dma_start3A_2185 = tpu.memref_slice %arg15[%dma_start3A_2183, %dma_start3A_2184] : memref<63496x8xf32, #tpu.memory_space<vmem_shared>> -> memref<63496x8xf32, #tpu.memory_space<vmem_shared>>
    tpu.enqueue_indirect_dma source(%dma_start3A_2179 : memref<128x8xf32, #tpu.memory_space<vmem>>) target(%dma_start3A_2185 : memref<63496x8xf32, #tpu.memory_space<vmem_shared>>) offsets(%dma_start3A_2182 : memref<128xi32, #tpu.memory_space<vmem>>) semaphore(%arg16 : memref<!tpu.dma_semaphore, #tpu.memory_space<semaphore_mem>>)
    %dma_start3A_2186 = arith.constant 37 : i32
    %dma_start3A_2187 = arith.constant 4736 : i32
    %dma_start3A_2188 = arith.constant 0 : i32
    %dma_start3A_2189 = tpu.memref_slice %arg11[%dma_start3A_2187, %dma_start3A_2188] : memref<5376x8xf32, #tpu.memory_space<vmem>> -> memref<128x8xf32, #tpu.memory_space<vmem>>
    %dma_start3A_2190 = arith.constant 0 : i32
    %dma_start3A_2191 = tpu.memref_slice %arg14[%dma_start3A_2186, %dma_start3A_2190] : memref<42x128xi32, #tpu.memory_space<vmem>> -> memref<1x128xi32, #tpu.memory_space<vmem>>
    %dma_start3A_2192 = tpu.memref_squeeze %dma_start3A_2191 : memref<1x128xi32, #tpu.memory_space<vmem>> -> memref<128xi32, #tpu.memory_space<vmem>>
    %dma_start3A_2193 = arith.constant 0 : i32
    %dma_start3A_2194 = arith.constant 0 : i32
    %dma_start3A_2195 = tpu.memref_slice %arg15[%dma_start3A_2193, %dma_start3A_2194] : memref<63496x8xf32, #tpu.memory_space<vmem_shared>> -> memref<63496x8xf32, #tpu.memory_space<vmem_shared>>
    tpu.enqueue_indirect_dma source(%dma_start3A_2189 : memref<128x8xf32, #tpu.memory_space<vmem>>) target(%dma_start3A_2195 : memref<63496x8xf32, #tpu.memory_space<vmem_shared>>) offsets(%dma_start3A_2192 : memref<128xi32, #tpu.memory_space<vmem>>) semaphore(%arg16 : memref<!tpu.dma_semaphore, #tpu.memory_space<semaphore_mem>>)
    %dma_start3A_2196 = arith.constant 38 : i32
    %dma_start3A_2197 = arith.constant 4864 : i32
    %dma_start3A_2198 = arith.constant 0 : i32
    %dma_start3A_2199 = tpu.memref_slice %arg11[%dma_start3A_2197, %dma_start3A_2198] : memref<5376x8xf32, #tpu.memory_space<vmem>> -> memref<128x8xf32, #tpu.memory_space<vmem>>
    %dma_start3A_2200 = arith.constant 0 : i32
    %dma_start3A_2201 = tpu.memref_slice %arg12[%dma_start3A_2196, %dma_start3A_2200] : memref<42x128xi32, #tpu.memory_space<vmem>> -> memref<1x128xi32, #tpu.memory_space<vmem>>
    %dma_start3A_2202 = tpu.memref_squeeze %dma_start3A_2201 : memref<1x128xi32, #tpu.memory_space<vmem>> -> memref<128xi32, #tpu.memory_space<vmem>>
    %dma_start3A_2203 = arith.constant 0 : i32
    %dma_start3A_2204 = arith.constant 0 : i32
    %dma_start3A_2205 = tpu.memref_slice %arg15[%dma_start3A_2203, %dma_start3A_2204] : memref<63496x8xf32, #tpu.memory_space<vmem_shared>> -> memref<63496x8xf32, #tpu.memory_space<vmem_shared>>
    tpu.enqueue_indirect_dma source(%dma_start3A_2199 : memref<128x8xf32, #tpu.memory_space<vmem>>) target(%dma_start3A_2205 : memref<63496x8xf32, #tpu.memory_space<vmem_shared>>) offsets(%dma_start3A_2202 : memref<128xi32, #tpu.memory_space<vmem>>) semaphore(%arg16 : memref<!tpu.dma_semaphore, #tpu.memory_space<semaphore_mem>>)
    %dma_start3A_2206 = arith.constant 38 : i32
    %dma_start3A_2207 = arith.constant 4864 : i32
    %dma_start3A_2208 = arith.constant 0 : i32
    %dma_start3A_2209 = tpu.memref_slice %arg11[%dma_start3A_2207, %dma_start3A_2208] : memref<5376x8xf32, #tpu.memory_space<vmem>> -> memref<128x8xf32, #tpu.memory_space<vmem>>
    %dma_start3A_2210 = arith.constant 0 : i32
    %dma_start3A_2211 = tpu.memref_slice %arg13[%dma_start3A_2206, %dma_start3A_2210] : memref<42x128xi32, #tpu.memory_space<vmem>> -> memref<1x128xi32, #tpu.memory_space<vmem>>
    %dma_start3A_2212 = tpu.memref_squeeze %dma_start3A_2211 : memref<1x128xi32, #tpu.memory_space<vmem>> -> memref<128xi32, #tpu.memory_space<vmem>>
    %dma_start3A_2213 = arith.constant 0 : i32
    %dma_start3A_2214 = arith.constant 0 : i32
    %dma_start3A_2215 = tpu.memref_slice %arg15[%dma_start3A_2213, %dma_start3A_2214] : memref<63496x8xf32, #tpu.memory_space<vmem_shared>> -> memref<63496x8xf32, #tpu.memory_space<vmem_shared>>
    tpu.enqueue_indirect_dma source(%dma_start3A_2209 : memref<128x8xf32, #tpu.memory_space<vmem>>) target(%dma_start3A_2215 : memref<63496x8xf32, #tpu.memory_space<vmem_shared>>) offsets(%dma_start3A_2212 : memref<128xi32, #tpu.memory_space<vmem>>) semaphore(%arg16 : memref<!tpu.dma_semaphore, #tpu.memory_space<semaphore_mem>>)
    %dma_start3A_2216 = arith.constant 38 : i32
    %dma_start3A_2217 = arith.constant 4864 : i32
    %dma_start3A_2218 = arith.constant 0 : i32
    %dma_start3A_2219 = tpu.memref_slice %arg11[%dma_start3A_2217, %dma_start3A_2218] : memref<5376x8xf32, #tpu.memory_space<vmem>> -> memref<128x8xf32, #tpu.memory_space<vmem>>
    %dma_start3A_2220 = arith.constant 0 : i32
    %dma_start3A_2221 = tpu.memref_slice %arg14[%dma_start3A_2216, %dma_start3A_2220] : memref<42x128xi32, #tpu.memory_space<vmem>> -> memref<1x128xi32, #tpu.memory_space<vmem>>
    %dma_start3A_2222 = tpu.memref_squeeze %dma_start3A_2221 : memref<1x128xi32, #tpu.memory_space<vmem>> -> memref<128xi32, #tpu.memory_space<vmem>>
    %dma_start3A_2223 = arith.constant 0 : i32
    %dma_start3A_2224 = arith.constant 0 : i32
    %dma_start3A_2225 = tpu.memref_slice %arg15[%dma_start3A_2223, %dma_start3A_2224] : memref<63496x8xf32, #tpu.memory_space<vmem_shared>> -> memref<63496x8xf32, #tpu.memory_space<vmem_shared>>
    tpu.enqueue_indirect_dma source(%dma_start3A_2219 : memref<128x8xf32, #tpu.memory_space<vmem>>) target(%dma_start3A_2225 : memref<63496x8xf32, #tpu.memory_space<vmem_shared>>) offsets(%dma_start3A_2222 : memref<128xi32, #tpu.memory_space<vmem>>) semaphore(%arg16 : memref<!tpu.dma_semaphore, #tpu.memory_space<semaphore_mem>>)
    %dma_start3A_2226 = arith.constant 39 : i32
    %dma_start3A_2227 = arith.constant 4992 : i32
    %dma_start3A_2228 = arith.constant 0 : i32
    %dma_start3A_2229 = tpu.memref_slice %arg11[%dma_start3A_2227, %dma_start3A_2228] : memref<5376x8xf32, #tpu.memory_space<vmem>> -> memref<128x8xf32, #tpu.memory_space<vmem>>
    %dma_start3A_2230 = arith.constant 0 : i32
    %dma_start3A_2231 = tpu.memref_slice %arg12[%dma_start3A_2226, %dma_start3A_2230] : memref<42x128xi32, #tpu.memory_space<vmem>> -> memref<1x128xi32, #tpu.memory_space<vmem>>
    %dma_start3A_2232 = tpu.memref_squeeze %dma_start3A_2231 : memref<1x128xi32, #tpu.memory_space<vmem>> -> memref<128xi32, #tpu.memory_space<vmem>>
    %dma_start3A_2233 = arith.constant 0 : i32
    %dma_start3A_2234 = arith.constant 0 : i32
    %dma_start3A_2235 = tpu.memref_slice %arg15[%dma_start3A_2233, %dma_start3A_2234] : memref<63496x8xf32, #tpu.memory_space<vmem_shared>> -> memref<63496x8xf32, #tpu.memory_space<vmem_shared>>
    tpu.enqueue_indirect_dma source(%dma_start3A_2229 : memref<128x8xf32, #tpu.memory_space<vmem>>) target(%dma_start3A_2235 : memref<63496x8xf32, #tpu.memory_space<vmem_shared>>) offsets(%dma_start3A_2232 : memref<128xi32, #tpu.memory_space<vmem>>) semaphore(%arg16 : memref<!tpu.dma_semaphore, #tpu.memory_space<semaphore_mem>>)
    %dma_start3A_2236 = arith.constant 39 : i32
    %dma_start3A_2237 = arith.constant 4992 : i32
    %dma_start3A_2238 = arith.constant 0 : i32
    %dma_start3A_2239 = tpu.memref_slice %arg11[%dma_start3A_2237, %dma_start3A_2238] : memref<5376x8xf32, #tpu.memory_space<vmem>> -> memref<128x8xf32, #tpu.memory_space<vmem>>
    %dma_start3A_2240 = arith.constant 0 : i32
    %dma_start3A_2241 = tpu.memref_slice %arg13[%dma_start3A_2236, %dma_start3A_2240] : memref<42x128xi32, #tpu.memory_space<vmem>> -> memref<1x128xi32, #tpu.memory_space<vmem>>
    %dma_start3A_2242 = tpu.memref_squeeze %dma_start3A_2241 : memref<1x128xi32, #tpu.memory_space<vmem>> -> memref<128xi32, #tpu.memory_space<vmem>>
    %dma_start3A_2243 = arith.constant 0 : i32
    %dma_start3A_2244 = arith.constant 0 : i32
    %dma_start3A_2245 = tpu.memref_slice %arg15[%dma_start3A_2243, %dma_start3A_2244] : memref<63496x8xf32, #tpu.memory_space<vmem_shared>> -> memref<63496x8xf32, #tpu.memory_space<vmem_shared>>
    tpu.enqueue_indirect_dma source(%dma_start3A_2239 : memref<128x8xf32, #tpu.memory_space<vmem>>) target(%dma_start3A_2245 : memref<63496x8xf32, #tpu.memory_space<vmem_shared>>) offsets(%dma_start3A_2242 : memref<128xi32, #tpu.memory_space<vmem>>) semaphore(%arg16 : memref<!tpu.dma_semaphore, #tpu.memory_space<semaphore_mem>>)
    %dma_start3A_2246 = arith.constant 39 : i32
    %dma_start3A_2247 = arith.constant 4992 : i32
    %dma_start3A_2248 = arith.constant 0 : i32
    %dma_start3A_2249 = tpu.memref_slice %arg11[%dma_start3A_2247, %dma_start3A_2248] : memref<5376x8xf32, #tpu.memory_space<vmem>> -> memref<128x8xf32, #tpu.memory_space<vmem>>
    %dma_start3A_2250 = arith.constant 0 : i32
    %dma_start3A_2251 = tpu.memref_slice %arg14[%dma_start3A_2246, %dma_start3A_2250] : memref<42x128xi32, #tpu.memory_space<vmem>> -> memref<1x128xi32, #tpu.memory_space<vmem>>
    %dma_start3A_2252 = tpu.memref_squeeze %dma_start3A_2251 : memref<1x128xi32, #tpu.memory_space<vmem>> -> memref<128xi32, #tpu.memory_space<vmem>>
    %dma_start3A_2253 = arith.constant 0 : i32
    %dma_start3A_2254 = arith.constant 0 : i32
    %dma_start3A_2255 = tpu.memref_slice %arg15[%dma_start3A_2253, %dma_start3A_2254] : memref<63496x8xf32, #tpu.memory_space<vmem_shared>> -> memref<63496x8xf32, #tpu.memory_space<vmem_shared>>
    tpu.enqueue_indirect_dma source(%dma_start3A_2249 : memref<128x8xf32, #tpu.memory_space<vmem>>) target(%dma_start3A_2255 : memref<63496x8xf32, #tpu.memory_space<vmem_shared>>) offsets(%dma_start3A_2252 : memref<128xi32, #tpu.memory_space<vmem>>) semaphore(%arg16 : memref<!tpu.dma_semaphore, #tpu.memory_space<semaphore_mem>>)
    %dma_start3A_2256 = arith.constant 40 : i32
    %dma_start3A_2257 = arith.constant 5120 : i32
    %dma_start3A_2258 = arith.constant 0 : i32
    %dma_start3A_2259 = tpu.memref_slice %arg11[%dma_start3A_2257, %dma_start3A_2258] : memref<5376x8xf32, #tpu.memory_space<vmem>> -> memref<128x8xf32, #tpu.memory_space<vmem>>
    %dma_start3A_2260 = arith.constant 0 : i32
    %dma_start3A_2261 = tpu.memref_slice %arg12[%dma_start3A_2256, %dma_start3A_2260] : memref<42x128xi32, #tpu.memory_space<vmem>> -> memref<1x128xi32, #tpu.memory_space<vmem>>
    %dma_start3A_2262 = tpu.memref_squeeze %dma_start3A_2261 : memref<1x128xi32, #tpu.memory_space<vmem>> -> memref<128xi32, #tpu.memory_space<vmem>>
    %dma_start3A_2263 = arith.constant 0 : i32
    %dma_start3A_2264 = arith.constant 0 : i32
    %dma_start3A_2265 = tpu.memref_slice %arg15[%dma_start3A_2263, %dma_start3A_2264] : memref<63496x8xf32, #tpu.memory_space<vmem_shared>> -> memref<63496x8xf32, #tpu.memory_space<vmem_shared>>
    tpu.enqueue_indirect_dma source(%dma_start3A_2259 : memref<128x8xf32, #tpu.memory_space<vmem>>) target(%dma_start3A_2265 : memref<63496x8xf32, #tpu.memory_space<vmem_shared>>) offsets(%dma_start3A_2262 : memref<128xi32, #tpu.memory_space<vmem>>) semaphore(%arg16 : memref<!tpu.dma_semaphore, #tpu.memory_space<semaphore_mem>>)
    %dma_start3A_2266 = arith.constant 40 : i32
    %dma_start3A_2267 = arith.constant 5120 : i32
    %dma_start3A_2268 = arith.constant 0 : i32
    %dma_start3A_2269 = tpu.memref_slice %arg11[%dma_start3A_2267, %dma_start3A_2268] : memref<5376x8xf32, #tpu.memory_space<vmem>> -> memref<128x8xf32, #tpu.memory_space<vmem>>
    %dma_start3A_2270 = arith.constant 0 : i32
    %dma_start3A_2271 = tpu.memref_slice %arg13[%dma_start3A_2266, %dma_start3A_2270] : memref<42x128xi32, #tpu.memory_space<vmem>> -> memref<1x128xi32, #tpu.memory_space<vmem>>
    %dma_start3A_2272 = tpu.memref_squeeze %dma_start3A_2271 : memref<1x128xi32, #tpu.memory_space<vmem>> -> memref<128xi32, #tpu.memory_space<vmem>>
    %dma_start3A_2273 = arith.constant 0 : i32
    %dma_start3A_2274 = arith.constant 0 : i32
    %dma_start3A_2275 = tpu.memref_slice %arg15[%dma_start3A_2273, %dma_start3A_2274] : memref<63496x8xf32, #tpu.memory_space<vmem_shared>> -> memref<63496x8xf32, #tpu.memory_space<vmem_shared>>
    tpu.enqueue_indirect_dma source(%dma_start3A_2269 : memref<128x8xf32, #tpu.memory_space<vmem>>) target(%dma_start3A_2275 : memref<63496x8xf32, #tpu.memory_space<vmem_shared>>) offsets(%dma_start3A_2272 : memref<128xi32, #tpu.memory_space<vmem>>) semaphore(%arg16 : memref<!tpu.dma_semaphore, #tpu.memory_space<semaphore_mem>>)
    %dma_start3A_2276 = arith.constant 40 : i32
    %dma_start3A_2277 = arith.constant 5120 : i32
    %dma_start3A_2278 = arith.constant 0 : i32
    %dma_start3A_2279 = tpu.memref_slice %arg11[%dma_start3A_2277, %dma_start3A_2278] : memref<5376x8xf32, #tpu.memory_space<vmem>> -> memref<128x8xf32, #tpu.memory_space<vmem>>
    %dma_start3A_2280 = arith.constant 0 : i32
    %dma_start3A_2281 = tpu.memref_slice %arg14[%dma_start3A_2276, %dma_start3A_2280] : memref<42x128xi32, #tpu.memory_space<vmem>> -> memref<1x128xi32, #tpu.memory_space<vmem>>
    %dma_start3A_2282 = tpu.memref_squeeze %dma_start3A_2281 : memref<1x128xi32, #tpu.memory_space<vmem>> -> memref<128xi32, #tpu.memory_space<vmem>>
    %dma_start3A_2283 = arith.constant 0 : i32
    %dma_start3A_2284 = arith.constant 0 : i32
    %dma_start3A_2285 = tpu.memref_slice %arg15[%dma_start3A_2283, %dma_start3A_2284] : memref<63496x8xf32, #tpu.memory_space<vmem_shared>> -> memref<63496x8xf32, #tpu.memory_space<vmem_shared>>
    tpu.enqueue_indirect_dma source(%dma_start3A_2279 : memref<128x8xf32, #tpu.memory_space<vmem>>) target(%dma_start3A_2285 : memref<63496x8xf32, #tpu.memory_space<vmem_shared>>) offsets(%dma_start3A_2282 : memref<128xi32, #tpu.memory_space<vmem>>) semaphore(%arg16 : memref<!tpu.dma_semaphore, #tpu.memory_space<semaphore_mem>>)
    %dma_start3A_2286 = arith.constant 41 : i32
    %dma_start3A_2287 = arith.constant 5248 : i32
    %dma_start3A_2288 = arith.constant 0 : i32
    %dma_start3A_2289 = tpu.memref_slice %arg11[%dma_start3A_2287, %dma_start3A_2288] : memref<5376x8xf32, #tpu.memory_space<vmem>> -> memref<128x8xf32, #tpu.memory_space<vmem>>
    %dma_start3A_2290 = arith.constant 0 : i32
    %dma_start3A_2291 = tpu.memref_slice %arg12[%dma_start3A_2286, %dma_start3A_2290] : memref<42x128xi32, #tpu.memory_space<vmem>> -> memref<1x128xi32, #tpu.memory_space<vmem>>
    %dma_start3A_2292 = tpu.memref_squeeze %dma_start3A_2291 : memref<1x128xi32, #tpu.memory_space<vmem>> -> memref<128xi32, #tpu.memory_space<vmem>>
    %dma_start3A_2293 = arith.constant 0 : i32
    %dma_start3A_2294 = arith.constant 0 : i32
    %dma_start3A_2295 = tpu.memref_slice %arg15[%dma_start3A_2293, %dma_start3A_2294] : memref<63496x8xf32, #tpu.memory_space<vmem_shared>> -> memref<63496x8xf32, #tpu.memory_space<vmem_shared>>
    tpu.enqueue_indirect_dma source(%dma_start3A_2289 : memref<128x8xf32, #tpu.memory_space<vmem>>) target(%dma_start3A_2295 : memref<63496x8xf32, #tpu.memory_space<vmem_shared>>) offsets(%dma_start3A_2292 : memref<128xi32, #tpu.memory_space<vmem>>) semaphore(%arg16 : memref<!tpu.dma_semaphore, #tpu.memory_space<semaphore_mem>>)
    %dma_start3A_2296 = arith.constant 41 : i32
    %dma_start3A_2297 = arith.constant 5248 : i32
    %dma_start3A_2298 = arith.constant 0 : i32
    %dma_start3A_2299 = tpu.memref_slice %arg11[%dma_start3A_2297, %dma_start3A_2298] : memref<5376x8xf32, #tpu.memory_space<vmem>> -> memref<128x8xf32, #tpu.memory_space<vmem>>
    %dma_start3A_2300 = arith.constant 0 : i32
    %dma_start3A_2301 = tpu.memref_slice %arg13[%dma_start3A_2296, %dma_start3A_2300] : memref<42x128xi32, #tpu.memory_space<vmem>> -> memref<1x128xi32, #tpu.memory_space<vmem>>
    %dma_start3A_2302 = tpu.memref_squeeze %dma_start3A_2301 : memref<1x128xi32, #tpu.memory_space<vmem>> -> memref<128xi32, #tpu.memory_space<vmem>>
    %dma_start3A_2303 = arith.constant 0 : i32
    %dma_start3A_2304 = arith.constant 0 : i32
    %dma_start3A_2305 = tpu.memref_slice %arg15[%dma_start3A_2303, %dma_start3A_2304] : memref<63496x8xf32, #tpu.memory_space<vmem_shared>> -> memref<63496x8xf32, #tpu.memory_space<vmem_shared>>
    tpu.enqueue_indirect_dma source(%dma_start3A_2299 : memref<128x8xf32, #tpu.memory_space<vmem>>) target(%dma_start3A_2305 : memref<63496x8xf32, #tpu.memory_space<vmem_shared>>) offsets(%dma_start3A_2302 : memref<128xi32, #tpu.memory_space<vmem>>) semaphore(%arg16 : memref<!tpu.dma_semaphore, #tpu.memory_space<semaphore_mem>>)
    %dma_start3A_2306 = arith.constant 41 : i32
    %dma_start3A_2307 = arith.constant 5248 : i32
    %dma_start3A_2308 = arith.constant 0 : i32
    %dma_start3A_2309 = tpu.memref_slice %arg11[%dma_start3A_2307, %dma_start3A_2308] : memref<5376x8xf32, #tpu.memory_space<vmem>> -> memref<128x8xf32, #tpu.memory_space<vmem>>
    %dma_start3A_2310 = arith.constant 0 : i32
    %dma_start3A_2311 = tpu.memref_slice %arg14[%dma_start3A_2306, %dma_start3A_2310] : memref<42x128xi32, #tpu.memory_space<vmem>> -> memref<1x128xi32, #tpu.memory_space<vmem>>
    %dma_start3A_2312 = tpu.memref_squeeze %dma_start3A_2311 : memref<1x128xi32, #tpu.memory_space<vmem>> -> memref<128xi32, #tpu.memory_space<vmem>>
    %dma_start3A_2313 = arith.constant 0 : i32
    %dma_start3A_2314 = arith.constant 0 : i32
    %dma_start3A_2315 = tpu.memref_slice %arg15[%dma_start3A_2313, %dma_start3A_2314] : memref<63496x8xf32, #tpu.memory_space<vmem_shared>> -> memref<63496x8xf32, #tpu.memory_space<vmem_shared>>
    tpu.enqueue_indirect_dma source(%dma_start3A_2309 : memref<128x8xf32, #tpu.memory_space<vmem>>) target(%dma_start3A_2315 : memref<63496x8xf32, #tpu.memory_space<vmem_shared>>) offsets(%dma_start3A_2312 : memref<128xi32, #tpu.memory_space<vmem>>) semaphore(%arg16 : memref<!tpu.dma_semaphore, #tpu.memory_space<semaphore_mem>>)
    %dma_wait3A_2316 = arith.constant 35 : i32
    %dma_wait3A_2317 = arith.constant 4480 : i32
    %dma_wait3A_2318 = arith.constant 0 : i32
    %dma_wait3A_2319 = tpu.memref_slice %arg11[%dma_wait3A_2317, %dma_wait3A_2318] : memref<5376x8xf32, #tpu.memory_space<vmem>> -> memref<128x8xf32, #tpu.memory_space<vmem>>
    %dma_wait3A_2320 = arith.constant 0 : i32
    %dma_wait3A_2321 = tpu.memref_slice %arg12[%dma_wait3A_2316, %dma_wait3A_2320] : memref<42x128xi32, #tpu.memory_space<vmem>> -> memref<1x128xi32, #tpu.memory_space<vmem>>
    %dma_wait3A_2322 = tpu.memref_squeeze %dma_wait3A_2321 : memref<1x128xi32, #tpu.memory_space<vmem>> -> memref<128xi32, #tpu.memory_space<vmem>>
    %dma_wait3A_2323 = arith.constant 0 : i32
    %dma_wait3A_2324 = arith.constant 0 : i32
    %dma_wait3A_2325 = tpu.memref_slice %arg15[%dma_wait3A_2323, %dma_wait3A_2324] : memref<63496x8xf32, #tpu.memory_space<vmem_shared>> -> memref<63496x8xf32, #tpu.memory_space<vmem_shared>>
    tpu.wait_indirect_dma semaphore(%arg16 : memref<!tpu.dma_semaphore, #tpu.memory_space<semaphore_mem>>) src(%dma_wait3A_2319 : memref<128x8xf32, #tpu.memory_space<vmem>>) dst(%dma_wait3A_2325 : memref<63496x8xf32, #tpu.memory_space<vmem_shared>>)
    %dma_wait3A_2326 = arith.constant 35 : i32
    %dma_wait3A_2327 = arith.constant 4480 : i32
    %dma_wait3A_2328 = arith.constant 0 : i32
    %dma_wait3A_2329 = tpu.memref_slice %arg11[%dma_wait3A_2327, %dma_wait3A_2328] : memref<5376x8xf32, #tpu.memory_space<vmem>> -> memref<128x8xf32, #tpu.memory_space<vmem>>
    %dma_wait3A_2330 = arith.constant 0 : i32
    %dma_wait3A_2331 = tpu.memref_slice %arg13[%dma_wait3A_2326, %dma_wait3A_2330] : memref<42x128xi32, #tpu.memory_space<vmem>> -> memref<1x128xi32, #tpu.memory_space<vmem>>
    %dma_wait3A_2332 = tpu.memref_squeeze %dma_wait3A_2331 : memref<1x128xi32, #tpu.memory_space<vmem>> -> memref<128xi32, #tpu.memory_space<vmem>>
    %dma_wait3A_2333 = arith.constant 0 : i32
    %dma_wait3A_2334 = arith.constant 0 : i32
    %dma_wait3A_2335 = tpu.memref_slice %arg15[%dma_wait3A_2333, %dma_wait3A_2334] : memref<63496x8xf32, #tpu.memory_space<vmem_shared>> -> memref<63496x8xf32, #tpu.memory_space<vmem_shared>>
    tpu.wait_indirect_dma semaphore(%arg16 : memref<!tpu.dma_semaphore, #tpu.memory_space<semaphore_mem>>) src(%dma_wait3A_2329 : memref<128x8xf32, #tpu.memory_space<vmem>>) dst(%dma_wait3A_2335 : memref<63496x8xf32, #tpu.memory_space<vmem_shared>>)
    %dma_wait3A_2336 = arith.constant 35 : i32
    %dma_wait3A_2337 = arith.constant 4480 : i32
    %dma_wait3A_2338 = arith.constant 0 : i32
    %dma_wait3A_2339 = tpu.memref_slice %arg11[%dma_wait3A_2337, %dma_wait3A_2338] : memref<5376x8xf32, #tpu.memory_space<vmem>> -> memref<128x8xf32, #tpu.memory_space<vmem>>
    %dma_wait3A_2340 = arith.constant 0 : i32
    %dma_wait3A_2341 = tpu.memref_slice %arg14[%dma_wait3A_2336, %dma_wait3A_2340] : memref<42x128xi32, #tpu.memory_space<vmem>> -> memref<1x128xi32, #tpu.memory_space<vmem>>
    %dma_wait3A_2342 = tpu.memref_squeeze %dma_wait3A_2341 : memref<1x128xi32, #tpu.memory_space<vmem>> -> memref<128xi32, #tpu.memory_space<vmem>>
    %dma_wait3A_2343 = arith.constant 0 : i32
    %dma_wait3A_2344 = arith.constant 0 : i32
    %dma_wait3A_2345 = tpu.memref_slice %arg15[%dma_wait3A_2343, %dma_wait3A_2344] : memref<63496x8xf32, #tpu.memory_space<vmem_shared>> -> memref<63496x8xf32, #tpu.memory_space<vmem_shared>>
    tpu.wait_indirect_dma semaphore(%arg16 : memref<!tpu.dma_semaphore, #tpu.memory_space<semaphore_mem>>) src(%dma_wait3A_2339 : memref<128x8xf32, #tpu.memory_space<vmem>>) dst(%dma_wait3A_2345 : memref<63496x8xf32, #tpu.memory_space<vmem_shared>>)
    %dma_wait3A_2346 = arith.constant 36 : i32
    %dma_wait3A_2347 = arith.constant 4608 : i32
    %dma_wait3A_2348 = arith.constant 0 : i32
    %dma_wait3A_2349 = tpu.memref_slice %arg11[%dma_wait3A_2347, %dma_wait3A_2348] : memref<5376x8xf32, #tpu.memory_space<vmem>> -> memref<128x8xf32, #tpu.memory_space<vmem>>
    %dma_wait3A_2350 = arith.constant 0 : i32
    %dma_wait3A_2351 = tpu.memref_slice %arg12[%dma_wait3A_2346, %dma_wait3A_2350] : memref<42x128xi32, #tpu.memory_space<vmem>> -> memref<1x128xi32, #tpu.memory_space<vmem>>
    %dma_wait3A_2352 = tpu.memref_squeeze %dma_wait3A_2351 : memref<1x128xi32, #tpu.memory_space<vmem>> -> memref<128xi32, #tpu.memory_space<vmem>>
    %dma_wait3A_2353 = arith.constant 0 : i32
    %dma_wait3A_2354 = arith.constant 0 : i32
    %dma_wait3A_2355 = tpu.memref_slice %arg15[%dma_wait3A_2353, %dma_wait3A_2354] : memref<63496x8xf32, #tpu.memory_space<vmem_shared>> -> memref<63496x8xf32, #tpu.memory_space<vmem_shared>>
    tpu.wait_indirect_dma semaphore(%arg16 : memref<!tpu.dma_semaphore, #tpu.memory_space<semaphore_mem>>) src(%dma_wait3A_2349 : memref<128x8xf32, #tpu.memory_space<vmem>>) dst(%dma_wait3A_2355 : memref<63496x8xf32, #tpu.memory_space<vmem_shared>>)
    %dma_wait3A_2356 = arith.constant 36 : i32
    %dma_wait3A_2357 = arith.constant 4608 : i32
    %dma_wait3A_2358 = arith.constant 0 : i32
    %dma_wait3A_2359 = tpu.memref_slice %arg11[%dma_wait3A_2357, %dma_wait3A_2358] : memref<5376x8xf32, #tpu.memory_space<vmem>> -> memref<128x8xf32, #tpu.memory_space<vmem>>
    %dma_wait3A_2360 = arith.constant 0 : i32
    %dma_wait3A_2361 = tpu.memref_slice %arg13[%dma_wait3A_2356, %dma_wait3A_2360] : memref<42x128xi32, #tpu.memory_space<vmem>> -> memref<1x128xi32, #tpu.memory_space<vmem>>
    %dma_wait3A_2362 = tpu.memref_squeeze %dma_wait3A_2361 : memref<1x128xi32, #tpu.memory_space<vmem>> -> memref<128xi32, #tpu.memory_space<vmem>>
    %dma_wait3A_2363 = arith.constant 0 : i32
    %dma_wait3A_2364 = arith.constant 0 : i32
    %dma_wait3A_2365 = tpu.memref_slice %arg15[%dma_wait3A_2363, %dma_wait3A_2364] : memref<63496x8xf32, #tpu.memory_space<vmem_shared>> -> memref<63496x8xf32, #tpu.memory_space<vmem_shared>>
    tpu.wait_indirect_dma semaphore(%arg16 : memref<!tpu.dma_semaphore, #tpu.memory_space<semaphore_mem>>) src(%dma_wait3A_2359 : memref<128x8xf32, #tpu.memory_space<vmem>>) dst(%dma_wait3A_2365 : memref<63496x8xf32, #tpu.memory_space<vmem_shared>>)
    %dma_wait3A_2366 = arith.constant 36 : i32
    %dma_wait3A_2367 = arith.constant 4608 : i32
    %dma_wait3A_2368 = arith.constant 0 : i32
    %dma_wait3A_2369 = tpu.memref_slice %arg11[%dma_wait3A_2367, %dma_wait3A_2368] : memref<5376x8xf32, #tpu.memory_space<vmem>> -> memref<128x8xf32, #tpu.memory_space<vmem>>
    %dma_wait3A_2370 = arith.constant 0 : i32
    %dma_wait3A_2371 = tpu.memref_slice %arg14[%dma_wait3A_2366, %dma_wait3A_2370] : memref<42x128xi32, #tpu.memory_space<vmem>> -> memref<1x128xi32, #tpu.memory_space<vmem>>
    %dma_wait3A_2372 = tpu.memref_squeeze %dma_wait3A_2371 : memref<1x128xi32, #tpu.memory_space<vmem>> -> memref<128xi32, #tpu.memory_space<vmem>>
    %dma_wait3A_2373 = arith.constant 0 : i32
    %dma_wait3A_2374 = arith.constant 0 : i32
    %dma_wait3A_2375 = tpu.memref_slice %arg15[%dma_wait3A_2373, %dma_wait3A_2374] : memref<63496x8xf32, #tpu.memory_space<vmem_shared>> -> memref<63496x8xf32, #tpu.memory_space<vmem_shared>>
    tpu.wait_indirect_dma semaphore(%arg16 : memref<!tpu.dma_semaphore, #tpu.memory_space<semaphore_mem>>) src(%dma_wait3A_2369 : memref<128x8xf32, #tpu.memory_space<vmem>>) dst(%dma_wait3A_2375 : memref<63496x8xf32, #tpu.memory_space<vmem_shared>>)
    %dma_wait3A_2376 = arith.constant 37 : i32
    %dma_wait3A_2377 = arith.constant 4736 : i32
    %dma_wait3A_2378 = arith.constant 0 : i32
    %dma_wait3A_2379 = tpu.memref_slice %arg11[%dma_wait3A_2377, %dma_wait3A_2378] : memref<5376x8xf32, #tpu.memory_space<vmem>> -> memref<128x8xf32, #tpu.memory_space<vmem>>
    %dma_wait3A_2380 = arith.constant 0 : i32
    %dma_wait3A_2381 = tpu.memref_slice %arg12[%dma_wait3A_2376, %dma_wait3A_2380] : memref<42x128xi32, #tpu.memory_space<vmem>> -> memref<1x128xi32, #tpu.memory_space<vmem>>
    %dma_wait3A_2382 = tpu.memref_squeeze %dma_wait3A_2381 : memref<1x128xi32, #tpu.memory_space<vmem>> -> memref<128xi32, #tpu.memory_space<vmem>>
    %dma_wait3A_2383 = arith.constant 0 : i32
    %dma_wait3A_2384 = arith.constant 0 : i32
    %dma_wait3A_2385 = tpu.memref_slice %arg15[%dma_wait3A_2383, %dma_wait3A_2384] : memref<63496x8xf32, #tpu.memory_space<vmem_shared>> -> memref<63496x8xf32, #tpu.memory_space<vmem_shared>>
    tpu.wait_indirect_dma semaphore(%arg16 : memref<!tpu.dma_semaphore, #tpu.memory_space<semaphore_mem>>) src(%dma_wait3A_2379 : memref<128x8xf32, #tpu.memory_space<vmem>>) dst(%dma_wait3A_2385 : memref<63496x8xf32, #tpu.memory_space<vmem_shared>>)
    %dma_wait3A_2386 = arith.constant 37 : i32
    %dma_wait3A_2387 = arith.constant 4736 : i32
    %dma_wait3A_2388 = arith.constant 0 : i32
    %dma_wait3A_2389 = tpu.memref_slice %arg11[%dma_wait3A_2387, %dma_wait3A_2388] : memref<5376x8xf32, #tpu.memory_space<vmem>> -> memref<128x8xf32, #tpu.memory_space<vmem>>
    %dma_wait3A_2390 = arith.constant 0 : i32
    %dma_wait3A_2391 = tpu.memref_slice %arg13[%dma_wait3A_2386, %dma_wait3A_2390] : memref<42x128xi32, #tpu.memory_space<vmem>> -> memref<1x128xi32, #tpu.memory_space<vmem>>
    %dma_wait3A_2392 = tpu.memref_squeeze %dma_wait3A_2391 : memref<1x128xi32, #tpu.memory_space<vmem>> -> memref<128xi32, #tpu.memory_space<vmem>>
    %dma_wait3A_2393 = arith.constant 0 : i32
    %dma_wait3A_2394 = arith.constant 0 : i32
    %dma_wait3A_2395 = tpu.memref_slice %arg15[%dma_wait3A_2393, %dma_wait3A_2394] : memref<63496x8xf32, #tpu.memory_space<vmem_shared>> -> memref<63496x8xf32, #tpu.memory_space<vmem_shared>>
    tpu.wait_indirect_dma semaphore(%arg16 : memref<!tpu.dma_semaphore, #tpu.memory_space<semaphore_mem>>) src(%dma_wait3A_2389 : memref<128x8xf32, #tpu.memory_space<vmem>>) dst(%dma_wait3A_2395 : memref<63496x8xf32, #tpu.memory_space<vmem_shared>>)
    %dma_wait3A_2396 = arith.constant 37 : i32
    %dma_wait3A_2397 = arith.constant 4736 : i32
    %dma_wait3A_2398 = arith.constant 0 : i32
    %dma_wait3A_2399 = tpu.memref_slice %arg11[%dma_wait3A_2397, %dma_wait3A_2398] : memref<5376x8xf32, #tpu.memory_space<vmem>> -> memref<128x8xf32, #tpu.memory_space<vmem>>
    %dma_wait3A_2400 = arith.constant 0 : i32
    %dma_wait3A_2401 = tpu.memref_slice %arg14[%dma_wait3A_2396, %dma_wait3A_2400] : memref<42x128xi32, #tpu.memory_space<vmem>> -> memref<1x128xi32, #tpu.memory_space<vmem>>
    %dma_wait3A_2402 = tpu.memref_squeeze %dma_wait3A_2401 : memref<1x128xi32, #tpu.memory_space<vmem>> -> memref<128xi32, #tpu.memory_space<vmem>>
    %dma_wait3A_2403 = arith.constant 0 : i32
    %dma_wait3A_2404 = arith.constant 0 : i32
    %dma_wait3A_2405 = tpu.memref_slice %arg15[%dma_wait3A_2403, %dma_wait3A_2404] : memref<63496x8xf32, #tpu.memory_space<vmem_shared>> -> memref<63496x8xf32, #tpu.memory_space<vmem_shared>>
    tpu.wait_indirect_dma semaphore(%arg16 : memref<!tpu.dma_semaphore, #tpu.memory_space<semaphore_mem>>) src(%dma_wait3A_2399 : memref<128x8xf32, #tpu.memory_space<vmem>>) dst(%dma_wait3A_2405 : memref<63496x8xf32, #tpu.memory_space<vmem_shared>>)
    %dma_wait3A_2406 = arith.constant 38 : i32
    %dma_wait3A_2407 = arith.constant 4864 : i32
    %dma_wait3A_2408 = arith.constant 0 : i32
    %dma_wait3A_2409 = tpu.memref_slice %arg11[%dma_wait3A_2407, %dma_wait3A_2408] : memref<5376x8xf32, #tpu.memory_space<vmem>> -> memref<128x8xf32, #tpu.memory_space<vmem>>
    %dma_wait3A_2410 = arith.constant 0 : i32
    %dma_wait3A_2411 = tpu.memref_slice %arg12[%dma_wait3A_2406, %dma_wait3A_2410] : memref<42x128xi32, #tpu.memory_space<vmem>> -> memref<1x128xi32, #tpu.memory_space<vmem>>
    %dma_wait3A_2412 = tpu.memref_squeeze %dma_wait3A_2411 : memref<1x128xi32, #tpu.memory_space<vmem>> -> memref<128xi32, #tpu.memory_space<vmem>>
    %dma_wait3A_2413 = arith.constant 0 : i32
    %dma_wait3A_2414 = arith.constant 0 : i32
    %dma_wait3A_2415 = tpu.memref_slice %arg15[%dma_wait3A_2413, %dma_wait3A_2414] : memref<63496x8xf32, #tpu.memory_space<vmem_shared>> -> memref<63496x8xf32, #tpu.memory_space<vmem_shared>>
    tpu.wait_indirect_dma semaphore(%arg16 : memref<!tpu.dma_semaphore, #tpu.memory_space<semaphore_mem>>) src(%dma_wait3A_2409 : memref<128x8xf32, #tpu.memory_space<vmem>>) dst(%dma_wait3A_2415 : memref<63496x8xf32, #tpu.memory_space<vmem_shared>>)
    %dma_wait3A_2416 = arith.constant 38 : i32
    %dma_wait3A_2417 = arith.constant 4864 : i32
    %dma_wait3A_2418 = arith.constant 0 : i32
    %dma_wait3A_2419 = tpu.memref_slice %arg11[%dma_wait3A_2417, %dma_wait3A_2418] : memref<5376x8xf32, #tpu.memory_space<vmem>> -> memref<128x8xf32, #tpu.memory_space<vmem>>
    %dma_wait3A_2420 = arith.constant 0 : i32
    %dma_wait3A_2421 = tpu.memref_slice %arg13[%dma_wait3A_2416, %dma_wait3A_2420] : memref<42x128xi32, #tpu.memory_space<vmem>> -> memref<1x128xi32, #tpu.memory_space<vmem>>
    %dma_wait3A_2422 = tpu.memref_squeeze %dma_wait3A_2421 : memref<1x128xi32, #tpu.memory_space<vmem>> -> memref<128xi32, #tpu.memory_space<vmem>>
    %dma_wait3A_2423 = arith.constant 0 : i32
    %dma_wait3A_2424 = arith.constant 0 : i32
    %dma_wait3A_2425 = tpu.memref_slice %arg15[%dma_wait3A_2423, %dma_wait3A_2424] : memref<63496x8xf32, #tpu.memory_space<vmem_shared>> -> memref<63496x8xf32, #tpu.memory_space<vmem_shared>>
    tpu.wait_indirect_dma semaphore(%arg16 : memref<!tpu.dma_semaphore, #tpu.memory_space<semaphore_mem>>) src(%dma_wait3A_2419 : memref<128x8xf32, #tpu.memory_space<vmem>>) dst(%dma_wait3A_2425 : memref<63496x8xf32, #tpu.memory_space<vmem_shared>>)
    %dma_wait3A_2426 = arith.constant 38 : i32
    %dma_wait3A_2427 = arith.constant 4864 : i32
    %dma_wait3A_2428 = arith.constant 0 : i32
    %dma_wait3A_2429 = tpu.memref_slice %arg11[%dma_wait3A_2427, %dma_wait3A_2428] : memref<5376x8xf32, #tpu.memory_space<vmem>> -> memref<128x8xf32, #tpu.memory_space<vmem>>
    %dma_wait3A_2430 = arith.constant 0 : i32
    %dma_wait3A_2431 = tpu.memref_slice %arg14[%dma_wait3A_2426, %dma_wait3A_2430] : memref<42x128xi32, #tpu.memory_space<vmem>> -> memref<1x128xi32, #tpu.memory_space<vmem>>
    %dma_wait3A_2432 = tpu.memref_squeeze %dma_wait3A_2431 : memref<1x128xi32, #tpu.memory_space<vmem>> -> memref<128xi32, #tpu.memory_space<vmem>>
    %dma_wait3A_2433 = arith.constant 0 : i32
    %dma_wait3A_2434 = arith.constant 0 : i32
    %dma_wait3A_2435 = tpu.memref_slice %arg15[%dma_wait3A_2433, %dma_wait3A_2434] : memref<63496x8xf32, #tpu.memory_space<vmem_shared>> -> memref<63496x8xf32, #tpu.memory_space<vmem_shared>>
    tpu.wait_indirect_dma semaphore(%arg16 : memref<!tpu.dma_semaphore, #tpu.memory_space<semaphore_mem>>) src(%dma_wait3A_2429 : memref<128x8xf32, #tpu.memory_space<vmem>>) dst(%dma_wait3A_2435 : memref<63496x8xf32, #tpu.memory_space<vmem_shared>>)
    %dma_wait3A_2436 = arith.constant 39 : i32
    %dma_wait3A_2437 = arith.constant 4992 : i32
    %dma_wait3A_2438 = arith.constant 0 : i32
    %dma_wait3A_2439 = tpu.memref_slice %arg11[%dma_wait3A_2437, %dma_wait3A_2438] : memref<5376x8xf32, #tpu.memory_space<vmem>> -> memref<128x8xf32, #tpu.memory_space<vmem>>
    %dma_wait3A_2440 = arith.constant 0 : i32
    %dma_wait3A_2441 = tpu.memref_slice %arg12[%dma_wait3A_2436, %dma_wait3A_2440] : memref<42x128xi32, #tpu.memory_space<vmem>> -> memref<1x128xi32, #tpu.memory_space<vmem>>
    %dma_wait3A_2442 = tpu.memref_squeeze %dma_wait3A_2441 : memref<1x128xi32, #tpu.memory_space<vmem>> -> memref<128xi32, #tpu.memory_space<vmem>>
    %dma_wait3A_2443 = arith.constant 0 : i32
    %dma_wait3A_2444 = arith.constant 0 : i32
    %dma_wait3A_2445 = tpu.memref_slice %arg15[%dma_wait3A_2443, %dma_wait3A_2444] : memref<63496x8xf32, #tpu.memory_space<vmem_shared>> -> memref<63496x8xf32, #tpu.memory_space<vmem_shared>>
    tpu.wait_indirect_dma semaphore(%arg16 : memref<!tpu.dma_semaphore, #tpu.memory_space<semaphore_mem>>) src(%dma_wait3A_2439 : memref<128x8xf32, #tpu.memory_space<vmem>>) dst(%dma_wait3A_2445 : memref<63496x8xf32, #tpu.memory_space<vmem_shared>>)
    %dma_wait3A_2446 = arith.constant 39 : i32
    %dma_wait3A_2447 = arith.constant 4992 : i32
    %dma_wait3A_2448 = arith.constant 0 : i32
    %dma_wait3A_2449 = tpu.memref_slice %arg11[%dma_wait3A_2447, %dma_wait3A_2448] : memref<5376x8xf32, #tpu.memory_space<vmem>> -> memref<128x8xf32, #tpu.memory_space<vmem>>
    %dma_wait3A_2450 = arith.constant 0 : i32
    %dma_wait3A_2451 = tpu.memref_slice %arg13[%dma_wait3A_2446, %dma_wait3A_2450] : memref<42x128xi32, #tpu.memory_space<vmem>> -> memref<1x128xi32, #tpu.memory_space<vmem>>
    %dma_wait3A_2452 = tpu.memref_squeeze %dma_wait3A_2451 : memref<1x128xi32, #tpu.memory_space<vmem>> -> memref<128xi32, #tpu.memory_space<vmem>>
    %dma_wait3A_2453 = arith.constant 0 : i32
    %dma_wait3A_2454 = arith.constant 0 : i32
    %dma_wait3A_2455 = tpu.memref_slice %arg15[%dma_wait3A_2453, %dma_wait3A_2454] : memref<63496x8xf32, #tpu.memory_space<vmem_shared>> -> memref<63496x8xf32, #tpu.memory_space<vmem_shared>>
    tpu.wait_indirect_dma semaphore(%arg16 : memref<!tpu.dma_semaphore, #tpu.memory_space<semaphore_mem>>) src(%dma_wait3A_2449 : memref<128x8xf32, #tpu.memory_space<vmem>>) dst(%dma_wait3A_2455 : memref<63496x8xf32, #tpu.memory_space<vmem_shared>>)
    %dma_wait3A_2456 = arith.constant 39 : i32
    %dma_wait3A_2457 = arith.constant 4992 : i32
    %dma_wait3A_2458 = arith.constant 0 : i32
    %dma_wait3A_2459 = tpu.memref_slice %arg11[%dma_wait3A_2457, %dma_wait3A_2458] : memref<5376x8xf32, #tpu.memory_space<vmem>> -> memref<128x8xf32, #tpu.memory_space<vmem>>
    %dma_wait3A_2460 = arith.constant 0 : i32
    %dma_wait3A_2461 = tpu.memref_slice %arg14[%dma_wait3A_2456, %dma_wait3A_2460] : memref<42x128xi32, #tpu.memory_space<vmem>> -> memref<1x128xi32, #tpu.memory_space<vmem>>
    %dma_wait3A_2462 = tpu.memref_squeeze %dma_wait3A_2461 : memref<1x128xi32, #tpu.memory_space<vmem>> -> memref<128xi32, #tpu.memory_space<vmem>>
    %dma_wait3A_2463 = arith.constant 0 : i32
    %dma_wait3A_2464 = arith.constant 0 : i32
    %dma_wait3A_2465 = tpu.memref_slice %arg15[%dma_wait3A_2463, %dma_wait3A_2464] : memref<63496x8xf32, #tpu.memory_space<vmem_shared>> -> memref<63496x8xf32, #tpu.memory_space<vmem_shared>>
    tpu.wait_indirect_dma semaphore(%arg16 : memref<!tpu.dma_semaphore, #tpu.memory_space<semaphore_mem>>) src(%dma_wait3A_2459 : memref<128x8xf32, #tpu.memory_space<vmem>>) dst(%dma_wait3A_2465 : memref<63496x8xf32, #tpu.memory_space<vmem_shared>>)
    %dma_wait3A_2466 = arith.constant 40 : i32
    %dma_wait3A_2467 = arith.constant 5120 : i32
    %dma_wait3A_2468 = arith.constant 0 : i32
    %dma_wait3A_2469 = tpu.memref_slice %arg11[%dma_wait3A_2467, %dma_wait3A_2468] : memref<5376x8xf32, #tpu.memory_space<vmem>> -> memref<128x8xf32, #tpu.memory_space<vmem>>
    %dma_wait3A_2470 = arith.constant 0 : i32
    %dma_wait3A_2471 = tpu.memref_slice %arg12[%dma_wait3A_2466, %dma_wait3A_2470] : memref<42x128xi32, #tpu.memory_space<vmem>> -> memref<1x128xi32, #tpu.memory_space<vmem>>
    %dma_wait3A_2472 = tpu.memref_squeeze %dma_wait3A_2471 : memref<1x128xi32, #tpu.memory_space<vmem>> -> memref<128xi32, #tpu.memory_space<vmem>>
    %dma_wait3A_2473 = arith.constant 0 : i32
    %dma_wait3A_2474 = arith.constant 0 : i32
    %dma_wait3A_2475 = tpu.memref_slice %arg15[%dma_wait3A_2473, %dma_wait3A_2474] : memref<63496x8xf32, #tpu.memory_space<vmem_shared>> -> memref<63496x8xf32, #tpu.memory_space<vmem_shared>>
    tpu.wait_indirect_dma semaphore(%arg16 : memref<!tpu.dma_semaphore, #tpu.memory_space<semaphore_mem>>) src(%dma_wait3A_2469 : memref<128x8xf32, #tpu.memory_space<vmem>>) dst(%dma_wait3A_2475 : memref<63496x8xf32, #tpu.memory_space<vmem_shared>>)
    %dma_wait3A_2476 = arith.constant 40 : i32
    %dma_wait3A_2477 = arith.constant 5120 : i32
    %dma_wait3A_2478 = arith.constant 0 : i32
    %dma_wait3A_2479 = tpu.memref_slice %arg11[%dma_wait3A_2477, %dma_wait3A_2478] : memref<5376x8xf32, #tpu.memory_space<vmem>> -> memref<128x8xf32, #tpu.memory_space<vmem>>
    %dma_wait3A_2480 = arith.constant 0 : i32
    %dma_wait3A_2481 = tpu.memref_slice %arg13[%dma_wait3A_2476, %dma_wait3A_2480] : memref<42x128xi32, #tpu.memory_space<vmem>> -> memref<1x128xi32, #tpu.memory_space<vmem>>
    %dma_wait3A_2482 = tpu.memref_squeeze %dma_wait3A_2481 : memref<1x128xi32, #tpu.memory_space<vmem>> -> memref<128xi32, #tpu.memory_space<vmem>>
    %dma_wait3A_2483 = arith.constant 0 : i32
    %dma_wait3A_2484 = arith.constant 0 : i32
    %dma_wait3A_2485 = tpu.memref_slice %arg15[%dma_wait3A_2483, %dma_wait3A_2484] : memref<63496x8xf32, #tpu.memory_space<vmem_shared>> -> memref<63496x8xf32, #tpu.memory_space<vmem_shared>>
    tpu.wait_indirect_dma semaphore(%arg16 : memref<!tpu.dma_semaphore, #tpu.memory_space<semaphore_mem>>) src(%dma_wait3A_2479 : memref<128x8xf32, #tpu.memory_space<vmem>>) dst(%dma_wait3A_2485 : memref<63496x8xf32, #tpu.memory_space<vmem_shared>>)
    %dma_wait3A_2486 = arith.constant 40 : i32
    %dma_wait3A_2487 = arith.constant 5120 : i32
    %dma_wait3A_2488 = arith.constant 0 : i32
    %dma_wait3A_2489 = tpu.memref_slice %arg11[%dma_wait3A_2487, %dma_wait3A_2488] : memref<5376x8xf32, #tpu.memory_space<vmem>> -> memref<128x8xf32, #tpu.memory_space<vmem>>
    %dma_wait3A_2490 = arith.constant 0 : i32
    %dma_wait3A_2491 = tpu.memref_slice %arg14[%dma_wait3A_2486, %dma_wait3A_2490] : memref<42x128xi32, #tpu.memory_space<vmem>> -> memref<1x128xi32, #tpu.memory_space<vmem>>
    %dma_wait3A_2492 = tpu.memref_squeeze %dma_wait3A_2491 : memref<1x128xi32, #tpu.memory_space<vmem>> -> memref<128xi32, #tpu.memory_space<vmem>>
    %dma_wait3A_2493 = arith.constant 0 : i32
    %dma_wait3A_2494 = arith.constant 0 : i32
    %dma_wait3A_2495 = tpu.memref_slice %arg15[%dma_wait3A_2493, %dma_wait3A_2494] : memref<63496x8xf32, #tpu.memory_space<vmem_shared>> -> memref<63496x8xf32, #tpu.memory_space<vmem_shared>>
    tpu.wait_indirect_dma semaphore(%arg16 : memref<!tpu.dma_semaphore, #tpu.memory_space<semaphore_mem>>) src(%dma_wait3A_2489 : memref<128x8xf32, #tpu.memory_space<vmem>>) dst(%dma_wait3A_2495 : memref<63496x8xf32, #tpu.memory_space<vmem_shared>>)
    %dma_wait3A_2496 = arith.constant 41 : i32
    %dma_wait3A_2497 = arith.constant 5248 : i32
    %dma_wait3A_2498 = arith.constant 0 : i32
    %dma_wait3A_2499 = tpu.memref_slice %arg11[%dma_wait3A_2497, %dma_wait3A_2498] : memref<5376x8xf32, #tpu.memory_space<vmem>> -> memref<128x8xf32, #tpu.memory_space<vmem>>
    %dma_wait3A_2500 = arith.constant 0 : i32
    %dma_wait3A_2501 = tpu.memref_slice %arg12[%dma_wait3A_2496, %dma_wait3A_2500] : memref<42x128xi32, #tpu.memory_space<vmem>> -> memref<1x128xi32, #tpu.memory_space<vmem>>
    %dma_wait3A_2502 = tpu.memref_squeeze %dma_wait3A_2501 : memref<1x128xi32, #tpu.memory_space<vmem>> -> memref<128xi32, #tpu.memory_space<vmem>>
    %dma_wait3A_2503 = arith.constant 0 : i32
    %dma_wait3A_2504 = arith.constant 0 : i32
    %dma_wait3A_2505 = tpu.memref_slice %arg15[%dma_wait3A_2503, %dma_wait3A_2504] : memref<63496x8xf32, #tpu.memory_space<vmem_shared>> -> memref<63496x8xf32, #tpu.memory_space<vmem_shared>>
    tpu.wait_indirect_dma semaphore(%arg16 : memref<!tpu.dma_semaphore, #tpu.memory_space<semaphore_mem>>) src(%dma_wait3A_2499 : memref<128x8xf32, #tpu.memory_space<vmem>>) dst(%dma_wait3A_2505 : memref<63496x8xf32, #tpu.memory_space<vmem_shared>>)
    %dma_wait3A_2506 = arith.constant 41 : i32
    %dma_wait3A_2507 = arith.constant 5248 : i32
    %dma_wait3A_2508 = arith.constant 0 : i32
    %dma_wait3A_2509 = tpu.memref_slice %arg11[%dma_wait3A_2507, %dma_wait3A_2508] : memref<5376x8xf32, #tpu.memory_space<vmem>> -> memref<128x8xf32, #tpu.memory_space<vmem>>
    %dma_wait3A_2510 = arith.constant 0 : i32
    %dma_wait3A_2511 = tpu.memref_slice %arg13[%dma_wait3A_2506, %dma_wait3A_2510] : memref<42x128xi32, #tpu.memory_space<vmem>> -> memref<1x128xi32, #tpu.memory_space<vmem>>
    %dma_wait3A_2512 = tpu.memref_squeeze %dma_wait3A_2511 : memref<1x128xi32, #tpu.memory_space<vmem>> -> memref<128xi32, #tpu.memory_space<vmem>>
    %dma_wait3A_2513 = arith.constant 0 : i32
    %dma_wait3A_2514 = arith.constant 0 : i32
    %dma_wait3A_2515 = tpu.memref_slice %arg15[%dma_wait3A_2513, %dma_wait3A_2514] : memref<63496x8xf32, #tpu.memory_space<vmem_shared>> -> memref<63496x8xf32, #tpu.memory_space<vmem_shared>>
    tpu.wait_indirect_dma semaphore(%arg16 : memref<!tpu.dma_semaphore, #tpu.memory_space<semaphore_mem>>) src(%dma_wait3A_2509 : memref<128x8xf32, #tpu.memory_space<vmem>>) dst(%dma_wait3A_2515 : memref<63496x8xf32, #tpu.memory_space<vmem_shared>>)
    %dma_wait3A_2516 = arith.constant 41 : i32
    %dma_wait3A_2517 = arith.constant 5248 : i32
    %dma_wait3A_2518 = arith.constant 0 : i32
    %dma_wait3A_2519 = tpu.memref_slice %arg11[%dma_wait3A_2517, %dma_wait3A_2518] : memref<5376x8xf32, #tpu.memory_space<vmem>> -> memref<128x8xf32, #tpu.memory_space<vmem>>
    %dma_wait3A_2520 = arith.constant 0 : i32
    %dma_wait3A_2521 = tpu.memref_slice %arg14[%dma_wait3A_2516, %dma_wait3A_2520] : memref<42x128xi32, #tpu.memory_space<vmem>> -> memref<1x128xi32, #tpu.memory_space<vmem>>
    %dma_wait3A_2522 = tpu.memref_squeeze %dma_wait3A_2521 : memref<1x128xi32, #tpu.memory_space<vmem>> -> memref<128xi32, #tpu.memory_space<vmem>>
    %dma_wait3A_2523 = arith.constant 0 : i32
    %dma_wait3A_2524 = arith.constant 0 : i32
    %dma_wait3A_2525 = tpu.memref_slice %arg15[%dma_wait3A_2523, %dma_wait3A_2524] : memref<63496x8xf32, #tpu.memory_space<vmem_shared>> -> memref<63496x8xf32, #tpu.memory_space<vmem_shared>>
    tpu.wait_indirect_dma semaphore(%arg16 : memref<!tpu.dma_semaphore, #tpu.memory_space<semaphore_mem>>) src(%dma_wait3A_2519 : memref<128x8xf32, #tpu.memory_space<vmem>>) dst(%dma_wait3A_2525 : memref<63496x8xf32, #tpu.memory_space<vmem_shared>>)
    %barrier3A_2526 = arith.constant 0 : index
    tpu.barrier barrier_id(%barrier3A_2526)
    %mul3A_2527 = arith.constant 3968 : i32
    %mul3A_2528 = arith.muli %arg1, %mul3A_2527 : i32
    %mul3A_2529 = arith.constant 63488 : i32
    %mul3A_2530 = arith.muli %arg0, %mul3A_2529 : i32
    %mul3A_2531 = arith.constant 3968 : i32
    %mul3A_2532 = arith.muli %arg1, %mul3A_2531 : i32
    %add3A = arith.addi %mul3A_2530, %mul3A_2532 : i32
    "tpu.region"() ({
      %run_scoped3A = tpu.sem_alloc : memref<!tpu.dma_semaphore, #tpu.memory_space<semaphore_mem>>
      %dma_start3A_2533 = arith.constant 0 : i32
      %dma_start3A_2534 = tpu.memref_slice %arg7[%add3A, %dma_start3A_2533] : memref<126976x8xf32, #tpu.memory_space<hbm>> -> memref<3968x8xf32, #tpu.memory_space<hbm>>
      %dma_start3A_2535 = arith.constant 0 : i32
      %dma_start3A_2536 = tpu.memref_slice %arg15[%mul3A_2528, %dma_start3A_2535] : memref<63496x8xf32, #tpu.memory_space<vmem_shared>> -> memref<3968x8xf32, #tpu.memory_space<vmem_shared>>
      tpu.enqueue_dma source(%dma_start3A_2536 : memref<3968x8xf32, #tpu.memory_space<vmem_shared>>) target(%dma_start3A_2534 : memref<3968x8xf32, #tpu.memory_space<hbm>>) target_semaphore(%run_scoped3A : memref<!tpu.dma_semaphore, #tpu.memory_space<semaphore_mem>>)
      %dma_wait3A_2537 = arith.constant 0 : i32
      %dma_wait3A_2538 = tpu.memref_slice %arg7[%add3A, %dma_wait3A_2537] : memref<126976x8xf32, #tpu.memory_space<hbm>> -> memref<3968x8xf32, #tpu.memory_space<hbm>>
      %dma_wait3A_2539 = arith.constant 0 : i32
      %dma_wait3A_2540 = tpu.memref_slice %arg15[%mul3A_2528, %dma_wait3A_2539] : memref<63496x8xf32, #tpu.memory_space<vmem_shared>> -> memref<3968x8xf32, #tpu.memory_space<vmem_shared>>
      tpu.wait_dma2 semaphore(%run_scoped3A : memref<!tpu.dma_semaphore, #tpu.memory_space<semaphore_mem>>) src(%dma_wait3A_2540 : memref<3968x8xf32, #tpu.memory_space<vmem_shared>>) dst(%dma_wait3A_2538 : memref<3968x8xf32, #tpu.memory_space<hbm>>)
      tpu.yield
    }) : () -> ()
    return
  }
}

</mosaic_0001>

<sc_bundles>
// kernel: kernel.3.cloned.1.call-start
scs
__scs_entry_jumppad:
0x0: {  	(pc) =	sbr.rel $0x88, $3  }
0x1: {  	(tag) =	ssettag $0x0;
	lr =	simm.s32 $0x1  }
0x2: {  	[smem:$0x3F9F] =	sst lr;
	_ =	strace $0xD0000000  }
0x3: {  	_ = 	snop  }
0x4: {  	_ = 	snop  }
0x5: {  	_ = 	snop  }
0x6: {  	_ = 	snop  }
0x7: {  	_ = 	snop  }
__scs_overlays_trampoline_lowered:
0x8: {  	[smem:$0x3FAE] =	sst s0  }
0x9: {  	[smem:$0x3FAF] =	sst s1  }
0xa: {  	[smem:$0x3FB0] =	sst s2  }
0xb: {  	[smem:$0x3FB1] =	sst s3  }
0xc: {  	[smem:$0x3FB2] =	sst s4  }
0xd: {  	[smem:$0x3FB3] =	sst s5  }
0xe: {  	[smem:$0x3FB4] =	sst s6  }
0xf: {  	[smem:$0x3FB5] =	sst s7  }
0x10: {  	[smem:$0x3FB6] =	sst s8  }
0x11: {  	[smem:$0x3FB7] =	sst s9;
	s0 =	simm.s32 @!p0 $0x0  }
0x12: {  	s1 =	sld [smem:$0x3F9D];
	s0 =	simm.s32 @p0 $0x1  }
0x13: {  	[smem:$0x3FB8] =	sst s0;
	s0 =	simm.s32 @!p1 $0x0  }
0x14: {  	s2 =	sld [smem:$0x3F9C];
	s0 =	simm.s32 @p1 $0x1  }
0x15: {  	[smem:$0x3FB9] =	sst s0;
	s0 =	simm.s32 @!p2 $0x0  }
0x16: {  	s3 =	sld [smem:$0x3FDB];
	s0 =	simm.s32 @p2 $0x1  }
0x17: {  	s4 =	simm.s32 $0x1BF5;
	[smem:$0x3FBB] =	sst s0  }
0x18: {  	s0 =	sld [smem:$0x3F9E];
	_ =	swait.ge [sflag:s4], $0x0  }
0x19: {  	s7 =	sld [smem:$0x3F9F]  }
0x1a: {  	s8 =	sadd.s32 $0xFFFFE003, lr  }
0x1b: {  	s9 =	sadd.s32 $0xFFFFFEF7, lr;
	s5 =	simm.s32 $0xFFFFFFFF;
	p2 =	slt.u32 s8, $0xFFFFF086  }
0x1c: {  	p1 =	slt.u32 s9, $0xF7A;
	s5 =	simm.s32 @!p2 $0x0  }
0x1d: {  	s5 =	simm.s32 @p1 $0x1;
	p0 =	seq.s32 s7, s2  }
0x1e: {  	s7 =	smul.u32 @!p0 $0xF7A, s2;
	p2 =	seq.s32 @!p0 s5, $0x0  }
0x1f: {  	s9 =	smul.u32 $0xF7A, s1;
	s8 =	simm.s32 @!p0 $0x1BF5;
	p2 =	por !p2, p0  }
0x20: {  	[sflag:s8] =	ssyncset.s32 @!p0 $0xFFFFF086;
	s6 =	sadd.s32 @!p0 s3, s7;
	s7 =	simm.s32 @!p0 $0x108  }
0x21: {  	s3 =	sadd.s32 s3, s9;
	s6 =	sadd.s32 @!p0 $0x88, s6;
	s7 =	simm.s32 @p2 $0x1082  }
0x22: {  	[simem:s7], [sflag:s8] =	dma.local @!p0 [hbm:s6], $0xF7A  }
0x23: {  	s9 =	sor.u32 $0xD0000000, s2;
	s6 =	simm.s32 $0x108;
	_ =	swait.ge @!p0 [sflag:s8], $0x0  }
0x24: {  	s3 =	sadd.s32 $0x88, s3;
	s6 =	simm.s32 @!p1 $0x1082;
	[sflag:s4] =	ssyncset.s32 $0xFFFFF086  }
0x25: {  	[simem:s6], [sflag:s4] =	dma.local [hbm:s3], $0xF7A  }
0x26: {  	[smem:$0x3F9F] =	sst s1;
	(tag) =	ssettag s2;
	_ =	strace s9  }
0x27: {  	s1 =	sld [smem:$0x3FAF]  }
0x28: {  	s2 =	sld [smem:$0x3FB0]  }
0x29: {  	s4 =	sld [smem:$0x3FB2]  }
0x2a: {  	p0 =	seq.s32 s5, $0x0;
	s5 =	sld [smem:$0x3FB3]  }
0x2b: {  	s6 =	sld [smem:$0x3FB4]  }
0x2c: {  	s7 =	sld [smem:$0x3FB5]  }
0x2d: {  	s3 =	simm.s32 $0x108;
	s8 =	sld [smem:$0x3FB6]  }
0x2e: {  	s3 =	simm.s32 @!p0 $0x1082;
	s9 =	sld [smem:$0x3FB7]  }
0x2f: {  	lr =	sadd.s32 s0, s3;
	s0 =	sld [smem:$0x3FAE]  }
0x30: {  	s3 =	sld [smem:$0x3FB1]  }
0x31: {  	[smem:$0x3FBA] =	sst s10  }
0x32: {  	s10 =	sld [smem:$0x3FB8];
	_ =	sdelay $0x3  }
0x33: {  	p0 =	seq.s32 s10, $0x1;
	s10 =	sld [smem:$0x3FBA];
	_ =	sdelay $0x3  }
0x34: {  	[smem:$0x3FBA] =	sst s10  }
0x35: {  	s10 =	sld [smem:$0x3FB9];
	_ =	sdelay $0x3  }
0x36: {  	p1 =	seq.s32 s10, $0x1;
	s10 =	sld [smem:$0x3FBA];
	_ =	sdelay $0x3  }
0x37: {  	[smem:$0x3FBA] =	sst s10  }
0x38: {  	s10 =	sld [smem:$0x3FBB]  }
0x39: {  	_ = 	snop;
	(pc) =	sbr.ind lr, $3  }
0x3a: {  	_ = 	snop  }
0x3b: {  	_ = 	snop  }
0x3c: {  	p2 =	seq.s32 s10, $0x1;
	s10 =	sld [smem:$0x3FBA]  }
0x3d: {  	_ =	shalt  }
0x3e: {  	_ =	shalt  }
0x3f: {  	_ =	shalt  }
0x40: {  	_ =	shalt  }
0x41: {  	_ =	shalt  }
0x42: {  	_ =	shalt  }
0x43: {  	_ =	shalt  }
0x44: {  	_ =	shalt  }
0x45: {  	_ =	shalt  }
0x46: {  	_ =	shalt  }
0x47: {  	_ =	shalt  }
0x48: {  	_ =	shalt  }
0x49: {  	_ =	shalt  }
0x4a: {  	_ =	shalt  }
0x4b: {  	_ =	shalt  }
0x4c: {  	_ =	shalt  }
0x4d: {  	_ =	shalt  }
0x4e: {  	_ =	shalt  }
0x4f: {  	_ =	shalt  }
0x50: {  	_ =	shalt  }
0x51: {  	_ =	shalt  }
0x52: {  	_ =	shalt  }
0x53: {  	_ =	shalt  }
0x54: {  	_ =	shalt  }
0x55: {  	_ =	shalt  }
0x56: {  	_ =	shalt  }
0x57: {  	_ =	shalt  }
0x58: {  	_ =	shalt  }
0x59: {  	_ =	shalt  }
0x5a: {  	_ =	shalt  }
0x5b: {  	_ =	shalt  }
0x5c: {  	_ =	shalt  }
0x5d: {  	_ =	shalt  }
0x5e: {  	_ =	shalt  }
0x5f: {  	_ =	shalt  }
0x60: {  	_ =	shalt  }
0x61: {  	_ =	shalt  }
0x62: {  	_ =	shalt  }
0x63: {  	_ =	shalt  }
0x64: {  	_ =	shalt  }
0x65: {  	_ =	shalt  }
0x66: {  	_ =	shalt  }
0x67: {  	_ =	shalt  }
0x68: {  	_ =	shalt  }
0x69: {  	_ =	shalt  }
0x6a: {  	_ =	shalt  }
0x6b: {  	_ =	shalt  }
0x6c: {  	_ =	shalt  }
0x6d: {  	_ =	shalt  }
0x6e: {  	_ =	shalt  }
0x6f: {  	_ =	shalt  }
0x70: {  	_ =	shalt  }
0x71: {  	_ =	shalt  }
0x72: {  	_ =	shalt  }
0x73: {  	_ =	shalt  }
0x74: {  	_ =	shalt  }
0x75: {  	_ =	shalt  }
0x76: {  	_ =	shalt  }
0x77: {  	_ =	shalt  }
0x78: {  	_ =	shalt  }
0x79: {  	_ =	shalt  }
0x7a: {  	_ =	shalt  }
0x7b: {  	_ =	shalt  }
0x7c: {  	_ =	shalt  }
0x7d: {  	_ =	shalt  }
0x7e: {  	_ =	shalt  }
0x7f: {  	_ =	shalt  }
0x80: {  	_ =	shalt  }
0x81: {  	_ =	shalt  }
0x82: {  	_ =	shalt  }
0x83: {  	_ =	shalt  }
0x84: {  	_ =	shalt  }
0x85: {  	_ =	shalt  }
0x86: {  	_ =	shalt  }
0x87: {  	_ =	shalt  }
.Lfunc_end0:
.L_simem_size_0:
called_computation_lowered:
.L_overlay_start_0:
0x88: {  	s2 =	sld [smem:$0x3FD9]  }
0x89: {  	s3 =	sld [smem:$0x3FFE];
	_ =	sdelay $0x1  }
0x8a: {  	s1 =	srdreg.scid  }
0x8b: {  	s0 =	sand.u32 $0x1, s1  }
0x8c: {  	s17 =	sshll.u32 s0, $0xA;
	s2 =	sadd.s32 s3, s2  }
0x8d: {  	s2 =	sadd.s32 s2, s17  }
0x8e: {  	[smem:$0x3FC6] =	sst s2  }
0x8f: {  	_ = 	snop  }
0x90: {  	s2 =	sld [smem:$0x3FD0];
	(tm) =	ssettm $0x1  }
0x91: {  	s18 =	sld [smem:$0x3FFB];
	_ =	sdelay $0x3  }
0x92: {  	_ =	strace s18  }
0x93: {  	s3 =	sld [smem:$0x3FFC];
	_ =	sdelay $0x3  }
0x94: {  	_ =	strace s3  }
0x95: {  	s3 =	sld [smem:$0x3FFD];
	_ =	sdelay $0x3  }
0x96: {  	_ =	strace s3  }
0x97: {  	_ =	strace $0x8FFFFFFF  }
0x98: {  	s19 =	sld [smem:$0x3FDB];
	_ =	sdelay $0x1  }
0x99: {  	s4 =	simm.s32 $_scs_section_size  }
0x9a: {  	s5 =	simm.s32 $_size__tile_overlayer_lowered;
	s6 =	simm.s32 $_tile_overlayer_lowered  }
0x9b: {  	s22 =	simm.s32 $0x1BFF;
	s21 =	sshll.u32 s6, $0x1;
	s3 =	sadd.s32 s4, s19  }
0x9c: {  	s7 =	simm.s32 $0x0;
	s20 =	sshll.u32 s5, $0x1;
	s5 =	sadd.s32 s21, s3  }
0x9d: {  	[timem:s7], [sflag:s22] =	dma.local [hbm:s5], s20  }
0x9e: {  	_ =	swait.ge [sflag:s22], s20  }
0x9f: {  	s4 =	ssub.s32 $0x0, s20;
	[sflag:s22] =	ssyncset.done $0x0  }
0xa0: {  	[sflag:s22] =	ssyncadd.s32 s4;
	_ =	sdelay $0x1  }
0xa1: {  	s23 =	simm.s32 $0x1B8B  }
0xa2: {  	_ =	swait.ge [sflag:s23], $0x1  }
0xa3: {  	[sflag:s23] =	ssyncset.done $0x0  }
0xa4: {  	s25 =	simm.s32 $0x1B8E;
	s24 =	sld [smem:$0x3FFE];
	[sflag:s23] =	ssyncadd.s32 $0xFFFFFFFF  }
0xa5: {  	s26 =	simm.s32 $execute0_lowered;
	[smem:$0x3FD2] =	sst s25  }
0xa6: {  	s5 =	sshll.u32 s26, $0x1;
	_ =	strace $0x80000046;
	[dreg:$0x1] =	wrdreg $0xFFFFFFFF  }
0xa7: {  	s28 =	simm.s32 $_size_execute0_lowered;
	s3 =	sadd.s32 s3, s5;
	[dreg:$0x0] =	wrdreg $0x0  }
0xa8: {  	s5 =	sshll.u32 s28, $0x1;
	[dreg:$0x2] =	wrdreg s3  }
0xa9: {  	[dreg:$0x3] =	wrdreg s5  }
0xaa: {  	[dreg:$0x4] =	wrdreg $0xC0  }
0xab: {  	_ =	task [dreg:s7], $0x5FFFF  }
0xac: {  	[dreg:$0x1] =	wrdreg $0xFFFFFFFF  }
0xad: {  	[dreg:$0x0] =	wrdreg $0x60  }
0xae: {  	[dreg:$0x2] =	wrdreg s24  }
0xaf: {  	[dreg:$0x3] =	wrdreg s2  }
0xb0: {  	[dreg:$0x4] =	wrdreg $0x126000  }
0xb1: {  	[dreg:$0x5] =	wrdreg $0x9  }
0xb2: {  	_ =	task.clear_ibuf [dreg:s7], $0x6FFFF;
	_ =	strace $0x90000046  }
0xb3: {  	s29 =	simm.s32 $0x9;
	_ =	strace $0x80000048  }
0xb4: {  	_ =	swait.ge [sflag:s29], $0x1  }
0xb5: {  	[sflag:s29] =	ssyncadd.s32 $0xFFFFFFFF  }
0xb6: {  	_ =	strace $0x90000048  }
0xb7: {  	_ =	sfence  }
0xb8: {  	s30 =	sld [smem:$0x0];
	_ =	sdelay $0x2  }
0xb9: {  	s31 =	sshll.u32 s1, $0xD;
	s1 =	sshrl.u32 s1, $0x2  }
0xba: {  	s3 =	sand.u32 $0x4000, s31;
	s1 =	sadd.s32 s1, s30  }
0xbb: {  	s0 =	sor.u32 s3, s0;
	s1 =	sshll.u32 s1, $0x11  }
0xbc: {  	s0 =	sor.u32 s1, s0  }
0xbd: {  	s0 =	sadd.s32 $0x8F2B, s0  }
0xbe: {  	[sflag:s0] =	ssyncadd.remote.s32 $0x1  }
0xbf: {  	_ =	sfence.sel $0xFFFF  }
0xc0: {  	[dreg:$0x0] =	wrdreg $0xFFFFFFFF;
	(pc) =	sbr.abs _section_cstart, $3  }
0xc1: {  	[dreg:$0x1] =	wrdreg $0xFFFFFFFF  }
0xc2: {  	_ =	task.clear_ibuf [dreg:s7], $0x2FFFF;
	_ =	strace $0x9FFFFFFF  }
0xc3: {  	(tm) =	ssettm $0x7FFFFFFF  }
tec
execute0_lowered:
.L_overlay_start_1:
0x0: {  	(tag) =	ssettag $0x1  }
0x1: {  	s0 =	rddreg [dreg:$0x0]  }
0x2: {  	s1 =	rddreg [dreg:$0x1]  }
0x3: {  	s2 =	rddreg [dreg:$0x2];
	s3 =	simm.s32 $0x0;
	s10 =	stileid.u32  }
0x4: {  	s4 =	srdreg.scid;
	s13 =	simm.s32 $0x2;
	s16 =	simm.s32 $0x3F00  }
0x5: {  	s17 =	simm.s32 $0x80;
	s31 =	simm.s32 $0xA700;
	s15 =	simm.s32 $0xAB00  }
0x6: {  	s28 =	simm.s32 $0xB300;
	s14 =	simm.s32 $0xB700;
	s5 =	smul.u32 $0xF80, s10  }
0x7: {  	s30 =	simm.s32 $0xBF00;
	s29 =	simm.s32 $0xD300;
	s6 =	smul.u32 $0x1F000, s10  }
0x8: {  	s18 =	simm.s32 $0xDB00;
	[smem:$0x7FF] =	sst s3;
	s9 =	smul.u32 $0x2A0, s10  }
0x9: {  	s8 =	sand.u32 $0x1, s4;
	s19 =	sadd.s32 $0x7E00, s0;
	s21 =	smul.u32 $0x1500, s10  }
0xa: {  	s10 =	sshll.u32 s10, $0x6;
	_ =	strace $0x80000047;
	[dreg:$0x4] =	wrdreg s19  }
0xb: {  	s20 =	ssub.s32 $0x2, s8;
	s22 =	smul.u32 $0xF800, s8;
	s19 =	simm.s32 $0xD700  }
0xc: {  	v0 =	vmov s8;
	s8 =	simm.s32 $0x0;
	s5 =	sadd.s32 s5, s0;
	s7 =	sshrl.u32 s20, $0x1  }
0xd: {  	s6 =	sshrl.u32 s6, $0x2;
	s11 =	sadd.s32 s0, s9;
	s1 =	sadd.s32 s1, s21  }
0xe: {  	s21 =	simm.s32 $0xAF00;
	s4 =	ssub.s32 s20, s7;
	s23 =	sadd.s32 s6, s2  }
0xf: {  	s6 =	sor.u32 $0x1C02, s10;
	s24 =	sadd.s32 $0x5400, s11;
	[dreg:$0x5] =	wrdreg s11  }
0x10: {  	s25 =	sadd.s32 $0x2A00, s11;
	[dreg:$0x8] =	wrdreg s1;
	s0 =	sadd.s32 s22, s5  }
0x11: {  	s5 =	simm.s32 $0x9B00;
	s22 =	simm.s32 $0x9F00;
	s20 =	simm.s32 $0xC300  }
0x12: {  	s1 =	simm.s32 $0xC700;
	s7 =	simm.s32 $0xE300;
	[dreg:$0x6] =	wrdreg s24  }
0x13: {  	[dreg:$0x7] =	wrdreg s25;
	s0 =	sadd.s32 $0x8E00, s0;
	s26 =	smax.u32 s4, $0x1  }
0x14: {  	s12 =	sshrl.u32 s23, $0x3;
	s23 =	simm.s32 $0xBB00;
	s25 =	simm.s32 $0xCB00  }
0x15: {  	s24 =	simm.s32 $0xCF00;
	s4 =	simm.s32 $0xDF00;
	[dreg:$0x9] =	wrdreg s0  }
0x16: {  	v1 =	vimm.s32 $0x0;
	[dreg:$0xa] =	wrdreg s26;
	s0 =	simm.s32 $0x1;
	s26 =	simm.s32 $0xA300  }
.LBB2_1:
0x17: {  	s9 =	rddreg [dreg:$0x4]  }
0x18: {  	[spmem:s12], [sflag:s6] =	dma.local [hbm:s9], $0xF80  }
0x19: {  	_ =	swait.ge [sflag:s13], $0xF80  }
0x1a: {  	[sflag:s13] =	ssyncset.done $0x0  }
0x1b: {  	s10 =	rddreg [dreg:$0x6];
	[sflag:s13] =	ssyncadd.s32 $0xFFFFF080  }
0x1c: {  	[tilespmem:s3], [sflag:$0x2] =	stream.linear.gather [hbm4b:s10+s3], $0x1500, $0x38;
	[tilespmem:$0x1A208] =	vst v63  }
0x1d: {  	_ =	swait.ge [sflag:s13], $0x1500  }
0x1e: {  	[sflag:s13] =	ssyncset.done $0x0  }
0x1f: {  	s10 =	simm.s32 $0x1500;
	s11 =	rddreg [dreg:$0x7];
	[sflag:s13] =	ssyncadd.s32 $0xFFFFEB00  }
0x20: {  	[tilespmem:s10], [sflag:$0x2] =	stream.linear.gather [hbm4b:s11+s3], $0x1500, $0x38;
	[tilespmem:$0x1A208] =	vst v63  }
0x21: {  	_ =	swait.ge [sflag:s13], $0x1500  }
0x22: {  	[sflag:s13] =	ssyncset.done $0x0  }
0x23: {  	s11 =	simm.s32 $0x2A00;
	s10 =	rddreg [dreg:$0x5];
	[sflag:s13] =	ssyncadd.s32 $0xFFFFEB00  }
0x24: {  	[tilespmem:s11], [sflag:$0x2] =	stream.linear.gather [hbm4b:s10+s3], $0x1500, $0x38;
	[tilespmem:$0x1A208] =	vst v63  }
0x25: {  	_ =	swait.ge [sflag:s13], $0x1500  }
0x26: {  	[sflag:s13] =	ssyncset.done $0x0  }
0x27: {  	s11 =	rddreg [dreg:$0x8];
	[sflag:s13] =	ssyncadd.s32 $0xFFFFEB00  }
0x28: {  	[tilespmem:s16], [sflag:$0x2] =	stream.linear.gather [hbm4b:s11+s3], $0xA800, $0x38;
	[tilespmem:$0x1A208] =	vst v63  }
0x29: {  	_ =	swait.ge [sflag:s13], $0xA800  }
0x2a: {  	[sflag:s13] =	ssyncset.done $0x0  }
0x2b: {  	s9 =	simm.s32 $0x0;
	[sflag:s13] =	ssyncadd.s32 $0xFFFF5800  }
0x2c: {  	v4 =	vld [tilespmem:s9+$0x1500]  }
0x2d: {  	v3 =	vld [tilespmem:s9+$0x2A00];
	_ =	sdelay $0x4  }
0x2e: {  	vm0 =	vlt.s32 v4, v3  }
0x2f: {  	v2 =	vsel vm0, v3, v4  }
0x30: {  	v2 =	vadd.s32 $0xFFFFFFF8, v2  }
0x31: {  	v5 =	vld [tilespmem:s9+$0x0];
	v2 =	vshra.s32 v2, $0x3  }
0x32: {  	vm1 =	vgt.s32 v2, $0x0  }
0x33: {  	v6 =	vsel vm0, v4, v3;
	v2 =	vnsel vm1, $0x0, v2  }
0x34: {  	v6 =	vshra.s32 v6, $0x3;
	v9 =	vadd.s32 $0x2, v2  }
0x35: {  	vm2 =	vlt.s32 v6, $0xFE;
	v7 =	vmul.u32 $0xF0, v2;
	v10 =	vshll.u32 v9, $0x3  }
0x36: {  	vm0 =	veq.s32 v5, v0;
	v6 =	vnsel vm2, $0xFE, v6;
	v5 =	vsub.s32 v4, v10  }
0x37: {  	v10 =	vsub.s32 v3, v10;
	v12 =	vadd.s32 $0x1E0, v7;
	v11 =	vmul.u32 $0xF, v5  }
0x38: {  	vm1 =	vne.s32 v4, v3;
	vm3 =	vlt.s32 v10, v5;
	v5 =	vadd.s32 v10, v12  }
0x39: {  	v8 =	vshll.u32 v2, $0x3;
	v10 =	vsel vm3, $0x1, v1;
	v5 =	vadd.s32 v11, v5  }
0x3a: {  	s10 =	simm.s32 $0x10;
	vm0 =	vmand vm1, vm0;
	vm1 =	vle.s32 v9, v6;
	v10 =	vadd.s32 v10, v5  }
0x3b: {  	s11 =	simm.s32 $0x80;
	v9 =	vadd.s32 $0x8, v8;
	vm1 =	vmand vm0, vm1;
	v5 =	vld [tilespmem:s10+$0x1500];
	v10 =	vadd.s32 $0xFFFFFFFF, v10  }
.LBB2_2:
0x3c: {  	p0 =	sne.s32 s11, $0x53C0;
	v11 =	vld [tilespmem:s10+$0x2A00];
	v12 =	vsub.s32 v4, v8;
	v4 =	vsub.s32 v4, v9;
	v10 =	vnsel vm1, $0xF800, v10  }
0x3d: {  	v9 =	vsub.s32 v3, v9;
	v13 =	vmul.u32 $0xF, v12;
	v14 =	vmul.u32 $0xF, v4;
	[tilespmem:s9+$0x11100] =	vst v10  }
0x3e: {  	v3 =	vsub.s32 v3, v8;
	vm1 =	vlt.s32 v9, v4;
	v10 =	vadd.s32 v9, v7  }
0x3f: {  	vm2 =	vlt.s32 v3, v12;
	v12 =	vadd.s32 v3, v7;
	v7 =	vadd.s32 v14, v10  }
0x40: {  	v8 =	vsel vm2, $0x1, v1;
	v9 =	vsel vm1, $0x1, v1;
	v10 =	vadd.s32 v13, v12;
	v4 =	vmovc v5  }
0x41: {  	v5 =	vadd.s32 v8, v10;
	v7 =	vadd.s32 v9, v7;
	vm1 =	vlt.s32 v4, v11;
	v3 =	vmovc v11  }
0x42: {  	vm3 =	vlt.s32 v2, v6;
	vm2 =	vle.s32 v2, v6;
	v8 =	vsel vm1, v3, v4  }
0x43: {  	v5 =	vadd.s32 $0xFFFFFFFF, v5;
	v6 =	vadd.s32 $0xEF, v7;
	v2 =	vadd.s32 $0xFFFFFFF8, v8  }
0x44: {  	vm2 =	vmand vm0, vm2;
	vm0 =	vmand vm0, vm3;
	v9 =	vld [tilespmem:s10+$0x0];
	v2 =	vshra.s32 v2, $0x3  }
0x45: {  	v5 =	vnsel vm2, $0xF800, v5;
	v6 =	vnsel vm0, $0xF800, v6;
	vm3 =	vgt.s32 v2, $0x0  }
0x46: {  	v2 =	vnsel vm3, $0x0, v2;
	[tilespmem:s9+$0xFC00] =	vst v6  }
0x47: {  	vm0 =	vne.s32 v4, v3;
	v8 =	vshll.u32 v2, $0x3;
	v10 =	vadd.s32 $0x2, v2;
	[tilespmem:s9+$0xE700] =	vst v5;
	s9 =	smov.u32 s10  }
0x48: {  	v5 =	vsel vm1, v4, v3;
	v7 =	vmul.u32 $0xF0, v2;
	v6 =	vshll.u32 v10, $0x3  }
0x49: {  	v5 =	vshra.s32 v5, $0x3;
	vm1 =	veq.s32 v9, v0;
	v9 =	vsub.s32 v4, v6  }
.Ltmp0:
0x4a: {  	v6 =	vsub.s32 v3, v6;
	v12 =	vadd.s32 $0x1E0, v7;
	v11 =	vmul.u32 $0xF, v9;
	(pc) =	sbr.rel @p0 .LBB2_2-.Ltmp0, $4  }
0x4b: {  	vm2 =	vlt.s32 v5, $0xFE;
	vm3 =	vlt.s32 v6, v9;
	v9 =	vadd.s32 v6, v12  }
0x4c: {  	v6 =	vnsel vm2, $0xFE, v5;
	v5 =	vsel vm3, $0x1, v1;
	v9 =	vadd.s32 v11, v9  }
0x4d: {  	s10 =	sshra.s32 s11, $0x2;
	vm0 =	vmand vm0, vm1;
	vm1 =	vle.s32 v10, v6;
	v10 =	vadd.s32 v5, v9  }
0x4e: {  	s11 =	sadd.s32 $0x40, s11;
	vm1 =	vmand vm0, vm1;
	v9 =	vadd.s32 $0x8, v8;
	v5 =	vld [tilespmem:s10+$0x1500];
	v10 =	vadd.s32 $0xFFFFFFFF, v10  }
0x4f: {  	v12 =	vsub.s32 v4, v8  }
0x50: {  	v38 =	vsub.s32 v4, v9;
	v10 =	vnsel vm1, $0xF800, v10;
	v39 =	vsub.s32 v3, v9  }
0x51: {  	v11 =	vld [tilespmem:s10+$0x2A00];
	v3 =	vsub.s32 v3, v8;
	vm14 =	vle.s32 v2, v6;
	vm15 =	vlt.s32 v2, v6  }
0x52: {  	v13 =	vmul.u32 $0xF, v12;
	v14 =	vmul.u32 $0xF, v38;
	vm12 =	vlt.s32 v39, v38  }
0x53: {  	v40 =	vadd.s32 v39, v7;
	vm3 =	vlt.s32 v3, v12;
	v3 =	vadd.s32 v3, v7  }
0x54: {  	[tilespmem:s9+$0x11100] =	vst v10;
	vm6 =	vmand vm0, vm15;
	v42 =	vsel vm3, $0x1, v1;
	v43 =	vsel vm12, $0x1, v1  }
0x55: {  	vm3 =	vmand vm0, vm14;
	v45 =	vld [tilespmem:s10+$0x0];
	v4 =	vadd.s32 v14, v40;
	v3 =	vadd.s32 v13, v3  }
0x56: {  	v3 =	vadd.s32 v42, v3;
	v4 =	vadd.s32 v43, v4;
	vm2 =	vlt.s32 v5, v11  }
0x57: {  	v2 =	vadd.s32 $0xFFFFFFFF, v3;
	v3 =	vadd.s32 $0xEF, v4;
	v41 =	vsel vm2, v11, v5  }
0x58: {  	vm9 =	vne.s32 v5, v11;
	v2 =	vnsel vm3, $0xF800, v2;
	v7 =	vadd.s32 $0xFFFFFFF8, v41  }
0x59: {  	v46 =	vsel vm2, v5, v11;
	v3 =	vnsel vm6, $0xF800, v3;
	v7 =	vshra.s32 v7, $0x3  }
0x5a: {  	v8 =	vshra.s32 v46, $0x3;
	vm10 =	veq.s32 v45, v0;
	vm13 =	vgt.s32 v7, $0x0  }
0x5b: {  	vm7 =	vlt.s32 v8, $0xFE;
	vm0 =	vmand vm9, vm10;
	v7 =	vnsel vm13, $0x0, v7  }
0x5c: {  	v8 =	vnsel vm7, $0xFE, v8;
	v44 =	vadd.s32 $0x2, v7;
	v47 =	vmul.u32 $0xF0, v7  }
0x5d: {  	v52 =	vshll.u32 v7, $0x3;
	vm14 =	vlt.s32 v7, v8;
	vm15 =	vle.s32 v7, v8  }
0x5e: {  	v48 =	vshll.u32 v44, $0x3;
	vm11 =	vle.s32 v44, v8;
	v55 =	vadd.s32 $0x8, v52  }
0x5f: {  	v56 =	vsub.s32 v5, v52;
	v49 =	vsub.s32 v5, v48;
	v10 =	vsub.s32 v11, v48  }
0x60: {  	v51 =	vadd.s32 $0x1E0, v47;
	vm1 =	vmand vm0, vm11;
	v57 =	vsub.s32 v5, v55  }
0x61: {  	v58 =	vmul.u32 $0xF, v56;
	v6 =	vsub.s32 v11, v55;
	v11 =	vsub.s32 v11, v52  }
0x62: {  	v50 =	vmul.u32 $0xF, v49;
	vm8 =	vlt.s32 v10, v49;
	v10 =	vadd.s32 v10, v51  }
0x63: {  	v59 =	vmul.u32 $0xF, v57;
	vm12 =	vlt.s32 v6, v57;
	v60 =	vadd.s32 v6, v47  }
0x64: {  	vm13 =	vlt.s32 v11, v56;
	v61 =	vadd.s32 v11, v47;
	v53 =	vsel vm8, $0x1, v1  }
0x65: {  	v62 =	vsel vm13, $0x1, v1;
	v6 =	vadd.s32 v58, v61;
	v10 =	vadd.s32 v50, v10  }
0x66: {  	v63 =	vsel vm12, $0x1, v1;
	v5 =	vadd.s32 v59, v60;
	v54 =	vadd.s32 v53, v10  }
0x67: {  	[tilespmem:s9+$0xFC00] =	vst v3;
	v3 =	vadd.s32 v62, v6;
	v5 =	vadd.s32 v63, v5;
	v4 =	vadd.s32 $0xFFFFFFFF, v54  }
0x68: {  	[tilespmem:s9+$0xE700] =	vst v2;
	v2 =	vadd.s32 $0xEF, v5;
	v4 =	vnsel vm1, $0xF800, v4;
	vm1 =	vmand vm0, vm14  }
0x69: {  	v3 =	vadd.s32 $0xFFFFFFFF, v3;
	vm0 =	vmand vm0, vm15;
	[tilespmem:s10+$0x11100] =	vst v4;
	v2 =	vnsel vm1, $0xF800, v2  }
0x6a: {  	v3 =	vnsel vm0, $0xF800, v3;
	[tilespmem:s10+$0xFC00] =	vst v2  }
0x6b: {  	[tilespmem:s10+$0xE700] =	vst v3  }
0x6c: {  	s10 =	simm.s32 $0xE700;
	[bflag:$0x0] =	sbarrier.arrive $0xFFFF  }
0x6d: {  	[spmem:s2] =	stream.indirect.scatter [tilespmem:s16], [sflag:$0x1], $0x8, s10, s17, $0xb8;
	[tilespmem:$0x1A208] =	vst v63  }
0x6e: {  	s11 =	simm.s32 $0xFC00  }
0x6f: {  	[spmem:s2] =	stream.indirect.scatter [tilespmem:s16], [sflag:$0x1], $0x8, s11, s17, $0xb8;
	[tilespmem:$0x1A208] =	vst v63  }
0x70: {  	s10 =	simm.s32 $0x11100  }
0x71: {  	[spmem:s2] =	stream.indirect.scatter [tilespmem:s16], [sflag:$0x1], $0x8, s10, s17, $0xb8;
	[tilespmem:$0x1A208] =	vst v63  }
0x72: {  	s11 =	simm.s32 $0xE780;
	s10 =	simm.s32 $0x4300  }
0x73: {  	[spmem:s2] =	stream.indirect.scatter [tilespmem:s10], [sflag:$0x1], $0x8, s11, s17, $0xb8;
	[tilespmem:$0x1A208] =	vst v63  }
0x74: {  	s11 =	simm.s32 $0xFC80  }
0x75: {  	[spmem:s2] =	stream.indirect.scatter [tilespmem:s10], [sflag:$0x1], $0x8, s11, s17, $0xb8;
	[tilespmem:$0x1A208] =	vst v63  }
0x76: {  	s11 =	simm.s32 $0x11180  }
0x77: {  	[spmem:s2] =	stream.indirect.scatter [tilespmem:s10], [sflag:$0x1], $0x8, s11, s17, $0xb8;
	[tilespmem:$0x1A208] =	vst v63  }
0x78: {  	s11 =	simm.s32 $0xE800;
	s10 =	simm.s32 $0x4700  }
0x79: {  	[spmem:s2] =	stream.indirect.scatter [tilespmem:s10], [sflag:$0x1], $0x8, s11, s17, $0xb8;
	[tilespmem:$0x1A208] =	vst v63  }
0x7a: {  	s11 =	simm.s32 $0xFD00  }
0x7b: {  	[spmem:s2] =	stream.indirect.scatter [tilespmem:s10], [sflag:$0x1], $0x8, s11, s17, $0xb8;
	[tilespmem:$0x1A208] =	vst v63  }
0x7c: {  	s11 =	simm.s32 $0x11200  }
0x7d: {  	[spmem:s2] =	stream.indirect.scatter [tilespmem:s10], [sflag:$0x1], $0x8, s11, s17, $0xb8;
	[tilespmem:$0x1A208] =	vst v63  }
0x7e: {  	s11 =	simm.s32 $0xE880;
	s10 =	simm.s32 $0x4B00  }
0x7f: {  	[spmem:s2] =	stream.indirect.scatter [tilespmem:s10], [sflag:$0x1], $0x8, s11, s17, $0xb8;
	[tilespmem:$0x1A208] =	vst v63  }
0x80: {  	s11 =	simm.s32 $0xFD80  }
0x81: {  	[spmem:s2] =	stream.indirect.scatter [tilespmem:s10], [sflag:$0x1], $0x8, s11, s17, $0xb8;
	[tilespmem:$0x1A208] =	vst v63  }
0x82: {  	s11 =	simm.s32 $0x11280  }
0x83: {  	[spmem:s2] =	stream.indirect.scatter [tilespmem:s10], [sflag:$0x1], $0x8, s11, s17, $0xb8;
	[tilespmem:$0x1A208] =	vst v63  }
0x84: {  	s11 =	simm.s32 $0xE900;
	s10 =	simm.s32 $0x4F00  }
0x85: {  	[spmem:s2] =	stream.indirect.scatter [tilespmem:s10], [sflag:$0x1], $0x8, s11, s17, $0xb8;
	[tilespmem:$0x1A208] =	vst v63  }
0x86: {  	s11 =	simm.s32 $0xFE00  }
0x87: {  	[spmem:s2] =	stream.indirect.scatter [tilespmem:s10], [sflag:$0x1], $0x8, s11, s17, $0xb8;
	[tilespmem:$0x1A208] =	vst v63  }
0x88: {  	s11 =	simm.s32 $0x11300  }
0x89: {  	[spmem:s2] =	stream.indirect.scatter [tilespmem:s10], [sflag:$0x1], $0x8, s11, s17, $0xb8;
	[tilespmem:$0x1A208] =	vst v63  }
0x8a: {  	s11 =	simm.s32 $0xE980;
	s10 =	simm.s32 $0x5300  }
0x8b: {  	[spmem:s2] =	stream.indirect.scatter [tilespmem:s10], [sflag:$0x1], $0x8, s11, s17, $0xb8;
	[tilespmem:$0x1A208] =	vst v63  }
0x8c: {  	s11 =	simm.s32 $0xFE80  }
0x8d: {  	[spmem:s2] =	stream.indirect.scatter [tilespmem:s10], [sflag:$0x1], $0x8, s11, s17, $0xb8;
	[tilespmem:$0x1A208] =	vst v63  }
0x8e: {  	s11 =	simm.s32 $0x11380  }
0x8f: {  	[spmem:s2] =	stream.indirect.scatter [tilespmem:s10], [sflag:$0x1], $0x8, s11, s17, $0xb8;
	[tilespmem:$0x1A208] =	vst v63  }
0x90: {  	s11 =	simm.s32 $0xEA00;
	s10 =	simm.s32 $0x5700  }
0x91: {  	[spmem:s2] =	stream.indirect.scatter [tilespmem:s10], [sflag:$0x1], $0x8, s11, s17, $0xb8;
	[tilespmem:$0x1A208] =	vst v63  }
0x92: {  	s11 =	simm.s32 $0xFF00  }
0x93: {  	[spmem:s2] =	stream.indirect.scatter [tilespmem:s10], [sflag:$0x1], $0x8, s11, s17, $0xb8;
	[tilespmem:$0x1A208] =	vst v63  }
0x94: {  	s11 =	simm.s32 $0x11400  }
0x95: {  	[spmem:s2] =	stream.indirect.scatter [tilespmem:s10], [sflag:$0x1], $0x8, s11, s17, $0xb8;
	[tilespmem:$0x1A208] =	vst v63  }
0x96: {  	_ =	swait.ge [sflag:s0], $0x400  }
0x97: {  	[sflag:s0] =	ssyncset.done $0x0  }
0x98: {  	[sflag:s0] =	ssyncadd.s32 $0xFFFFFC00  }
0x99: {  	_ =	swait.ge [sflag:s0], $0x400  }
0x9a: {  	[sflag:s0] =	ssyncset.done $0x0  }
0x9b: {  	[sflag:s0] =	ssyncadd.s32 $0xFFFFFC00  }
0x9c: {  	_ =	swait.ge [sflag:s0], $0x400  }
0x9d: {  	[sflag:s0] =	ssyncset.done $0x0  }
0x9e: {  	[sflag:s0] =	ssyncadd.s32 $0xFFFFFC00  }
0x9f: {  	_ =	swait.ge [sflag:s0], $0x400  }
0xa0: {  	[sflag:s0] =	ssyncset.done $0x0  }
0xa1: {  	[sflag:s0] =	ssyncadd.s32 $0xFFFFFC00  }
0xa2: {  	_ =	swait.ge [sflag:s0], $0x400  }
0xa3: {  	[sflag:s0] =	ssyncset.done $0x0  }
0xa4: {  	[sflag:s0] =	ssyncadd.s32 $0xFFFFFC00  }
0xa5: {  	_ =	swait.ge [sflag:s0], $0x400  }
0xa6: {  	[sflag:s0] =	ssyncset.done $0x0  }
0xa7: {  	[sflag:s0] =	ssyncadd.s32 $0xFFFFFC00  }
0xa8: {  	_ =	swait.ge [sflag:s0], $0x400  }
0xa9: {  	[sflag:s0] =	ssyncset.done $0x0  }
0xaa: {  	[sflag:s0] =	ssyncadd.s32 $0xFFFFFC00  }
0xab: {  	_ =	swait.ge [sflag:s0], $0x400  }
0xac: {  	[sflag:s0] =	ssyncset.done $0x0  }
0xad: {  	[sflag:s0] =	ssyncadd.s32 $0xFFFFFC00  }
0xae: {  	_ =	swait.ge [sflag:s0], $0x400  }
0xaf: {  	[sflag:s0] =	ssyncset.done $0x0  }
0xb0: {  	[sflag:s0] =	ssyncadd.s32 $0xFFFFFC00  }
0xb1: {  	_ =	swait.ge [sflag:s0], $0x400  }
0xb2: {  	[sflag:s0] =	ssyncset.done $0x0  }
0xb3: {  	[sflag:s0] =	ssyncadd.s32 $0xFFFFFC00  }
0xb4: {  	_ =	swait.ge [sflag:s0], $0x400  }
0xb5: {  	[sflag:s0] =	ssyncset.done $0x0  }
0xb6: {  	[sflag:s0] =	ssyncadd.s32 $0xFFFFFC00  }
0xb7: {  	_ =	swait.ge [sflag:s0], $0x400  }
0xb8: {  	[sflag:s0] =	ssyncset.done $0x0  }
0xb9: {  	[sflag:s0] =	ssyncadd.s32 $0xFFFFFC00  }
0xba: {  	_ =	swait.ge [sflag:s0], $0x400  }
0xbb: {  	[sflag:s0] =	ssyncset.done $0x0  }
0xbc: {  	[sflag:s0] =	ssyncadd.s32 $0xFFFFFC00  }
0xbd: {  	_ =	swait.ge [sflag:s0], $0x400  }
0xbe: {  	[sflag:s0] =	ssyncset.done $0x0  }
0xbf: {  	[sflag:s0] =	ssyncadd.s32 $0xFFFFFC00  }
0xc0: {  	_ =	swait.ge [sflag:s0], $0x400  }
0xc1: {  	[sflag:s0] =	ssyncset.done $0x0  }
0xc2: {  	[sflag:s0] =	ssyncadd.s32 $0xFFFFFC00  }
0xc3: {  	_ =	swait.ge [sflag:s0], $0x400  }
0xc4: {  	[sflag:s0] =	ssyncset.done $0x0  }
0xc5: {  	[sflag:s0] =	ssyncadd.s32 $0xFFFFFC00  }
0xc6: {  	_ =	swait.ge [sflag:s0], $0x400  }
0xc7: {  	[sflag:s0] =	ssyncset.done $0x0  }
0xc8: {  	[sflag:s0] =	ssyncadd.s32 $0xFFFFFC00  }
0xc9: {  	_ =	swait.ge [sflag:s0], $0x400  }
0xca: {  	[sflag:s0] =	ssyncset.done $0x0  }
0xcb: {  	[sflag:s0] =	ssyncadd.s32 $0xFFFFFC00  }
0xcc: {  	_ =	swait.ge [sflag:s0], $0x400  }
0xcd: {  	[sflag:s0] =	ssyncset.done $0x0  }
0xce: {  	[sflag:s0] =	ssyncadd.s32 $0xFFFFFC00  }
0xcf: {  	_ =	swait.ge [sflag:s0], $0x400  }
0xd0: {  	[sflag:s0] =	ssyncset.done $0x0  }
0xd1: {  	[sflag:s0] =	ssyncadd.s32 $0xFFFFFC00  }
0xd2: {  	_ =	swait.ge [sflag:s0], $0x400  }
0xd3: {  	[sflag:s0] =	ssyncset.done $0x0  }
0xd4: {  	s11 =	simm.s32 $0xEA80;
	s10 =	simm.s32 $0x5B00;
	[sflag:s0] =	ssyncadd.s32 $0xFFFFFC00  }
0xd5: {  	[spmem:s2] =	stream.indirect.scatter [tilespmem:s10], [sflag:$0x1], $0x8, s11, s17, $0xb8;
	[tilespmem:$0x1A208] =	vst v63  }
0xd6: {  	s11 =	simm.s32 $0xFF80  }
0xd7: {  	[spmem:s2] =	stream.indirect.scatter [tilespmem:s10], [sflag:$0x1], $0x8, s11, s17, $0xb8;
	[tilespmem:$0x1A208] =	vst v63  }
0xd8: {  	s11 =	simm.s32 $0x11480  }
0xd9: {  	[spmem:s2] =	stream.indirect.scatter [tilespmem:s10], [sflag:$0x1], $0x8, s11, s17, $0xb8;
	[tilespmem:$0x1A208] =	vst v63  }
0xda: {  	s11 =	simm.s32 $0xEB00;
	s10 =	simm.s32 $0x5F00  }
0xdb: {  	[spmem:s2] =	stream.indirect.scatter [tilespmem:s10], [sflag:$0x1], $0x8, s11, s17, $0xb8;
	[tilespmem:$0x1A208] =	vst v63  }
0xdc: {  	s11 =	simm.s32 $0x10000  }
0xdd: {  	[spmem:s2] =	stream.indirect.scatter [tilespmem:s10], [sflag:$0x1], $0x8, s11, s17, $0xb8;
	[tilespmem:$0x1A208] =	vst v63  }
0xde: {  	s11 =	simm.s32 $0x11500  }
0xdf: {  	[spmem:s2] =	stream.indirect.scatter [tilespmem:s10], [sflag:$0x1], $0x8, s11, s17, $0xb8;
	[tilespmem:$0x1A208] =	vst v63  }
0xe0: {  	s11 =	simm.s32 $0xEB80;
	s10 =	simm.s32 $0x6300  }
0xe1: {  	[spmem:s2] =	stream.indirect.scatter [tilespmem:s10], [sflag:$0x1], $0x8, s11, s17, $0xb8;
	[tilespmem:$0x1A208] =	vst v63  }
0xe2: {  	s11 =	simm.s32 $0x10080  }
0xe3: {  	[spmem:s2] =	stream.indirect.scatter [tilespmem:s10], [sflag:$0x1], $0x8, s11, s17, $0xb8;
	[tilespmem:$0x1A208] =	vst v63  }
0xe4: {  	s11 =	simm.s32 $0x11580  }
0xe5: {  	[spmem:s2] =	stream.indirect.scatter [tilespmem:s10], [sflag:$0x1], $0x8, s11, s17, $0xb8;
	[tilespmem:$0x1A208] =	vst v63  }
0xe6: {  	s11 =	simm.s32 $0xEC00;
	s10 =	simm.s32 $0x6700  }
0xe7: {  	[spmem:s2] =	stream.indirect.scatter [tilespmem:s10], [sflag:$0x1], $0x8, s11, s17, $0xb8;
	[tilespmem:$0x1A208] =	vst v63  }
0xe8: {  	s11 =	simm.s32 $0x10100  }
0xe9: {  	[spmem:s2] =	stream.indirect.scatter [tilespmem:s10], [sflag:$0x1], $0x8, s11, s17, $0xb8;
	[tilespmem:$0x1A208] =	vst v63  }
0xea: {  	s11 =	simm.s32 $0x11600  }
0xeb: {  	[spmem:s2] =	stream.indirect.scatter [tilespmem:s10], [sflag:$0x1], $0x8, s11, s17, $0xb8;
	[tilespmem:$0x1A208] =	vst v63  }
0xec: {  	s11 =	simm.s32 $0xEC80;
	s10 =	simm.s32 $0x6B00  }
0xed: {  	[spmem:s2] =	stream.indirect.scatter [tilespmem:s10], [sflag:$0x1], $0x8, s11, s17, $0xb8;
	[tilespmem:$0x1A208] =	vst v63  }
0xee: {  	s11 =	simm.s32 $0x10180  }
0xef: {  	[spmem:s2] =	stream.indirect.scatter [tilespmem:s10], [sflag:$0x1], $0x8, s11, s17, $0xb8;
	[tilespmem:$0x1A208] =	vst v63  }
0xf0: {  	s11 =	simm.s32 $0x11680  }
0xf1: {  	[spmem:s2] =	stream.indirect.scatter [tilespmem:s10], [sflag:$0x1], $0x8, s11, s17, $0xb8;
	[tilespmem:$0x1A208] =	vst v63  }
0xf2: {  	s11 =	simm.s32 $0xED00;
	s10 =	simm.s32 $0x6F00  }
0xf3: {  	[spmem:s2] =	stream.indirect.scatter [tilespmem:s10], [sflag:$0x1], $0x8, s11, s17, $0xb8;
	[tilespmem:$0x1A208] =	vst v63  }
0xf4: {  	s11 =	simm.s32 $0x10200  }
0xf5: {  	[spmem:s2] =	stream.indirect.scatter [tilespmem:s10], [sflag:$0x1], $0x8, s11, s17, $0xb8;
	[tilespmem:$0x1A208] =	vst v63  }
0xf6: {  	s11 =	simm.s32 $0x11700  }
0xf7: {  	[spmem:s2] =	stream.indirect.scatter [tilespmem:s10], [sflag:$0x1], $0x8, s11, s17, $0xb8;
	[tilespmem:$0x1A208] =	vst v63  }
0xf8: {  	s11 =	simm.s32 $0xED80;
	s10 =	simm.s32 $0x7300  }
0xf9: {  	[spmem:s2] =	stream.indirect.scatter [tilespmem:s10], [sflag:$0x1], $0x8, s11, s17, $0xb8;
	[tilespmem:$0x1A208] =	vst v63  }
0xfa: {  	s11 =	simm.s32 $0x10280  }
0xfb: {  	[spmem:s2] =	stream.indirect.scatter [tilespmem:s10], [sflag:$0x1], $0x8, s11, s17, $0xb8;
	[tilespmem:$0x1A208] =	vst v63  }
0xfc: {  	s11 =	simm.s32 $0x11780  }
0xfd: {  	[spmem:s2] =	stream.indirect.scatter [tilespmem:s10], [sflag:$0x1], $0x8, s11, s17, $0xb8;
	[tilespmem:$0x1A208] =	vst v63  }
0xfe: {  	_ =	swait.ge [sflag:s0], $0x400  }
0xff: {  	[sflag:s0] =	ssyncset.done $0x0  }
0x100: {  	[sflag:s0] =	ssyncadd.s32 $0xFFFFFC00  }
0x101: {  	_ =	swait.ge [sflag:s0], $0x400  }
0x102: {  	[sflag:s0] =	ssyncset.done $0x0  }
0x103: {  	[sflag:s0] =	ssyncadd.s32 $0xFFFFFC00  }
0x104: {  	_ =	swait.ge [sflag:s0], $0x400  }
0x105: {  	[sflag:s0] =	ssyncset.done $0x0  }
0x106: {  	[sflag:s0] =	ssyncadd.s32 $0xFFFFFC00  }
0x107: {  	_ =	swait.ge [sflag:s0], $0x400  }
0x108: {  	[sflag:s0] =	ssyncset.done $0x0  }
0x109: {  	[sflag:s0] =	ssyncadd.s32 $0xFFFFFC00  }
0x10a: {  	_ =	swait.ge [sflag:s0], $0x400  }
0x10b: {  	[sflag:s0] =	ssyncset.done $0x0  }
0x10c: {  	[sflag:s0] =	ssyncadd.s32 $0xFFFFFC00  }
0x10d: {  	_ =	swait.ge [sflag:s0], $0x400  }
0x10e: {  	[sflag:s0] =	ssyncset.done $0x0  }
0x10f: {  	[sflag:s0] =	ssyncadd.s32 $0xFFFFFC00  }
0x110: {  	_ =	swait.ge [sflag:s0], $0x400  }
0x111: {  	[sflag:s0] =	ssyncset.done $0x0  }
0x112: {  	[sflag:s0] =	ssyncadd.s32 $0xFFFFFC00  }
0x113: {  	_ =	swait.ge [sflag:s0], $0x400  }
0x114: {  	[sflag:s0] =	ssyncset.done $0x0  }
0x115: {  	[sflag:s0] =	ssyncadd.s32 $0xFFFFFC00  }
0x116: {  	_ =	swait.ge [sflag:s0], $0x400  }
0x117: {  	[sflag:s0] =	ssyncset.done $0x0  }
0x118: {  	[sflag:s0] =	ssyncadd.s32 $0xFFFFFC00  }
0x119: {  	_ =	swait.ge [sflag:s0], $0x400  }
0x11a: {  	[sflag:s0] =	ssyncset.done $0x0  }
0x11b: {  	[sflag:s0] =	ssyncadd.s32 $0xFFFFFC00  }
0x11c: {  	_ =	swait.ge [sflag:s0], $0x400  }
0x11d: {  	[sflag:s0] =	ssyncset.done $0x0  }
0x11e: {  	[sflag:s0] =	ssyncadd.s32 $0xFFFFFC00  }
0x11f: {  	_ =	swait.ge [sflag:s0], $0x400  }
0x120: {  	[sflag:s0] =	ssyncset.done $0x0  }
0x121: {  	[sflag:s0] =	ssyncadd.s32 $0xFFFFFC00  }
0x122: {  	_ =	swait.ge [sflag:s0], $0x400  }
0x123: {  	[sflag:s0] =	ssyncset.done $0x0  }
0x124: {  	[sflag:s0] =	ssyncadd.s32 $0xFFFFFC00  }
0x125: {  	_ =	swait.ge [sflag:s0], $0x400  }
0x126: {  	[sflag:s0] =	ssyncset.done $0x0  }
0x127: {  	[sflag:s0] =	ssyncadd.s32 $0xFFFFFC00  }
0x128: {  	_ =	swait.ge [sflag:s0], $0x400  }
0x129: {  	[sflag:s0] =	ssyncset.done $0x0  }
0x12a: {  	[sflag:s0] =	ssyncadd.s32 $0xFFFFFC00  }
0x12b: {  	_ =	swait.ge [sflag:s0], $0x400  }
0x12c: {  	[sflag:s0] =	ssyncset.done $0x0  }
0x12d: {  	[sflag:s0] =	ssyncadd.s32 $0xFFFFFC00  }
0x12e: {  	_ =	swait.ge [sflag:s0], $0x400  }
0x12f: {  	[sflag:s0] =	ssyncset.done $0x0  }
0x130: {  	[sflag:s0] =	ssyncadd.s32 $0xFFFFFC00  }
0x131: {  	_ =	swait.ge [sflag:s0], $0x400  }
0x132: {  	[sflag:s0] =	ssyncset.done $0x0  }
0x133: {  	[sflag:s0] =	ssyncadd.s32 $0xFFFFFC00  }
0x134: {  	_ =	swait.ge [sflag:s0], $0x400  }
0x135: {  	[sflag:s0] =	ssyncset.done $0x0  }
0x136: {  	[sflag:s0] =	ssyncadd.s32 $0xFFFFFC00  }
0x137: {  	_ =	swait.ge [sflag:s0], $0x400  }
0x138: {  	[sflag:s0] =	ssyncset.done $0x0  }
0x139: {  	[sflag:s0] =	ssyncadd.s32 $0xFFFFFC00  }
0x13a: {  	_ =	swait.ge [sflag:s0], $0x400  }
0x13b: {  	[sflag:s0] =	ssyncset.done $0x0  }
0x13c: {  	s11 =	simm.s32 $0xEE00;
	s10 =	simm.s32 $0x7700;
	[sflag:s0] =	ssyncadd.s32 $0xFFFFFC00  }
0x13d: {  	[spmem:s2] =	stream.indirect.scatter [tilespmem:s10], [sflag:$0x1], $0x8, s11, s17, $0xb8;
	[tilespmem:$0x1A208] =	vst v63  }
0x13e: {  	s11 =	simm.s32 $0x10300  }
0x13f: {  	[spmem:s2] =	stream.indirect.scatter [tilespmem:s10], [sflag:$0x1], $0x8, s11, s17, $0xb8;
	[tilespmem:$0x1A208] =	vst v63  }
0x140: {  	s11 =	simm.s32 $0x11800  }
0x141: {  	[spmem:s2] =	stream.indirect.scatter [tilespmem:s10], [sflag:$0x1], $0x8, s11, s17, $0xb8;
	[tilespmem:$0x1A208] =	vst v63  }
0x142: {  	s11 =	simm.s32 $0xEE80;
	s10 =	simm.s32 $0x7B00  }
0x143: {  	[spmem:s2] =	stream.indirect.scatter [tilespmem:s10], [sflag:$0x1], $0x8, s11, s17, $0xb8;
	[tilespmem:$0x1A208] =	vst v63  }
0x144: {  	s11 =	simm.s32 $0x10380  }
0x145: {  	[spmem:s2] =	stream.indirect.scatter [tilespmem:s10], [sflag:$0x1], $0x8, s11, s17, $0xb8;
	[tilespmem:$0x1A208] =	vst v63  }
0x146: {  	s11 =	simm.s32 $0x11880  }
0x147: {  	[spmem:s2] =	stream.indirect.scatter [tilespmem:s10], [sflag:$0x1], $0x8, s11, s17, $0xb8;
	[tilespmem:$0x1A208] =	vst v63  }
0x148: {  	s11 =	simm.s32 $0xEF00;
	s10 =	simm.s32 $0x7F00  }
0x149: {  	[spmem:s2] =	stream.indirect.scatter [tilespmem:s10], [sflag:$0x1], $0x8, s11, s17, $0xb8;
	[tilespmem:$0x1A208] =	vst v63  }
0x14a: {  	s11 =	simm.s32 $0x10400  }
0x14b: {  	[spmem:s2] =	stream.indirect.scatter [tilespmem:s10], [sflag:$0x1], $0x8, s11, s17, $0xb8;
	[tilespmem:$0x1A208] =	vst v63  }
0x14c: {  	s11 =	simm.s32 $0x11900  }
0x14d: {  	[spmem:s2] =	stream.indirect.scatter [tilespmem:s10], [sflag:$0x1], $0x8, s11, s17, $0xb8;
	[tilespmem:$0x1A208] =	vst v63  }
0x14e: {  	s11 =	simm.s32 $0xEF80;
	s10 =	simm.s32 $0x8300  }
0x14f: {  	[spmem:s2] =	stream.indirect.scatter [tilespmem:s10], [sflag:$0x1], $0x8, s11, s17, $0xb8;
	[tilespmem:$0x1A208] =	vst v63  }
0x150: {  	s11 =	simm.s32 $0x10480  }
0x151: {  	[spmem:s2] =	stream.indirect.scatter [tilespmem:s10], [sflag:$0x1], $0x8, s11, s17, $0xb8;
	[tilespmem:$0x1A208] =	vst v63  }
0x152: {  	s11 =	simm.s32 $0x11980  }
0x153: {  	[spmem:s2] =	stream.indirect.scatter [tilespmem:s10], [sflag:$0x1], $0x8, s11, s17, $0xb8;
	[tilespmem:$0x1A208] =	vst v63  }
0x154: {  	s11 =	simm.s32 $0xF000;
	s10 =	simm.s32 $0x8700  }
0x155: {  	[spmem:s2] =	stream.indirect.scatter [tilespmem:s10], [sflag:$0x1], $0x8, s11, s17, $0xb8;
	[tilespmem:$0x1A208] =	vst v63  }
0x156: {  	s11 =	simm.s32 $0x10500  }
0x157: {  	[spmem:s2] =	stream.indirect.scatter [tilespmem:s10], [sflag:$0x1], $0x8, s11, s17, $0xb8;
	[tilespmem:$0x1A208] =	vst v63  }
0x158: {  	s11 =	simm.s32 $0x11A00  }
0x159: {  	[spmem:s2] =	stream.indirect.scatter [tilespmem:s10], [sflag:$0x1], $0x8, s11, s17, $0xb8;
	[tilespmem:$0x1A208] =	vst v63  }
0x15a: {  	s11 =	simm.s32 $0xF080;
	s10 =	simm.s32 $0x8B00  }
0x15b: {  	[spmem:s2] =	stream.indirect.scatter [tilespmem:s10], [sflag:$0x1], $0x8, s11, s17, $0xb8;
	[tilespmem:$0x1A208] =	vst v63  }
0x15c: {  	s11 =	simm.s32 $0x10580  }
0x15d: {  	[spmem:s2] =	stream.indirect.scatter [tilespmem:s10], [sflag:$0x1], $0x8, s11, s17, $0xb8;
	[tilespmem:$0x1A208] =	vst v63  }
0x15e: {  	s11 =	simm.s32 $0x11A80  }
0x15f: {  	[spmem:s2] =	stream.indirect.scatter [tilespmem:s10], [sflag:$0x1], $0x8, s11, s17, $0xb8;
	[tilespmem:$0x1A208] =	vst v63  }
0x160: {  	s11 =	simm.s32 $0xF100;
	s10 =	simm.s32 $0x8F00  }
0x161: {  	[spmem:s2] =	stream.indirect.scatter [tilespmem:s10], [sflag:$0x1], $0x8, s11, s17, $0xb8;
	[tilespmem:$0x1A208] =	vst v63  }
0x162: {  	s11 =	simm.s32 $0x10600  }
0x163: {  	[spmem:s2] =	stream.indirect.scatter [tilespmem:s10], [sflag:$0x1], $0x8, s11, s17, $0xb8;
	[tilespmem:$0x1A208] =	vst v63  }
0x164: {  	s11 =	simm.s32 $0x11B00  }
0x165: {  	[spmem:s2] =	stream.indirect.scatter [tilespmem:s10], [sflag:$0x1], $0x8, s11, s17, $0xb8;
	[tilespmem:$0x1A208] =	vst v63  }
0x166: {  	_ =	swait.ge [sflag:s0], $0x400  }
0x167: {  	[sflag:s0] =	ssyncset.done $0x0  }
0x168: {  	[sflag:s0] =	ssyncadd.s32 $0xFFFFFC00  }
0x169: {  	_ =	swait.ge [sflag:s0], $0x400  }
0x16a: {  	[sflag:s0] =	ssyncset.done $0x0  }
0x16b: {  	[sflag:s0] =	ssyncadd.s32 $0xFFFFFC00  }
0x16c: {  	_ =	swait.ge [sflag:s0], $0x400  }
0x16d: {  	[sflag:s0] =	ssyncset.done $0x0  }
0x16e: {  	[sflag:s0] =	ssyncadd.s32 $0xFFFFFC00  }
0x16f: {  	_ =	swait.ge [sflag:s0], $0x400  }
0x170: {  	[sflag:s0] =	ssyncset.done $0x0  }
0x171: {  	[sflag:s0] =	ssyncadd.s32 $0xFFFFFC00  }
0x172: {  	_ =	swait.ge [sflag:s0], $0x400  }
0x173: {  	[sflag:s0] =	ssyncset.done $0x0  }
0x174: {  	[sflag:s0] =	ssyncadd.s32 $0xFFFFFC00  }
0x175: {  	_ =	swait.ge [sflag:s0], $0x400  }
0x176: {  	[sflag:s0] =	ssyncset.done $0x0  }
0x177: {  	[sflag:s0] =	ssyncadd.s32 $0xFFFFFC00  }
0x178: {  	_ =	swait.ge [sflag:s0], $0x400  }
0x179: {  	[sflag:s0] =	ssyncset.done $0x0  }
0x17a: {  	[sflag:s0] =	ssyncadd.s32 $0xFFFFFC00  }
0x17b: {  	_ =	swait.ge [sflag:s0], $0x400  }
0x17c: {  	[sflag:s0] =	ssyncset.done $0x0  }
0x17d: {  	[sflag:s0] =	ssyncadd.s32 $0xFFFFFC00  }
0x17e: {  	_ =	swait.ge [sflag:s0], $0x400  }
0x17f: {  	[sflag:s0] =	ssyncset.done $0x0  }
0x180: {  	[sflag:s0] =	ssyncadd.s32 $0xFFFFFC00  }
0x181: {  	_ =	swait.ge [sflag:s0], $0x400  }
0x182: {  	[sflag:s0] =	ssyncset.done $0x0  }
0x183: {  	[sflag:s0] =	ssyncadd.s32 $0xFFFFFC00  }
0x184: {  	_ =	swait.ge [sflag:s0], $0x400  }
0x185: {  	[sflag:s0] =	ssyncset.done $0x0  }
0x186: {  	[sflag:s0] =	ssyncadd.s32 $0xFFFFFC00  }
0x187: {  	_ =	swait.ge [sflag:s0], $0x400  }
0x188: {  	[sflag:s0] =	ssyncset.done $0x0  }
0x189: {  	[sflag:s0] =	ssyncadd.s32 $0xFFFFFC00  }
0x18a: {  	_ =	swait.ge [sflag:s0], $0x400  }
0x18b: {  	[sflag:s0] =	ssyncset.done $0x0  }
0x18c: {  	[sflag:s0] =	ssyncadd.s32 $0xFFFFFC00  }
0x18d: {  	_ =	swait.ge [sflag:s0], $0x400  }
0x18e: {  	[sflag:s0] =	ssyncset.done $0x0  }
0x18f: {  	[sflag:s0] =	ssyncadd.s32 $0xFFFFFC00  }
0x190: {  	_ =	swait.ge [sflag:s0], $0x400  }
0x191: {  	[sflag:s0] =	ssyncset.done $0x0  }
0x192: {  	[sflag:s0] =	ssyncadd.s32 $0xFFFFFC00  }
0x193: {  	_ =	swait.ge [sflag:s0], $0x400  }
0x194: {  	[sflag:s0] =	ssyncset.done $0x0  }
0x195: {  	[sflag:s0] =	ssyncadd.s32 $0xFFFFFC00  }
0x196: {  	_ =	swait.ge [sflag:s0], $0x400  }
0x197: {  	[sflag:s0] =	ssyncset.done $0x0  }
0x198: {  	[sflag:s0] =	ssyncadd.s32 $0xFFFFFC00  }
0x199: {  	_ =	swait.ge [sflag:s0], $0x400  }
0x19a: {  	[sflag:s0] =	ssyncset.done $0x0  }
0x19b: {  	[sflag:s0] =	ssyncadd.s32 $0xFFFFFC00  }
0x19c: {  	_ =	swait.ge [sflag:s0], $0x400  }
0x19d: {  	[sflag:s0] =	ssyncset.done $0x0  }
0x19e: {  	[sflag:s0] =	ssyncadd.s32 $0xFFFFFC00  }
0x19f: {  	_ =	swait.ge [sflag:s0], $0x400  }
0x1a0: {  	[sflag:s0] =	ssyncset.done $0x0  }
0x1a1: {  	[sflag:s0] =	ssyncadd.s32 $0xFFFFFC00  }
0x1a2: {  	_ =	swait.ge [sflag:s0], $0x400  }
0x1a3: {  	[sflag:s0] =	ssyncset.done $0x0  }
0x1a4: {  	s11 =	simm.s32 $0xF180;
	s10 =	simm.s32 $0x9300;
	[sflag:s0] =	ssyncadd.s32 $0xFFFFFC00  }
0x1a5: {  	[spmem:s2] =	stream.indirect.scatter [tilespmem:s10], [sflag:$0x1], $0x8, s11, s17, $0xb8;
	[tilespmem:$0x1A208] =	vst v63  }
0x1a6: {  	s11 =	simm.s32 $0x10680  }
0x1a7: {  	[spmem:s2] =	stream.indirect.scatter [tilespmem:s10], [sflag:$0x1], $0x8, s11, s17, $0xb8;
	[tilespmem:$0x1A208] =	vst v63  }
0x1a8: {  	s11 =	simm.s32 $0x11B80  }
0x1a9: {  	[spmem:s2] =	stream.indirect.scatter [tilespmem:s10], [sflag:$0x1], $0x8, s11, s17, $0xb8;
	[tilespmem:$0x1A208] =	vst v63  }
0x1aa: {  	s11 =	simm.s32 $0xF200;
	s10 =	simm.s32 $0x9700  }
0x1ab: {  	[spmem:s2] =	stream.indirect.scatter [tilespmem:s10], [sflag:$0x1], $0x8, s11, s17, $0xb8;
	[tilespmem:$0x1A208] =	vst v63  }
0x1ac: {  	s11 =	simm.s32 $0x10700  }
0x1ad: {  	[spmem:s2] =	stream.indirect.scatter [tilespmem:s10], [sflag:$0x1], $0x8, s11, s17, $0xb8;
	[tilespmem:$0x1A208] =	vst v63  }
0x1ae: {  	s11 =	simm.s32 $0x11C00  }
0x1af: {  	[spmem:s2] =	stream.indirect.scatter [tilespmem:s10], [sflag:$0x1], $0x8, s11, s17, $0xb8;
	[tilespmem:$0x1A208] =	vst v63  }
0x1b0: {  	s11 =	simm.s32 $0xF280  }
0x1b1: {  	[spmem:s2] =	stream.indirect.scatter [tilespmem:s5], [sflag:$0x1], $0x8, s11, s17, $0xb8;
	[tilespmem:$0x1A208] =	vst v63  }
0x1b2: {  	s10 =	simm.s32 $0x10780  }
0x1b3: {  	[spmem:s2] =	stream.indirect.scatter [tilespmem:s5], [sflag:$0x1], $0x8, s10, s17, $0xb8;
	[tilespmem:$0x1A208] =	vst v63  }
0x1b4: {  	s11 =	simm.s32 $0x11C80  }
0x1b5: {  	[spmem:s2] =	stream.indirect.scatter [tilespmem:s5], [sflag:$0x1], $0x8, s11, s17, $0xb8;
	[tilespmem:$0x1A208] =	vst v63  }
0x1b6: {  	s10 =	simm.s32 $0xF300  }
0x1b7: {  	[spmem:s2] =	stream.indirect.scatter [tilespmem:s22], [sflag:$0x1], $0x8, s10, s17, $0xb8;
	[tilespmem:$0x1A208] =	vst v63  }
0x1b8: {  	s11 =	simm.s32 $0x10800  }
0x1b9: {  	[spmem:s2] =	stream.indirect.scatter [tilespmem:s22], [sflag:$0x1], $0x8, s11, s17, $0xb8;
	[tilespmem:$0x1A208] =	vst v63  }
0x1ba: {  	s10 =	simm.s32 $0x11D00  }
0x1bb: {  	[spmem:s2] =	stream.indirect.scatter [tilespmem:s22], [sflag:$0x1], $0x8, s10, s17, $0xb8;
	[tilespmem:$0x1A208] =	vst v63  }
0x1bc: {  	s11 =	simm.s32 $0xF380  }
0x1bd: {  	[spmem:s2] =	stream.indirect.scatter [tilespmem:s26], [sflag:$0x1], $0x8, s11, s17, $0xb8;
	[tilespmem:$0x1A208] =	vst v63  }
0x1be: {  	s10 =	simm.s32 $0x10880  }
0x1bf: {  	[spmem:s2] =	stream.indirect.scatter [tilespmem:s26], [sflag:$0x1], $0x8, s10, s17, $0xb8;
	[tilespmem:$0x1A208] =	vst v63  }
0x1c0: {  	s11 =	simm.s32 $0x11D80  }
0x1c1: {  	[spmem:s2] =	stream.indirect.scatter [tilespmem:s26], [sflag:$0x1], $0x8, s11, s17, $0xb8;
	[tilespmem:$0x1A208] =	vst v63  }
0x1c2: {  	s10 =	simm.s32 $0xF400  }
0x1c3: {  	[spmem:s2] =	stream.indirect.scatter [tilespmem:s31], [sflag:$0x1], $0x8, s10, s17, $0xb8;
	[tilespmem:$0x1A208] =	vst v63  }
0x1c4: {  	s11 =	simm.s32 $0x10900  }
0x1c5: {  	[spmem:s2] =	stream.indirect.scatter [tilespmem:s31], [sflag:$0x1], $0x8, s11, s17, $0xb8;
	[tilespmem:$0x1A208] =	vst v63  }
0x1c6: {  	s10 =	simm.s32 $0x11E00  }
0x1c7: {  	[spmem:s2] =	stream.indirect.scatter [tilespmem:s31], [sflag:$0x1], $0x8, s10, s17, $0xb8;
	[tilespmem:$0x1A208] =	vst v63  }
0x1c8: {  	s11 =	simm.s32 $0xF480  }
0x1c9: {  	[spmem:s2] =	stream.indirect.scatter [tilespmem:s15], [sflag:$0x1], $0x8, s11, s17, $0xb8;
	[tilespmem:$0x1A208] =	vst v63  }
0x1ca: {  	s10 =	simm.s32 $0x10980  }
0x1cb: {  	[spmem:s2] =	stream.indirect.scatter [tilespmem:s15], [sflag:$0x1], $0x8, s10, s17, $0xb8;
	[tilespmem:$0x1A208] =	vst v63  }
0x1cc: {  	s11 =	simm.s32 $0x11E80  }
0x1cd: {  	[spmem:s2] =	stream.indirect.scatter [tilespmem:s15], [sflag:$0x1], $0x8, s11, s17, $0xb8;
	[tilespmem:$0x1A208] =	vst v63  }
0x1ce: {  	_ =	swait.ge [sflag:s0], $0x400  }
0x1cf: {  	[sflag:s0] =	ssyncset.done $0x0  }
0x1d0: {  	[sflag:s0] =	ssyncadd.s32 $0xFFFFFC00  }
0x1d1: {  	_ =	swait.ge [sflag:s0], $0x400  }
0x1d2: {  	[sflag:s0] =	ssyncset.done $0x0  }
0x1d3: {  	[sflag:s0] =	ssyncadd.s32 $0xFFFFFC00  }
0x1d4: {  	_ =	swait.ge [sflag:s0], $0x400  }
0x1d5: {  	[sflag:s0] =	ssyncset.done $0x0  }
0x1d6: {  	[sflag:s0] =	ssyncadd.s32 $0xFFFFFC00  }
0x1d7: {  	_ =	swait.ge [sflag:s0], $0x400  }
0x1d8: {  	[sflag:s0] =	ssyncset.done $0x0  }
0x1d9: {  	[sflag:s0] =	ssyncadd.s32 $0xFFFFFC00  }
0x1da: {  	_ =	swait.ge [sflag:s0], $0x400  }
0x1db: {  	[sflag:s0] =	ssyncset.done $0x0  }
0x1dc: {  	[sflag:s0] =	ssyncadd.s32 $0xFFFFFC00  }
0x1dd: {  	_ =	swait.ge [sflag:s0], $0x400  }
0x1de: {  	[sflag:s0] =	ssyncset.done $0x0  }
0x1df: {  	[sflag:s0] =	ssyncadd.s32 $0xFFFFFC00  }
0x1e0: {  	_ =	swait.ge [sflag:s0], $0x400  }
0x1e1: {  	[sflag:s0] =	ssyncset.done $0x0  }
0x1e2: {  	[sflag:s0] =	ssyncadd.s32 $0xFFFFFC00  }
0x1e3: {  	_ =	swait.ge [sflag:s0], $0x400  }
0x1e4: {  	[sflag:s0] =	ssyncset.done $0x0  }
0x1e5: {  	[sflag:s0] =	ssyncadd.s32 $0xFFFFFC00  }
0x1e6: {  	_ =	swait.ge [sflag:s0], $0x400  }
0x1e7: {  	[sflag:s0] =	ssyncset.done $0x0  }
0x1e8: {  	[sflag:s0] =	ssyncadd.s32 $0xFFFFFC00  }
0x1e9: {  	_ =	swait.ge [sflag:s0], $0x400  }
0x1ea: {  	[sflag:s0] =	ssyncset.done $0x0  }
0x1eb: {  	[sflag:s0] =	ssyncadd.s32 $0xFFFFFC00  }
0x1ec: {  	_ =	swait.ge [sflag:s0], $0x400  }
0x1ed: {  	[sflag:s0] =	ssyncset.done $0x0  }
0x1ee: {  	[sflag:s0] =	ssyncadd.s32 $0xFFFFFC00  }
0x1ef: {  	_ =	swait.ge [sflag:s0], $0x400  }
0x1f0: {  	[sflag:s0] =	ssyncset.done $0x0  }
0x1f1: {  	[sflag:s0] =	ssyncadd.s32 $0xFFFFFC00  }
0x1f2: {  	_ =	swait.ge [sflag:s0], $0x400  }
0x1f3: {  	[sflag:s0] =	ssyncset.done $0x0  }
0x1f4: {  	[sflag:s0] =	ssyncadd.s32 $0xFFFFFC00  }
0x1f5: {  	_ =	swait.ge [sflag:s0], $0x400  }
0x1f6: {  	[sflag:s0] =	ssyncset.done $0x0  }
0x1f7: {  	[sflag:s0] =	ssyncadd.s32 $0xFFFFFC00  }
0x1f8: {  	_ =	swait.ge [sflag:s0], $0x400  }
0x1f9: {  	[sflag:s0] =	ssyncset.done $0x0  }
0x1fa: {  	[sflag:s0] =	ssyncadd.s32 $0xFFFFFC00  }
0x1fb: {  	_ =	swait.ge [sflag:s0], $0x400  }
0x1fc: {  	[sflag:s0] =	ssyncset.done $0x0  }
0x1fd: {  	[sflag:s0] =	ssyncadd.s32 $0xFFFFFC00  }
0x1fe: {  	_ =	swait.ge [sflag:s0], $0x400  }
0x1ff: {  	[sflag:s0] =	ssyncset.done $0x0  }
0x200: {  	[sflag:s0] =	ssyncadd.s32 $0xFFFFFC00  }
0x201: {  	_ =	swait.ge [sflag:s0], $0x400  }
0x202: {  	[sflag:s0] =	ssyncset.done $0x0  }
0x203: {  	[sflag:s0] =	ssyncadd.s32 $0xFFFFFC00  }
0x204: {  	_ =	swait.ge [sflag:s0], $0x400  }
0x205: {  	[sflag:s0] =	ssyncset.done $0x0  }
0x206: {  	[sflag:s0] =	ssyncadd.s32 $0xFFFFFC00  }
0x207: {  	_ =	swait.ge [sflag:s0], $0x400  }
0x208: {  	[sflag:s0] =	ssyncset.done $0x0  }
0x209: {  	[sflag:s0] =	ssyncadd.s32 $0xFFFFFC00  }
0x20a: {  	_ =	swait.ge [sflag:s0], $0x400  }
0x20b: {  	[sflag:s0] =	ssyncset.done $0x0  }
0x20c: {  	s10 =	simm.s32 $0xF500;
	[sflag:s0] =	ssyncadd.s32 $0xFFFFFC00  }
0x20d: {  	[spmem:s2] =	stream.indirect.scatter [tilespmem:s21], [sflag:$0x1], $0x8, s10, s17, $0xb8;
	[tilespmem:$0x1A208] =	vst v63  }
0x20e: {  	s11 =	simm.s32 $0x10A00  }
0x20f: {  	[spmem:s2] =	stream.indirect.scatter [tilespmem:s21], [sflag:$0x1], $0x8, s11, s17, $0xb8;
	[tilespmem:$0x1A208] =	vst v63  }
0x210: {  	s10 =	simm.s32 $0x11F00  }
0x211: {  	[spmem:s2] =	stream.indirect.scatter [tilespmem:s21], [sflag:$0x1], $0x8, s10, s17, $0xb8;
	[tilespmem:$0x1A208] =	vst v63  }
0x212: {  	s11 =	simm.s32 $0xF580  }
0x213: {  	[spmem:s2] =	stream.indirect.scatter [tilespmem:s28], [sflag:$0x1], $0x8, s11, s17, $0xb8;
	[tilespmem:$0x1A208] =	vst v63  }
0x214: {  	s10 =	simm.s32 $0x10A80  }
0x215: {  	[spmem:s2] =	stream.indirect.scatter [tilespmem:s28], [sflag:$0x1], $0x8, s10, s17, $0xb8;
	[tilespmem:$0x1A208] =	vst v63  }
0x216: {  	s11 =	simm.s32 $0x11F80  }
0x217: {  	[spmem:s2] =	stream.indirect.scatter [tilespmem:s28], [sflag:$0x1], $0x8, s11, s17, $0xb8;
	[tilespmem:$0x1A208] =	vst v63  }
0x218: {  	s10 =	simm.s32 $0xF600  }
0x219: {  	[spmem:s2] =	stream.indirect.scatter [tilespmem:s14], [sflag:$0x1], $0x8, s10, s17, $0xb8;
	[tilespmem:$0x1A208] =	vst v63  }
0x21a: {  	s11 =	simm.s32 $0x10B00  }
0x21b: {  	[spmem:s2] =	stream.indirect.scatter [tilespmem:s14], [sflag:$0x1], $0x8, s11, s17, $0xb8;
	[tilespmem:$0x1A208] =	vst v63  }
0x21c: {  	s10 =	simm.s32 $0x12000  }
0x21d: {  	[spmem:s2] =	stream.indirect.scatter [tilespmem:s14], [sflag:$0x1], $0x8, s10, s17, $0xb8;
	[tilespmem:$0x1A208] =	vst v63  }
0x21e: {  	s11 =	simm.s32 $0xF680  }
0x21f: {  	[spmem:s2] =	stream.indirect.scatter [tilespmem:s23], [sflag:$0x1], $0x8, s11, s17, $0xb8;
	[tilespmem:$0x1A208] =	vst v63  }
0x220: {  	s10 =	simm.s32 $0x10B80  }
0x221: {  	[spmem:s2] =	stream.indirect.scatter [tilespmem:s23], [sflag:$0x1], $0x8, s10, s17, $0xb8;
	[tilespmem:$0x1A208] =	vst v63  }
0x222: {  	s11 =	simm.s32 $0x12080  }
0x223: {  	[spmem:s2] =	stream.indirect.scatter [tilespmem:s23], [sflag:$0x1], $0x8, s11, s17, $0xb8;
	[tilespmem:$0x1A208] =	vst v63  }
0x224: {  	s10 =	simm.s32 $0xF700  }
0x225: {  	[spmem:s2] =	stream.indirect.scatter [tilespmem:s30], [sflag:$0x1], $0x8, s10, s17, $0xb8;
	[tilespmem:$0x1A208] =	vst v63  }
0x226: {  	s11 =	simm.s32 $0x10C00  }
0x227: {  	[spmem:s2] =	stream.indirect.scatter [tilespmem:s30], [sflag:$0x1], $0x8, s11, s17, $0xb8;
	[tilespmem:$0x1A208] =	vst v63  }
0x228: {  	s10 =	simm.s32 $0x12100  }
0x229: {  	[spmem:s2] =	stream.indirect.scatter [tilespmem:s30], [sflag:$0x1], $0x8, s10, s17, $0xb8;
	[tilespmem:$0x1A208] =	vst v63  }
0x22a: {  	s11 =	simm.s32 $0xF780  }
0x22b: {  	[spmem:s2] =	stream.indirect.scatter [tilespmem:s20], [sflag:$0x1], $0x8, s11, s17, $0xb8;
	[tilespmem:$0x1A208] =	vst v63  }
0x22c: {  	s10 =	simm.s32 $0x10C80  }
0x22d: {  	[spmem:s2] =	stream.indirect.scatter [tilespmem:s20], [sflag:$0x1], $0x8, s10, s17, $0xb8;
	[tilespmem:$0x1A208] =	vst v63  }
0x22e: {  	s11 =	simm.s32 $0x12180  }
0x22f: {  	[spmem:s2] =	stream.indirect.scatter [tilespmem:s20], [sflag:$0x1], $0x8, s11, s17, $0xb8;
	[tilespmem:$0x1A208] =	vst v63  }
0x230: {  	s10 =	simm.s32 $0xF800  }
0x231: {  	[spmem:s2] =	stream.indirect.scatter [tilespmem:s1], [sflag:$0x1], $0x8, s10, s17, $0xb8;
	[tilespmem:$0x1A208] =	vst v63  }
0x232: {  	s11 =	simm.s32 $0x10D00  }
0x233: {  	[spmem:s2] =	stream.indirect.scatter [tilespmem:s1], [sflag:$0x1], $0x8, s11, s17, $0xb8;
	[tilespmem:$0x1A208] =	vst v63  }
0x234: {  	s10 =	simm.s32 $0x12200  }
0x235: {  	[spmem:s2] =	stream.indirect.scatter [tilespmem:s1], [sflag:$0x1], $0x8, s10, s17, $0xb8;
	[tilespmem:$0x1A208] =	vst v63  }
0x236: {  	_ =	swait.ge [sflag:s0], $0x400  }
0x237: {  	[sflag:s0] =	ssyncset.done $0x0  }
0x238: {  	[sflag:s0] =	ssyncadd.s32 $0xFFFFFC00  }
0x239: {  	_ =	swait.ge [sflag:s0], $0x400  }
0x23a: {  	[sflag:s0] =	ssyncset.done $0x0  }
0x23b: {  	[sflag:s0] =	ssyncadd.s32 $0xFFFFFC00  }
0x23c: {  	_ =	swait.ge [sflag:s0], $0x400  }
0x23d: {  	[sflag:s0] =	ssyncset.done $0x0  }
0x23e: {  	[sflag:s0] =	ssyncadd.s32 $0xFFFFFC00  }
0x23f: {  	_ =	swait.ge [sflag:s0], $0x400  }
0x240: {  	[sflag:s0] =	ssyncset.done $0x0  }
0x241: {  	[sflag:s0] =	ssyncadd.s32 $0xFFFFFC00  }
0x242: {  	_ =	swait.ge [sflag:s0], $0x400  }
0x243: {  	[sflag:s0] =	ssyncset.done $0x0  }
0x244: {  	[sflag:s0] =	ssyncadd.s32 $0xFFFFFC00  }
0x245: {  	_ =	swait.ge [sflag:s0], $0x400  }
0x246: {  	[sflag:s0] =	ssyncset.done $0x0  }
0x247: {  	[sflag:s0] =	ssyncadd.s32 $0xFFFFFC00  }
0x248: {  	_ =	swait.ge [sflag:s0], $0x400  }
0x249: {  	[sflag:s0] =	ssyncset.done $0x0  }
0x24a: {  	[sflag:s0] =	ssyncadd.s32 $0xFFFFFC00  }
0x24b: {  	_ =	swait.ge [sflag:s0], $0x400  }
0x24c: {  	[sflag:s0] =	ssyncset.done $0x0  }
0x24d: {  	[sflag:s0] =	ssyncadd.s32 $0xFFFFFC00  }
0x24e: {  	_ =	swait.ge [sflag:s0], $0x400  }
0x24f: {  	[sflag:s0] =	ssyncset.done $0x0  }
0x250: {  	[sflag:s0] =	ssyncadd.s32 $0xFFFFFC00  }
0x251: {  	_ =	swait.ge [sflag:s0], $0x400  }
0x252: {  	[sflag:s0] =	ssyncset.done $0x0  }
0x253: {  	[sflag:s0] =	ssyncadd.s32 $0xFFFFFC00  }
0x254: {  	_ =	swait.ge [sflag:s0], $0x400  }
0x255: {  	[sflag:s0] =	ssyncset.done $0x0  }
0x256: {  	[sflag:s0] =	ssyncadd.s32 $0xFFFFFC00  }
0x257: {  	_ =	swait.ge [sflag:s0], $0x400  }
0x258: {  	[sflag:s0] =	ssyncset.done $0x0  }
0x259: {  	[sflag:s0] =	ssyncadd.s32 $0xFFFFFC00  }
0x25a: {  	_ =	swait.ge [sflag:s0], $0x400  }
0x25b: {  	[sflag:s0] =	ssyncset.done $0x0  }
0x25c: {  	[sflag:s0] =	ssyncadd.s32 $0xFFFFFC00  }
0x25d: {  	_ =	swait.ge [sflag:s0], $0x400  }
0x25e: {  	[sflag:s0] =	ssyncset.done $0x0  }
0x25f: {  	[sflag:s0] =	ssyncadd.s32 $0xFFFFFC00  }
0x260: {  	_ =	swait.ge [sflag:s0], $0x400  }
0x261: {  	[sflag:s0] =	ssyncset.done $0x0  }
0x262: {  	[sflag:s0] =	ssyncadd.s32 $0xFFFFFC00  }
0x263: {  	_ =	swait.ge [sflag:s0], $0x400  }
0x264: {  	[sflag:s0] =	ssyncset.done $0x0  }
0x265: {  	[sflag:s0] =	ssyncadd.s32 $0xFFFFFC00  }
0x266: {  	_ =	swait.ge [sflag:s0], $0x400  }
0x267: {  	[sflag:s0] =	ssyncset.done $0x0  }
0x268: {  	[sflag:s0] =	ssyncadd.s32 $0xFFFFFC00  }
0x269: {  	_ =	swait.ge [sflag:s0], $0x400  }
0x26a: {  	[sflag:s0] =	ssyncset.done $0x0  }
0x26b: {  	[sflag:s0] =	ssyncadd.s32 $0xFFFFFC00  }
0x26c: {  	_ =	swait.ge [sflag:s0], $0x400  }
0x26d: {  	[sflag:s0] =	ssyncset.done $0x0  }
0x26e: {  	[sflag:s0] =	ssyncadd.s32 $0xFFFFFC00  }
0x26f: {  	_ =	swait.ge [sflag:s0], $0x400  }
0x270: {  	[sflag:s0] =	ssyncset.done $0x0  }
0x271: {  	[sflag:s0] =	ssyncadd.s32 $0xFFFFFC00  }
0x272: {  	_ =	swait.ge [sflag:s0], $0x400  }
0x273: {  	[sflag:s0] =	ssyncset.done $0x0  }
0x274: {  	s11 =	simm.s32 $0xF880;
	[sflag:s0] =	ssyncadd.s32 $0xFFFFFC00  }
0x275: {  	[spmem:s2] =	stream.indirect.scatter [tilespmem:s25], [sflag:$0x1], $0x8, s11, s17, $0xb8;
	[tilespmem:$0x1A208] =	vst v63  }
0x276: {  	s10 =	simm.s32 $0x10D80  }
0x277: {  	[spmem:s2] =	stream.indirect.scatter [tilespmem:s25], [sflag:$0x1], $0x8, s10, s17, $0xb8;
	[tilespmem:$0x1A208] =	vst v63  }
0x278: {  	s11 =	simm.s32 $0x12280  }
0x279: {  	[spmem:s2] =	stream.indirect.scatter [tilespmem:s25], [sflag:$0x1], $0x8, s11, s17, $0xb8;
	[tilespmem:$0x1A208] =	vst v63  }
0x27a: {  	s10 =	simm.s32 $0xF900  }
0x27b: {  	[spmem:s2] =	stream.indirect.scatter [tilespmem:s24], [sflag:$0x1], $0x8, s10, s17, $0xb8;
	[tilespmem:$0x1A208] =	vst v63  }
0x27c: {  	s11 =	simm.s32 $0x10E00  }
0x27d: {  	[spmem:s2] =	stream.indirect.scatter [tilespmem:s24], [sflag:$0x1], $0x8, s11, s17, $0xb8;
	[tilespmem:$0x1A208] =	vst v63  }
0x27e: {  	s10 =	simm.s32 $0x12300  }
0x27f: {  	[spmem:s2] =	stream.indirect.scatter [tilespmem:s24], [sflag:$0x1], $0x8, s10, s17, $0xb8;
	[tilespmem:$0x1A208] =	vst v63  }
0x280: {  	s11 =	simm.s32 $0xF980  }
0x281: {  	[spmem:s2] =	stream.indirect.scatter [tilespmem:s29], [sflag:$0x1], $0x8, s11, s17, $0xb8;
	[tilespmem:$0x1A208] =	vst v63  }
0x282: {  	s10 =	simm.s32 $0x10E80  }
0x283: {  	[spmem:s2] =	stream.indirect.scatter [tilespmem:s29], [sflag:$0x1], $0x8, s10, s17, $0xb8;
	[tilespmem:$0x1A208] =	vst v63  }
0x284: {  	s11 =	simm.s32 $0x12380  }
0x285: {  	[spmem:s2] =	stream.indirect.scatter [tilespmem:s29], [sflag:$0x1], $0x8, s11, s17, $0xb8;
	[tilespmem:$0x1A208] =	vst v63  }
0x286: {  	s10 =	simm.s32 $0xFA00  }
0x287: {  	[spmem:s2] =	stream.indirect.scatter [tilespmem:s19], [sflag:$0x1], $0x8, s10, s17, $0xb8;
	[tilespmem:$0x1A208] =	vst v63  }
0x288: {  	s11 =	simm.s32 $0x10F00  }
0x289: {  	[spmem:s2] =	stream.indirect.scatter [tilespmem:s19], [sflag:$0x1], $0x8, s11, s17, $0xb8;
	[tilespmem:$0x1A208] =	vst v63  }
0x28a: {  	s10 =	simm.s32 $0x12400  }
0x28b: {  	[spmem:s2] =	stream.indirect.scatter [tilespmem:s19], [sflag:$0x1], $0x8, s10, s17, $0xb8;
	[tilespmem:$0x1A208] =	vst v63  }
0x28c: {  	s11 =	simm.s32 $0xFA80  }
0x28d: {  	[spmem:s2] =	stream.indirect.scatter [tilespmem:s18], [sflag:$0x1], $0x8, s11, s17, $0xb8;
	[tilespmem:$0x1A208] =	vst v63  }
0x28e: {  	s10 =	simm.s32 $0x10F80  }
0x28f: {  	[spmem:s2] =	stream.indirect.scatter [tilespmem:s18], [sflag:$0x1], $0x8, s10, s17, $0xb8;
	[tilespmem:$0x1A208] =	vst v63  }
0x290: {  	s11 =	simm.s32 $0x12480  }
0x291: {  	[spmem:s2] =	stream.indirect.scatter [tilespmem:s18], [sflag:$0x1], $0x8, s11, s17, $0xb8;
	[tilespmem:$0x1A208] =	vst v63  }
0x292: {  	s10 =	simm.s32 $0xFB00  }
0x293: {  	[spmem:s2] =	stream.indirect.scatter [tilespmem:s4], [sflag:$0x1], $0x8, s10, s17, $0xb8;
	[tilespmem:$0x1A208] =	vst v63  }
0x294: {  	s11 =	simm.s32 $0x11000  }
0x295: {  	[spmem:s2] =	stream.indirect.scatter [tilespmem:s4], [sflag:$0x1], $0x8, s11, s17, $0xb8;
	[tilespmem:$0x1A208] =	vst v63  }
0x296: {  	s10 =	simm.s32 $0x12500  }
0x297: {  	[spmem:s2] =	stream.indirect.scatter [tilespmem:s4], [sflag:$0x1], $0x8, s10, s17, $0xb8;
	[tilespmem:$0x1A208] =	vst v63  }
0x298: {  	s11 =	simm.s32 $0xFB80  }
0x299: {  	[spmem:s2] =	stream.indirect.scatter [tilespmem:s7], [sflag:$0x1], $0x8, s11, s17, $0xb8;
	[tilespmem:$0x1A208] =	vst v63  }
0x29a: {  	s10 =	simm.s32 $0x11080  }
0x29b: {  	[spmem:s2] =	stream.indirect.scatter [tilespmem:s7], [sflag:$0x1], $0x8, s10, s17, $0xb8;
	[tilespmem:$0x1A208] =	vst v63  }
0x29c: {  	s11 =	simm.s32 $0x12580  }
0x29d: {  	[spmem:s2] =	stream.indirect.scatter [tilespmem:s7], [sflag:$0x1], $0x8, s11, s17, $0xb8;
	[tilespmem:$0x1A208] =	vst v63  }
0x29e: {  	_ =	swait.ge [sflag:s0], $0x400  }
0x29f: {  	[sflag:s0] =	ssyncset.done $0x0  }
0x2a0: {  	[sflag:s0] =	ssyncadd.s32 $0xFFFFFC00  }
0x2a1: {  	_ =	swait.ge [sflag:s0], $0x400  }
0x2a2: {  	[sflag:s0] =	ssyncset.done $0x0  }
0x2a3: {  	[sflag:s0] =	ssyncadd.s32 $0xFFFFFC00  }
0x2a4: {  	_ =	swait.ge [sflag:s0], $0x400  }
0x2a5: {  	[sflag:s0] =	ssyncset.done $0x0  }
0x2a6: {  	[sflag:s0] =	ssyncadd.s32 $0xFFFFFC00  }
0x2a7: {  	_ =	swait.ge [sflag:s0], $0x400  }
0x2a8: {  	[sflag:s0] =	ssyncset.done $0x0  }
0x2a9: {  	[sflag:s0] =	ssyncadd.s32 $0xFFFFFC00  }
0x2aa: {  	_ =	swait.ge [sflag:s0], $0x400  }
0x2ab: {  	[sflag:s0] =	ssyncset.done $0x0  }
0x2ac: {  	[sflag:s0] =	ssyncadd.s32 $0xFFFFFC00  }
0x2ad: {  	_ =	swait.ge [sflag:s0], $0x400  }
0x2ae: {  	[sflag:s0] =	ssyncset.done $0x0  }
0x2af: {  	[sflag:s0] =	ssyncadd.s32 $0xFFFFFC00  }
0x2b0: {  	_ =	swait.ge [sflag:s0], $0x400  }
0x2b1: {  	[sflag:s0] =	ssyncset.done $0x0  }
0x2b2: {  	[sflag:s0] =	ssyncadd.s32 $0xFFFFFC00  }
0x2b3: {  	_ =	swait.ge [sflag:s0], $0x400  }
0x2b4: {  	[sflag:s0] =	ssyncset.done $0x0  }
0x2b5: {  	[sflag:s0] =	ssyncadd.s32 $0xFFFFFC00  }
0x2b6: {  	_ =	swait.ge [sflag:s0], $0x400  }
0x2b7: {  	[sflag:s0] =	ssyncset.done $0x0  }
0x2b8: {  	[sflag:s0] =	ssyncadd.s32 $0xFFFFFC00  }
0x2b9: {  	_ =	swait.ge [sflag:s0], $0x400  }
0x2ba: {  	[sflag:s0] =	ssyncset.done $0x0  }
0x2bb: {  	[sflag:s0] =	ssyncadd.s32 $0xFFFFFC00  }
0x2bc: {  	_ =	swait.ge [sflag:s0], $0x400  }
0x2bd: {  	[sflag:s0] =	ssyncset.done $0x0  }
0x2be: {  	[sflag:s0] =	ssyncadd.s32 $0xFFFFFC00  }
0x2bf: {  	_ =	swait.ge [sflag:s0], $0x400  }
0x2c0: {  	[sflag:s0] =	ssyncset.done $0x0  }
0x2c1: {  	[sflag:s0] =	ssyncadd.s32 $0xFFFFFC00  }
0x2c2: {  	_ =	swait.ge [sflag:s0], $0x400  }
0x2c3: {  	[sflag:s0] =	ssyncset.done $0x0  }
0x2c4: {  	[sflag:s0] =	ssyncadd.s32 $0xFFFFFC00  }
0x2c5: {  	_ =	swait.ge [sflag:s0], $0x400  }
0x2c6: {  	[sflag:s0] =	ssyncset.done $0x0  }
0x2c7: {  	[sflag:s0] =	ssyncadd.s32 $0xFFFFFC00  }
0x2c8: {  	_ =	swait.ge [sflag:s0], $0x400  }
0x2c9: {  	[sflag:s0] =	ssyncset.done $0x0  }
0x2ca: {  	[sflag:s0] =	ssyncadd.s32 $0xFFFFFC00  }
0x2cb: {  	_ =	swait.ge [sflag:s0], $0x400  }
0x2cc: {  	[sflag:s0] =	ssyncset.done $0x0  }
0x2cd: {  	[sflag:s0] =	ssyncadd.s32 $0xFFFFFC00  }
0x2ce: {  	_ =	swait.ge [sflag:s0], $0x400  }
0x2cf: {  	[sflag:s0] =	ssyncset.done $0x0  }
0x2d0: {  	[sflag:s0] =	ssyncadd.s32 $0xFFFFFC00  }
0x2d1: {  	_ =	swait.ge [sflag:s0], $0x400  }
0x2d2: {  	[sflag:s0] =	ssyncset.done $0x0  }
0x2d3: {  	[sflag:s0] =	ssyncadd.s32 $0xFFFFFC00  }
0x2d4: {  	_ =	swait.ge [sflag:s0], $0x400  }
0x2d5: {  	[sflag:s0] =	ssyncset.done $0x0  }
0x2d6: {  	[sflag:s0] =	ssyncadd.s32 $0xFFFFFC00  }
0x2d7: {  	_ =	swait.ge [sflag:s0], $0x400  }
0x2d8: {  	[sflag:s0] =	ssyncset.done $0x0  }
0x2d9: {  	[sflag:s0] =	ssyncadd.s32 $0xFFFFFC00  }
0x2da: {  	_ =	swait.ge [sflag:s0], $0x400  }
0x2db: {  	[sflag:s0] =	ssyncset.done $0x0  }
0x2dc: {  	[sflag:s0] =	ssyncadd.s32 $0xFFFFFC00  }
0x2dd: {  	[bflag:$0x0] =	sbarrier.arrive $0xFFFF  }
0x2de: {  	s10 =	rddreg [dreg:$0x9]  }
0x2df: {  	[hbm:s10], [sflag:s6] =	dma.local [spmem:s12], $0xF80  }
0x2e0: {  	_ =	swait.ge [sflag:s13], $0xF80  }
0x2e1: {  	s8 =	sadd.s32 $0x1, s8;
	s11 =	rddreg [dreg:$0xa]  }
0x2e2: {  	p0 =	sne.s32 s8, s11  }
.Ltmp1:
0x2e3: {  	_ = 	snop;
	(pc) =	sbr.rel @p0 .LBB2_1-.Ltmp1, $3  }
0x2e4: {  	_ =	sdelay $0x1  }
0x2e5: {  	[sflag:s13] =	ssyncset.done $0x0  }
0x2e6: {  	[sflag:s13] =	ssyncadd.s32 $0xFFFFF080  }
0x2e7: {  	_ =	sfence.sel $0x180000  }
0x2e8: {  	[bflag:$0x0] =	sbarrier.arrive $0xFFFF  }
0x2e9: {  	_ =	strace $0x90000047  }
0x2ea: {  	s0 =	stileid.u32;
	[bflag:$0x2] =	sbarrier.arrive $0xFFFF  }
0x2eb: {  	p0 =	sne.s32 s0, $0x0;
	s0 =	rddreg [dreg:$0x3]  }
0x2ec: {  	s0 =	sadd.s32 @!p0 $0x100000, s0  }
0x2ed: {  	[sflag:s0] =	ssyncadd.tile.s32 @!p0 $0x1;
	_ =	shalt  }
.Lfunc_end2:
_tile_overlayer_lowered:
.L_overlay_start_2:
0x2ee: {  	(tag) =	ssettag $0x2  }
0x2ef: {  	s0 =	rddreg [dreg:$0x0];
	s2 =	stileid.u32  }
0x2f0: {  	s1 =	rddreg [dreg:$0x1];
	p0 =	sne.s32 s2, $0x0  }
0x2f1: {  	s3 =	rddreg [dreg:$0x2];
	[bflag:$0x3] =	sbarrier.arrive $0xFFFF;
	s2 =	simm.s32 @!p0 $0x1C02  }
0x2f2: {  	[timem:s3], [sflag:s2] =	dma.local @!p0 [hbm:s0], s1  }
0x2f3: {  	s0 =	simm.s32 @!p0 $0x2  }
0x2f4: {  	_ =	swait.ge @!p0 [sflag:s0], s1  }
0x2f5: {  	s1 =	ssub.s32 @!p0 $0x0, s1;
	[sflag:s0] =	ssyncset.done @!p0 $0x0  }
0x2f6: {  	[sflag:s0] =	ssyncadd.s32 @!p0 s1  }
0x2f7: {  	[bflag:$0x3] =	sbarrier.arrive $0xFFFF  }
0x2f8: {  	_ =	shalt  }

</sc_bundles>
